<compile_context>
chip_gen: v7x
topology: tpu7x:2x2x1
jax: 0.10.2.dev20260603
libtpu: 0.0.44.dev20260713+nightly
codegen_flags: <defaults>
</compile_context>

<pallas_src>
import functools

import jax
import jax.numpy as jnp
from jax import lax
from jax.experimental import pallas as pl
from jax.experimental.pallas import tpu as pltpu
from jax.experimental.pallas import tpu_sc as plsc

N = 10000
E = 320000
D = 128

NC = 2
NS = 16
NW = NC * NS
CHUNK = 128
NCHUNK = 80
EPW = NCHUNK * CHUNK
E_PAD = EPW * NW
H_ROWS = N + 16
ACC_ROWS = 10112
RPS = ACC_ROWS // NS
PACK = 1 << 14
PAD_EDGE = N * PACK + N
C0 = 32
C1 = 2 * NCHUNK - C0
CMAX = max(C0, C1)

_mesh = plsc.VectorSubcoreMesh(core_axis_name="c", subcore_axis_name="s")


def _store_const(buf, rows, value, dtype=jnp.float32):
    vv = jnp.full((16,), value, dtype)

    def body(i, _):
        for j in range(D // 16):
            buf[i, pl.ds(j * 16, 16)] = vv
        return 0

    lax.fori_loop(0, rows, body, 0)


def _zero_stripe(zsrc, acc, s, sem):
    r0 = s * RPS
    pltpu.async_copy(zsrc, acc.at[pl.ds(r0, CHUNK)], sem)
    pltpu.async_copy(zsrc, acc.at[pl.ds(r0 + CHUNK, CHUNK)], sem)
    pltpu.async_copy(zsrc, acc.at[pl.ds(r0 + 2 * CHUNK, CHUNK)], sem)
    pltpu.async_copy(zsrc, acc.at[pl.ds(r0 + 3 * CHUNK, CHUNK)], sem)
    pltpu.async_copy(zsrc.at[pl.ds(0, RPS - 4 * CHUNK)],
                     acc.at[pl.ds(r0 + 4 * CHUNK, RPS - 4 * CHUNK)], sem)
    for _ in range(4):
        pltpu.make_async_copy(zsrc, acc.at[pl.ds(r0, CHUNK)], sem).wait()
    pltpu.make_async_copy(zsrc.at[pl.ds(0, RPS - 4 * CHUNK)],
                          acc.at[pl.ds(r0, RPS - 4 * CHUNK)], sem).wait()


def _unpack_chunk(packed, cc, sdst, ddst, b):
    for j in range(CHUNK // 16):
        p = packed[cc, pl.ds(j * 16, 16)]
        sdst[b, pl.ds(j * 16, 16)] = jax.lax.shift_right_logical(p, 14)
        ddst[b, pl.ds(j * 16, 16)] = jax.lax.bitwise_and(p, PACK - 1)


@functools.partial(
    pl.kernel,
    out_type=jax.ShapeDtypeStruct((NC, 2, ACC_ROWS, D), jnp.float32),
    mesh=_mesh,
    scratch_types=[
        pltpu.VMEM((NCHUNK, CHUNK), jnp.int32),
        pltpu.VMEM((NCHUNK, CHUNK), jnp.int32),
        pltpu.VMEM((NCHUNK, CHUNK), jnp.int32),
        pltpu.VMEM((CHUNK, D), jnp.float32),
        pltpu.VMEM_SHARED((ACC_ROWS, D), jnp.float32),
        pltpu.SemaphoreType.DMA,
        pltpu.SemaphoreType.DMA,
    ],
)
def _deg_kernel(edges_hbm, out_hbm, packed, sidx, didx, ones, acc, sem, zsem):
    c = lax.axis_index("c")
    s = lax.axis_index("s")
    wid = c * NS + s

    pltpu.sync_copy(edges_hbm.at[wid], packed)

    def unpack(cc, _):
        _unpack_chunk(packed, cc, sidx, didx, cc)
        return 0

    lax.fori_loop(0, NCHUNK, unpack, 0)

    r0 = s * RPS
    for which, idx in ((0, sidx), (1, didx)):
        _store_const(ones, CHUNK, 0.0)
        _zero_stripe(ones, acc, s, zsem)
        _store_const(ones, CHUNK, 1.0)
        plsc.subcore_barrier()

        def start(cc, _):
            pltpu.async_copy(ones, acc.at[idx.at[cc]], sem, add=True)
            return 0

        def drain(cc, _):
            pltpu.make_async_copy(ones, acc.at[idx.at[0]], sem).wait()
            return 0

        lax.fori_loop(0, NCHUNK, start, 0)
        lax.fori_loop(0, NCHUNK, drain, 0)
        plsc.subcore_barrier()
        pltpu.sync_copy(acc.at[pl.ds(r0, RPS)],
                        out_hbm.at[c, which, pl.ds(r0, RPS)])
        plsc.subcore_barrier()


@functools.partial(
    pl.kernel,
    out_type=jax.ShapeDtypeStruct((NC, ACC_ROWS, D), jnp.float32),
    mesh=_mesh,
    scratch_types=[
        pltpu.VMEM((CMAX, CHUNK), jnp.int32),
        pltpu.VMEM((2, CHUNK), jnp.int32),
        pltpu.VMEM((2, CHUNK), jnp.int32),
        pltpu.VMEM((2, CHUNK, D), jnp.float32),
        pltpu.VMEM_SHARED((ACC_ROWS, D), jnp.float32),
        pltpu.SemaphoreType.DMA,
        pltpu.SemaphoreType.DMA,
        pltpu.SemaphoreType.DMA,
    ],
)
def _msg_kernel(h_hbm, edges_hbm, out_hbm, packed, sbuf, dbuf, ring, acc,
                gsem0, gsem1, zsem):
    c = lax.axis_index("c")
    s = lax.axis_index("s")
    wid = c * NS + s
    gsems = (gsem0, gsem1)

    pltpu.sync_copy(edges_hbm.at[wid], packed)
    _store_const(ring.at[1], CHUNK, 0.0)
    _zero_stripe(ring.at[1], acc, s, zsem)
    plsc.subcore_barrier()

    for b in range(2):
        _unpack_chunk(packed, b, sbuf, dbuf, b)
        pltpu.async_copy(h_hbm.at[sbuf.at[b]], ring.at[b], gsems[b])

    def group(g, _):
        for b in range(2):
            cc = g * 2 + b
            pltpu.make_async_copy(h_hbm.at[sbuf.at[b]], ring.at[b],
                                  gsems[b]).wait()
            pltpu.sync_copy(ring.at[b], acc.at[dbuf.at[b]], add=True)
            _unpack_chunk(packed, cc + 2, sbuf, dbuf, b)
            pltpu.async_copy(h_hbm.at[sbuf.at[b]], ring.at[b], gsems[b])
        return 0

    ngrp = jnp.where(c == 0, C0 // 2, C1 // 2)
    lax.fori_loop(0, ngrp - 1, group, 0)
    for b in range(2):
        pltpu.make_async_copy(h_hbm.at[sbuf.at[b]], ring.at[b], gsems[b]).wait()
        pltpu.sync_copy(ring.at[b], acc.at[dbuf.at[b]], add=True)

    plsc.subcore_barrier()
    r0 = s * RPS
    pltpu.sync_copy(acc.at[pl.ds(r0, RPS)], out_hbm.at[c, pl.ds(r0, RPS)])


def _inv_sqrt_deg(cnt, which):
    c = cnt[0, which, 0:N, 0] + cnt[1, which, 0:N, 0]
    return lax.rsqrt(jnp.maximum(c, 1.0))


def _tc_pre_body(x_ref, w_ref, cnt_ref, out_ref):
    isd_out = _inv_sqrt_deg(cnt_ref[...], 0)
    h = jnp.dot(x_ref[...], w_ref[...], preferred_element_type=jnp.float32)
    out_ref[0:N, :] = h * isd_out[:, None]
    out_ref[N:H_ROWS, :] = jnp.zeros((H_ROWS - N, D), jnp.float32)


_tc_pre = pl.pallas_call(
    _tc_pre_body,
    out_shape=jax.ShapeDtypeStruct((H_ROWS, D), jnp.float32),
)


def _bn(h, gamma, beta):
    mu = jnp.mean(h, axis=0)
    var = jnp.mean((h - mu) ** 2, axis=0)
    return (h - mu) / jnp.sqrt(var + 1e-5) * gamma + beta


def _tc_mid_body(aggp_ref, cnt_ref, b1_ref, g1_ref, be1_ref, w2_ref,
                 h1_ref, out_ref):
    cnt = cnt_ref[...]
    isd_in = _inv_sqrt_deg(cnt, 1)
    agg = aggp_ref[0, 0:N, :] + aggp_ref[1, 0:N, :]
    h = agg * isd_in[:, None] + b1_ref[...]
    h = _bn(h, g1_ref[...], be1_ref[...])
    h1 = jnp.maximum(h, 0.0)
    h1_ref[...] = h1
    isd_out = _inv_sqrt_deg(cnt, 0)
    h2p = jnp.dot(h1, w2_ref[...], preferred_element_type=jnp.float32)
    out_ref[0:N, :] = h2p * isd_out[:, None]
    out_ref[N:H_ROWS, :] = jnp.zeros((H_ROWS - N, D), jnp.float32)


_tc_mid = pl.pallas_call(
    _tc_mid_body,
    out_shape=(
        jax.ShapeDtypeStruct((N, D), jnp.float32),
        jax.ShapeDtypeStruct((H_ROWS, D), jnp.float32),
    ),
)


def _tc_post_body(aggp_ref, cnt_ref, b2_ref, g2_ref, be2_ref, h1_ref, out_ref):
    isd_in = _inv_sqrt_deg(cnt_ref[...], 1)
    agg = aggp_ref[0, 0:N, :] + aggp_ref[1, 0:N, :]
    h = agg * isd_in[:, None] + b2_ref[...]
    h = _bn(h, g2_ref[...], be2_ref[...])
    out_ref[...] = jnp.maximum(h + h1_ref[...], 0.0)


_tc_post = pl.pallas_call(
    _tc_post_body,
    out_shape=jax.ShapeDtypeStruct((N, D), jnp.float32),
)


def kernel(x, edge_index, W1, b1, gamma1, beta1, W2, b2, gamma2, beta2):
    src = edge_index[0].astype(jnp.int32)
    dst = edge_index[1].astype(jnp.int32)
    packed = src * PACK + dst
    pad = jnp.full((E_PAD - E,), PAD_EDGE, jnp.int32)
    flat = jnp.concatenate([packed, pad])
    edges_deg = flat.reshape(NW, NCHUNK, CHUNK)
    a = flat[: C0 * NS * CHUNK].reshape(NS, C0, CHUNK)
    a = jnp.concatenate(
        [a, jnp.full((NS, CMAX - C0, CHUNK), PAD_EDGE, jnp.int32)], axis=1)
    b = flat[C0 * NS * CHUNK:].reshape(NS, C1, CHUNK)
    edges_msg = jnp.concatenate([a, b], axis=0)

    cnt = _deg_kernel(edges_deg)
    h1pre = _tc_pre(x, W1, cnt)
    agg1 = _msg_kernel(h1pre, edges_msg)
    h1, h2pre = _tc_mid(agg1, cnt, b1, gamma1, beta1, W2)
    agg2 = _msg_kernel(h2pre, edges_msg)
    return _tc_post(agg2, cnt, b2, gamma2, beta2, h1)

# --- scband reference (transcript-rebuilt; emitter-appended) ---
"""Pipeline reference for scband-gcnencoder-65910568124789 (READ-ONLY COPY).

The authoritative reference and input builder live on the scoring server;
editing this copy changes nothing except your own understanding.
"""

import jax, jax.numpy as jnp
import numpy as np

N = 10000
E = 320000
D_IN = 128
D_HID = 128
D_OUT = 128


def _glorot(key, shape):
    fan_in, fan_out = shape
    limit = np.sqrt(6.0 / (fan_in + fan_out))
    return jax.random.uniform(key, shape, jnp.float32, -limit, limit)


def setup_inputs(seed: int = 0) -> dict:
    key = jax.random.key(seed)
    ks = jax.random.split(key, 8)
    x = jax.random.normal(ks[0], (N, D_IN), jnp.float32)
    edge_index = jax.random.randint(ks[1], (2, E), 0, N, jnp.int64)
    W1 = _glorot(ks[2], (D_IN, D_HID))
    b1 = jnp.zeros((D_HID,), jnp.float32)
    gamma1 = jnp.ones((D_HID,), jnp.float32)
    beta1 = jnp.zeros((D_HID,), jnp.float32)
    W2 = _glorot(ks[3], (D_HID, D_OUT))
    b2 = jnp.zeros((D_OUT,), jnp.float32)
    gamma2 = jnp.ones((D_OUT,), jnp.float32)
    beta2 = jnp.zeros((D_OUT,), jnp.float32)
    return {"x": x, "edge_index": edge_index, "W1": W1, "b1": b1,
            "gamma1": gamma1, "beta1": beta1, "W2": W2, "b2": b2,
            "gamma2": gamma2, "beta2": beta2}


def _graph_conv(x, src, dst, W, b, n):
    # DGL GraphConv, norm='both', allow_zero_in_degree=True
    deg_out = jnp.maximum(jnp.bincount(src, length=n), 1).astype(x.dtype)
    h = x * (deg_out ** -0.5)[:, None]
    h = h @ W
    agg = jnp.zeros((n, W.shape[1]), x.dtype).at[dst].add(h[src])
    deg_in = jnp.maximum(jnp.bincount(dst, length=n), 1).astype(x.dtype)
    return agg * (deg_in ** -0.5)[:, None] + b


def _batch_norm(h, gamma, beta, eps=1e-5):
    mu = jnp.mean(h, axis=0)
    var = jnp.mean((h - mu) ** 2, axis=0)
    return (h - mu) / jnp.sqrt(var + eps) * gamma + beta


def reference(x, edge_index, W1, b1, gamma1, beta1, W2, b2, gamma2, beta2):
    src = edge_index[0]
    dst = edge_index[1]
    h1 = _graph_conv(x, src, dst, W1, b1, N)
    h1 = _batch_norm(h1, gamma1, beta1)
    h1 = jax.nn.relu(h1)
    # dropout: identity in eval/reference mode
    h2 = _graph_conv(h1, src, dst, W2, b2, N)
    h2 = _batch_norm(h2, gamma2, beta2)
    # hid_dim == out_dim, so residual path is direct
    h = h2 + h1
    h = jax.nn.relu(h)
    return h

if __name__ == "__main__":
    import jax
    _d = setup_inputs()
    print(jax.jit(kernel)(*tuple(_d.values())))

</pallas_src>

<mosaic_0001>
#map = affine_map<(d0, d1) -> (0, 0, 0)>
#map1 = affine_map<(d0, d1) -> (0, 0, 0, 0)>
module attributes {stable_mosaic.version = 14 : i64} {
  func.func @_deg_kernel(%arg0: i32, %arg1: i32, %arg2: memref<32x80x128xi32, #tpu.memory_space<hbm>>, %arg3: memref<2x2x10112x128xf32, #tpu.memory_space<hbm>>, %arg4: memref<80x128xi32, #tpu.memory_space<vmem>>, %arg5: memref<80x128xi32, #tpu.memory_space<vmem>>, %arg6: memref<80x128xi32, #tpu.memory_space<vmem>>, %arg7: memref<128x128xf32, #tpu.memory_space<vmem>>, %arg8: memref<10112x128xf32, #tpu.memory_space<vmem_shared>>, %arg9: memref<!tpu.dma_semaphore, #tpu.memory_space<semaphore_mem>>, %arg10: memref<!tpu.dma_semaphore, #tpu.memory_space<semaphore_mem>>) attributes {dimension_semantics = [#tpu.dimension_semantics<core_parallel>, #tpu.dimension_semantics<subcore_parallel>], iteration_bounds = array<i64: 2, 16>, scalar_prefetch = 0 : i64, scratch_operands = 7 : i64, tpu.core_type = #tpu.core_type<sc_vector_subcore>, window_params = [{transform_indices = #map}, {transform_indices = #map1}]} {
    %mul3A = arith.constant 16 : i32
    %mul3A_0 = arith.muli %arg0, %mul3A : i32
    %add3A = arith.addi %mul3A_0, %arg1 : i32
    "tpu.region"() ({
      %run_scoped3A_200 = tpu.sem_alloc : memref<!tpu.dma_semaphore, #tpu.memory_space<semaphore_mem>>
      %dma_start3A_201 = arith.constant 0 : i32
      %dma_start3A_202 = arith.constant 0 : i32
      %dma_start3A_203 = tpu.memref_slice %arg2[%add3A, %dma_start3A_201, %dma_start3A_202] : memref<32x80x128xi32, #tpu.memory_space<hbm>> -> memref<1x80x128xi32, #tpu.memory_space<hbm>>
      %dma_start3A_204 = tpu.memref_squeeze %dma_start3A_203 : memref<1x80x128xi32, #tpu.memory_space<hbm>> -> memref<80x128xi32, #tpu.memory_space<hbm>>
      %dma_start3A_205 = arith.constant 0 : i32
      %dma_start3A_206 = arith.constant 0 : i32
      %dma_start3A_207 = tpu.memref_slice %arg2[%add3A, %dma_start3A_205, %dma_start3A_206] : memref<32x80x128xi32, #tpu.memory_space<hbm>> -> memref<1x80x128xi32, #tpu.memory_space<hbm>>
      %dma_start3A_208 = tpu.memref_squeeze %dma_start3A_207 : memref<1x80x128xi32, #tpu.memory_space<hbm>> -> memref<80x128xi32, #tpu.memory_space<hbm>>
      tpu.enqueue_dma source(%dma_start3A_208 : memref<80x128xi32, #tpu.memory_space<hbm>>) target(%arg4 : memref<80x128xi32, #tpu.memory_space<vmem>>) target_semaphore(%run_scoped3A_200 : memref<!tpu.dma_semaphore, #tpu.memory_space<semaphore_mem>>)
      %dma_wait3A_209 = arith.constant 0 : i32
      %dma_wait3A_210 = arith.constant 0 : i32
      %dma_wait3A_211 = tpu.memref_slice %arg2[%add3A, %dma_wait3A_209, %dma_wait3A_210] : memref<32x80x128xi32, #tpu.memory_space<hbm>> -> memref<1x80x128xi32, #tpu.memory_space<hbm>>
      %dma_wait3A_212 = tpu.memref_squeeze %dma_wait3A_211 : memref<1x80x128xi32, #tpu.memory_space<hbm>> -> memref<80x128xi32, #tpu.memory_space<hbm>>
      %dma_wait3A_213 = arith.constant 0 : i32
      %dma_wait3A_214 = arith.constant 0 : i32
      %dma_wait3A_215 = tpu.memref_slice %arg2[%add3A, %dma_wait3A_213, %dma_wait3A_214] : memref<32x80x128xi32, #tpu.memory_space<hbm>> -> memref<1x80x128xi32, #tpu.memory_space<hbm>>
      %dma_wait3A_216 = tpu.memref_squeeze %dma_wait3A_215 : memref<1x80x128xi32, #tpu.memory_space<hbm>> -> memref<80x128xi32, #tpu.memory_space<hbm>>
      tpu.wait_dma2 semaphore(%run_scoped3A_200 : memref<!tpu.dma_semaphore, #tpu.memory_space<semaphore_mem>>) src(%dma_wait3A_216 : memref<80x128xi32, #tpu.memory_space<hbm>>) dst(%arg4 : memref<80x128xi32, #tpu.memory_space<vmem>>)
      tpu.yield
    }) : () -> ()
    %scan3A = arith.constant 0 : i32
    %scan3A_1 = arith.constant 0 : i32
    %scan3A_2 = arith.constant 80 : i32
    %scan3A_3 = arith.addi %scan3A_1, %scan3A_2 : i32
    %scan3A_4 = arith.constant 1 : i32
    %scan3A_5 = scf.for %scan3A_200 = %scan3A_1 to %scan3A_3 step %scan3A_4 iter_args(%scan3A_201 = %scan3A) -> (i32)  : i32 {
      %get3A = arith.index_cast %scan3A_200 : i32 to index
      %get3A_202 = arith.constant 0 : index
      %get3A_203 = tpu.vector_load %arg4[%get3A, %get3A_202] {strides = array<i32>} : memref<80x128xi32, #tpu.memory_space<vmem>>, vector<1x16xi32>,
      %get3A_204 = vector.shape_cast %get3A_203 : vector<1x16xi32> to vector<16xi32>
      %shift_right_logical3A = arith.constant 14 : i32
      %shift_right_logical3A_205 = vector.broadcast %shift_right_logical3A : i32 to vector<16xi32>
      %shift_right_logical3A_206 = arith.shrui %get3A_204, %shift_right_logical3A_205 : vector<16xi32>
      %swap3A = arith.index_cast %scan3A_200 : i32 to index
      %swap3A_207 = arith.constant 0 : index
      %swap3A_208 = tpu.vector_load %arg5[%swap3A, %swap3A_207] {strides = array<i32>} : memref<80x128xi32, #tpu.memory_space<vmem>>, vector<1x16xi32>,
      %swap3A_209 = vector.shape_cast %swap3A_208 : vector<1x16xi32> to vector<16xi32>
      %swap3A_210 = vector.shape_cast %shift_right_logical3A_206 : vector<16xi32> to vector<1x16xi32>
      tpu.vector_store %arg5[%swap3A, %swap3A_207], %swap3A_210 {strides = array<i32>} : memref<80x128xi32, #tpu.memory_space<vmem>>, vector<1x16xi32>,
      %and3A = arith.constant 16383 : i32
      %and3A_211 = vector.broadcast %and3A : i32 to vector<16xi32>
      %and3A_212 = arith.andi %get3A_204, %and3A_211 : vector<16xi32>
      %swap3A_213 = arith.index_cast %scan3A_200 : i32 to index
      %swap3A_214 = arith.constant 0 : index
      %swap3A_215 = tpu.vector_load %arg6[%swap3A_213, %swap3A_214] {strides = array<i32>} : memref<80x128xi32, #tpu.memory_space<vmem>>, vector<1x16xi32>,
      %swap3A_216 = vector.shape_cast %swap3A_215 : vector<1x16xi32> to vector<16xi32>
      %swap3A_217 = vector.shape_cast %and3A_212 : vector<16xi32> to vector<1x16xi32>
      tpu.vector_store %arg6[%swap3A_213, %swap3A_214], %swap3A_217 {strides = array<i32>} : memref<80x128xi32, #tpu.memory_space<vmem>>, vector<1x16xi32>,
      %get3A_218 = arith.index_cast %scan3A_200 : i32 to index
      %get3A_219 = arith.constant 16 : index
      %get3A_220 = tpu.vector_load %arg4[%get3A_218, %get3A_219] {strides = array<i32>} : memref<80x128xi32, #tpu.memory_space<vmem>>, vector<1x16xi32>,
      %get3A_221 = vector.shape_cast %get3A_220 : vector<1x16xi32> to vector<16xi32>
      %shift_right_logical3A_222 = arith.constant 14 : i32
      %shift_right_logical3A_223 = vector.broadcast %shift_right_logical3A_222 : i32 to vector<16xi32>
      %shift_right_logical3A_224 = arith.shrui %get3A_221, %shift_right_logical3A_223 : vector<16xi32>
      %swap3A_225 = arith.index_cast %scan3A_200 : i32 to index
      %swap3A_226 = arith.constant 16 : index
      %swap3A_227 = tpu.vector_load %arg5[%swap3A_225, %swap3A_226] {strides = array<i32>} : memref<80x128xi32, #tpu.memory_space<vmem>>, vector<1x16xi32>,
      %swap3A_228 = vector.shape_cast %swap3A_227 : vector<1x16xi32> to vector<16xi32>
      %swap3A_229 = vector.shape_cast %shift_right_logical3A_224 : vector<16xi32> to vector<1x16xi32>
      tpu.vector_store %arg5[%swap3A_225, %swap3A_226], %swap3A_229 {strides = array<i32>} : memref<80x128xi32, #tpu.memory_space<vmem>>, vector<1x16xi32>,
      %and3A_230 = arith.constant 16383 : i32
      %and3A_231 = vector.broadcast %and3A_230 : i32 to vector<16xi32>
      %and3A_232 = arith.andi %get3A_221, %and3A_231 : vector<16xi32>
      %swap3A_233 = arith.index_cast %scan3A_200 : i32 to index
      %swap3A_234 = arith.constant 16 : index
      %swap3A_235 = tpu.vector_load %arg6[%swap3A_233, %swap3A_234] {strides = array<i32>} : memref<80x128xi32, #tpu.memory_space<vmem>>, vector<1x16xi32>,
      %swap3A_236 = vector.shape_cast %swap3A_235 : vector<1x16xi32> to vector<16xi32>
      %swap3A_237 = vector.shape_cast %and3A_232 : vector<16xi32> to vector<1x16xi32>
      tpu.vector_store %arg6[%swap3A_233, %swap3A_234], %swap3A_237 {strides = array<i32>} : memref<80x128xi32, #tpu.memory_space<vmem>>, vector<1x16xi32>,
      %get3A_238 = arith.index_cast %scan3A_200 : i32 to index
      %get3A_239 = arith.constant 32 : index
      %get3A_240 = tpu.vector_load %arg4[%get3A_238, %get3A_239] {strides = array<i32>} : memref<80x128xi32, #tpu.memory_space<vmem>>, vector<1x16xi32>,
      %get3A_241 = vector.shape_cast %get3A_240 : vector<1x16xi32> to vector<16xi32>
      %shift_right_logical3A_242 = arith.constant 14 : i32
      %shift_right_logical3A_243 = vector.broadcast %shift_right_logical3A_242 : i32 to vector<16xi32>
      %shift_right_logical3A_244 = arith.shrui %get3A_241, %shift_right_logical3A_243 : vector<16xi32>
      %swap3A_245 = arith.index_cast %scan3A_200 : i32 to index
      %swap3A_246 = arith.constant 32 : index
      %swap3A_247 = tpu.vector_load %arg5[%swap3A_245, %swap3A_246] {strides = array<i32>} : memref<80x128xi32, #tpu.memory_space<vmem>>, vector<1x16xi32>,
      %swap3A_248 = vector.shape_cast %swap3A_247 : vector<1x16xi32> to vector<16xi32>
      %swap3A_249 = vector.shape_cast %shift_right_logical3A_244 : vector<16xi32> to vector<1x16xi32>
      tpu.vector_store %arg5[%swap3A_245, %swap3A_246], %swap3A_249 {strides = array<i32>} : memref<80x128xi32, #tpu.memory_space<vmem>>, vector<1x16xi32>,
      %and3A_250 = arith.constant 16383 : i32
      %and3A_251 = vector.broadcast %and3A_250 : i32 to vector<16xi32>
      %and3A_252 = arith.andi %get3A_241, %and3A_251 : vector<16xi32>
      %swap3A_253 = arith.index_cast %scan3A_200 : i32 to index
      %swap3A_254 = arith.constant 32 : index
      %swap3A_255 = tpu.vector_load %arg6[%swap3A_253, %swap3A_254] {strides = array<i32>} : memref<80x128xi32, #tpu.memory_space<vmem>>, vector<1x16xi32>,
      %swap3A_256 = vector.shape_cast %swap3A_255 : vector<1x16xi32> to vector<16xi32>
      %swap3A_257 = vector.shape_cast %and3A_252 : vector<16xi32> to vector<1x16xi32>
      tpu.vector_store %arg6[%swap3A_253, %swap3A_254], %swap3A_257 {strides = array<i32>} : memref<80x128xi32, #tpu.memory_space<vmem>>, vector<1x16xi32>,
      %get3A_258 = arith.index_cast %scan3A_200 : i32 to index
      %get3A_259 = arith.constant 48 : index
      %get3A_260 = tpu.vector_load %arg4[%get3A_258, %get3A_259] {strides = array<i32>} : memref<80x128xi32, #tpu.memory_space<vmem>>, vector<1x16xi32>,
      %get3A_261 = vector.shape_cast %get3A_260 : vector<1x16xi32> to vector<16xi32>
      %shift_right_logical3A_262 = arith.constant 14 : i32
      %shift_right_logical3A_263 = vector.broadcast %shift_right_logical3A_262 : i32 to vector<16xi32>
      %shift_right_logical3A_264 = arith.shrui %get3A_261, %shift_right_logical3A_263 : vector<16xi32>
      %swap3A_265 = arith.index_cast %scan3A_200 : i32 to index
      %swap3A_266 = arith.constant 48 : index
      %swap3A_267 = tpu.vector_load %arg5[%swap3A_265, %swap3A_266] {strides = array<i32>} : memref<80x128xi32, #tpu.memory_space<vmem>>, vector<1x16xi32>,
      %swap3A_268 = vector.shape_cast %swap3A_267 : vector<1x16xi32> to vector<16xi32>
      %swap3A_269 = vector.shape_cast %shift_right_logical3A_264 : vector<16xi32> to vector<1x16xi32>
      tpu.vector_store %arg5[%swap3A_265, %swap3A_266], %swap3A_269 {strides = array<i32>} : memref<80x128xi32, #tpu.memory_space<vmem>>, vector<1x16xi32>,
      %and3A_270 = arith.constant 16383 : i32
      %and3A_271 = vector.broadcast %and3A_270 : i32 to vector<16xi32>
      %and3A_272 = arith.andi %get3A_261, %and3A_271 : vector<16xi32>
      %swap3A_273 = arith.index_cast %scan3A_200 : i32 to index
      %swap3A_274 = arith.constant 48 : index
      %swap3A_275 = tpu.vector_load %arg6[%swap3A_273, %swap3A_274] {strides = array<i32>} : memref<80x128xi32, #tpu.memory_space<vmem>>, vector<1x16xi32>,
      %swap3A_276 = vector.shape_cast %swap3A_275 : vector<1x16xi32> to vector<16xi32>
      %swap3A_277 = vector.shape_cast %and3A_272 : vector<16xi32> to vector<1x16xi32>
      tpu.vector_store %arg6[%swap3A_273, %swap3A_274], %swap3A_277 {strides = array<i32>} : memref<80x128xi32, #tpu.memory_space<vmem>>, vector<1x16xi32>,
      %get3A_278 = arith.index_cast %scan3A_200 : i32 to index
      %get3A_279 = arith.constant 64 : index
      %get3A_280 = tpu.vector_load %arg4[%get3A_278, %get3A_279] {strides = array<i32>} : memref<80x128xi32, #tpu.memory_space<vmem>>, vector<1x16xi32>,
      %get3A_281 = vector.shape_cast %get3A_280 : vector<1x16xi32> to vector<16xi32>
      %shift_right_logical3A_282 = arith.constant 14 : i32
      %shift_right_logical3A_283 = vector.broadcast %shift_right_logical3A_282 : i32 to vector<16xi32>
      %shift_right_logical3A_284 = arith.shrui %get3A_281, %shift_right_logical3A_283 : vector<16xi32>
      %swap3A_285 = arith.index_cast %scan3A_200 : i32 to index
      %swap3A_286 = arith.constant 64 : index
      %swap3A_287 = tpu.vector_load %arg5[%swap3A_285, %swap3A_286] {strides = array<i32>} : memref<80x128xi32, #tpu.memory_space<vmem>>, vector<1x16xi32>,
      %swap3A_288 = vector.shape_cast %swap3A_287 : vector<1x16xi32> to vector<16xi32>
      %swap3A_289 = vector.shape_cast %shift_right_logical3A_284 : vector<16xi32> to vector<1x16xi32>
      tpu.vector_store %arg5[%swap3A_285, %swap3A_286], %swap3A_289 {strides = array<i32>} : memref<80x128xi32, #tpu.memory_space<vmem>>, vector<1x16xi32>,
      %and3A_290 = arith.constant 16383 : i32
      %and3A_291 = vector.broadcast %and3A_290 : i32 to vector<16xi32>
      %and3A_292 = arith.andi %get3A_281, %and3A_291 : vector<16xi32>
      %swap3A_293 = arith.index_cast %scan3A_200 : i32 to index
      %swap3A_294 = arith.constant 64 : index
      %swap3A_295 = tpu.vector_load %arg6[%swap3A_293, %swap3A_294] {strides = array<i32>} : memref<80x128xi32, #tpu.memory_space<vmem>>, vector<1x16xi32>,
      %swap3A_296 = vector.shape_cast %swap3A_295 : vector<1x16xi32> to vector<16xi32>
      %swap3A_297 = vector.shape_cast %and3A_292 : vector<16xi32> to vector<1x16xi32>
      tpu.vector_store %arg6[%swap3A_293, %swap3A_294], %swap3A_297 {strides = array<i32>} : memref<80x128xi32, #tpu.memory_space<vmem>>, vector<1x16xi32>,
      %get3A_298 = arith.index_cast %scan3A_200 : i32 to index
      %get3A_299 = arith.constant 80 : index
      %get3A_300 = tpu.vector_load %arg4[%get3A_298, %get3A_299] {strides = array<i32>} : memref<80x128xi32, #tpu.memory_space<vmem>>, vector<1x16xi32>,
      %get3A_301 = vector.shape_cast %get3A_300 : vector<1x16xi32> to vector<16xi32>
      %shift_right_logical3A_302 = arith.constant 14 : i32
      %shift_right_logical3A_303 = vector.broadcast %shift_right_logical3A_302 : i32 to vector<16xi32>
      %shift_right_logical3A_304 = arith.shrui %get3A_301, %shift_right_logical3A_303 : vector<16xi32>
      %swap3A_305 = arith.index_cast %scan3A_200 : i32 to index
      %swap3A_306 = arith.constant 80 : index
      %swap3A_307 = tpu.vector_load %arg5[%swap3A_305, %swap3A_306] {strides = array<i32>} : memref<80x128xi32, #tpu.memory_space<vmem>>, vector<1x16xi32>,
      %swap3A_308 = vector.shape_cast %swap3A_307 : vector<1x16xi32> to vector<16xi32>
      %swap3A_309 = vector.shape_cast %shift_right_logical3A_304 : vector<16xi32> to vector<1x16xi32>
      tpu.vector_store %arg5[%swap3A_305, %swap3A_306], %swap3A_309 {strides = array<i32>} : memref<80x128xi32, #tpu.memory_space<vmem>>, vector<1x16xi32>,
      %and3A_310 = arith.constant 16383 : i32
      %and3A_311 = vector.broadcast %and3A_310 : i32 to vector<16xi32>
      %and3A_312 = arith.andi %get3A_301, %and3A_311 : vector<16xi32>
      %swap3A_313 = arith.index_cast %scan3A_200 : i32 to index
      %swap3A_314 = arith.constant 80 : index
      %swap3A_315 = tpu.vector_load %arg6[%swap3A_313, %swap3A_314] {strides = array<i32>} : memref<80x128xi32, #tpu.memory_space<vmem>>, vector<1x16xi32>,
      %swap3A_316 = vector.shape_cast %swap3A_315 : vector<1x16xi32> to vector<16xi32>
      %swap3A_317 = vector.shape_cast %and3A_312 : vector<16xi32> to vector<1x16xi32>
      tpu.vector_store %arg6[%swap3A_313, %swap3A_314], %swap3A_317 {strides = array<i32>} : memref<80x128xi32, #tpu.memory_space<vmem>>, vector<1x16xi32>,
      %get3A_318 = arith.index_cast %scan3A_200 : i32 to index
      %get3A_319 = arith.constant 96 : index
      %get3A_320 = tpu.vector_load %arg4[%get3A_318, %get3A_319] {strides = array<i32>} : memref<80x128xi32, #tpu.memory_space<vmem>>, vector<1x16xi32>,
      %get3A_321 = vector.shape_cast %get3A_320 : vector<1x16xi32> to vector<16xi32>
      %shift_right_logical3A_322 = arith.constant 14 : i32
      %shift_right_logical3A_323 = vector.broadcast %shift_right_logical3A_322 : i32 to vector<16xi32>
      %shift_right_logical3A_324 = arith.shrui %get3A_321, %shift_right_logical3A_323 : vector<16xi32>
      %swap3A_325 = arith.index_cast %scan3A_200 : i32 to index
      %swap3A_326 = arith.constant 96 : index
      %swap3A_327 = tpu.vector_load %arg5[%swap3A_325, %swap3A_326] {strides = array<i32>} : memref<80x128xi32, #tpu.memory_space<vmem>>, vector<1x16xi32>,
      %swap3A_328 = vector.shape_cast %swap3A_327 : vector<1x16xi32> to vector<16xi32>
      %swap3A_329 = vector.shape_cast %shift_right_logical3A_324 : vector<16xi32> to vector<1x16xi32>
      tpu.vector_store %arg5[%swap3A_325, %swap3A_326], %swap3A_329 {strides = array<i32>} : memref<80x128xi32, #tpu.memory_space<vmem>>, vector<1x16xi32>,
      %and3A_330 = arith.constant 16383 : i32
      %and3A_331 = vector.broadcast %and3A_330 : i32 to vector<16xi32>
      %and3A_332 = arith.andi %get3A_321, %and3A_331 : vector<16xi32>
      %swap3A_333 = arith.index_cast %scan3A_200 : i32 to index
      %swap3A_334 = arith.constant 96 : index
      %swap3A_335 = tpu.vector_load %arg6[%swap3A_333, %swap3A_334] {strides = array<i32>} : memref<80x128xi32, #tpu.memory_space<vmem>>, vector<1x16xi32>,
      %swap3A_336 = vector.shape_cast %swap3A_335 : vector<1x16xi32> to vector<16xi32>
      %swap3A_337 = vector.shape_cast %and3A_332 : vector<16xi32> to vector<1x16xi32>
      tpu.vector_store %arg6[%swap3A_333, %swap3A_334], %swap3A_337 {strides = array<i32>} : memref<80x128xi32, #tpu.memory_space<vmem>>, vector<1x16xi32>,
      %get3A_338 = arith.index_cast %scan3A_200 : i32 to index
      %get3A_339 = arith.constant 112 : index
      %get3A_340 = tpu.vector_load %arg4[%get3A_338, %get3A_339] {strides = array<i32>} : memref<80x128xi32, #tpu.memory_space<vmem>>, vector<1x16xi32>,
      %get3A_341 = vector.shape_cast %get3A_340 : vector<1x16xi32> to vector<16xi32>
      %shift_right_logical3A_342 = arith.constant 14 : i32
      %shift_right_logical3A_343 = vector.broadcast %shift_right_logical3A_342 : i32 to vector<16xi32>
      %shift_right_logical3A_344 = arith.shrui %get3A_341, %shift_right_logical3A_343 : vector<16xi32>
      %swap3A_345 = arith.index_cast %scan3A_200 : i32 to index
      %swap3A_346 = arith.constant 112 : index
      %swap3A_347 = tpu.vector_load %arg5[%swap3A_345, %swap3A_346] {strides = array<i32>} : memref<80x128xi32, #tpu.memory_space<vmem>>, vector<1x16xi32>,
      %swap3A_348 = vector.shape_cast %swap3A_347 : vector<1x16xi32> to vector<16xi32>
      %swap3A_349 = vector.shape_cast %shift_right_logical3A_344 : vector<16xi32> to vector<1x16xi32>
      tpu.vector_store %arg5[%swap3A_345, %swap3A_346], %swap3A_349 {strides = array<i32>} : memref<80x128xi32, #tpu.memory_space<vmem>>, vector<1x16xi32>,
      %and3A_350 = arith.constant 16383 : i32
      %and3A_351 = vector.broadcast %and3A_350 : i32 to vector<16xi32>
      %and3A_352 = arith.andi %get3A_341, %and3A_351 : vector<16xi32>
      %swap3A_353 = arith.index_cast %scan3A_200 : i32 to index
      %swap3A_354 = arith.constant 112 : index
      %swap3A_355 = tpu.vector_load %arg6[%swap3A_353, %swap3A_354] {strides = array<i32>} : memref<80x128xi32, #tpu.memory_space<vmem>>, vector<1x16xi32>,
      %swap3A_356 = vector.shape_cast %swap3A_355 : vector<1x16xi32> to vector<16xi32>
      %swap3A_357 = vector.shape_cast %and3A_352 : vector<16xi32> to vector<1x16xi32>
      tpu.vector_store %arg6[%swap3A_353, %swap3A_354], %swap3A_357 {strides = array<i32>} : memref<80x128xi32, #tpu.memory_space<vmem>>, vector<1x16xi32>,
      %scan3A_358 = arith.constant 0 : i32
      scf.yield %scan3A_358 : i32
    }
    %scan3A_6 = arith.constant 80 : i32
    %mul3A_7 = arith.constant 632 : i32
    %mul3A_8 = arith.muli %arg1, %mul3A_7 : i32
    %broadcast_in_dim3A = arith.constant 0.000000e+00 : f32
    %broadcast_in_dim3A_9 = vector.broadcast %broadcast_in_dim3A : f32 to vector<16xf32>
    %scan3A_10 = arith.constant 0 : i32
    %scan3A_11 = arith.constant 0 : i32
    %scan3A_12 = arith.constant 128 : i32
    %scan3A_13 = arith.addi %scan3A_11, %scan3A_12 : i32
    %scan3A_14 = arith.constant 1 : i32
    %scan3A_15 = scf.for %scan3A_200 = %scan3A_11 to %scan3A_13 step %scan3A_14 iter_args(%scan3A_201 = %scan3A_10) -> (i32)  : i32 {
      %swap3A = arith.index_cast %scan3A_200 : i32 to index
      %swap3A_202 = arith.constant 0 : index
      %swap3A_203 = tpu.vector_load %arg7[%swap3A, %swap3A_202] {strides = array<i32>} : memref<128x128xf32, #tpu.memory_space<vmem>>, vector<1x16xf32>,
      %swap3A_204 = vector.shape_cast %swap3A_203 : vector<1x16xf32> to vector<16xf32>
      %swap3A_205 = vector.shape_cast %broadcast_in_dim3A_9 : vector<16xf32> to vector<1x16xf32>
      tpu.vector_store %arg7[%swap3A, %swap3A_202], %swap3A_205 {strides = array<i32>} : memref<128x128xf32, #tpu.memory_space<vmem>>, vector<1x16xf32>,
      %swap3A_206 = arith.index_cast %scan3A_200 : i32 to index
      %swap3A_207 = arith.constant 16 : index
      %swap3A_208 = tpu.vector_load %arg7[%swap3A_206, %swap3A_207] {strides = array<i32>} : memref<128x128xf32, #tpu.memory_space<vmem>>, vector<1x16xf32>,
      %swap3A_209 = vector.shape_cast %swap3A_208 : vector<1x16xf32> to vector<16xf32>
      %swap3A_210 = vector.shape_cast %broadcast_in_dim3A_9 : vector<16xf32> to vector<1x16xf32>
      tpu.vector_store %arg7[%swap3A_206, %swap3A_207], %swap3A_210 {strides = array<i32>} : memref<128x128xf32, #tpu.memory_space<vmem>>, vector<1x16xf32>,
      %swap3A_211 = arith.index_cast %scan3A_200 : i32 to index
      %swap3A_212 = arith.constant 32 : index
      %swap3A_213 = tpu.vector_load %arg7[%swap3A_211, %swap3A_212] {strides = array<i32>} : memref<128x128xf32, #tpu.memory_space<vmem>>, vector<1x16xf32>,
      %swap3A_214 = vector.shape_cast %swap3A_213 : vector<1x16xf32> to vector<16xf32>
      %swap3A_215 = vector.shape_cast %broadcast_in_dim3A_9 : vector<16xf32> to vector<1x16xf32>
      tpu.vector_store %arg7[%swap3A_211, %swap3A_212], %swap3A_215 {strides = array<i32>} : memref<128x128xf32, #tpu.memory_space<vmem>>, vector<1x16xf32>,
      %swap3A_216 = arith.index_cast %scan3A_200 : i32 to index
      %swap3A_217 = arith.constant 48 : index
      %swap3A_218 = tpu.vector_load %arg7[%swap3A_216, %swap3A_217] {strides = array<i32>} : memref<128x128xf32, #tpu.memory_space<vmem>>, vector<1x16xf32>,
      %swap3A_219 = vector.shape_cast %swap3A_218 : vector<1x16xf32> to vector<16xf32>
      %swap3A_220 = vector.shape_cast %broadcast_in_dim3A_9 : vector<16xf32> to vector<1x16xf32>
      tpu.vector_store %arg7[%swap3A_216, %swap3A_217], %swap3A_220 {strides = array<i32>} : memref<128x128xf32, #tpu.memory_space<vmem>>, vector<1x16xf32>,
      %swap3A_221 = arith.index_cast %scan3A_200 : i32 to index
      %swap3A_222 = arith.constant 64 : index
      %swap3A_223 = tpu.vector_load %arg7[%swap3A_221, %swap3A_222] {strides = array<i32>} : memref<128x128xf32, #tpu.memory_space<vmem>>, vector<1x16xf32>,
      %swap3A_224 = vector.shape_cast %swap3A_223 : vector<1x16xf32> to vector<16xf32>
      %swap3A_225 = vector.shape_cast %broadcast_in_dim3A_9 : vector<16xf32> to vector<1x16xf32>
      tpu.vector_store %arg7[%swap3A_221, %swap3A_222], %swap3A_225 {strides = array<i32>} : memref<128x128xf32, #tpu.memory_space<vmem>>, vector<1x16xf32>,
      %swap3A_226 = arith.index_cast %scan3A_200 : i32 to index
      %swap3A_227 = arith.constant 80 : index
      %swap3A_228 = tpu.vector_load %arg7[%swap3A_226, %swap3A_227] {strides = array<i32>} : memref<128x128xf32, #tpu.memory_space<vmem>>, vector<1x16xf32>,
      %swap3A_229 = vector.shape_cast %swap3A_228 : vector<1x16xf32> to vector<16xf32>
      %swap3A_230 = vector.shape_cast %broadcast_in_dim3A_9 : vector<16xf32> to vector<1x16xf32>
      tpu.vector_store %arg7[%swap3A_226, %swap3A_227], %swap3A_230 {strides = array<i32>} : memref<128x128xf32, #tpu.memory_space<vmem>>, vector<1x16xf32>,
      %swap3A_231 = arith.index_cast %scan3A_200 : i32 to index
      %swap3A_232 = arith.constant 96 : index
      %swap3A_233 = tpu.vector_load %arg7[%swap3A_231, %swap3A_232] {strides = array<i32>} : memref<128x128xf32, #tpu.memory_space<vmem>>, vector<1x16xf32>,
      %swap3A_234 = vector.shape_cast %swap3A_233 : vector<1x16xf32> to vector<16xf32>
      %swap3A_235 = vector.shape_cast %broadcast_in_dim3A_9 : vector<16xf32> to vector<1x16xf32>
      tpu.vector_store %arg7[%swap3A_231, %swap3A_232], %swap3A_235 {strides = array<i32>} : memref<128x128xf32, #tpu.memory_space<vmem>>, vector<1x16xf32>,
      %swap3A_236 = arith.index_cast %scan3A_200 : i32 to index
      %swap3A_237 = arith.constant 112 : index
      %swap3A_238 = tpu.vector_load %arg7[%swap3A_236, %swap3A_237] {strides = array<i32>} : memref<128x128xf32, #tpu.memory_space<vmem>>, vector<1x16xf32>,
      %swap3A_239 = vector.shape_cast %swap3A_238 : vector<1x16xf32> to vector<16xf32>
      %swap3A_240 = vector.shape_cast %broadcast_in_dim3A_9 : vector<16xf32> to vector<1x16xf32>
      tpu.vector_store %arg7[%swap3A_236, %swap3A_237], %swap3A_240 {strides = array<i32>} : memref<128x128xf32, #tpu.memory_space<vmem>>, vector<1x16xf32>,
      %scan3A_241 = arith.constant 0 : i32
      scf.yield %scan3A_241 : i32
    }
    %scan3A_16 = arith.constant 128 : i32
    %mul3A_17 = arith.constant 632 : i32
    %mul3A_18 = arith.muli %arg1, %mul3A_17 : i32
    %dma_start3A = arith.constant 0 : i32
    %dma_start3A_19 = tpu.memref_slice %arg8[%mul3A_18, %dma_start3A] : memref<10112x128xf32, #tpu.memory_space<vmem_shared>> -> memref<128x128xf32, #tpu.memory_space<vmem_shared>>
    %dma_start3A_20 = arith.constant 0 : i32
    %dma_start3A_21 = tpu.memref_slice %arg8[%mul3A_18, %dma_start3A_20] : memref<10112x128xf32, #tpu.memory_space<vmem_shared>> -> memref<128x128xf32, #tpu.memory_space<vmem_shared>>
    tpu.enqueue_dma source(%arg7 : memref<128x128xf32, #tpu.memory_space<vmem>>) target(%dma_start3A_21 : memref<128x128xf32, #tpu.memory_space<vmem_shared>>) target_semaphore(%arg10 : memref<!tpu.dma_semaphore, #tpu.memory_space<semaphore_mem>>)
    %add3A_22 = arith.constant 128 : i32
    %add3A_23 = arith.addi %mul3A_18, %add3A_22 : i32
    %dma_start3A_24 = arith.constant 0 : i32
    %dma_start3A_25 = tpu.memref_slice %arg8[%add3A_23, %dma_start3A_24] : memref<10112x128xf32, #tpu.memory_space<vmem_shared>> -> memref<128x128xf32, #tpu.memory_space<vmem_shared>>
    %dma_start3A_26 = arith.constant 0 : i32
    %dma_start3A_27 = tpu.memref_slice %arg8[%add3A_23, %dma_start3A_26] : memref<10112x128xf32, #tpu.memory_space<vmem_shared>> -> memref<128x128xf32, #tpu.memory_space<vmem_shared>>
    tpu.enqueue_dma source(%arg7 : memref<128x128xf32, #tpu.memory_space<vmem>>) target(%dma_start3A_27 : memref<128x128xf32, #tpu.memory_space<vmem_shared>>) target_semaphore(%arg10 : memref<!tpu.dma_semaphore, #tpu.memory_space<semaphore_mem>>)
    %add3A_28 = arith.constant 256 : i32
    %add3A_29 = arith.addi %mul3A_18, %add3A_28 : i32
    %dma_start3A_30 = arith.constant 0 : i32
    %dma_start3A_31 = tpu.memref_slice %arg8[%add3A_29, %dma_start3A_30] : memref<10112x128xf32, #tpu.memory_space<vmem_shared>> -> memref<128x128xf32, #tpu.memory_space<vmem_shared>>
    %dma_start3A_32 = arith.constant 0 : i32
    %dma_start3A_33 = tpu.memref_slice %arg8[%add3A_29, %dma_start3A_32] : memref<10112x128xf32, #tpu.memory_space<vmem_shared>> -> memref<128x128xf32, #tpu.memory_space<vmem_shared>>
    tpu.enqueue_dma source(%arg7 : memref<128x128xf32, #tpu.memory_space<vmem>>) target(%dma_start3A_33 : memref<128x128xf32, #tpu.memory_space<vmem_shared>>) target_semaphore(%arg10 : memref<!tpu.dma_semaphore, #tpu.memory_space<semaphore_mem>>)
    %add3A_34 = arith.constant 384 : i32
    %add3A_35 = arith.addi %mul3A_18, %add3A_34 : i32
    %dma_start3A_36 = arith.constant 0 : i32
    %dma_start3A_37 = tpu.memref_slice %arg8[%add3A_35, %dma_start3A_36] : memref<10112x128xf32, #tpu.memory_space<vmem_shared>> -> memref<128x128xf32, #tpu.memory_space<vmem_shared>>
    %dma_start3A_38 = arith.constant 0 : i32
    %dma_start3A_39 = tpu.memref_slice %arg8[%add3A_35, %dma_start3A_38] : memref<10112x128xf32, #tpu.memory_space<vmem_shared>> -> memref<128x128xf32, #tpu.memory_space<vmem_shared>>
    tpu.enqueue_dma source(%arg7 : memref<128x128xf32, #tpu.memory_space<vmem>>) target(%dma_start3A_39 : memref<128x128xf32, #tpu.memory_space<vmem_shared>>) target_semaphore(%arg10 : memref<!tpu.dma_semaphore, #tpu.memory_space<semaphore_mem>>)
    %add3A_40 = arith.constant 512 : i32
    %add3A_41 = arith.addi %mul3A_18, %add3A_40 : i32
    %dma_start3A_42 = arith.constant 0 : i32
    %dma_start3A_43 = arith.constant 0 : i32
    %dma_start3A_44 = tpu.memref_slice %arg7[%dma_start3A_42, %dma_start3A_43] : memref<128x128xf32, #tpu.memory_space<vmem>> -> memref<120x128xf32, #tpu.memory_space<vmem>>
    %dma_start3A_45 = arith.constant 0 : i32
    %dma_start3A_46 = tpu.memref_slice %arg8[%add3A_41, %dma_start3A_45] : memref<10112x128xf32, #tpu.memory_space<vmem_shared>> -> memref<120x128xf32, #tpu.memory_space<vmem_shared>>
    %dma_start3A_47 = arith.constant 0 : i32
    %dma_start3A_48 = tpu.memref_slice %arg8[%add3A_41, %dma_start3A_47] : memref<10112x128xf32, #tpu.memory_space<vmem_shared>> -> memref<120x128xf32, #tpu.memory_space<vmem_shared>>
    %dma_start3A_49 = arith.constant 0 : i32
    %dma_start3A_50 = arith.constant 0 : i32
    %dma_start3A_51 = tpu.memref_slice %arg7[%dma_start3A_49, %dma_start3A_50] : memref<128x128xf32, #tpu.memory_space<vmem>> -> memref<120x128xf32, #tpu.memory_space<vmem>>
    tpu.enqueue_dma source(%dma_start3A_51 : memref<120x128xf32, #tpu.memory_space<vmem>>) target(%dma_start3A_48 : memref<120x128xf32, #tpu.memory_space<vmem_shared>>) target_semaphore(%arg10 : memref<!tpu.dma_semaphore, #tpu.memory_space<semaphore_mem>>)
    %dma_wait3A = arith.constant 0 : i32
    %dma_wait3A_52 = tpu.memref_slice %arg8[%mul3A_18, %dma_wait3A] : memref<10112x128xf32, #tpu.memory_space<vmem_shared>> -> memref<128x128xf32, #tpu.memory_space<vmem_shared>>
    %dma_wait3A_53 = arith.constant 0 : i32
    %dma_wait3A_54 = tpu.memref_slice %arg8[%mul3A_18, %dma_wait3A_53] : memref<10112x128xf32, #tpu.memory_space<vmem_shared>> -> memref<128x128xf32, #tpu.memory_space<vmem_shared>>
    tpu.wait_dma2 semaphore(%arg10 : memref<!tpu.dma_semaphore, #tpu.memory_space<semaphore_mem>>) src(%arg7 : memref<128x128xf32, #tpu.memory_space<vmem>>) dst(%dma_wait3A_54 : memref<128x128xf32, #tpu.memory_space<vmem_shared>>)
    %dma_wait3A_55 = arith.constant 0 : i32
    %dma_wait3A_56 = tpu.memref_slice %arg8[%mul3A_18, %dma_wait3A_55] : memref<10112x128xf32, #tpu.memory_space<vmem_shared>> -> memref<128x128xf32, #tpu.memory_space<vmem_shared>>
    %dma_wait3A_57 = arith.constant 0 : i32
    %dma_wait3A_58 = tpu.memref_slice %arg8[%mul3A_18, %dma_wait3A_57] : memref<10112x128xf32, #tpu.memory_space<vmem_shared>> -> memref<128x128xf32, #tpu.memory_space<vmem_shared>>
    tpu.wait_dma2 semaphore(%arg10 : memref<!tpu.dma_semaphore, #tpu.memory_space<semaphore_mem>>) src(%arg7 : memref<128x128xf32, #tpu.memory_space<vmem>>) dst(%dma_wait3A_58 : memref<128x128xf32, #tpu.memory_space<vmem_shared>>)
    %dma_wait3A_59 = arith.constant 0 : i32
    %dma_wait3A_60 = tpu.memref_slice %arg8[%mul3A_18, %dma_wait3A_59] : memref<10112x128xf32, #tpu.memory_space<vmem_shared>> -> memref<128x128xf32, #tpu.memory_space<vmem_shared>>
    %dma_wait3A_61 = arith.constant 0 : i32
    %dma_wait3A_62 = tpu.memref_slice %arg8[%mul3A_18, %dma_wait3A_61] : memref<10112x128xf32, #tpu.memory_space<vmem_shared>> -> memref<128x128xf32, #tpu.memory_space<vmem_shared>>
    tpu.wait_dma2 semaphore(%arg10 : memref<!tpu.dma_semaphore, #tpu.memory_space<semaphore_mem>>) src(%arg7 : memref<128x128xf32, #tpu.memory_space<vmem>>) dst(%dma_wait3A_62 : memref<128x128xf32, #tpu.memory_space<vmem_shared>>)
    %dma_wait3A_63 = arith.constant 0 : i32
    %dma_wait3A_64 = tpu.memref_slice %arg8[%mul3A_18, %dma_wait3A_63] : memref<10112x128xf32, #tpu.memory_space<vmem_shared>> -> memref<128x128xf32, #tpu.memory_space<vmem_shared>>
    %dma_wait3A_65 = arith.constant 0 : i32
    %dma_wait3A_66 = tpu.memref_slice %arg8[%mul3A_18, %dma_wait3A_65] : memref<10112x128xf32, #tpu.memory_space<vmem_shared>> -> memref<128x128xf32, #tpu.memory_space<vmem_shared>>
    tpu.wait_dma2 semaphore(%arg10 : memref<!tpu.dma_semaphore, #tpu.memory_space<semaphore_mem>>) src(%arg7 : memref<128x128xf32, #tpu.memory_space<vmem>>) dst(%dma_wait3A_66 : memref<128x128xf32, #tpu.memory_space<vmem_shared>>)
    %dma_wait3A_67 = arith.constant 0 : i32
    %dma_wait3A_68 = arith.constant 0 : i32
    %dma_wait3A_69 = tpu.memref_slice %arg7[%dma_wait3A_67, %dma_wait3A_68] : memref<128x128xf32, #tpu.memory_space<vmem>> -> memref<120x128xf32, #tpu.memory_space<vmem>>
    %dma_wait3A_70 = arith.constant 0 : i32
    %dma_wait3A_71 = tpu.memref_slice %arg8[%mul3A_18, %dma_wait3A_70] : memref<10112x128xf32, #tpu.memory_space<vmem_shared>> -> memref<120x128xf32, #tpu.memory_space<vmem_shared>>
    %dma_wait3A_72 = arith.constant 0 : i32
    %dma_wait3A_73 = tpu.memref_slice %arg8[%mul3A_18, %dma_wait3A_72] : memref<10112x128xf32, #tpu.memory_space<vmem_shared>> -> memref<120x128xf32, #tpu.memory_space<vmem_shared>>
    %dma_wait3A_74 = arith.constant 0 : i32
    %dma_wait3A_75 = arith.constant 0 : i32
    %dma_wait3A_76 = tpu.memref_slice %arg7[%dma_wait3A_74, %dma_wait3A_75] : memref<128x128xf32, #tpu.memory_space<vmem>> -> memref<120x128xf32, #tpu.memory_space<vmem>>
    tpu.wait_dma2 semaphore(%arg10 : memref<!tpu.dma_semaphore, #tpu.memory_space<semaphore_mem>>) src(%dma_wait3A_76 : memref<120x128xf32, #tpu.memory_space<vmem>>) dst(%dma_wait3A_73 : memref<120x128xf32, #tpu.memory_space<vmem_shared>>)
    %broadcast_in_dim3A_77 = arith.constant 1.000000e+00 : f32
    %broadcast_in_dim3A_78 = vector.broadcast %broadcast_in_dim3A_77 : f32 to vector<16xf32>
    %scan3A_79 = arith.constant 0 : i32
    %scan3A_80 = arith.constant 0 : i32
    %scan3A_81 = arith.constant 128 : i32
    %scan3A_82 = arith.addi %scan3A_80, %scan3A_81 : i32
    %scan3A_83 = arith.constant 1 : i32
    %scan3A_84 = scf.for %scan3A_200 = %scan3A_80 to %scan3A_82 step %scan3A_83 iter_args(%scan3A_201 = %scan3A_79) -> (i32)  : i32 {
      %swap3A = arith.index_cast %scan3A_200 : i32 to index
      %swap3A_202 = arith.constant 0 : index
      %swap3A_203 = tpu.vector_load %arg7[%swap3A, %swap3A_202] {strides = array<i32>} : memref<128x128xf32, #tpu.memory_space<vmem>>, vector<1x16xf32>,
      %swap3A_204 = vector.shape_cast %swap3A_203 : vector<1x16xf32> to vector<16xf32>
      %swap3A_205 = vector.shape_cast %broadcast_in_dim3A_78 : vector<16xf32> to vector<1x16xf32>
      tpu.vector_store %arg7[%swap3A, %swap3A_202], %swap3A_205 {strides = array<i32>} : memref<128x128xf32, #tpu.memory_space<vmem>>, vector<1x16xf32>,
      %swap3A_206 = arith.index_cast %scan3A_200 : i32 to index
      %swap3A_207 = arith.constant 16 : index
      %swap3A_208 = tpu.vector_load %arg7[%swap3A_206, %swap3A_207] {strides = array<i32>} : memref<128x128xf32, #tpu.memory_space<vmem>>, vector<1x16xf32>,
      %swap3A_209 = vector.shape_cast %swap3A_208 : vector<1x16xf32> to vector<16xf32>
      %swap3A_210 = vector.shape_cast %broadcast_in_dim3A_78 : vector<16xf32> to vector<1x16xf32>
      tpu.vector_store %arg7[%swap3A_206, %swap3A_207], %swap3A_210 {strides = array<i32>} : memref<128x128xf32, #tpu.memory_space<vmem>>, vector<1x16xf32>,
      %swap3A_211 = arith.index_cast %scan3A_200 : i32 to index
      %swap3A_212 = arith.constant 32 : index
      %swap3A_213 = tpu.vector_load %arg7[%swap3A_211, %swap3A_212] {strides = array<i32>} : memref<128x128xf32, #tpu.memory_space<vmem>>, vector<1x16xf32>,
      %swap3A_214 = vector.shape_cast %swap3A_213 : vector<1x16xf32> to vector<16xf32>
      %swap3A_215 = vector.shape_cast %broadcast_in_dim3A_78 : vector<16xf32> to vector<1x16xf32>
      tpu.vector_store %arg7[%swap3A_211, %swap3A_212], %swap3A_215 {strides = array<i32>} : memref<128x128xf32, #tpu.memory_space<vmem>>, vector<1x16xf32>,
      %swap3A_216 = arith.index_cast %scan3A_200 : i32 to index
      %swap3A_217 = arith.constant 48 : index
      %swap3A_218 = tpu.vector_load %arg7[%swap3A_216, %swap3A_217] {strides = array<i32>} : memref<128x128xf32, #tpu.memory_space<vmem>>, vector<1x16xf32>,
      %swap3A_219 = vector.shape_cast %swap3A_218 : vector<1x16xf32> to vector<16xf32>
      %swap3A_220 = vector.shape_cast %broadcast_in_dim3A_78 : vector<16xf32> to vector<1x16xf32>
      tpu.vector_store %arg7[%swap3A_216, %swap3A_217], %swap3A_220 {strides = array<i32>} : memref<128x128xf32, #tpu.memory_space<vmem>>, vector<1x16xf32>,
      %swap3A_221 = arith.index_cast %scan3A_200 : i32 to index
      %swap3A_222 = arith.constant 64 : index
      %swap3A_223 = tpu.vector_load %arg7[%swap3A_221, %swap3A_222] {strides = array<i32>} : memref<128x128xf32, #tpu.memory_space<vmem>>, vector<1x16xf32>,
      %swap3A_224 = vector.shape_cast %swap3A_223 : vector<1x16xf32> to vector<16xf32>
      %swap3A_225 = vector.shape_cast %broadcast_in_dim3A_78 : vector<16xf32> to vector<1x16xf32>
      tpu.vector_store %arg7[%swap3A_221, %swap3A_222], %swap3A_225 {strides = array<i32>} : memref<128x128xf32, #tpu.memory_space<vmem>>, vector<1x16xf32>,
      %swap3A_226 = arith.index_cast %scan3A_200 : i32 to index
      %swap3A_227 = arith.constant 80 : index
      %swap3A_228 = tpu.vector_load %arg7[%swap3A_226, %swap3A_227] {strides = array<i32>} : memref<128x128xf32, #tpu.memory_space<vmem>>, vector<1x16xf32>,
      %swap3A_229 = vector.shape_cast %swap3A_228 : vector<1x16xf32> to vector<16xf32>
      %swap3A_230 = vector.shape_cast %broadcast_in_dim3A_78 : vector<16xf32> to vector<1x16xf32>
      tpu.vector_store %arg7[%swap3A_226, %swap3A_227], %swap3A_230 {strides = array<i32>} : memref<128x128xf32, #tpu.memory_space<vmem>>, vector<1x16xf32>,
      %swap3A_231 = arith.index_cast %scan3A_200 : i32 to index
      %swap3A_232 = arith.constant 96 : index
      %swap3A_233 = tpu.vector_load %arg7[%swap3A_231, %swap3A_232] {strides = array<i32>} : memref<128x128xf32, #tpu.memory_space<vmem>>, vector<1x16xf32>,
      %swap3A_234 = vector.shape_cast %swap3A_233 : vector<1x16xf32> to vector<16xf32>
      %swap3A_235 = vector.shape_cast %broadcast_in_dim3A_78 : vector<16xf32> to vector<1x16xf32>
      tpu.vector_store %arg7[%swap3A_231, %swap3A_232], %swap3A_235 {strides = array<i32>} : memref<128x128xf32, #tpu.memory_space<vmem>>, vector<1x16xf32>,
      %swap3A_236 = arith.index_cast %scan3A_200 : i32 to index
      %swap3A_237 = arith.constant 112 : index
      %swap3A_238 = tpu.vector_load %arg7[%swap3A_236, %swap3A_237] {strides = array<i32>} : memref<128x128xf32, #tpu.memory_space<vmem>>, vector<1x16xf32>,
      %swap3A_239 = vector.shape_cast %swap3A_238 : vector<1x16xf32> to vector<16xf32>
      %swap3A_240 = vector.shape_cast %broadcast_in_dim3A_78 : vector<16xf32> to vector<1x16xf32>
      tpu.vector_store %arg7[%swap3A_236, %swap3A_237], %swap3A_240 {strides = array<i32>} : memref<128x128xf32, #tpu.memory_space<vmem>>, vector<1x16xf32>,
      %scan3A_241 = arith.constant 0 : i32
      scf.yield %scan3A_241 : i32
    }
    %scan3A_85 = arith.constant 128 : i32
    %barrier3A = arith.constant 0 : index
    tpu.barrier barrier_id(%barrier3A)
    %scan3A_86 = arith.constant 0 : i32
    %scan3A_87 = arith.constant 0 : i32
    %scan3A_88 = arith.constant 80 : i32
    %scan3A_89 = arith.addi %scan3A_87, %scan3A_88 : i32
    %scan3A_90 = arith.constant 1 : i32
    %scan3A_91 = scf.for %scan3A_200 = %scan3A_87 to %scan3A_89 step %scan3A_90 iter_args(%scan3A_201 = %scan3A_86) -> (i32)  : i32 {
      %dma_start3A_202 = arith.constant 0 : i32
      %dma_start3A_203 = tpu.memref_slice %arg5[%scan3A_200, %dma_start3A_202] : memref<80x128xi32, #tpu.memory_space<vmem>> -> memref<1x128xi32, #tpu.memory_space<vmem>>
      %dma_start3A_204 = tpu.memref_squeeze %dma_start3A_203 : memref<1x128xi32, #tpu.memory_space<vmem>> -> memref<128xi32, #tpu.memory_space<vmem>>
      %dma_start3A_205 = arith.constant 0 : i32
      %dma_start3A_206 = arith.constant 0 : i32
      %dma_start3A_207 = tpu.memref_slice %arg8[%dma_start3A_205, %dma_start3A_206] : memref<10112x128xf32, #tpu.memory_space<vmem_shared>> -> memref<10112x128xf32, #tpu.memory_space<vmem_shared>>
      tpu.enqueue_indirect_dma source(%arg7 : memref<128x128xf32, #tpu.memory_space<vmem>>) target(%dma_start3A_207 : memref<10112x128xf32, #tpu.memory_space<vmem_shared>>) offsets(%dma_start3A_204 : memref<128xi32, #tpu.memory_space<vmem>>) semaphore(%arg9 : memref<!tpu.dma_semaphore, #tpu.memory_space<semaphore_mem>>) {add = true}
      %scan3A_208 = arith.constant 0 : i32
      scf.yield %scan3A_208 : i32
    }
    %scan3A_92 = arith.constant 80 : i32
    %scan3A_93 = arith.constant 0 : i32
    %scan3A_94 = arith.constant 0 : i32
    %scan3A_95 = arith.constant 80 : i32
    %scan3A_96 = arith.addi %scan3A_94, %scan3A_95 : i32
    %scan3A_97 = arith.constant 1 : i32
    %scan3A_98 = scf.for %scan3A_200 = %scan3A_94 to %scan3A_96 step %scan3A_97 iter_args(%scan3A_201 = %scan3A_93) -> (i32)  : i32 {
      %dma_wait3A_202 = arith.constant 0 : i32
      %dma_wait3A_203 = arith.constant 0 : i32
      %dma_wait3A_204 = tpu.memref_slice %arg5[%dma_wait3A_202, %dma_wait3A_203] : memref<80x128xi32, #tpu.memory_space<vmem>> -> memref<1x128xi32, #tpu.memory_space<vmem>>
      %dma_wait3A_205 = tpu.memref_squeeze %dma_wait3A_204 : memref<1x128xi32, #tpu.memory_space<vmem>> -> memref<128xi32, #tpu.memory_space<vmem>>
      %dma_wait3A_206 = arith.constant 0 : i32
      %dma_wait3A_207 = arith.constant 0 : i32
      %dma_wait3A_208 = tpu.memref_slice %arg8[%dma_wait3A_206, %dma_wait3A_207] : memref<10112x128xf32, #tpu.memory_space<vmem_shared>> -> memref<10112x128xf32, #tpu.memory_space<vmem_shared>>
      tpu.wait_indirect_dma semaphore(%arg9 : memref<!tpu.dma_semaphore, #tpu.memory_space<semaphore_mem>>) src(%arg7 : memref<128x128xf32, #tpu.memory_space<vmem>>) dst(%dma_wait3A_208 : memref<10112x128xf32, #tpu.memory_space<vmem_shared>>)
      %scan3A_209 = arith.constant 0 : i32
      scf.yield %scan3A_209 : i32
    }
    %scan3A_99 = arith.constant 80 : i32
    %barrier3A_100 = arith.constant 0 : index
    tpu.barrier barrier_id(%barrier3A_100)
    %run_scoped3A = arith.constant 0 : i32
    "tpu.region"() ({
      %run_scoped3A_200 = tpu.sem_alloc : memref<!tpu.dma_semaphore, #tpu.memory_space<semaphore_mem>>
      %dma_start3A_201 = arith.constant 0 : i32
      %dma_start3A_202 = tpu.memref_slice %arg3[%arg0, %run_scoped3A, %mul3A_8, %dma_start3A_201] : memref<2x2x10112x128xf32, #tpu.memory_space<hbm>> -> memref<1x1x632x128xf32, #tpu.memory_space<hbm>>
      %dma_start3A_203 = tpu.memref_squeeze %dma_start3A_202 : memref<1x1x632x128xf32, #tpu.memory_space<hbm>> -> memref<632x128xf32, #tpu.memory_space<hbm>>
      %dma_start3A_204 = arith.constant 0 : i32
      %dma_start3A_205 = tpu.memref_slice %arg8[%mul3A_8, %dma_start3A_204] : memref<10112x128xf32, #tpu.memory_space<vmem_shared>> -> memref<632x128xf32, #tpu.memory_space<vmem_shared>>
      tpu.enqueue_dma source(%dma_start3A_205 : memref<632x128xf32, #tpu.memory_space<vmem_shared>>) target(%dma_start3A_203 : memref<632x128xf32, #tpu.memory_space<hbm>>) target_semaphore(%run_scoped3A_200 : memref<!tpu.dma_semaphore, #tpu.memory_space<semaphore_mem>>)
      %dma_wait3A_206 = arith.constant 0 : i32
      %dma_wait3A_207 = tpu.memref_slice %arg3[%arg0, %run_scoped3A, %mul3A_8, %dma_wait3A_206] : memref<2x2x10112x128xf32, #tpu.memory_space<hbm>> -> memref<1x1x632x128xf32, #tpu.memory_space<hbm>>
      %dma_wait3A_208 = tpu.memref_squeeze %dma_wait3A_207 : memref<1x1x632x128xf32, #tpu.memory_space<hbm>> -> memref<632x128xf32, #tpu.memory_space<hbm>>
      %dma_wait3A_209 = arith.constant 0 : i32
      %dma_wait3A_210 = tpu.memref_slice %arg8[%mul3A_8, %dma_wait3A_209] : memref<10112x128xf32, #tpu.memory_space<vmem_shared>> -> memref<632x128xf32, #tpu.memory_space<vmem_shared>>
      tpu.wait_dma2 semaphore(%run_scoped3A_200 : memref<!tpu.dma_semaphore, #tpu.memory_space<semaphore_mem>>) src(%dma_wait3A_210 : memref<632x128xf32, #tpu.memory_space<vmem_shared>>) dst(%dma_wait3A_208 : memref<632x128xf32, #tpu.memory_space<hbm>>)
      tpu.yield
    }) : () -> ()
    %barrier3A_101 = arith.constant 0 : index
    tpu.barrier barrier_id(%barrier3A_101)
    %broadcast_in_dim3A_102 = arith.constant 0.000000e+00 : f32
    %broadcast_in_dim3A_103 = vector.broadcast %broadcast_in_dim3A_102 : f32 to vector<16xf32>
    %scan3A_104 = arith.constant 0 : i32
    %scan3A_105 = arith.constant 0 : i32
    %scan3A_106 = arith.constant 128 : i32
    %scan3A_107 = arith.addi %scan3A_105, %scan3A_106 : i32
    %scan3A_108 = arith.constant 1 : i32
    %scan3A_109 = scf.for %scan3A_200 = %scan3A_105 to %scan3A_107 step %scan3A_108 iter_args(%scan3A_201 = %scan3A_104) -> (i32)  : i32 {
      %swap3A = arith.index_cast %scan3A_200 : i32 to index
      %swap3A_202 = arith.constant 0 : index
      %swap3A_203 = tpu.vector_load %arg7[%swap3A, %swap3A_202] {strides = array<i32>} : memref<128x128xf32, #tpu.memory_space<vmem>>, vector<1x16xf32>,
      %swap3A_204 = vector.shape_cast %swap3A_203 : vector<1x16xf32> to vector<16xf32>
      %swap3A_205 = vector.shape_cast %broadcast_in_dim3A_103 : vector<16xf32> to vector<1x16xf32>
      tpu.vector_store %arg7[%swap3A, %swap3A_202], %swap3A_205 {strides = array<i32>} : memref<128x128xf32, #tpu.memory_space<vmem>>, vector<1x16xf32>,
      %swap3A_206 = arith.index_cast %scan3A_200 : i32 to index
      %swap3A_207 = arith.constant 16 : index
      %swap3A_208 = tpu.vector_load %arg7[%swap3A_206, %swap3A_207] {strides = array<i32>} : memref<128x128xf32, #tpu.memory_space<vmem>>, vector<1x16xf32>,
      %swap3A_209 = vector.shape_cast %swap3A_208 : vector<1x16xf32> to vector<16xf32>
      %swap3A_210 = vector.shape_cast %broadcast_in_dim3A_103 : vector<16xf32> to vector<1x16xf32>
      tpu.vector_store %arg7[%swap3A_206, %swap3A_207], %swap3A_210 {strides = array<i32>} : memref<128x128xf32, #tpu.memory_space<vmem>>, vector<1x16xf32>,
      %swap3A_211 = arith.index_cast %scan3A_200 : i32 to index
      %swap3A_212 = arith.constant 32 : index
      %swap3A_213 = tpu.vector_load %arg7[%swap3A_211, %swap3A_212] {strides = array<i32>} : memref<128x128xf32, #tpu.memory_space<vmem>>, vector<1x16xf32>,
      %swap3A_214 = vector.shape_cast %swap3A_213 : vector<1x16xf32> to vector<16xf32>
      %swap3A_215 = vector.shape_cast %broadcast_in_dim3A_103 : vector<16xf32> to vector<1x16xf32>
      tpu.vector_store %arg7[%swap3A_211, %swap3A_212], %swap3A_215 {strides = array<i32>} : memref<128x128xf32, #tpu.memory_space<vmem>>, vector<1x16xf32>,
      %swap3A_216 = arith.index_cast %scan3A_200 : i32 to index
      %swap3A_217 = arith.constant 48 : index
      %swap3A_218 = tpu.vector_load %arg7[%swap3A_216, %swap3A_217] {strides = array<i32>} : memref<128x128xf32, #tpu.memory_space<vmem>>, vector<1x16xf32>,
      %swap3A_219 = vector.shape_cast %swap3A_218 : vector<1x16xf32> to vector<16xf32>
      %swap3A_220 = vector.shape_cast %broadcast_in_dim3A_103 : vector<16xf32> to vector<1x16xf32>
      tpu.vector_store %arg7[%swap3A_216, %swap3A_217], %swap3A_220 {strides = array<i32>} : memref<128x128xf32, #tpu.memory_space<vmem>>, vector<1x16xf32>,
      %swap3A_221 = arith.index_cast %scan3A_200 : i32 to index
      %swap3A_222 = arith.constant 64 : index
      %swap3A_223 = tpu.vector_load %arg7[%swap3A_221, %swap3A_222] {strides = array<i32>} : memref<128x128xf32, #tpu.memory_space<vmem>>, vector<1x16xf32>,
      %swap3A_224 = vector.shape_cast %swap3A_223 : vector<1x16xf32> to vector<16xf32>
      %swap3A_225 = vector.shape_cast %broadcast_in_dim3A_103 : vector<16xf32> to vector<1x16xf32>
      tpu.vector_store %arg7[%swap3A_221, %swap3A_222], %swap3A_225 {strides = array<i32>} : memref<128x128xf32, #tpu.memory_space<vmem>>, vector<1x16xf32>,
      %swap3A_226 = arith.index_cast %scan3A_200 : i32 to index
      %swap3A_227 = arith.constant 80 : index
      %swap3A_228 = tpu.vector_load %arg7[%swap3A_226, %swap3A_227] {strides = array<i32>} : memref<128x128xf32, #tpu.memory_space<vmem>>, vector<1x16xf32>,
      %swap3A_229 = vector.shape_cast %swap3A_228 : vector<1x16xf32> to vector<16xf32>
      %swap3A_230 = vector.shape_cast %broadcast_in_dim3A_103 : vector<16xf32> to vector<1x16xf32>
      tpu.vector_store %arg7[%swap3A_226, %swap3A_227], %swap3A_230 {strides = array<i32>} : memref<128x128xf32, #tpu.memory_space<vmem>>, vector<1x16xf32>,
      %swap3A_231 = arith.index_cast %scan3A_200 : i32 to index
      %swap3A_232 = arith.constant 96 : index
      %swap3A_233 = tpu.vector_load %arg7[%swap3A_231, %swap3A_232] {strides = array<i32>} : memref<128x128xf32, #tpu.memory_space<vmem>>, vector<1x16xf32>,
      %swap3A_234 = vector.shape_cast %swap3A_233 : vector<1x16xf32> to vector<16xf32>
      %swap3A_235 = vector.shape_cast %broadcast_in_dim3A_103 : vector<16xf32> to vector<1x16xf32>
      tpu.vector_store %arg7[%swap3A_231, %swap3A_232], %swap3A_235 {strides = array<i32>} : memref<128x128xf32, #tpu.memory_space<vmem>>, vector<1x16xf32>,
      %swap3A_236 = arith.index_cast %scan3A_200 : i32 to index
      %swap3A_237 = arith.constant 112 : index
      %swap3A_238 = tpu.vector_load %arg7[%swap3A_236, %swap3A_237] {strides = array<i32>} : memref<128x128xf32, #tpu.memory_space<vmem>>, vector<1x16xf32>,
      %swap3A_239 = vector.shape_cast %swap3A_238 : vector<1x16xf32> to vector<16xf32>
      %swap3A_240 = vector.shape_cast %broadcast_in_dim3A_103 : vector<16xf32> to vector<1x16xf32>
      tpu.vector_store %arg7[%swap3A_236, %swap3A_237], %swap3A_240 {strides = array<i32>} : memref<128x128xf32, #tpu.memory_space<vmem>>, vector<1x16xf32>,
      %scan3A_241 = arith.constant 0 : i32
      scf.yield %scan3A_241 : i32
    }
    %scan3A_110 = arith.constant 128 : i32
    %mul3A_111 = arith.constant 632 : i32
    %mul3A_112 = arith.muli %arg1, %mul3A_111 : i32
    %dma_start3A_113 = arith.constant 0 : i32
    %dma_start3A_114 = tpu.memref_slice %arg8[%mul3A_112, %dma_start3A_113] : memref<10112x128xf32, #tpu.memory_space<vmem_shared>> -> memref<128x128xf32, #tpu.memory_space<vmem_shared>>
    %dma_start3A_115 = arith.constant 0 : i32
    %dma_start3A_116 = tpu.memref_slice %arg8[%mul3A_112, %dma_start3A_115] : memref<10112x128xf32, #tpu.memory_space<vmem_shared>> -> memref<128x128xf32, #tpu.memory_space<vmem_shared>>
    tpu.enqueue_dma source(%arg7 : memref<128x128xf32, #tpu.memory_space<vmem>>) target(%dma_start3A_116 : memref<128x128xf32, #tpu.memory_space<vmem_shared>>) target_semaphore(%arg10 : memref<!tpu.dma_semaphore, #tpu.memory_space<semaphore_mem>>)
    %add3A_117 = arith.constant 128 : i32
    %add3A_118 = arith.addi %mul3A_112, %add3A_117 : i32
    %dma_start3A_119 = arith.constant 0 : i32
    %dma_start3A_120 = tpu.memref_slice %arg8[%add3A_118, %dma_start3A_119] : memref<10112x128xf32, #tpu.memory_space<vmem_shared>> -> memref<128x128xf32, #tpu.memory_space<vmem_shared>>
    %dma_start3A_121 = arith.constant 0 : i32
    %dma_start3A_122 = tpu.memref_slice %arg8[%add3A_118, %dma_start3A_121] : memref<10112x128xf32, #tpu.memory_space<vmem_shared>> -> memref<128x128xf32, #tpu.memory_space<vmem_shared>>
    tpu.enqueue_dma source(%arg7 : memref<128x128xf32, #tpu.memory_space<vmem>>) target(%dma_start3A_122 : memref<128x128xf32, #tpu.memory_space<vmem_shared>>) target_semaphore(%arg10 : memref<!tpu.dma_semaphore, #tpu.memory_space<semaphore_mem>>)
    %add3A_123 = arith.constant 256 : i32
    %add3A_124 = arith.addi %mul3A_112, %add3A_123 : i32
    %dma_start3A_125 = arith.constant 0 : i32
    %dma_start3A_126 = tpu.memref_slice %arg8[%add3A_124, %dma_start3A_125] : memref<10112x128xf32, #tpu.memory_space<vmem_shared>> -> memref<128x128xf32, #tpu.memory_space<vmem_shared>>
    %dma_start3A_127 = arith.constant 0 : i32
    %dma_start3A_128 = tpu.memref_slice %arg8[%add3A_124, %dma_start3A_127] : memref<10112x128xf32, #tpu.memory_space<vmem_shared>> -> memref<128x128xf32, #tpu.memory_space<vmem_shared>>
    tpu.enqueue_dma source(%arg7 : memref<128x128xf32, #tpu.memory_space<vmem>>) target(%dma_start3A_128 : memref<128x128xf32, #tpu.memory_space<vmem_shared>>) target_semaphore(%arg10 : memref<!tpu.dma_semaphore, #tpu.memory_space<semaphore_mem>>)
    %add3A_129 = arith.constant 384 : i32
    %add3A_130 = arith.addi %mul3A_112, %add3A_129 : i32
    %dma_start3A_131 = arith.constant 0 : i32
    %dma_start3A_132 = tpu.memref_slice %arg8[%add3A_130, %dma_start3A_131] : memref<10112x128xf32, #tpu.memory_space<vmem_shared>> -> memref<128x128xf32, #tpu.memory_space<vmem_shared>>
    %dma_start3A_133 = arith.constant 0 : i32
    %dma_start3A_134 = tpu.memref_slice %arg8[%add3A_130, %dma_start3A_133] : memref<10112x128xf32, #tpu.memory_space<vmem_shared>> -> memref<128x128xf32, #tpu.memory_space<vmem_shared>>
    tpu.enqueue_dma source(%arg7 : memref<128x128xf32, #tpu.memory_space<vmem>>) target(%dma_start3A_134 : memref<128x128xf32, #tpu.memory_space<vmem_shared>>) target_semaphore(%arg10 : memref<!tpu.dma_semaphore, #tpu.memory_space<semaphore_mem>>)
    %add3A_135 = arith.constant 512 : i32
    %add3A_136 = arith.addi %mul3A_112, %add3A_135 : i32
    %dma_start3A_137 = arith.constant 0 : i32
    %dma_start3A_138 = arith.constant 0 : i32
    %dma_start3A_139 = tpu.memref_slice %arg7[%dma_start3A_137, %dma_start3A_138] : memref<128x128xf32, #tpu.memory_space<vmem>> -> memref<120x128xf32, #tpu.memory_space<vmem>>
    %dma_start3A_140 = arith.constant 0 : i32
    %dma_start3A_141 = tpu.memref_slice %arg8[%add3A_136, %dma_start3A_140] : memref<10112x128xf32, #tpu.memory_space<vmem_shared>> -> memref<120x128xf32, #tpu.memory_space<vmem_shared>>
    %dma_start3A_142 = arith.constant 0 : i32
    %dma_start3A_143 = tpu.memref_slice %arg8[%add3A_136, %dma_start3A_142] : memref<10112x128xf32, #tpu.memory_space<vmem_shared>> -> memref<120x128xf32, #tpu.memory_space<vmem_shared>>
    %dma_start3A_144 = arith.constant 0 : i32
    %dma_start3A_145 = arith.constant 0 : i32
    %dma_start3A_146 = tpu.memref_slice %arg7[%dma_start3A_144, %dma_start3A_145] : memref<128x128xf32, #tpu.memory_space<vmem>> -> memref<120x128xf32, #tpu.memory_space<vmem>>
    tpu.enqueue_dma source(%dma_start3A_146 : memref<120x128xf32, #tpu.memory_space<vmem>>) target(%dma_start3A_143 : memref<120x128xf32, #tpu.memory_space<vmem_shared>>) target_semaphore(%arg10 : memref<!tpu.dma_semaphore, #tpu.memory_space<semaphore_mem>>)
    %dma_wait3A_147 = arith.constant 0 : i32
    %dma_wait3A_148 = tpu.memref_slice %arg8[%mul3A_112, %dma_wait3A_147] : memref<10112x128xf32, #tpu.memory_space<vmem_shared>> -> memref<128x128xf32, #tpu.memory_space<vmem_shared>>
    %dma_wait3A_149 = arith.constant 0 : i32
    %dma_wait3A_150 = tpu.memref_slice %arg8[%mul3A_112, %dma_wait3A_149] : memref<10112x128xf32, #tpu.memory_space<vmem_shared>> -> memref<128x128xf32, #tpu.memory_space<vmem_shared>>
    tpu.wait_dma2 semaphore(%arg10 : memref<!tpu.dma_semaphore, #tpu.memory_space<semaphore_mem>>) src(%arg7 : memref<128x128xf32, #tpu.memory_space<vmem>>) dst(%dma_wait3A_150 : memref<128x128xf32, #tpu.memory_space<vmem_shared>>)
    %dma_wait3A_151 = arith.constant 0 : i32
    %dma_wait3A_152 = tpu.memref_slice %arg8[%mul3A_112, %dma_wait3A_151] : memref<10112x128xf32, #tpu.memory_space<vmem_shared>> -> memref<128x128xf32, #tpu.memory_space<vmem_shared>>
    %dma_wait3A_153 = arith.constant 0 : i32
    %dma_wait3A_154 = tpu.memref_slice %arg8[%mul3A_112, %dma_wait3A_153] : memref<10112x128xf32, #tpu.memory_space<vmem_shared>> -> memref<128x128xf32, #tpu.memory_space<vmem_shared>>
    tpu.wait_dma2 semaphore(%arg10 : memref<!tpu.dma_semaphore, #tpu.memory_space<semaphore_mem>>) src(%arg7 : memref<128x128xf32, #tpu.memory_space<vmem>>) dst(%dma_wait3A_154 : memref<128x128xf32, #tpu.memory_space<vmem_shared>>)
    %dma_wait3A_155 = arith.constant 0 : i32
    %dma_wait3A_156 = tpu.memref_slice %arg8[%mul3A_112, %dma_wait3A_155] : memref<10112x128xf32, #tpu.memory_space<vmem_shared>> -> memref<128x128xf32, #tpu.memory_space<vmem_shared>>
    %dma_wait3A_157 = arith.constant 0 : i32
    %dma_wait3A_158 = tpu.memref_slice %arg8[%mul3A_112, %dma_wait3A_157] : memref<10112x128xf32, #tpu.memory_space<vmem_shared>> -> memref<128x128xf32, #tpu.memory_space<vmem_shared>>
    tpu.wait_dma2 semaphore(%arg10 : memref<!tpu.dma_semaphore, #tpu.memory_space<semaphore_mem>>) src(%arg7 : memref<128x128xf32, #tpu.memory_space<vmem>>) dst(%dma_wait3A_158 : memref<128x128xf32, #tpu.memory_space<vmem_shared>>)
    %dma_wait3A_159 = arith.constant 0 : i32
    %dma_wait3A_160 = tpu.memref_slice %arg8[%mul3A_112, %dma_wait3A_159] : memref<10112x128xf32, #tpu.memory_space<vmem_shared>> -> memref<128x128xf32, #tpu.memory_space<vmem_shared>>
    %dma_wait3A_161 = arith.constant 0 : i32
    %dma_wait3A_162 = tpu.memref_slice %arg8[%mul3A_112, %dma_wait3A_161] : memref<10112x128xf32, #tpu.memory_space<vmem_shared>> -> memref<128x128xf32, #tpu.memory_space<vmem_shared>>
    tpu.wait_dma2 semaphore(%arg10 : memref<!tpu.dma_semaphore, #tpu.memory_space<semaphore_mem>>) src(%arg7 : memref<128x128xf32, #tpu.memory_space<vmem>>) dst(%dma_wait3A_162 : memref<128x128xf32, #tpu.memory_space<vmem_shared>>)
    %dma_wait3A_163 = arith.constant 0 : i32
    %dma_wait3A_164 = arith.constant 0 : i32
    %dma_wait3A_165 = tpu.memref_slice %arg7[%dma_wait3A_163, %dma_wait3A_164] : memref<128x128xf32, #tpu.memory_space<vmem>> -> memref<120x128xf32, #tpu.memory_space<vmem>>
    %dma_wait3A_166 = arith.constant 0 : i32
    %dma_wait3A_167 = tpu.memref_slice %arg8[%mul3A_112, %dma_wait3A_166] : memref<10112x128xf32, #tpu.memory_space<vmem_shared>> -> memref<120x128xf32, #tpu.memory_space<vmem_shared>>
    %dma_wait3A_168 = arith.constant 0 : i32
    %dma_wait3A_169 = tpu.memref_slice %arg8[%mul3A_112, %dma_wait3A_168] : memref<10112x128xf32, #tpu.memory_space<vmem_shared>> -> memref<120x128xf32, #tpu.memory_space<vmem_shared>>
    %dma_wait3A_170 = arith.constant 0 : i32
    %dma_wait3A_171 = arith.constant 0 : i32
    %dma_wait3A_172 = tpu.memref_slice %arg7[%dma_wait3A_170, %dma_wait3A_171] : memref<128x128xf32, #tpu.memory_space<vmem>> -> memref<120x128xf32, #tpu.memory_space<vmem>>
    tpu.wait_dma2 semaphore(%arg10 : memref<!tpu.dma_semaphore, #tpu.memory_space<semaphore_mem>>) src(%dma_wait3A_172 : memref<120x128xf32, #tpu.memory_space<vmem>>) dst(%dma_wait3A_169 : memref<120x128xf32, #tpu.memory_space<vmem_shared>>)
    %broadcast_in_dim3A_173 = arith.constant 1.000000e+00 : f32
    %broadcast_in_dim3A_174 = vector.broadcast %broadcast_in_dim3A_173 : f32 to vector<16xf32>
    %scan3A_175 = arith.constant 0 : i32
    %scan3A_176 = arith.constant 0 : i32
    %scan3A_177 = arith.constant 128 : i32
    %scan3A_178 = arith.addi %scan3A_176, %scan3A_177 : i32
    %scan3A_179 = arith.constant 1 : i32
    %scan3A_180 = scf.for %scan3A_200 = %scan3A_176 to %scan3A_178 step %scan3A_179 iter_args(%scan3A_201 = %scan3A_175) -> (i32)  : i32 {
      %swap3A = arith.index_cast %scan3A_200 : i32 to index
      %swap3A_202 = arith.constant 0 : index
      %swap3A_203 = tpu.vector_load %arg7[%swap3A, %swap3A_202] {strides = array<i32>} : memref<128x128xf32, #tpu.memory_space<vmem>>, vector<1x16xf32>,
      %swap3A_204 = vector.shape_cast %swap3A_203 : vector<1x16xf32> to vector<16xf32>
      %swap3A_205 = vector.shape_cast %broadcast_in_dim3A_174 : vector<16xf32> to vector<1x16xf32>
      tpu.vector_store %arg7[%swap3A, %swap3A_202], %swap3A_205 {strides = array<i32>} : memref<128x128xf32, #tpu.memory_space<vmem>>, vector<1x16xf32>,
      %swap3A_206 = arith.index_cast %scan3A_200 : i32 to index
      %swap3A_207 = arith.constant 16 : index
      %swap3A_208 = tpu.vector_load %arg7[%swap3A_206, %swap3A_207] {strides = array<i32>} : memref<128x128xf32, #tpu.memory_space<vmem>>, vector<1x16xf32>,
      %swap3A_209 = vector.shape_cast %swap3A_208 : vector<1x16xf32> to vector<16xf32>
      %swap3A_210 = vector.shape_cast %broadcast_in_dim3A_174 : vector<16xf32> to vector<1x16xf32>
      tpu.vector_store %arg7[%swap3A_206, %swap3A_207], %swap3A_210 {strides = array<i32>} : memref<128x128xf32, #tpu.memory_space<vmem>>, vector<1x16xf32>,
      %swap3A_211 = arith.index_cast %scan3A_200 : i32 to index
      %swap3A_212 = arith.constant 32 : index
      %swap3A_213 = tpu.vector_load %arg7[%swap3A_211, %swap3A_212] {strides = array<i32>} : memref<128x128xf32, #tpu.memory_space<vmem>>, vector<1x16xf32>,
      %swap3A_214 = vector.shape_cast %swap3A_213 : vector<1x16xf32> to vector<16xf32>
      %swap3A_215 = vector.shape_cast %broadcast_in_dim3A_174 : vector<16xf32> to vector<1x16xf32>
      tpu.vector_store %arg7[%swap3A_211, %swap3A_212], %swap3A_215 {strides = array<i32>} : memref<128x128xf32, #tpu.memory_space<vmem>>, vector<1x16xf32>,
      %swap3A_216 = arith.index_cast %scan3A_200 : i32 to index
      %swap3A_217 = arith.constant 48 : index
      %swap3A_218 = tpu.vector_load %arg7[%swap3A_216, %swap3A_217] {strides = array<i32>} : memref<128x128xf32, #tpu.memory_space<vmem>>, vector<1x16xf32>,
      %swap3A_219 = vector.shape_cast %swap3A_218 : vector<1x16xf32> to vector<16xf32>
      %swap3A_220 = vector.shape_cast %broadcast_in_dim3A_174 : vector<16xf32> to vector<1x16xf32>
      tpu.vector_store %arg7[%swap3A_216, %swap3A_217], %swap3A_220 {strides = array<i32>} : memref<128x128xf32, #tpu.memory_space<vmem>>, vector<1x16xf32>,
      %swap3A_221 = arith.index_cast %scan3A_200 : i32 to index
      %swap3A_222 = arith.constant 64 : index
      %swap3A_223 = tpu.vector_load %arg7[%swap3A_221, %swap3A_222] {strides = array<i32>} : memref<128x128xf32, #tpu.memory_space<vmem>>, vector<1x16xf32>,
      %swap3A_224 = vector.shape_cast %swap3A_223 : vector<1x16xf32> to vector<16xf32>
      %swap3A_225 = vector.shape_cast %broadcast_in_dim3A_174 : vector<16xf32> to vector<1x16xf32>
      tpu.vector_store %arg7[%swap3A_221, %swap3A_222], %swap3A_225 {strides = array<i32>} : memref<128x128xf32, #tpu.memory_space<vmem>>, vector<1x16xf32>,
      %swap3A_226 = arith.index_cast %scan3A_200 : i32 to index
      %swap3A_227 = arith.constant 80 : index
      %swap3A_228 = tpu.vector_load %arg7[%swap3A_226, %swap3A_227] {strides = array<i32>} : memref<128x128xf32, #tpu.memory_space<vmem>>, vector<1x16xf32>,
      %swap3A_229 = vector.shape_cast %swap3A_228 : vector<1x16xf32> to vector<16xf32>
      %swap3A_230 = vector.shape_cast %broadcast_in_dim3A_174 : vector<16xf32> to vector<1x16xf32>
      tpu.vector_store %arg7[%swap3A_226, %swap3A_227], %swap3A_230 {strides = array<i32>} : memref<128x128xf32, #tpu.memory_space<vmem>>, vector<1x16xf32>,
      %swap3A_231 = arith.index_cast %scan3A_200 : i32 to index
      %swap3A_232 = arith.constant 96 : index
      %swap3A_233 = tpu.vector_load %arg7[%swap3A_231, %swap3A_232] {strides = array<i32>} : memref<128x128xf32, #tpu.memory_space<vmem>>, vector<1x16xf32>,
      %swap3A_234 = vector.shape_cast %swap3A_233 : vector<1x16xf32> to vector<16xf32>
      %swap3A_235 = vector.shape_cast %broadcast_in_dim3A_174 : vector<16xf32> to vector<1x16xf32>
      tpu.vector_store %arg7[%swap3A_231, %swap3A_232], %swap3A_235 {strides = array<i32>} : memref<128x128xf32, #tpu.memory_space<vmem>>, vector<1x16xf32>,
      %swap3A_236 = arith.index_cast %scan3A_200 : i32 to index
      %swap3A_237 = arith.constant 112 : index
      %swap3A_238 = tpu.vector_load %arg7[%swap3A_236, %swap3A_237] {strides = array<i32>} : memref<128x128xf32, #tpu.memory_space<vmem>>, vector<1x16xf32>,
      %swap3A_239 = vector.shape_cast %swap3A_238 : vector<1x16xf32> to vector<16xf32>
      %swap3A_240 = vector.shape_cast %broadcast_in_dim3A_174 : vector<16xf32> to vector<1x16xf32>
      tpu.vector_store %arg7[%swap3A_236, %swap3A_237], %swap3A_240 {strides = array<i32>} : memref<128x128xf32, #tpu.memory_space<vmem>>, vector<1x16xf32>,
      %scan3A_241 = arith.constant 0 : i32
      scf.yield %scan3A_241 : i32
    }
    %scan3A_181 = arith.constant 128 : i32
    %barrier3A_182 = arith.constant 0 : index
    tpu.barrier barrier_id(%barrier3A_182)
    %scan3A_183 = arith.constant 0 : i32
    %scan3A_184 = arith.constant 0 : i32
    %scan3A_185 = arith.constant 80 : i32
    %scan3A_186 = arith.addi %scan3A_184, %scan3A_185 : i32
    %scan3A_187 = arith.constant 1 : i32
    %scan3A_188 = scf.for %scan3A_200 = %scan3A_184 to %scan3A_186 step %scan3A_187 iter_args(%scan3A_201 = %scan3A_183) -> (i32)  : i32 {
      %dma_start3A_202 = arith.constant 0 : i32
      %dma_start3A_203 = tpu.memref_slice %arg6[%scan3A_200, %dma_start3A_202] : memref<80x128xi32, #tpu.memory_space<vmem>> -> memref<1x128xi32, #tpu.memory_space<vmem>>
      %dma_start3A_204 = tpu.memref_squeeze %dma_start3A_203 : memref<1x128xi32, #tpu.memory_space<vmem>> -> memref<128xi32, #tpu.memory_space<vmem>>
      %dma_start3A_205 = arith.constant 0 : i32
      %dma_start3A_206 = arith.constant 0 : i32
      %dma_start3A_207 = tpu.memref_slice %arg8[%dma_start3A_205, %dma_start3A_206] : memref<10112x128xf32, #tpu.memory_space<vmem_shared>> -> memref<10112x128xf32, #tpu.memory_space<vmem_shared>>
      tpu.enqueue_indirect_dma source(%arg7 : memref<128x128xf32, #tpu.memory_space<vmem>>) target(%dma_start3A_207 : memref<10112x128xf32, #tpu.memory_space<vmem_shared>>) offsets(%dma_start3A_204 : memref<128xi32, #tpu.memory_space<vmem>>) semaphore(%arg9 : memref<!tpu.dma_semaphore, #tpu.memory_space<semaphore_mem>>) {add = true}
      %scan3A_208 = arith.constant 0 : i32
      scf.yield %scan3A_208 : i32
    }
    %scan3A_189 = arith.constant 80 : i32
    %scan3A_190 = arith.constant 0 : i32
    %scan3A_191 = arith.constant 0 : i32
    %scan3A_192 = arith.constant 80 : i32
    %scan3A_193 = arith.addi %scan3A_191, %scan3A_192 : i32
    %scan3A_194 = arith.constant 1 : i32
    %scan3A_195 = scf.for %scan3A_200 = %scan3A_191 to %scan3A_193 step %scan3A_194 iter_args(%scan3A_201 = %scan3A_190) -> (i32)  : i32 {
      %dma_wait3A_202 = arith.constant 0 : i32
      %dma_wait3A_203 = arith.constant 0 : i32
      %dma_wait3A_204 = tpu.memref_slice %arg6[%dma_wait3A_202, %dma_wait3A_203] : memref<80x128xi32, #tpu.memory_space<vmem>> -> memref<1x128xi32, #tpu.memory_space<vmem>>
      %dma_wait3A_205 = tpu.memref_squeeze %dma_wait3A_204 : memref<1x128xi32, #tpu.memory_space<vmem>> -> memref<128xi32, #tpu.memory_space<vmem>>
      %dma_wait3A_206 = arith.constant 0 : i32
      %dma_wait3A_207 = arith.constant 0 : i32
      %dma_wait3A_208 = tpu.memref_slice %arg8[%dma_wait3A_206, %dma_wait3A_207] : memref<10112x128xf32, #tpu.memory_space<vmem_shared>> -> memref<10112x128xf32, #tpu.memory_space<vmem_shared>>
      tpu.wait_indirect_dma semaphore(%arg9 : memref<!tpu.dma_semaphore, #tpu.memory_space<semaphore_mem>>) src(%arg7 : memref<128x128xf32, #tpu.memory_space<vmem>>) dst(%dma_wait3A_208 : memref<10112x128xf32, #tpu.memory_space<vmem_shared>>)
      %scan3A_209 = arith.constant 0 : i32
      scf.yield %scan3A_209 : i32
    }
    %scan3A_196 = arith.constant 80 : i32
    %barrier3A_197 = arith.constant 0 : index
    tpu.barrier barrier_id(%barrier3A_197)
    %run_scoped3A_198 = arith.constant 1 : i32
    "tpu.region"() ({
      %run_scoped3A_200 = tpu.sem_alloc : memref<!tpu.dma_semaphore, #tpu.memory_space<semaphore_mem>>
      %dma_start3A_201 = arith.constant 0 : i32
      %dma_start3A_202 = tpu.memref_slice %arg3[%arg0, %run_scoped3A_198, %mul3A_8, %dma_start3A_201] : memref<2x2x10112x128xf32, #tpu.memory_space<hbm>> -> memref<1x1x632x128xf32, #tpu.memory_space<hbm>>
      %dma_start3A_203 = tpu.memref_squeeze %dma_start3A_202 : memref<1x1x632x128xf32, #tpu.memory_space<hbm>> -> memref<632x128xf32, #tpu.memory_space<hbm>>
      %dma_start3A_204 = arith.constant 0 : i32
      %dma_start3A_205 = tpu.memref_slice %arg8[%mul3A_8, %dma_start3A_204] : memref<10112x128xf32, #tpu.memory_space<vmem_shared>> -> memref<632x128xf32, #tpu.memory_space<vmem_shared>>
      tpu.enqueue_dma source(%dma_start3A_205 : memref<632x128xf32, #tpu.memory_space<vmem_shared>>) target(%dma_start3A_203 : memref<632x128xf32, #tpu.memory_space<hbm>>) target_semaphore(%run_scoped3A_200 : memref<!tpu.dma_semaphore, #tpu.memory_space<semaphore_mem>>)
      %dma_wait3A_206 = arith.constant 0 : i32
      %dma_wait3A_207 = tpu.memref_slice %arg3[%arg0, %run_scoped3A_198, %mul3A_8, %dma_wait3A_206] : memref<2x2x10112x128xf32, #tpu.memory_space<hbm>> -> memref<1x1x632x128xf32, #tpu.memory_space<hbm>>
      %dma_wait3A_208 = tpu.memref_squeeze %dma_wait3A_207 : memref<1x1x632x128xf32, #tpu.memory_space<hbm>> -> memref<632x128xf32, #tpu.memory_space<hbm>>
      %dma_wait3A_209 = arith.constant 0 : i32
      %dma_wait3A_210 = tpu.memref_slice %arg8[%mul3A_8, %dma_wait3A_209] : memref<10112x128xf32, #tpu.memory_space<vmem_shared>> -> memref<632x128xf32, #tpu.memory_space<vmem_shared>>
      tpu.wait_dma2 semaphore(%run_scoped3A_200 : memref<!tpu.dma_semaphore, #tpu.memory_space<semaphore_mem>>) src(%dma_wait3A_210 : memref<632x128xf32, #tpu.memory_space<vmem_shared>>) dst(%dma_wait3A_208 : memref<632x128xf32, #tpu.memory_space<hbm>>)
      tpu.yield
    }) : () -> ()
    %barrier3A_199 = arith.constant 0 : index
    tpu.barrier barrier_id(%barrier3A_199)
    return
  }
}

#map = affine_map<(d0, d1) -> (0, 0)>
#map1 = affine_map<(d0, d1) -> (0, 0, 0)>
module attributes {stable_mosaic.version = 14 : i64} {
  func.func @_msg_kernel(%arg0: i32, %arg1: i32, %arg2: memref<10016x128xf32, #tpu.memory_space<hbm>>, %arg3: memref<32x128x128xi32, #tpu.memory_space<hbm>>, %arg4: memref<2x10112x128xf32, #tpu.memory_space<hbm>>, %arg5: memref<128x128xi32, #tpu.memory_space<vmem>>, %arg6: memref<2x128xi32, #tpu.memory_space<vmem>>, %arg7: memref<2x128xi32, #tpu.memory_space<vmem>>, %arg8: memref<2x128x128xf32, #tpu.memory_space<vmem>>, %arg9: memref<10112x128xf32, #tpu.memory_space<vmem_shared>>, %arg10: memref<!tpu.dma_semaphore, #tpu.memory_space<semaphore_mem>>, %arg11: memref<!tpu.dma_semaphore, #tpu.memory_space<semaphore_mem>>, %arg12: memref<!tpu.dma_semaphore, #tpu.memory_space<semaphore_mem>>) attributes {dimension_semantics = [#tpu.dimension_semantics<core_parallel>, #tpu.dimension_semantics<subcore_parallel>], iteration_bounds = array<i64: 2, 16>, scalar_prefetch = 0 : i64, scratch_operands = 8 : i64, tpu.core_type = #tpu.core_type<sc_vector_subcore>, window_params = [{transform_indices = #map}, {transform_indices = #map1}, {transform_indices = #map1}]} {
    %mul3A = arith.constant 16 : i32
    %mul3A_0 = arith.muli %arg0, %mul3A : i32
    %add3A = arith.addi %mul3A_0, %arg1 : i32
    "tpu.region"() ({
      %run_scoped3A_591 = tpu.sem_alloc : memref<!tpu.dma_semaphore, #tpu.memory_space<semaphore_mem>>
      %dma_start3A_592 = arith.constant 0 : i32
      %dma_start3A_593 = arith.constant 0 : i32
      %dma_start3A_594 = tpu.memref_slice %arg3[%add3A, %dma_start3A_592, %dma_start3A_593] : memref<32x128x128xi32, #tpu.memory_space<hbm>> -> memref<1x128x128xi32, #tpu.memory_space<hbm>>
      %dma_start3A_595 = tpu.memref_squeeze %dma_start3A_594 : memref<1x128x128xi32, #tpu.memory_space<hbm>> -> memref<128x128xi32, #tpu.memory_space<hbm>>
      %dma_start3A_596 = arith.constant 0 : i32
      %dma_start3A_597 = arith.constant 0 : i32
      %dma_start3A_598 = tpu.memref_slice %arg3[%add3A, %dma_start3A_596, %dma_start3A_597] : memref<32x128x128xi32, #tpu.memory_space<hbm>> -> memref<1x128x128xi32, #tpu.memory_space<hbm>>
      %dma_start3A_599 = tpu.memref_squeeze %dma_start3A_598 : memref<1x128x128xi32, #tpu.memory_space<hbm>> -> memref<128x128xi32, #tpu.memory_space<hbm>>
      tpu.enqueue_dma source(%dma_start3A_599 : memref<128x128xi32, #tpu.memory_space<hbm>>) target(%arg5 : memref<128x128xi32, #tpu.memory_space<vmem>>) target_semaphore(%run_scoped3A_591 : memref<!tpu.dma_semaphore, #tpu.memory_space<semaphore_mem>>)
      %dma_wait3A_600 = arith.constant 0 : i32
      %dma_wait3A_601 = arith.constant 0 : i32
      %dma_wait3A_602 = tpu.memref_slice %arg3[%add3A, %dma_wait3A_600, %dma_wait3A_601] : memref<32x128x128xi32, #tpu.memory_space<hbm>> -> memref<1x128x128xi32, #tpu.memory_space<hbm>>
      %dma_wait3A_603 = tpu.memref_squeeze %dma_wait3A_602 : memref<1x128x128xi32, #tpu.memory_space<hbm>> -> memref<128x128xi32, #tpu.memory_space<hbm>>
      %dma_wait3A_604 = arith.constant 0 : i32
      %dma_wait3A_605 = arith.constant 0 : i32
      %dma_wait3A_606 = tpu.memref_slice %arg3[%add3A, %dma_wait3A_604, %dma_wait3A_605] : memref<32x128x128xi32, #tpu.memory_space<hbm>> -> memref<1x128x128xi32, #tpu.memory_space<hbm>>
      %dma_wait3A_607 = tpu.memref_squeeze %dma_wait3A_606 : memref<1x128x128xi32, #tpu.memory_space<hbm>> -> memref<128x128xi32, #tpu.memory_space<hbm>>
      tpu.wait_dma2 semaphore(%run_scoped3A_591 : memref<!tpu.dma_semaphore, #tpu.memory_space<semaphore_mem>>) src(%dma_wait3A_607 : memref<128x128xi32, #tpu.memory_space<hbm>>) dst(%arg5 : memref<128x128xi32, #tpu.memory_space<vmem>>)
      tpu.yield
    }) : () -> ()
    %broadcast_in_dim3A = arith.constant 0.000000e+00 : f32
    %broadcast_in_dim3A_1 = vector.broadcast %broadcast_in_dim3A : f32 to vector<16xf32>
    %scan3A = arith.constant 1 : i32
    %scan3A_2 = arith.constant 0 : i32
    %scan3A_3 = arith.constant 0 : i32
    %scan3A_4 = arith.constant 128 : i32
    %scan3A_5 = arith.addi %scan3A_3, %scan3A_4 : i32
    %scan3A_6 = arith.constant 1 : i32
    %scan3A_7 = scf.for %scan3A_591 = %scan3A_3 to %scan3A_5 step %scan3A_6 iter_args(%scan3A_592 = %scan3A_2) -> (i32)  : i32 {
      %swap3A_593 = arith.constant 0 : i32
      %swap3A_594 = arith.constant 0 : i32
      %swap3A_595 = tpu.memref_slice %arg8[%scan3A, %swap3A_593, %swap3A_594] : memref<2x128x128xf32, #tpu.memory_space<vmem>> -> memref<1x128x128xf32, #tpu.memory_space<vmem>>
      %swap3A_596 = tpu.memref_squeeze %swap3A_595 : memref<1x128x128xf32, #tpu.memory_space<vmem>> -> memref<128x128xf32, #tpu.memory_space<vmem>>
      %swap3A_597 = arith.index_cast %scan3A_591 : i32 to index
      %swap3A_598 = arith.constant 0 : index
      %swap3A_599 = tpu.vector_load %swap3A_596[%swap3A_597, %swap3A_598] {strides = array<i32>} : memref<128x128xf32, #tpu.memory_space<vmem>>, vector<1x16xf32>,
      %swap3A_600 = vector.shape_cast %swap3A_599 : vector<1x16xf32> to vector<16xf32>
      %swap3A_601 = vector.shape_cast %broadcast_in_dim3A_1 : vector<16xf32> to vector<1x16xf32>
      tpu.vector_store %swap3A_596[%swap3A_597, %swap3A_598], %swap3A_601 {strides = array<i32>} : memref<128x128xf32, #tpu.memory_space<vmem>>, vector<1x16xf32>,
      %swap3A_602 = arith.constant 0 : i32
      %swap3A_603 = arith.constant 0 : i32
      %swap3A_604 = tpu.memref_slice %arg8[%scan3A, %swap3A_602, %swap3A_603] : memref<2x128x128xf32, #tpu.memory_space<vmem>> -> memref<1x128x128xf32, #tpu.memory_space<vmem>>
      %swap3A_605 = tpu.memref_squeeze %swap3A_604 : memref<1x128x128xf32, #tpu.memory_space<vmem>> -> memref<128x128xf32, #tpu.memory_space<vmem>>
      %swap3A_606 = arith.index_cast %scan3A_591 : i32 to index
      %swap3A_607 = arith.constant 16 : index
      %swap3A_608 = tpu.vector_load %swap3A_605[%swap3A_606, %swap3A_607] {strides = array<i32>} : memref<128x128xf32, #tpu.memory_space<vmem>>, vector<1x16xf32>,
      %swap3A_609 = vector.shape_cast %swap3A_608 : vector<1x16xf32> to vector<16xf32>
      %swap3A_610 = vector.shape_cast %broadcast_in_dim3A_1 : vector<16xf32> to vector<1x16xf32>
      tpu.vector_store %swap3A_605[%swap3A_606, %swap3A_607], %swap3A_610 {strides = array<i32>} : memref<128x128xf32, #tpu.memory_space<vmem>>, vector<1x16xf32>,
      %swap3A_611 = arith.constant 0 : i32
      %swap3A_612 = arith.constant 0 : i32
      %swap3A_613 = tpu.memref_slice %arg8[%scan3A, %swap3A_611, %swap3A_612] : memref<2x128x128xf32, #tpu.memory_space<vmem>> -> memref<1x128x128xf32, #tpu.memory_space<vmem>>
      %swap3A_614 = tpu.memref_squeeze %swap3A_613 : memref<1x128x128xf32, #tpu.memory_space<vmem>> -> memref<128x128xf32, #tpu.memory_space<vmem>>
      %swap3A_615 = arith.index_cast %scan3A_591 : i32 to index
      %swap3A_616 = arith.constant 32 : index
      %swap3A_617 = tpu.vector_load %swap3A_614[%swap3A_615, %swap3A_616] {strides = array<i32>} : memref<128x128xf32, #tpu.memory_space<vmem>>, vector<1x16xf32>,
      %swap3A_618 = vector.shape_cast %swap3A_617 : vector<1x16xf32> to vector<16xf32>
      %swap3A_619 = vector.shape_cast %broadcast_in_dim3A_1 : vector<16xf32> to vector<1x16xf32>
      tpu.vector_store %swap3A_614[%swap3A_615, %swap3A_616], %swap3A_619 {strides = array<i32>} : memref<128x128xf32, #tpu.memory_space<vmem>>, vector<1x16xf32>,
      %swap3A_620 = arith.constant 0 : i32
      %swap3A_621 = arith.constant 0 : i32
      %swap3A_622 = tpu.memref_slice %arg8[%scan3A, %swap3A_620, %swap3A_621] : memref<2x128x128xf32, #tpu.memory_space<vmem>> -> memref<1x128x128xf32, #tpu.memory_space<vmem>>
      %swap3A_623 = tpu.memref_squeeze %swap3A_622 : memref<1x128x128xf32, #tpu.memory_space<vmem>> -> memref<128x128xf32, #tpu.memory_space<vmem>>
      %swap3A_624 = arith.index_cast %scan3A_591 : i32 to index
      %swap3A_625 = arith.constant 48 : index
      %swap3A_626 = tpu.vector_load %swap3A_623[%swap3A_624, %swap3A_625] {strides = array<i32>} : memref<128x128xf32, #tpu.memory_space<vmem>>, vector<1x16xf32>,
      %swap3A_627 = vector.shape_cast %swap3A_626 : vector<1x16xf32> to vector<16xf32>
      %swap3A_628 = vector.shape_cast %broadcast_in_dim3A_1 : vector<16xf32> to vector<1x16xf32>
      tpu.vector_store %swap3A_623[%swap3A_624, %swap3A_625], %swap3A_628 {strides = array<i32>} : memref<128x128xf32, #tpu.memory_space<vmem>>, vector<1x16xf32>,
      %swap3A_629 = arith.constant 0 : i32
      %swap3A_630 = arith.constant 0 : i32
      %swap3A_631 = tpu.memref_slice %arg8[%scan3A, %swap3A_629, %swap3A_630] : memref<2x128x128xf32, #tpu.memory_space<vmem>> -> memref<1x128x128xf32, #tpu.memory_space<vmem>>
      %swap3A_632 = tpu.memref_squeeze %swap3A_631 : memref<1x128x128xf32, #tpu.memory_space<vmem>> -> memref<128x128xf32, #tpu.memory_space<vmem>>
      %swap3A_633 = arith.index_cast %scan3A_591 : i32 to index
      %swap3A_634 = arith.constant 64 : index
      %swap3A_635 = tpu.vector_load %swap3A_632[%swap3A_633, %swap3A_634] {strides = array<i32>} : memref<128x128xf32, #tpu.memory_space<vmem>>, vector<1x16xf32>,
      %swap3A_636 = vector.shape_cast %swap3A_635 : vector<1x16xf32> to vector<16xf32>
      %swap3A_637 = vector.shape_cast %broadcast_in_dim3A_1 : vector<16xf32> to vector<1x16xf32>
      tpu.vector_store %swap3A_632[%swap3A_633, %swap3A_634], %swap3A_637 {strides = array<i32>} : memref<128x128xf32, #tpu.memory_space<vmem>>, vector<1x16xf32>,
      %swap3A_638 = arith.constant 0 : i32
      %swap3A_639 = arith.constant 0 : i32
      %swap3A_640 = tpu.memref_slice %arg8[%scan3A, %swap3A_638, %swap3A_639] : memref<2x128x128xf32, #tpu.memory_space<vmem>> -> memref<1x128x128xf32, #tpu.memory_space<vmem>>
      %swap3A_641 = tpu.memref_squeeze %swap3A_640 : memref<1x128x128xf32, #tpu.memory_space<vmem>> -> memref<128x128xf32, #tpu.memory_space<vmem>>
      %swap3A_642 = arith.index_cast %scan3A_591 : i32 to index
      %swap3A_643 = arith.constant 80 : index
      %swap3A_644 = tpu.vector_load %swap3A_641[%swap3A_642, %swap3A_643] {strides = array<i32>} : memref<128x128xf32, #tpu.memory_space<vmem>>, vector<1x16xf32>,
      %swap3A_645 = vector.shape_cast %swap3A_644 : vector<1x16xf32> to vector<16xf32>
      %swap3A_646 = vector.shape_cast %broadcast_in_dim3A_1 : vector<16xf32> to vector<1x16xf32>
      tpu.vector_store %swap3A_641[%swap3A_642, %swap3A_643], %swap3A_646 {strides = array<i32>} : memref<128x128xf32, #tpu.memory_space<vmem>>, vector<1x16xf32>,
      %swap3A_647 = arith.constant 0 : i32
      %swap3A_648 = arith.constant 0 : i32
      %swap3A_649 = tpu.memref_slice %arg8[%scan3A, %swap3A_647, %swap3A_648] : memref<2x128x128xf32, #tpu.memory_space<vmem>> -> memref<1x128x128xf32, #tpu.memory_space<vmem>>
      %swap3A_650 = tpu.memref_squeeze %swap3A_649 : memref<1x128x128xf32, #tpu.memory_space<vmem>> -> memref<128x128xf32, #tpu.memory_space<vmem>>
      %swap3A_651 = arith.index_cast %scan3A_591 : i32 to index
      %swap3A_652 = arith.constant 96 : index
      %swap3A_653 = tpu.vector_load %swap3A_650[%swap3A_651, %swap3A_652] {strides = array<i32>} : memref<128x128xf32, #tpu.memory_space<vmem>>, vector<1x16xf32>,
      %swap3A_654 = vector.shape_cast %swap3A_653 : vector<1x16xf32> to vector<16xf32>
      %swap3A_655 = vector.shape_cast %broadcast_in_dim3A_1 : vector<16xf32> to vector<1x16xf32>
      tpu.vector_store %swap3A_650[%swap3A_651, %swap3A_652], %swap3A_655 {strides = array<i32>} : memref<128x128xf32, #tpu.memory_space<vmem>>, vector<1x16xf32>,
      %swap3A_656 = arith.constant 0 : i32
      %swap3A_657 = arith.constant 0 : i32
      %swap3A_658 = tpu.memref_slice %arg8[%scan3A, %swap3A_656, %swap3A_657] : memref<2x128x128xf32, #tpu.memory_space<vmem>> -> memref<1x128x128xf32, #tpu.memory_space<vmem>>
      %swap3A_659 = tpu.memref_squeeze %swap3A_658 : memref<1x128x128xf32, #tpu.memory_space<vmem>> -> memref<128x128xf32, #tpu.memory_space<vmem>>
      %swap3A_660 = arith.index_cast %scan3A_591 : i32 to index
      %swap3A_661 = arith.constant 112 : index
      %swap3A_662 = tpu.vector_load %swap3A_659[%swap3A_660, %swap3A_661] {strides = array<i32>} : memref<128x128xf32, #tpu.memory_space<vmem>>, vector<1x16xf32>,
      %swap3A_663 = vector.shape_cast %swap3A_662 : vector<1x16xf32> to vector<16xf32>
      %swap3A_664 = vector.shape_cast %broadcast_in_dim3A_1 : vector<16xf32> to vector<1x16xf32>
      tpu.vector_store %swap3A_659[%swap3A_660, %swap3A_661], %swap3A_664 {strides = array<i32>} : memref<128x128xf32, #tpu.memory_space<vmem>>, vector<1x16xf32>,
      %scan3A_665 = arith.constant 0 : i32
      scf.yield %scan3A_665 : i32
    }
    %scan3A_8 = arith.constant 128 : i32
    %mul3A_9 = arith.constant 632 : i32
    %mul3A_10 = arith.muli %arg1, %mul3A_9 : i32
    %dma_start3A = arith.constant 1 : i32
    %dma_start3A_11 = arith.constant 0 : i32
    %dma_start3A_12 = arith.constant 0 : i32
    %dma_start3A_13 = tpu.memref_slice %arg8[%dma_start3A, %dma_start3A_11, %dma_start3A_12] : memref<2x128x128xf32, #tpu.memory_space<vmem>> -> memref<1x128x128xf32, #tpu.memory_space<vmem>>
    %dma_start3A_14 = tpu.memref_squeeze %dma_start3A_13 : memref<1x128x128xf32, #tpu.memory_space<vmem>> -> memref<128x128xf32, #tpu.memory_space<vmem>>
    %dma_start3A_15 = arith.constant 0 : i32
    %dma_start3A_16 = tpu.memref_slice %arg9[%mul3A_10, %dma_start3A_15] : memref<10112x128xf32, #tpu.memory_space<vmem_shared>> -> memref<128x128xf32, #tpu.memory_space<vmem_shared>>
    %dma_start3A_17 = arith.constant 0 : i32
    %dma_start3A_18 = tpu.memref_slice %arg9[%mul3A_10, %dma_start3A_17] : memref<10112x128xf32, #tpu.memory_space<vmem_shared>> -> memref<128x128xf32, #tpu.memory_space<vmem_shared>>
    %dma_start3A_19 = arith.constant 0 : i32
    %dma_start3A_20 = arith.constant 0 : i32
    %dma_start3A_21 = tpu.memref_slice %arg8[%dma_start3A, %dma_start3A_19, %dma_start3A_20] : memref<2x128x128xf32, #tpu.memory_space<vmem>> -> memref<1x128x128xf32, #tpu.memory_space<vmem>>
    %dma_start3A_22 = tpu.memref_squeeze %dma_start3A_21 : memref<1x128x128xf32, #tpu.memory_space<vmem>> -> memref<128x128xf32, #tpu.memory_space<vmem>>
    tpu.enqueue_dma source(%dma_start3A_22 : memref<128x128xf32, #tpu.memory_space<vmem>>) target(%dma_start3A_18 : memref<128x128xf32, #tpu.memory_space<vmem_shared>>) target_semaphore(%arg12 : memref<!tpu.dma_semaphore, #tpu.memory_space<semaphore_mem>>)
    %add3A_23 = arith.constant 128 : i32
    %add3A_24 = arith.addi %mul3A_10, %add3A_23 : i32
    %dma_start3A_25 = arith.constant 1 : i32
    %dma_start3A_26 = arith.constant 0 : i32
    %dma_start3A_27 = arith.constant 0 : i32
    %dma_start3A_28 = tpu.memref_slice %arg8[%dma_start3A_25, %dma_start3A_26, %dma_start3A_27] : memref<2x128x128xf32, #tpu.memory_space<vmem>> -> memref<1x128x128xf32, #tpu.memory_space<vmem>>
    %dma_start3A_29 = tpu.memref_squeeze %dma_start3A_28 : memref<1x128x128xf32, #tpu.memory_space<vmem>> -> memref<128x128xf32, #tpu.memory_space<vmem>>
    %dma_start3A_30 = arith.constant 0 : i32
    %dma_start3A_31 = tpu.memref_slice %arg9[%add3A_24, %dma_start3A_30] : memref<10112x128xf32, #tpu.memory_space<vmem_shared>> -> memref<128x128xf32, #tpu.memory_space<vmem_shared>>
    %dma_start3A_32 = arith.constant 0 : i32
    %dma_start3A_33 = tpu.memref_slice %arg9[%add3A_24, %dma_start3A_32] : memref<10112x128xf32, #tpu.memory_space<vmem_shared>> -> memref<128x128xf32, #tpu.memory_space<vmem_shared>>
    %dma_start3A_34 = arith.constant 0 : i32
    %dma_start3A_35 = arith.constant 0 : i32
    %dma_start3A_36 = tpu.memref_slice %arg8[%dma_start3A_25, %dma_start3A_34, %dma_start3A_35] : memref<2x128x128xf32, #tpu.memory_space<vmem>> -> memref<1x128x128xf32, #tpu.memory_space<vmem>>
    %dma_start3A_37 = tpu.memref_squeeze %dma_start3A_36 : memref<1x128x128xf32, #tpu.memory_space<vmem>> -> memref<128x128xf32, #tpu.memory_space<vmem>>
    tpu.enqueue_dma source(%dma_start3A_37 : memref<128x128xf32, #tpu.memory_space<vmem>>) target(%dma_start3A_33 : memref<128x128xf32, #tpu.memory_space<vmem_shared>>) target_semaphore(%arg12 : memref<!tpu.dma_semaphore, #tpu.memory_space<semaphore_mem>>)
    %add3A_38 = arith.constant 256 : i32
    %add3A_39 = arith.addi %mul3A_10, %add3A_38 : i32
    %dma_start3A_40 = arith.constant 1 : i32
    %dma_start3A_41 = arith.constant 0 : i32
    %dma_start3A_42 = arith.constant 0 : i32
    %dma_start3A_43 = tpu.memref_slice %arg8[%dma_start3A_40, %dma_start3A_41, %dma_start3A_42] : memref<2x128x128xf32, #tpu.memory_space<vmem>> -> memref<1x128x128xf32, #tpu.memory_space<vmem>>
    %dma_start3A_44 = tpu.memref_squeeze %dma_start3A_43 : memref<1x128x128xf32, #tpu.memory_space<vmem>> -> memref<128x128xf32, #tpu.memory_space<vmem>>
    %dma_start3A_45 = arith.constant 0 : i32
    %dma_start3A_46 = tpu.memref_slice %arg9[%add3A_39, %dma_start3A_45] : memref<10112x128xf32, #tpu.memory_space<vmem_shared>> -> memref<128x128xf32, #tpu.memory_space<vmem_shared>>
    %dma_start3A_47 = arith.constant 0 : i32
    %dma_start3A_48 = tpu.memref_slice %arg9[%add3A_39, %dma_start3A_47] : memref<10112x128xf32, #tpu.memory_space<vmem_shared>> -> memref<128x128xf32, #tpu.memory_space<vmem_shared>>
    %dma_start3A_49 = arith.constant 0 : i32
    %dma_start3A_50 = arith.constant 0 : i32
    %dma_start3A_51 = tpu.memref_slice %arg8[%dma_start3A_40, %dma_start3A_49, %dma_start3A_50] : memref<2x128x128xf32, #tpu.memory_space<vmem>> -> memref<1x128x128xf32, #tpu.memory_space<vmem>>
    %dma_start3A_52 = tpu.memref_squeeze %dma_start3A_51 : memref<1x128x128xf32, #tpu.memory_space<vmem>> -> memref<128x128xf32, #tpu.memory_space<vmem>>
    tpu.enqueue_dma source(%dma_start3A_52 : memref<128x128xf32, #tpu.memory_space<vmem>>) target(%dma_start3A_48 : memref<128x128xf32, #tpu.memory_space<vmem_shared>>) target_semaphore(%arg12 : memref<!tpu.dma_semaphore, #tpu.memory_space<semaphore_mem>>)
    %add3A_53 = arith.constant 384 : i32
    %add3A_54 = arith.addi %mul3A_10, %add3A_53 : i32
    %dma_start3A_55 = arith.constant 1 : i32
    %dma_start3A_56 = arith.constant 0 : i32
    %dma_start3A_57 = arith.constant 0 : i32
    %dma_start3A_58 = tpu.memref_slice %arg8[%dma_start3A_55, %dma_start3A_56, %dma_start3A_57] : memref<2x128x128xf32, #tpu.memory_space<vmem>> -> memref<1x128x128xf32, #tpu.memory_space<vmem>>
    %dma_start3A_59 = tpu.memref_squeeze %dma_start3A_58 : memref<1x128x128xf32, #tpu.memory_space<vmem>> -> memref<128x128xf32, #tpu.memory_space<vmem>>
    %dma_start3A_60 = arith.constant 0 : i32
    %dma_start3A_61 = tpu.memref_slice %arg9[%add3A_54, %dma_start3A_60] : memref<10112x128xf32, #tpu.memory_space<vmem_shared>> -> memref<128x128xf32, #tpu.memory_space<vmem_shared>>
    %dma_start3A_62 = arith.constant 0 : i32
    %dma_start3A_63 = tpu.memref_slice %arg9[%add3A_54, %dma_start3A_62] : memref<10112x128xf32, #tpu.memory_space<vmem_shared>> -> memref<128x128xf32, #tpu.memory_space<vmem_shared>>
    %dma_start3A_64 = arith.constant 0 : i32
    %dma_start3A_65 = arith.constant 0 : i32
    %dma_start3A_66 = tpu.memref_slice %arg8[%dma_start3A_55, %dma_start3A_64, %dma_start3A_65] : memref<2x128x128xf32, #tpu.memory_space<vmem>> -> memref<1x128x128xf32, #tpu.memory_space<vmem>>
    %dma_start3A_67 = tpu.memref_squeeze %dma_start3A_66 : memref<1x128x128xf32, #tpu.memory_space<vmem>> -> memref<128x128xf32, #tpu.memory_space<vmem>>
    tpu.enqueue_dma source(%dma_start3A_67 : memref<128x128xf32, #tpu.memory_space<vmem>>) target(%dma_start3A_63 : memref<128x128xf32, #tpu.memory_space<vmem_shared>>) target_semaphore(%arg12 : memref<!tpu.dma_semaphore, #tpu.memory_space<semaphore_mem>>)
    %add3A_68 = arith.constant 512 : i32
    %add3A_69 = arith.addi %mul3A_10, %add3A_68 : i32
    %dma_start3A_70 = arith.constant 1 : i32
    %dma_start3A_71 = arith.constant 0 : i32
    %dma_start3A_72 = arith.constant 0 : i32
    %dma_start3A_73 = tpu.memref_slice %arg8[%dma_start3A_70, %dma_start3A_71, %dma_start3A_72] : memref<2x128x128xf32, #tpu.memory_space<vmem>> -> memref<1x128x128xf32, #tpu.memory_space<vmem>>
    %dma_start3A_74 = tpu.memref_squeeze %dma_start3A_73 : memref<1x128x128xf32, #tpu.memory_space<vmem>> -> memref<128x128xf32, #tpu.memory_space<vmem>>
    %dma_start3A_75 = arith.constant 0 : i32
    %dma_start3A_76 = arith.constant 0 : i32
    %dma_start3A_77 = tpu.memref_slice %dma_start3A_74[%dma_start3A_75, %dma_start3A_76] : memref<128x128xf32, #tpu.memory_space<vmem>> -> memref<120x128xf32, #tpu.memory_space<vmem>>
    %dma_start3A_78 = arith.constant 0 : i32
    %dma_start3A_79 = tpu.memref_slice %arg9[%add3A_69, %dma_start3A_78] : memref<10112x128xf32, #tpu.memory_space<vmem_shared>> -> memref<120x128xf32, #tpu.memory_space<vmem_shared>>
    %dma_start3A_80 = arith.constant 0 : i32
    %dma_start3A_81 = tpu.memref_slice %arg9[%add3A_69, %dma_start3A_80] : memref<10112x128xf32, #tpu.memory_space<vmem_shared>> -> memref<120x128xf32, #tpu.memory_space<vmem_shared>>
    %dma_start3A_82 = arith.constant 0 : i32
    %dma_start3A_83 = arith.constant 0 : i32
    %dma_start3A_84 = tpu.memref_slice %arg8[%dma_start3A_70, %dma_start3A_82, %dma_start3A_83] : memref<2x128x128xf32, #tpu.memory_space<vmem>> -> memref<1x128x128xf32, #tpu.memory_space<vmem>>
    %dma_start3A_85 = tpu.memref_squeeze %dma_start3A_84 : memref<1x128x128xf32, #tpu.memory_space<vmem>> -> memref<128x128xf32, #tpu.memory_space<vmem>>
    %dma_start3A_86 = arith.constant 0 : i32
    %dma_start3A_87 = arith.constant 0 : i32
    %dma_start3A_88 = tpu.memref_slice %dma_start3A_85[%dma_start3A_86, %dma_start3A_87] : memref<128x128xf32, #tpu.memory_space<vmem>> -> memref<120x128xf32, #tpu.memory_space<vmem>>
    tpu.enqueue_dma source(%dma_start3A_88 : memref<120x128xf32, #tpu.memory_space<vmem>>) target(%dma_start3A_81 : memref<120x128xf32, #tpu.memory_space<vmem_shared>>) target_semaphore(%arg12 : memref<!tpu.dma_semaphore, #tpu.memory_space<semaphore_mem>>)
    %dma_wait3A = arith.constant 1 : i32
    %dma_wait3A_89 = arith.constant 0 : i32
    %dma_wait3A_90 = arith.constant 0 : i32
    %dma_wait3A_91 = tpu.memref_slice %arg8[%dma_wait3A, %dma_wait3A_89, %dma_wait3A_90] : memref<2x128x128xf32, #tpu.memory_space<vmem>> -> memref<1x128x128xf32, #tpu.memory_space<vmem>>
    %dma_wait3A_92 = tpu.memref_squeeze %dma_wait3A_91 : memref<1x128x128xf32, #tpu.memory_space<vmem>> -> memref<128x128xf32, #tpu.memory_space<vmem>>
    %dma_wait3A_93 = arith.constant 0 : i32
    %dma_wait3A_94 = tpu.memref_slice %arg9[%mul3A_10, %dma_wait3A_93] : memref<10112x128xf32, #tpu.memory_space<vmem_shared>> -> memref<128x128xf32, #tpu.memory_space<vmem_shared>>
    %dma_wait3A_95 = arith.constant 0 : i32
    %dma_wait3A_96 = tpu.memref_slice %arg9[%mul3A_10, %dma_wait3A_95] : memref<10112x128xf32, #tpu.memory_space<vmem_shared>> -> memref<128x128xf32, #tpu.memory_space<vmem_shared>>
    %dma_wait3A_97 = arith.constant 0 : i32
    %dma_wait3A_98 = arith.constant 0 : i32
    %dma_wait3A_99 = tpu.memref_slice %arg8[%dma_wait3A, %dma_wait3A_97, %dma_wait3A_98] : memref<2x128x128xf32, #tpu.memory_space<vmem>> -> memref<1x128x128xf32, #tpu.memory_space<vmem>>
    %dma_wait3A_100 = tpu.memref_squeeze %dma_wait3A_99 : memref<1x128x128xf32, #tpu.memory_space<vmem>> -> memref<128x128xf32, #tpu.memory_space<vmem>>
    tpu.wait_dma2 semaphore(%arg12 : memref<!tpu.dma_semaphore, #tpu.memory_space<semaphore_mem>>) src(%dma_wait3A_100 : memref<128x128xf32, #tpu.memory_space<vmem>>) dst(%dma_wait3A_96 : memref<128x128xf32, #tpu.memory_space<vmem_shared>>)
    %dma_wait3A_101 = arith.constant 1 : i32
    %dma_wait3A_102 = arith.constant 0 : i32
    %dma_wait3A_103 = arith.constant 0 : i32
    %dma_wait3A_104 = tpu.memref_slice %arg8[%dma_wait3A_101, %dma_wait3A_102, %dma_wait3A_103] : memref<2x128x128xf32, #tpu.memory_space<vmem>> -> memref<1x128x128xf32, #tpu.memory_space<vmem>>
    %dma_wait3A_105 = tpu.memref_squeeze %dma_wait3A_104 : memref<1x128x128xf32, #tpu.memory_space<vmem>> -> memref<128x128xf32, #tpu.memory_space<vmem>>
    %dma_wait3A_106 = arith.constant 0 : i32
    %dma_wait3A_107 = tpu.memref_slice %arg9[%mul3A_10, %dma_wait3A_106] : memref<10112x128xf32, #tpu.memory_space<vmem_shared>> -> memref<128x128xf32, #tpu.memory_space<vmem_shared>>
    %dma_wait3A_108 = arith.constant 0 : i32
    %dma_wait3A_109 = tpu.memref_slice %arg9[%mul3A_10, %dma_wait3A_108] : memref<10112x128xf32, #tpu.memory_space<vmem_shared>> -> memref<128x128xf32, #tpu.memory_space<vmem_shared>>
    %dma_wait3A_110 = arith.constant 0 : i32
    %dma_wait3A_111 = arith.constant 0 : i32
    %dma_wait3A_112 = tpu.memref_slice %arg8[%dma_wait3A_101, %dma_wait3A_110, %dma_wait3A_111] : memref<2x128x128xf32, #tpu.memory_space<vmem>> -> memref<1x128x128xf32, #tpu.memory_space<vmem>>
    %dma_wait3A_113 = tpu.memref_squeeze %dma_wait3A_112 : memref<1x128x128xf32, #tpu.memory_space<vmem>> -> memref<128x128xf32, #tpu.memory_space<vmem>>
    tpu.wait_dma2 semaphore(%arg12 : memref<!tpu.dma_semaphore, #tpu.memory_space<semaphore_mem>>) src(%dma_wait3A_113 : memref<128x128xf32, #tpu.memory_space<vmem>>) dst(%dma_wait3A_109 : memref<128x128xf32, #tpu.memory_space<vmem_shared>>)
    %dma_wait3A_114 = arith.constant 1 : i32
    %dma_wait3A_115 = arith.constant 0 : i32
    %dma_wait3A_116 = arith.constant 0 : i32
    %dma_wait3A_117 = tpu.memref_slice %arg8[%dma_wait3A_114, %dma_wait3A_115, %dma_wait3A_116] : memref<2x128x128xf32, #tpu.memory_space<vmem>> -> memref<1x128x128xf32, #tpu.memory_space<vmem>>
    %dma_wait3A_118 = tpu.memref_squeeze %dma_wait3A_117 : memref<1x128x128xf32, #tpu.memory_space<vmem>> -> memref<128x128xf32, #tpu.memory_space<vmem>>
    %dma_wait3A_119 = arith.constant 0 : i32
    %dma_wait3A_120 = tpu.memref_slice %arg9[%mul3A_10, %dma_wait3A_119] : memref<10112x128xf32, #tpu.memory_space<vmem_shared>> -> memref<128x128xf32, #tpu.memory_space<vmem_shared>>
    %dma_wait3A_121 = arith.constant 0 : i32
    %dma_wait3A_122 = tpu.memref_slice %arg9[%mul3A_10, %dma_wait3A_121] : memref<10112x128xf32, #tpu.memory_space<vmem_shared>> -> memref<128x128xf32, #tpu.memory_space<vmem_shared>>
    %dma_wait3A_123 = arith.constant 0 : i32
    %dma_wait3A_124 = arith.constant 0 : i32
    %dma_wait3A_125 = tpu.memref_slice %arg8[%dma_wait3A_114, %dma_wait3A_123, %dma_wait3A_124] : memref<2x128x128xf32, #tpu.memory_space<vmem>> -> memref<1x128x128xf32, #tpu.memory_space<vmem>>
    %dma_wait3A_126 = tpu.memref_squeeze %dma_wait3A_125 : memref<1x128x128xf32, #tpu.memory_space<vmem>> -> memref<128x128xf32, #tpu.memory_space<vmem>>
    tpu.wait_dma2 semaphore(%arg12 : memref<!tpu.dma_semaphore, #tpu.memory_space<semaphore_mem>>) src(%dma_wait3A_126 : memref<128x128xf32, #tpu.memory_space<vmem>>) dst(%dma_wait3A_122 : memref<128x128xf32, #tpu.memory_space<vmem_shared>>)
    %dma_wait3A_127 = arith.constant 1 : i32
    %dma_wait3A_128 = arith.constant 0 : i32
    %dma_wait3A_129 = arith.constant 0 : i32
    %dma_wait3A_130 = tpu.memref_slice %arg8[%dma_wait3A_127, %dma_wait3A_128, %dma_wait3A_129] : memref<2x128x128xf32, #tpu.memory_space<vmem>> -> memref<1x128x128xf32, #tpu.memory_space<vmem>>
    %dma_wait3A_131 = tpu.memref_squeeze %dma_wait3A_130 : memref<1x128x128xf32, #tpu.memory_space<vmem>> -> memref<128x128xf32, #tpu.memory_space<vmem>>
    %dma_wait3A_132 = arith.constant 0 : i32
    %dma_wait3A_133 = tpu.memref_slice %arg9[%mul3A_10, %dma_wait3A_132] : memref<10112x128xf32, #tpu.memory_space<vmem_shared>> -> memref<128x128xf32, #tpu.memory_space<vmem_shared>>
    %dma_wait3A_134 = arith.constant 0 : i32
    %dma_wait3A_135 = tpu.memref_slice %arg9[%mul3A_10, %dma_wait3A_134] : memref<10112x128xf32, #tpu.memory_space<vmem_shared>> -> memref<128x128xf32, #tpu.memory_space<vmem_shared>>
    %dma_wait3A_136 = arith.constant 0 : i32
    %dma_wait3A_137 = arith.constant 0 : i32
    %dma_wait3A_138 = tpu.memref_slice %arg8[%dma_wait3A_127, %dma_wait3A_136, %dma_wait3A_137] : memref<2x128x128xf32, #tpu.memory_space<vmem>> -> memref<1x128x128xf32, #tpu.memory_space<vmem>>
    %dma_wait3A_139 = tpu.memref_squeeze %dma_wait3A_138 : memref<1x128x128xf32, #tpu.memory_space<vmem>> -> memref<128x128xf32, #tpu.memory_space<vmem>>
    tpu.wait_dma2 semaphore(%arg12 : memref<!tpu.dma_semaphore, #tpu.memory_space<semaphore_mem>>) src(%dma_wait3A_139 : memref<128x128xf32, #tpu.memory_space<vmem>>) dst(%dma_wait3A_135 : memref<128x128xf32, #tpu.memory_space<vmem_shared>>)
    %dma_wait3A_140 = arith.constant 1 : i32
    %dma_wait3A_141 = arith.constant 0 : i32
    %dma_wait3A_142 = arith.constant 0 : i32
    %dma_wait3A_143 = tpu.memref_slice %arg8[%dma_wait3A_140, %dma_wait3A_141, %dma_wait3A_142] : memref<2x128x128xf32, #tpu.memory_space<vmem>> -> memref<1x128x128xf32, #tpu.memory_space<vmem>>
    %dma_wait3A_144 = tpu.memref_squeeze %dma_wait3A_143 : memref<1x128x128xf32, #tpu.memory_space<vmem>> -> memref<128x128xf32, #tpu.memory_space<vmem>>
    %dma_wait3A_145 = arith.constant 0 : i32
    %dma_wait3A_146 = arith.constant 0 : i32
    %dma_wait3A_147 = tpu.memref_slice %dma_wait3A_144[%dma_wait3A_145, %dma_wait3A_146] : memref<128x128xf32, #tpu.memory_space<vmem>> -> memref<120x128xf32, #tpu.memory_space<vmem>>
    %dma_wait3A_148 = arith.constant 0 : i32
    %dma_wait3A_149 = tpu.memref_slice %arg9[%mul3A_10, %dma_wait3A_148] : memref<10112x128xf32, #tpu.memory_space<vmem_shared>> -> memref<120x128xf32, #tpu.memory_space<vmem_shared>>
    %dma_wait3A_150 = arith.constant 0 : i32
    %dma_wait3A_151 = tpu.memref_slice %arg9[%mul3A_10, %dma_wait3A_150] : memref<10112x128xf32, #tpu.memory_space<vmem_shared>> -> memref<120x128xf32, #tpu.memory_space<vmem_shared>>
    %dma_wait3A_152 = arith.constant 0 : i32
    %dma_wait3A_153 = arith.constant 0 : i32
    %dma_wait3A_154 = tpu.memref_slice %arg8[%dma_wait3A_140, %dma_wait3A_152, %dma_wait3A_153] : memref<2x128x128xf32, #tpu.memory_space<vmem>> -> memref<1x128x128xf32, #tpu.memory_space<vmem>>
    %dma_wait3A_155 = tpu.memref_squeeze %dma_wait3A_154 : memref<1x128x128xf32, #tpu.memory_space<vmem>> -> memref<128x128xf32, #tpu.memory_space<vmem>>
    %dma_wait3A_156 = arith.constant 0 : i32
    %dma_wait3A_157 = arith.constant 0 : i32
    %dma_wait3A_158 = tpu.memref_slice %dma_wait3A_155[%dma_wait3A_156, %dma_wait3A_157] : memref<128x128xf32, #tpu.memory_space<vmem>> -> memref<120x128xf32, #tpu.memory_space<vmem>>
    tpu.wait_dma2 semaphore(%arg12 : memref<!tpu.dma_semaphore, #tpu.memory_space<semaphore_mem>>) src(%dma_wait3A_158 : memref<120x128xf32, #tpu.memory_space<vmem>>) dst(%dma_wait3A_151 : memref<120x128xf32, #tpu.memory_space<vmem_shared>>)
    %barrier3A = arith.constant 0 : index
    tpu.barrier barrier_id(%barrier3A)
    %get3A = arith.constant 0 : i32
    %get3A_159 = arith.index_cast %get3A : i32 to index
    %get3A_160 = arith.constant 0 : index
    %get3A_161 = tpu.vector_load %arg5[%get3A_159, %get3A_160] {strides = array<i32>} : memref<128x128xi32, #tpu.memory_space<vmem>>, vector<1x16xi32>,
    %get3A_162 = vector.shape_cast %get3A_161 : vector<1x16xi32> to vector<16xi32>
    %shift_right_logical3A = arith.constant 14 : i32
    %shift_right_logical3A_163 = vector.broadcast %shift_right_logical3A : i32 to vector<16xi32>
    %shift_right_logical3A_164 = arith.shrui %get3A_162, %shift_right_logical3A_163 : vector<16xi32>
    %swap3A = arith.constant 0 : i32
    %swap3A_165 = arith.index_cast %swap3A : i32 to index
    %swap3A_166 = arith.constant 0 : index
    %swap3A_167 = tpu.vector_load %arg6[%swap3A_165, %swap3A_166] {strides = array<i32>} : memref<2x128xi32, #tpu.memory_space<vmem>>, vector<1x16xi32>,
    %swap3A_168 = vector.shape_cast %swap3A_167 : vector<1x16xi32> to vector<16xi32>
    %swap3A_169 = vector.shape_cast %shift_right_logical3A_164 : vector<16xi32> to vector<1x16xi32>
    tpu.vector_store %arg6[%swap3A_165, %swap3A_166], %swap3A_169 {strides = array<i32>} : memref<2x128xi32, #tpu.memory_space<vmem>>, vector<1x16xi32>,
    %and3A = arith.constant 16383 : i32
    %and3A_170 = vector.broadcast %and3A : i32 to vector<16xi32>
    %and3A_171 = arith.andi %get3A_162, %and3A_170 : vector<16xi32>
    %swap3A_172 = arith.constant 0 : i32
    %swap3A_173 = arith.index_cast %swap3A_172 : i32 to index
    %swap3A_174 = arith.constant 0 : index
    %swap3A_175 = tpu.vector_load %arg7[%swap3A_173, %swap3A_174] {strides = array<i32>} : memref<2x128xi32, #tpu.memory_space<vmem>>, vector<1x16xi32>,
    %swap3A_176 = vector.shape_cast %swap3A_175 : vector<1x16xi32> to vector<16xi32>
    %swap3A_177 = vector.shape_cast %and3A_171 : vector<16xi32> to vector<1x16xi32>
    tpu.vector_store %arg7[%swap3A_173, %swap3A_174], %swap3A_177 {strides = array<i32>} : memref<2x128xi32, #tpu.memory_space<vmem>>, vector<1x16xi32>,
    %get3A_178 = arith.constant 0 : i32
    %get3A_179 = arith.index_cast %get3A_178 : i32 to index
    %get3A_180 = arith.constant 16 : index
    %get3A_181 = tpu.vector_load %arg5[%get3A_179, %get3A_180] {strides = array<i32>} : memref<128x128xi32, #tpu.memory_space<vmem>>, vector<1x16xi32>,
    %get3A_182 = vector.shape_cast %get3A_181 : vector<1x16xi32> to vector<16xi32>
    %shift_right_logical3A_183 = arith.constant 14 : i32
    %shift_right_logical3A_184 = vector.broadcast %shift_right_logical3A_183 : i32 to vector<16xi32>
    %shift_right_logical3A_185 = arith.shrui %get3A_182, %shift_right_logical3A_184 : vector<16xi32>
    %swap3A_186 = arith.constant 0 : i32
    %swap3A_187 = arith.index_cast %swap3A_186 : i32 to index
    %swap3A_188 = arith.constant 16 : index
    %swap3A_189 = tpu.vector_load %arg6[%swap3A_187, %swap3A_188] {strides = array<i32>} : memref<2x128xi32, #tpu.memory_space<vmem>>, vector<1x16xi32>,
    %swap3A_190 = vector.shape_cast %swap3A_189 : vector<1x16xi32> to vector<16xi32>
    %swap3A_191 = vector.shape_cast %shift_right_logical3A_185 : vector<16xi32> to vector<1x16xi32>
    tpu.vector_store %arg6[%swap3A_187, %swap3A_188], %swap3A_191 {strides = array<i32>} : memref<2x128xi32, #tpu.memory_space<vmem>>, vector<1x16xi32>,
    %and3A_192 = arith.constant 16383 : i32
    %and3A_193 = vector.broadcast %and3A_192 : i32 to vector<16xi32>
    %and3A_194 = arith.andi %get3A_182, %and3A_193 : vector<16xi32>
    %swap3A_195 = arith.constant 0 : i32
    %swap3A_196 = arith.index_cast %swap3A_195 : i32 to index
    %swap3A_197 = arith.constant 16 : index
    %swap3A_198 = tpu.vector_load %arg7[%swap3A_196, %swap3A_197] {strides = array<i32>} : memref<2x128xi32, #tpu.memory_space<vmem>>, vector<1x16xi32>,
    %swap3A_199 = vector.shape_cast %swap3A_198 : vector<1x16xi32> to vector<16xi32>
    %swap3A_200 = vector.shape_cast %and3A_194 : vector<16xi32> to vector<1x16xi32>
    tpu.vector_store %arg7[%swap3A_196, %swap3A_197], %swap3A_200 {strides = array<i32>} : memref<2x128xi32, #tpu.memory_space<vmem>>, vector<1x16xi32>,
    %get3A_201 = arith.constant 0 : i32
    %get3A_202 = arith.index_cast %get3A_201 : i32 to index
    %get3A_203 = arith.constant 32 : index
    %get3A_204 = tpu.vector_load %arg5[%get3A_202, %get3A_203] {strides = array<i32>} : memref<128x128xi32, #tpu.memory_space<vmem>>, vector<1x16xi32>,
    %get3A_205 = vector.shape_cast %get3A_204 : vector<1x16xi32> to vector<16xi32>
    %shift_right_logical3A_206 = arith.constant 14 : i32
    %shift_right_logical3A_207 = vector.broadcast %shift_right_logical3A_206 : i32 to vector<16xi32>
    %shift_right_logical3A_208 = arith.shrui %get3A_205, %shift_right_logical3A_207 : vector<16xi32>
    %swap3A_209 = arith.constant 0 : i32
    %swap3A_210 = arith.index_cast %swap3A_209 : i32 to index
    %swap3A_211 = arith.constant 32 : index
    %swap3A_212 = tpu.vector_load %arg6[%swap3A_210, %swap3A_211] {strides = array<i32>} : memref<2x128xi32, #tpu.memory_space<vmem>>, vector<1x16xi32>,
    %swap3A_213 = vector.shape_cast %swap3A_212 : vector<1x16xi32> to vector<16xi32>
    %swap3A_214 = vector.shape_cast %shift_right_logical3A_208 : vector<16xi32> to vector<1x16xi32>
    tpu.vector_store %arg6[%swap3A_210, %swap3A_211], %swap3A_214 {strides = array<i32>} : memref<2x128xi32, #tpu.memory_space<vmem>>, vector<1x16xi32>,
    %and3A_215 = arith.constant 16383 : i32
    %and3A_216 = vector.broadcast %and3A_215 : i32 to vector<16xi32>
    %and3A_217 = arith.andi %get3A_205, %and3A_216 : vector<16xi32>
    %swap3A_218 = arith.constant 0 : i32
    %swap3A_219 = arith.index_cast %swap3A_218 : i32 to index
    %swap3A_220 = arith.constant 32 : index
    %swap3A_221 = tpu.vector_load %arg7[%swap3A_219, %swap3A_220] {strides = array<i32>} : memref<2x128xi32, #tpu.memory_space<vmem>>, vector<1x16xi32>,
    %swap3A_222 = vector.shape_cast %swap3A_221 : vector<1x16xi32> to vector<16xi32>
    %swap3A_223 = vector.shape_cast %and3A_217 : vector<16xi32> to vector<1x16xi32>
    tpu.vector_store %arg7[%swap3A_219, %swap3A_220], %swap3A_223 {strides = array<i32>} : memref<2x128xi32, #tpu.memory_space<vmem>>, vector<1x16xi32>,
    %get3A_224 = arith.constant 0 : i32
    %get3A_225 = arith.index_cast %get3A_224 : i32 to index
    %get3A_226 = arith.constant 48 : index
    %get3A_227 = tpu.vector_load %arg5[%get3A_225, %get3A_226] {strides = array<i32>} : memref<128x128xi32, #tpu.memory_space<vmem>>, vector<1x16xi32>,
    %get3A_228 = vector.shape_cast %get3A_227 : vector<1x16xi32> to vector<16xi32>
    %shift_right_logical3A_229 = arith.constant 14 : i32
    %shift_right_logical3A_230 = vector.broadcast %shift_right_logical3A_229 : i32 to vector<16xi32>
    %shift_right_logical3A_231 = arith.shrui %get3A_228, %shift_right_logical3A_230 : vector<16xi32>
    %swap3A_232 = arith.constant 0 : i32
    %swap3A_233 = arith.index_cast %swap3A_232 : i32 to index
    %swap3A_234 = arith.constant 48 : index
    %swap3A_235 = tpu.vector_load %arg6[%swap3A_233, %swap3A_234] {strides = array<i32>} : memref<2x128xi32, #tpu.memory_space<vmem>>, vector<1x16xi32>,
    %swap3A_236 = vector.shape_cast %swap3A_235 : vector<1x16xi32> to vector<16xi32>
    %swap3A_237 = vector.shape_cast %shift_right_logical3A_231 : vector<16xi32> to vector<1x16xi32>
    tpu.vector_store %arg6[%swap3A_233, %swap3A_234], %swap3A_237 {strides = array<i32>} : memref<2x128xi32, #tpu.memory_space<vmem>>, vector<1x16xi32>,
    %and3A_238 = arith.constant 16383 : i32
    %and3A_239 = vector.broadcast %and3A_238 : i32 to vector<16xi32>
    %and3A_240 = arith.andi %get3A_228, %and3A_239 : vector<16xi32>
    %swap3A_241 = arith.constant 0 : i32
    %swap3A_242 = arith.index_cast %swap3A_241 : i32 to index
    %swap3A_243 = arith.constant 48 : index
    %swap3A_244 = tpu.vector_load %arg7[%swap3A_242, %swap3A_243] {strides = array<i32>} : memref<2x128xi32, #tpu.memory_space<vmem>>, vector<1x16xi32>,
    %swap3A_245 = vector.shape_cast %swap3A_244 : vector<1x16xi32> to vector<16xi32>
    %swap3A_246 = vector.shape_cast %and3A_240 : vector<16xi32> to vector<1x16xi32>
    tpu.vector_store %arg7[%swap3A_242, %swap3A_243], %swap3A_246 {strides = array<i32>} : memref<2x128xi32, #tpu.memory_space<vmem>>, vector<1x16xi32>,
    %get3A_247 = arith.constant 0 : i32
    %get3A_248 = arith.index_cast %get3A_247 : i32 to index
    %get3A_249 = arith.constant 64 : index
    %get3A_250 = tpu.vector_load %arg5[%get3A_248, %get3A_249] {strides = array<i32>} : memref<128x128xi32, #tpu.memory_space<vmem>>, vector<1x16xi32>,
    %get3A_251 = vector.shape_cast %get3A_250 : vector<1x16xi32> to vector<16xi32>
    %shift_right_logical3A_252 = arith.constant 14 : i32
    %shift_right_logical3A_253 = vector.broadcast %shift_right_logical3A_252 : i32 to vector<16xi32>
    %shift_right_logical3A_254 = arith.shrui %get3A_251, %shift_right_logical3A_253 : vector<16xi32>
    %swap3A_255 = arith.constant 0 : i32
    %swap3A_256 = arith.index_cast %swap3A_255 : i32 to index
    %swap3A_257 = arith.constant 64 : index
    %swap3A_258 = tpu.vector_load %arg6[%swap3A_256, %swap3A_257] {strides = array<i32>} : memref<2x128xi32, #tpu.memory_space<vmem>>, vector<1x16xi32>,
    %swap3A_259 = vector.shape_cast %swap3A_258 : vector<1x16xi32> to vector<16xi32>
    %swap3A_260 = vector.shape_cast %shift_right_logical3A_254 : vector<16xi32> to vector<1x16xi32>
    tpu.vector_store %arg6[%swap3A_256, %swap3A_257], %swap3A_260 {strides = array<i32>} : memref<2x128xi32, #tpu.memory_space<vmem>>, vector<1x16xi32>,
    %and3A_261 = arith.constant 16383 : i32
    %and3A_262 = vector.broadcast %and3A_261 : i32 to vector<16xi32>
    %and3A_263 = arith.andi %get3A_251, %and3A_262 : vector<16xi32>
    %swap3A_264 = arith.constant 0 : i32
    %swap3A_265 = arith.index_cast %swap3A_264 : i32 to index
    %swap3A_266 = arith.constant 64 : index
    %swap3A_267 = tpu.vector_load %arg7[%swap3A_265, %swap3A_266] {strides = array<i32>} : memref<2x128xi32, #tpu.memory_space<vmem>>, vector<1x16xi32>,
    %swap3A_268 = vector.shape_cast %swap3A_267 : vector<1x16xi32> to vector<16xi32>
    %swap3A_269 = vector.shape_cast %and3A_263 : vector<16xi32> to vector<1x16xi32>
    tpu.vector_store %arg7[%swap3A_265, %swap3A_266], %swap3A_269 {strides = array<i32>} : memref<2x128xi32, #tpu.memory_space<vmem>>, vector<1x16xi32>,
    %get3A_270 = arith.constant 0 : i32
    %get3A_271 = arith.index_cast %get3A_270 : i32 to index
    %get3A_272 = arith.constant 80 : index
    %get3A_273 = tpu.vector_load %arg5[%get3A_271, %get3A_272] {strides = array<i32>} : memref<128x128xi32, #tpu.memory_space<vmem>>, vector<1x16xi32>,
    %get3A_274 = vector.shape_cast %get3A_273 : vector<1x16xi32> to vector<16xi32>
    %shift_right_logical3A_275 = arith.constant 14 : i32
    %shift_right_logical3A_276 = vector.broadcast %shift_right_logical3A_275 : i32 to vector<16xi32>
    %shift_right_logical3A_277 = arith.shrui %get3A_274, %shift_right_logical3A_276 : vector<16xi32>
    %swap3A_278 = arith.constant 0 : i32
    %swap3A_279 = arith.index_cast %swap3A_278 : i32 to index
    %swap3A_280 = arith.constant 80 : index
    %swap3A_281 = tpu.vector_load %arg6[%swap3A_279, %swap3A_280] {strides = array<i32>} : memref<2x128xi32, #tpu.memory_space<vmem>>, vector<1x16xi32>,
    %swap3A_282 = vector.shape_cast %swap3A_281 : vector<1x16xi32> to vector<16xi32>
    %swap3A_283 = vector.shape_cast %shift_right_logical3A_277 : vector<16xi32> to vector<1x16xi32>
    tpu.vector_store %arg6[%swap3A_279, %swap3A_280], %swap3A_283 {strides = array<i32>} : memref<2x128xi32, #tpu.memory_space<vmem>>, vector<1x16xi32>,
    %and3A_284 = arith.constant 16383 : i32
    %and3A_285 = vector.broadcast %and3A_284 : i32 to vector<16xi32>
    %and3A_286 = arith.andi %get3A_274, %and3A_285 : vector<16xi32>
    %swap3A_287 = arith.constant 0 : i32
    %swap3A_288 = arith.index_cast %swap3A_287 : i32 to index
    %swap3A_289 = arith.constant 80 : index
    %swap3A_290 = tpu.vector_load %arg7[%swap3A_288, %swap3A_289] {strides = array<i32>} : memref<2x128xi32, #tpu.memory_space<vmem>>, vector<1x16xi32>,
    %swap3A_291 = vector.shape_cast %swap3A_290 : vector<1x16xi32> to vector<16xi32>
    %swap3A_292 = vector.shape_cast %and3A_286 : vector<16xi32> to vector<1x16xi32>
    tpu.vector_store %arg7[%swap3A_288, %swap3A_289], %swap3A_292 {strides = array<i32>} : memref<2x128xi32, #tpu.memory_space<vmem>>, vector<1x16xi32>,
    %get3A_293 = arith.constant 0 : i32
    %get3A_294 = arith.index_cast %get3A_293 : i32 to index
    %get3A_295 = arith.constant 96 : index
    %get3A_296 = tpu.vector_load %arg5[%get3A_294, %get3A_295] {strides = array<i32>} : memref<128x128xi32, #tpu.memory_space<vmem>>, vector<1x16xi32>,
    %get3A_297 = vector.shape_cast %get3A_296 : vector<1x16xi32> to vector<16xi32>
    %shift_right_logical3A_298 = arith.constant 14 : i32
    %shift_right_logical3A_299 = vector.broadcast %shift_right_logical3A_298 : i32 to vector<16xi32>
    %shift_right_logical3A_300 = arith.shrui %get3A_297, %shift_right_logical3A_299 : vector<16xi32>
    %swap3A_301 = arith.constant 0 : i32
    %swap3A_302 = arith.index_cast %swap3A_301 : i32 to index
    %swap3A_303 = arith.constant 96 : index
    %swap3A_304 = tpu.vector_load %arg6[%swap3A_302, %swap3A_303] {strides = array<i32>} : memref<2x128xi32, #tpu.memory_space<vmem>>, vector<1x16xi32>,
    %swap3A_305 = vector.shape_cast %swap3A_304 : vector<1x16xi32> to vector<16xi32>
    %swap3A_306 = vector.shape_cast %shift_right_logical3A_300 : vector<16xi32> to vector<1x16xi32>
    tpu.vector_store %arg6[%swap3A_302, %swap3A_303], %swap3A_306 {strides = array<i32>} : memref<2x128xi32, #tpu.memory_space<vmem>>, vector<1x16xi32>,
    %and3A_307 = arith.constant 16383 : i32
    %and3A_308 = vector.broadcast %and3A_307 : i32 to vector<16xi32>
    %and3A_309 = arith.andi %get3A_297, %and3A_308 : vector<16xi32>
    %swap3A_310 = arith.constant 0 : i32
    %swap3A_311 = arith.index_cast %swap3A_310 : i32 to index
    %swap3A_312 = arith.constant 96 : index
    %swap3A_313 = tpu.vector_load %arg7[%swap3A_311, %swap3A_312] {strides = array<i32>} : memref<2x128xi32, #tpu.memory_space<vmem>>, vector<1x16xi32>,
    %swap3A_314 = vector.shape_cast %swap3A_313 : vector<1x16xi32> to vector<16xi32>
    %swap3A_315 = vector.shape_cast %and3A_309 : vector<16xi32> to vector<1x16xi32>
    tpu.vector_store %arg7[%swap3A_311, %swap3A_312], %swap3A_315 {strides = array<i32>} : memref<2x128xi32, #tpu.memory_space<vmem>>, vector<1x16xi32>,
    %get3A_316 = arith.constant 0 : i32
    %get3A_317 = arith.index_cast %get3A_316 : i32 to index
    %get3A_318 = arith.constant 112 : index
    %get3A_319 = tpu.vector_load %arg5[%get3A_317, %get3A_318] {strides = array<i32>} : memref<128x128xi32, #tpu.memory_space<vmem>>, vector<1x16xi32>,
    %get3A_320 = vector.shape_cast %get3A_319 : vector<1x16xi32> to vector<16xi32>
    %shift_right_logical3A_321 = arith.constant 14 : i32
    %shift_right_logical3A_322 = vector.broadcast %shift_right_logical3A_321 : i32 to vector<16xi32>
    %shift_right_logical3A_323 = arith.shrui %get3A_320, %shift_right_logical3A_322 : vector<16xi32>
    %swap3A_324 = arith.constant 0 : i32
    %swap3A_325 = arith.index_cast %swap3A_324 : i32 to index
    %swap3A_326 = arith.constant 112 : index
    %swap3A_327 = tpu.vector_load %arg6[%swap3A_325, %swap3A_326] {strides = array<i32>} : memref<2x128xi32, #tpu.memory_space<vmem>>, vector<1x16xi32>,
    %swap3A_328 = vector.shape_cast %swap3A_327 : vector<1x16xi32> to vector<16xi32>
    %swap3A_329 = vector.shape_cast %shift_right_logical3A_323 : vector<16xi32> to vector<1x16xi32>
    tpu.vector_store %arg6[%swap3A_325, %swap3A_326], %swap3A_329 {strides = array<i32>} : memref<2x128xi32, #tpu.memory_space<vmem>>, vector<1x16xi32>,
    %and3A_330 = arith.constant 16383 : i32
    %and3A_331 = vector.broadcast %and3A_330 : i32 to vector<16xi32>
    %and3A_332 = arith.andi %get3A_320, %and3A_331 : vector<16xi32>
    %swap3A_333 = arith.constant 0 : i32
    %swap3A_334 = arith.index_cast %swap3A_333 : i32 to index
    %swap3A_335 = arith.constant 112 : index
    %swap3A_336 = tpu.vector_load %arg7[%swap3A_334, %swap3A_335] {strides = array<i32>} : memref<2x128xi32, #tpu.memory_space<vmem>>, vector<1x16xi32>,
    %swap3A_337 = vector.shape_cast %swap3A_336 : vector<1x16xi32> to vector<16xi32>
    %swap3A_338 = vector.shape_cast %and3A_332 : vector<16xi32> to vector<1x16xi32>
    tpu.vector_store %arg7[%swap3A_334, %swap3A_335], %swap3A_338 {strides = array<i32>} : memref<2x128xi32, #tpu.memory_space<vmem>>, vector<1x16xi32>,
    %dma_start3A_339 = arith.constant 0 : i32
    %dma_start3A_340 = arith.constant 0 : i32
    %dma_start3A_341 = arith.constant 0 : i32
    %dma_start3A_342 = arith.constant 0 : i32
    %dma_start3A_343 = tpu.memref_slice %arg8[%dma_start3A_340, %dma_start3A_341, %dma_start3A_342] : memref<2x128x128xf32, #tpu.memory_space<vmem>> -> memref<1x128x128xf32, #tpu.memory_space<vmem>>
    %dma_start3A_344 = tpu.memref_squeeze %dma_start3A_343 : memref<1x128x128xf32, #tpu.memory_space<vmem>> -> memref<128x128xf32, #tpu.memory_space<vmem>>
    %dma_start3A_345 = arith.constant 0 : i32
    %dma_start3A_346 = tpu.memref_slice %arg6[%dma_start3A_339, %dma_start3A_345] : memref<2x128xi32, #tpu.memory_space<vmem>> -> memref<1x128xi32, #tpu.memory_space<vmem>>
    %dma_start3A_347 = tpu.memref_squeeze %dma_start3A_346 : memref<1x128xi32, #tpu.memory_space<vmem>> -> memref<128xi32, #tpu.memory_space<vmem>>
    %dma_start3A_348 = arith.constant 0 : i32
    %dma_start3A_349 = arith.constant 0 : i32
    %dma_start3A_350 = tpu.memref_slice %arg2[%dma_start3A_348, %dma_start3A_349] : memref<10016x128xf32, #tpu.memory_space<hbm>> -> memref<10016x128xf32, #tpu.memory_space<hbm>>
    tpu.enqueue_indirect_dma source(%dma_start3A_350 : memref<10016x128xf32, #tpu.memory_space<hbm>>) target(%dma_start3A_344 : memref<128x128xf32, #tpu.memory_space<vmem>>) offsets(%dma_start3A_347 : memref<128xi32, #tpu.memory_space<vmem>>) semaphore(%arg10 : memref<!tpu.dma_semaphore, #tpu.memory_space<semaphore_mem>>)
    %get3A_351 = arith.constant 1 : i32
    %get3A_352 = arith.index_cast %get3A_351 : i32 to index
    %get3A_353 = arith.constant 0 : index
    %get3A_354 = tpu.vector_load %arg5[%get3A_352, %get3A_353] {strides = array<i32>} : memref<128x128xi32, #tpu.memory_space<vmem>>, vector<1x16xi32>,
    %get3A_355 = vector.shape_cast %get3A_354 : vector<1x16xi32> to vector<16xi32>
    %shift_right_logical3A_356 = arith.constant 14 : i32
    %shift_right_logical3A_357 = vector.broadcast %shift_right_logical3A_356 : i32 to vector<16xi32>
    %shift_right_logical3A_358 = arith.shrui %get3A_355, %shift_right_logical3A_357 : vector<16xi32>
    %swap3A_359 = arith.constant 1 : i32
    %swap3A_360 = arith.index_cast %swap3A_359 : i32 to index
    %swap3A_361 = arith.constant 0 : index
    %swap3A_362 = tpu.vector_load %arg6[%swap3A_360, %swap3A_361] {strides = array<i32>} : memref<2x128xi32, #tpu.memory_space<vmem>>, vector<1x16xi32>,
    %swap3A_363 = vector.shape_cast %swap3A_362 : vector<1x16xi32> to vector<16xi32>
    %swap3A_364 = vector.shape_cast %shift_right_logical3A_358 : vector<16xi32> to vector<1x16xi32>
    tpu.vector_store %arg6[%swap3A_360, %swap3A_361], %swap3A_364 {strides = array<i32>} : memref<2x128xi32, #tpu.memory_space<vmem>>, vector<1x16xi32>,
    %and3A_365 = arith.constant 16383 : i32
    %and3A_366 = vector.broadcast %and3A_365 : i32 to vector<16xi32>
    %and3A_367 = arith.andi %get3A_355, %and3A_366 : vector<16xi32>
    %swap3A_368 = arith.constant 1 : i32
    %swap3A_369 = arith.index_cast %swap3A_368 : i32 to index
    %swap3A_370 = arith.constant 0 : index
    %swap3A_371 = tpu.vector_load %arg7[%swap3A_369, %swap3A_370] {strides = array<i32>} : memref<2x128xi32, #tpu.memory_space<vmem>>, vector<1x16xi32>,
    %swap3A_372 = vector.shape_cast %swap3A_371 : vector<1x16xi32> to vector<16xi32>
    %swap3A_373 = vector.shape_cast %and3A_367 : vector<16xi32> to vector<1x16xi32>
    tpu.vector_store %arg7[%swap3A_369, %swap3A_370], %swap3A_373 {strides = array<i32>} : memref<2x128xi32, #tpu.memory_space<vmem>>, vector<1x16xi32>,
    %get3A_374 = arith.constant 1 : i32
    %get3A_375 = arith.index_cast %get3A_374 : i32 to index
    %get3A_376 = arith.constant 16 : index
    %get3A_377 = tpu.vector_load %arg5[%get3A_375, %get3A_376] {strides = array<i32>} : memref<128x128xi32, #tpu.memory_space<vmem>>, vector<1x16xi32>,
    %get3A_378 = vector.shape_cast %get3A_377 : vector<1x16xi32> to vector<16xi32>
    %shift_right_logical3A_379 = arith.constant 14 : i32
    %shift_right_logical3A_380 = vector.broadcast %shift_right_logical3A_379 : i32 to vector<16xi32>
    %shift_right_logical3A_381 = arith.shrui %get3A_378, %shift_right_logical3A_380 : vector<16xi32>
    %swap3A_382 = arith.constant 1 : i32
    %swap3A_383 = arith.index_cast %swap3A_382 : i32 to index
    %swap3A_384 = arith.constant 16 : index
    %swap3A_385 = tpu.vector_load %arg6[%swap3A_383, %swap3A_384] {strides = array<i32>} : memref<2x128xi32, #tpu.memory_space<vmem>>, vector<1x16xi32>,
    %swap3A_386 = vector.shape_cast %swap3A_385 : vector<1x16xi32> to vector<16xi32>
    %swap3A_387 = vector.shape_cast %shift_right_logical3A_381 : vector<16xi32> to vector<1x16xi32>
    tpu.vector_store %arg6[%swap3A_383, %swap3A_384], %swap3A_387 {strides = array<i32>} : memref<2x128xi32, #tpu.memory_space<vmem>>, vector<1x16xi32>,
    %and3A_388 = arith.constant 16383 : i32
    %and3A_389 = vector.broadcast %and3A_388 : i32 to vector<16xi32>
    %and3A_390 = arith.andi %get3A_378, %and3A_389 : vector<16xi32>
    %swap3A_391 = arith.constant 1 : i32
    %swap3A_392 = arith.index_cast %swap3A_391 : i32 to index
    %swap3A_393 = arith.constant 16 : index
    %swap3A_394 = tpu.vector_load %arg7[%swap3A_392, %swap3A_393] {strides = array<i32>} : memref<2x128xi32, #tpu.memory_space<vmem>>, vector<1x16xi32>,
    %swap3A_395 = vector.shape_cast %swap3A_394 : vector<1x16xi32> to vector<16xi32>
    %swap3A_396 = vector.shape_cast %and3A_390 : vector<16xi32> to vector<1x16xi32>
    tpu.vector_store %arg7[%swap3A_392, %swap3A_393], %swap3A_396 {strides = array<i32>} : memref<2x128xi32, #tpu.memory_space<vmem>>, vector<1x16xi32>,
    %get3A_397 = arith.constant 1 : i32
    %get3A_398 = arith.index_cast %get3A_397 : i32 to index
    %get3A_399 = arith.constant 32 : index
    %get3A_400 = tpu.vector_load %arg5[%get3A_398, %get3A_399] {strides = array<i32>} : memref<128x128xi32, #tpu.memory_space<vmem>>, vector<1x16xi32>,
    %get3A_401 = vector.shape_cast %get3A_400 : vector<1x16xi32> to vector<16xi32>
    %shift_right_logical3A_402 = arith.constant 14 : i32
    %shift_right_logical3A_403 = vector.broadcast %shift_right_logical3A_402 : i32 to vector<16xi32>
    %shift_right_logical3A_404 = arith.shrui %get3A_401, %shift_right_logical3A_403 : vector<16xi32>
    %swap3A_405 = arith.constant 1 : i32
    %swap3A_406 = arith.index_cast %swap3A_405 : i32 to index
    %swap3A_407 = arith.constant 32 : index
    %swap3A_408 = tpu.vector_load %arg6[%swap3A_406, %swap3A_407] {strides = array<i32>} : memref<2x128xi32, #tpu.memory_space<vmem>>, vector<1x16xi32>,
    %swap3A_409 = vector.shape_cast %swap3A_408 : vector<1x16xi32> to vector<16xi32>
    %swap3A_410 = vector.shape_cast %shift_right_logical3A_404 : vector<16xi32> to vector<1x16xi32>
    tpu.vector_store %arg6[%swap3A_406, %swap3A_407], %swap3A_410 {strides = array<i32>} : memref<2x128xi32, #tpu.memory_space<vmem>>, vector<1x16xi32>,
    %and3A_411 = arith.constant 16383 : i32
    %and3A_412 = vector.broadcast %and3A_411 : i32 to vector<16xi32>
    %and3A_413 = arith.andi %get3A_401, %and3A_412 : vector<16xi32>
    %swap3A_414 = arith.constant 1 : i32
    %swap3A_415 = arith.index_cast %swap3A_414 : i32 to index
    %swap3A_416 = arith.constant 32 : index
    %swap3A_417 = tpu.vector_load %arg7[%swap3A_415, %swap3A_416] {strides = array<i32>} : memref<2x128xi32, #tpu.memory_space<vmem>>, vector<1x16xi32>,
    %swap3A_418 = vector.shape_cast %swap3A_417 : vector<1x16xi32> to vector<16xi32>
    %swap3A_419 = vector.shape_cast %and3A_413 : vector<16xi32> to vector<1x16xi32>
    tpu.vector_store %arg7[%swap3A_415, %swap3A_416], %swap3A_419 {strides = array<i32>} : memref<2x128xi32, #tpu.memory_space<vmem>>, vector<1x16xi32>,
    %get3A_420 = arith.constant 1 : i32
    %get3A_421 = arith.index_cast %get3A_420 : i32 to index
    %get3A_422 = arith.constant 48 : index
    %get3A_423 = tpu.vector_load %arg5[%get3A_421, %get3A_422] {strides = array<i32>} : memref<128x128xi32, #tpu.memory_space<vmem>>, vector<1x16xi32>,
    %get3A_424 = vector.shape_cast %get3A_423 : vector<1x16xi32> to vector<16xi32>
    %shift_right_logical3A_425 = arith.constant 14 : i32
    %shift_right_logical3A_426 = vector.broadcast %shift_right_logical3A_425 : i32 to vector<16xi32>
    %shift_right_logical3A_427 = arith.shrui %get3A_424, %shift_right_logical3A_426 : vector<16xi32>
    %swap3A_428 = arith.constant 1 : i32
    %swap3A_429 = arith.index_cast %swap3A_428 : i32 to index
    %swap3A_430 = arith.constant 48 : index
    %swap3A_431 = tpu.vector_load %arg6[%swap3A_429, %swap3A_430] {strides = array<i32>} : memref<2x128xi32, #tpu.memory_space<vmem>>, vector<1x16xi32>,
    %swap3A_432 = vector.shape_cast %swap3A_431 : vector<1x16xi32> to vector<16xi32>
    %swap3A_433 = vector.shape_cast %shift_right_logical3A_427 : vector<16xi32> to vector<1x16xi32>
    tpu.vector_store %arg6[%swap3A_429, %swap3A_430], %swap3A_433 {strides = array<i32>} : memref<2x128xi32, #tpu.memory_space<vmem>>, vector<1x16xi32>,
    %and3A_434 = arith.constant 16383 : i32
    %and3A_435 = vector.broadcast %and3A_434 : i32 to vector<16xi32>
    %and3A_436 = arith.andi %get3A_424, %and3A_435 : vector<16xi32>
    %swap3A_437 = arith.constant 1 : i32
    %swap3A_438 = arith.index_cast %swap3A_437 : i32 to index
    %swap3A_439 = arith.constant 48 : index
    %swap3A_440 = tpu.vector_load %arg7[%swap3A_438, %swap3A_439] {strides = array<i32>} : memref<2x128xi32, #tpu.memory_space<vmem>>, vector<1x16xi32>,
    %swap3A_441 = vector.shape_cast %swap3A_440 : vector<1x16xi32> to vector<16xi32>
    %swap3A_442 = vector.shape_cast %and3A_436 : vector<16xi32> to vector<1x16xi32>
    tpu.vector_store %arg7[%swap3A_438, %swap3A_439], %swap3A_442 {strides = array<i32>} : memref<2x128xi32, #tpu.memory_space<vmem>>, vector<1x16xi32>,
    %get3A_443 = arith.constant 1 : i32
    %get3A_444 = arith.index_cast %get3A_443 : i32 to index
    %get3A_445 = arith.constant 64 : index
    %get3A_446 = tpu.vector_load %arg5[%get3A_444, %get3A_445] {strides = array<i32>} : memref<128x128xi32, #tpu.memory_space<vmem>>, vector<1x16xi32>,
    %get3A_447 = vector.shape_cast %get3A_446 : vector<1x16xi32> to vector<16xi32>
    %shift_right_logical3A_448 = arith.constant 14 : i32
    %shift_right_logical3A_449 = vector.broadcast %shift_right_logical3A_448 : i32 to vector<16xi32>
    %shift_right_logical3A_450 = arith.shrui %get3A_447, %shift_right_logical3A_449 : vector<16xi32>
    %swap3A_451 = arith.constant 1 : i32
    %swap3A_452 = arith.index_cast %swap3A_451 : i32 to index
    %swap3A_453 = arith.constant 64 : index
    %swap3A_454 = tpu.vector_load %arg6[%swap3A_452, %swap3A_453] {strides = array<i32>} : memref<2x128xi32, #tpu.memory_space<vmem>>, vector<1x16xi32>,
    %swap3A_455 = vector.shape_cast %swap3A_454 : vector<1x16xi32> to vector<16xi32>
    %swap3A_456 = vector.shape_cast %shift_right_logical3A_450 : vector<16xi32> to vector<1x16xi32>
    tpu.vector_store %arg6[%swap3A_452, %swap3A_453], %swap3A_456 {strides = array<i32>} : memref<2x128xi32, #tpu.memory_space<vmem>>, vector<1x16xi32>,
    %and3A_457 = arith.constant 16383 : i32
    %and3A_458 = vector.broadcast %and3A_457 : i32 to vector<16xi32>
    %and3A_459 = arith.andi %get3A_447, %and3A_458 : vector<16xi32>
    %swap3A_460 = arith.constant 1 : i32
    %swap3A_461 = arith.index_cast %swap3A_460 : i32 to index
    %swap3A_462 = arith.constant 64 : index
    %swap3A_463 = tpu.vector_load %arg7[%swap3A_461, %swap3A_462] {strides = array<i32>} : memref<2x128xi32, #tpu.memory_space<vmem>>, vector<1x16xi32>,
    %swap3A_464 = vector.shape_cast %swap3A_463 : vector<1x16xi32> to vector<16xi32>
    %swap3A_465 = vector.shape_cast %and3A_459 : vector<16xi32> to vector<1x16xi32>
    tpu.vector_store %arg7[%swap3A_461, %swap3A_462], %swap3A_465 {strides = array<i32>} : memref<2x128xi32, #tpu.memory_space<vmem>>, vector<1x16xi32>,
    %get3A_466 = arith.constant 1 : i32
    %get3A_467 = arith.index_cast %get3A_466 : i32 to index
    %get3A_468 = arith.constant 80 : index
    %get3A_469 = tpu.vector_load %arg5[%get3A_467, %get3A_468] {strides = array<i32>} : memref<128x128xi32, #tpu.memory_space<vmem>>, vector<1x16xi32>,
    %get3A_470 = vector.shape_cast %get3A_469 : vector<1x16xi32> to vector<16xi32>
    %shift_right_logical3A_471 = arith.constant 14 : i32
    %shift_right_logical3A_472 = vector.broadcast %shift_right_logical3A_471 : i32 to vector<16xi32>
    %shift_right_logical3A_473 = arith.shrui %get3A_470, %shift_right_logical3A_472 : vector<16xi32>
    %swap3A_474 = arith.constant 1 : i32
    %swap3A_475 = arith.index_cast %swap3A_474 : i32 to index
    %swap3A_476 = arith.constant 80 : index
    %swap3A_477 = tpu.vector_load %arg6[%swap3A_475, %swap3A_476] {strides = array<i32>} : memref<2x128xi32, #tpu.memory_space<vmem>>, vector<1x16xi32>,
    %swap3A_478 = vector.shape_cast %swap3A_477 : vector<1x16xi32> to vector<16xi32>
    %swap3A_479 = vector.shape_cast %shift_right_logical3A_473 : vector<16xi32> to vector<1x16xi32>
    tpu.vector_store %arg6[%swap3A_475, %swap3A_476], %swap3A_479 {strides = array<i32>} : memref<2x128xi32, #tpu.memory_space<vmem>>, vector<1x16xi32>,
    %and3A_480 = arith.constant 16383 : i32
    %and3A_481 = vector.broadcast %and3A_480 : i32 to vector<16xi32>
    %and3A_482 = arith.andi %get3A_470, %and3A_481 : vector<16xi32>
    %swap3A_483 = arith.constant 1 : i32
    %swap3A_484 = arith.index_cast %swap3A_483 : i32 to index
    %swap3A_485 = arith.constant 80 : index
    %swap3A_486 = tpu.vector_load %arg7[%swap3A_484, %swap3A_485] {strides = array<i32>} : memref<2x128xi32, #tpu.memory_space<vmem>>, vector<1x16xi32>,
    %swap3A_487 = vector.shape_cast %swap3A_486 : vector<1x16xi32> to vector<16xi32>
    %swap3A_488 = vector.shape_cast %and3A_482 : vector<16xi32> to vector<1x16xi32>
    tpu.vector_store %arg7[%swap3A_484, %swap3A_485], %swap3A_488 {strides = array<i32>} : memref<2x128xi32, #tpu.memory_space<vmem>>, vector<1x16xi32>,
    %get3A_489 = arith.constant 1 : i32
    %get3A_490 = arith.index_cast %get3A_489 : i32 to index
    %get3A_491 = arith.constant 96 : index
    %get3A_492 = tpu.vector_load %arg5[%get3A_490, %get3A_491] {strides = array<i32>} : memref<128x128xi32, #tpu.memory_space<vmem>>, vector<1x16xi32>,
    %get3A_493 = vector.shape_cast %get3A_492 : vector<1x16xi32> to vector<16xi32>
    %shift_right_logical3A_494 = arith.constant 14 : i32
    %shift_right_logical3A_495 = vector.broadcast %shift_right_logical3A_494 : i32 to vector<16xi32>
    %shift_right_logical3A_496 = arith.shrui %get3A_493, %shift_right_logical3A_495 : vector<16xi32>
    %swap3A_497 = arith.constant 1 : i32
    %swap3A_498 = arith.index_cast %swap3A_497 : i32 to index
    %swap3A_499 = arith.constant 96 : index
    %swap3A_500 = tpu.vector_load %arg6[%swap3A_498, %swap3A_499] {strides = array<i32>} : memref<2x128xi32, #tpu.memory_space<vmem>>, vector<1x16xi32>,
    %swap3A_501 = vector.shape_cast %swap3A_500 : vector<1x16xi32> to vector<16xi32>
    %swap3A_502 = vector.shape_cast %shift_right_logical3A_496 : vector<16xi32> to vector<1x16xi32>
    tpu.vector_store %arg6[%swap3A_498, %swap3A_499], %swap3A_502 {strides = array<i32>} : memref<2x128xi32, #tpu.memory_space<vmem>>, vector<1x16xi32>,
    %and3A_503 = arith.constant 16383 : i32
    %and3A_504 = vector.broadcast %and3A_503 : i32 to vector<16xi32>
    %and3A_505 = arith.andi %get3A_493, %and3A_504 : vector<16xi32>
    %swap3A_506 = arith.constant 1 : i32
    %swap3A_507 = arith.index_cast %swap3A_506 : i32 to index
    %swap3A_508 = arith.constant 96 : index
    %swap3A_509 = tpu.vector_load %arg7[%swap3A_507, %swap3A_508] {strides = array<i32>} : memref<2x128xi32, #tpu.memory_space<vmem>>, vector<1x16xi32>,
    %swap3A_510 = vector.shape_cast %swap3A_509 : vector<1x16xi32> to vector<16xi32>
    %swap3A_511 = vector.shape_cast %and3A_505 : vector<16xi32> to vector<1x16xi32>
    tpu.vector_store %arg7[%swap3A_507, %swap3A_508], %swap3A_511 {strides = array<i32>} : memref<2x128xi32, #tpu.memory_space<vmem>>, vector<1x16xi32>,
    %get3A_512 = arith.constant 1 : i32
    %get3A_513 = arith.index_cast %get3A_512 : i32 to index
    %get3A_514 = arith.constant 112 : index
    %get3A_515 = tpu.vector_load %arg5[%get3A_513, %get3A_514] {strides = array<i32>} : memref<128x128xi32, #tpu.memory_space<vmem>>, vector<1x16xi32>,
    %get3A_516 = vector.shape_cast %get3A_515 : vector<1x16xi32> to vector<16xi32>
    %shift_right_logical3A_517 = arith.constant 14 : i32
    %shift_right_logical3A_518 = vector.broadcast %shift_right_logical3A_517 : i32 to vector<16xi32>
    %shift_right_logical3A_519 = arith.shrui %get3A_516, %shift_right_logical3A_518 : vector<16xi32>
    %swap3A_520 = arith.constant 1 : i32
    %swap3A_521 = arith.index_cast %swap3A_520 : i32 to index
    %swap3A_522 = arith.constant 112 : index
    %swap3A_523 = tpu.vector_load %arg6[%swap3A_521, %swap3A_522] {strides = array<i32>} : memref<2x128xi32, #tpu.memory_space<vmem>>, vector<1x16xi32>,
    %swap3A_524 = vector.shape_cast %swap3A_523 : vector<1x16xi32> to vector<16xi32>
    %swap3A_525 = vector.shape_cast %shift_right_logical3A_519 : vector<16xi32> to vector<1x16xi32>
    tpu.vector_store %arg6[%swap3A_521, %swap3A_522], %swap3A_525 {strides = array<i32>} : memref<2x128xi32, #tpu.memory_space<vmem>>, vector<1x16xi32>,
    %and3A_526 = arith.constant 16383 : i32
    %and3A_527 = vector.broadcast %and3A_526 : i32 to vector<16xi32>
    %and3A_528 = arith.andi %get3A_516, %and3A_527 : vector<16xi32>
    %swap3A_529 = arith.constant 1 : i32
    %swap3A_530 = arith.index_cast %swap3A_529 : i32 to index
    %swap3A_531 = arith.constant 112 : index
    %swap3A_532 = tpu.vector_load %arg7[%swap3A_530, %swap3A_531] {strides = array<i32>} : memref<2x128xi32, #tpu.memory_space<vmem>>, vector<1x16xi32>,
    %swap3A_533 = vector.shape_cast %swap3A_532 : vector<1x16xi32> to vector<16xi32>
    %swap3A_534 = vector.shape_cast %and3A_528 : vector<16xi32> to vector<1x16xi32>
    tpu.vector_store %arg7[%swap3A_530, %swap3A_531], %swap3A_534 {strides = array<i32>} : memref<2x128xi32, #tpu.memory_space<vmem>>, vector<1x16xi32>,
    %dma_start3A_535 = arith.constant 1 : i32
    %dma_start3A_536 = arith.constant 1 : i32
    %dma_start3A_537 = arith.constant 0 : i32
    %dma_start3A_538 = arith.constant 0 : i32
    %dma_start3A_539 = tpu.memref_slice %arg8[%dma_start3A_536, %dma_start3A_537, %dma_start3A_538] : memref<2x128x128xf32, #tpu.memory_space<vmem>> -> memref<1x128x128xf32, #tpu.memory_space<vmem>>
    %dma_start3A_540 = tpu.memref_squeeze %dma_start3A_539 : memref<1x128x128xf32, #tpu.memory_space<vmem>> -> memref<128x128xf32, #tpu.memory_space<vmem>>
    %dma_start3A_541 = arith.constant 0 : i32
    %dma_start3A_542 = tpu.memref_slice %arg6[%dma_start3A_535, %dma_start3A_541] : memref<2x128xi32, #tpu.memory_space<vmem>> -> memref<1x128xi32, #tpu.memory_space<vmem>>
    %dma_start3A_543 = tpu.memref_squeeze %dma_start3A_542 : memref<1x128xi32, #tpu.memory_space<vmem>> -> memref<128xi32, #tpu.memory_space<vmem>>
    %dma_start3A_544 = arith.constant 0 : i32
    %dma_start3A_545 = arith.constant 0 : i32
    %dma_start3A_546 = tpu.memref_slice %arg2[%dma_start3A_544, %dma_start3A_545] : memref<10016x128xf32, #tpu.memory_space<hbm>> -> memref<10016x128xf32, #tpu.memory_space<hbm>>
    tpu.enqueue_indirect_dma source(%dma_start3A_546 : memref<10016x128xf32, #tpu.memory_space<hbm>>) target(%dma_start3A_540 : memref<128x128xf32, #tpu.memory_space<vmem>>) offsets(%dma_start3A_543 : memref<128xi32, #tpu.memory_space<vmem>>) semaphore(%arg11 : memref<!tpu.dma_semaphore, #tpu.memory_space<semaphore_mem>>)
    %eq3A = arith.constant 0 : i32
    %eq3A_547 = arith.cmpi eq, %arg0, %eq3A : i32
    %jit3A = arith.constant 16 : i32
    %jit3A_548 = arith.constant 64 : i32
    %select_n3A = arith.select %eq3A_547, %jit3A, %jit3A_548 : i32
    %sub3A = arith.constant 1 : i32
    %sub3A_549 = arith.subi %select_n3A, %sub3A : i32
    %while3A = arith.constant 0 : i32
    %while3A_550 = arith.constant 0 : i32
    %while3A_551 = arith.subi %sub3A_549, %while3A : i32
    %while3A_552 = arith.addi %while3A, %while3A_551 : i32
    %while3A_553 = arith.constant 1 : i32
    %while3A_554 = arith.divsi %while3A_551, %while3A_553 : i32
    %while3A_555 = arith.muli %while3A_554, %while3A_553 : i32
    %while3A_556 = arith.addi %while3A, %while3A_555 : i32
    %while3A_557 = arith.constant 1 : i32
    %while3A_558 = scf.for %while3A_591 = %while3A to %while3A_556 step %while3A_557 iter_args(%while3A_592 = %while3A_550) -> (i32)  : i32 {
      %mul3A_593 = arith.constant 2 : i32
      %mul3A_594 = arith.muli %while3A_591, %mul3A_593 : i32
      %add3A_595 = arith.constant 0 : i32
      %add3A_596 = arith.addi %mul3A_594, %add3A_595 : i32
      %dma_wait3A_597 = arith.constant 0 : i32
      %dma_wait3A_598 = arith.constant 0 : i32
      %dma_wait3A_599 = arith.constant 0 : i32
      %dma_wait3A_600 = arith.constant 0 : i32
      %dma_wait3A_601 = tpu.memref_slice %arg8[%dma_wait3A_598, %dma_wait3A_599, %dma_wait3A_600] : memref<2x128x128xf32, #tpu.memory_space<vmem>> -> memref<1x128x128xf32, #tpu.memory_space<vmem>>
      %dma_wait3A_602 = tpu.memref_squeeze %dma_wait3A_601 : memref<1x128x128xf32, #tpu.memory_space<vmem>> -> memref<128x128xf32, #tpu.memory_space<vmem>>
      %dma_wait3A_603 = arith.constant 0 : i32
      %dma_wait3A_604 = tpu.memref_slice %arg6[%dma_wait3A_597, %dma_wait3A_603] : memref<2x128xi32, #tpu.memory_space<vmem>> -> memref<1x128xi32, #tpu.memory_space<vmem>>
      %dma_wait3A_605 = tpu.memref_squeeze %dma_wait3A_604 : memref<1x128xi32, #tpu.memory_space<vmem>> -> memref<128xi32, #tpu.memory_space<vmem>>
      %dma_wait3A_606 = arith.constant 0 : i32
      %dma_wait3A_607 = arith.constant 0 : i32
      %dma_wait3A_608 = tpu.memref_slice %arg2[%dma_wait3A_606, %dma_wait3A_607] : memref<10016x128xf32, #tpu.memory_space<hbm>> -> memref<10016x128xf32, #tpu.memory_space<hbm>>
      tpu.wait_indirect_dma semaphore(%arg10 : memref<!tpu.dma_semaphore, #tpu.memory_space<semaphore_mem>>) src(%dma_wait3A_608 : memref<10016x128xf32, #tpu.memory_space<hbm>>) dst(%dma_wait3A_602 : memref<128x128xf32, #tpu.memory_space<vmem>>)
      %run_scoped3A_609 = arith.constant 0 : i32
      %run_scoped3A_610 = arith.constant 0 : i32
      "tpu.region"() ({
        %run_scoped3A_1010 = tpu.sem_alloc : memref<!tpu.dma_semaphore, #tpu.memory_space<semaphore_mem>>
        %dma_start3A_1011 = arith.constant 0 : i32
        %dma_start3A_1012 = arith.constant 0 : i32
        %dma_start3A_1013 = tpu.memref_slice %arg8[%run_scoped3A_609, %dma_start3A_1011, %dma_start3A_1012] : memref<2x128x128xf32, #tpu.memory_space<vmem>> -> memref<1x128x128xf32, #tpu.memory_space<vmem>>
        %dma_start3A_1014 = tpu.memref_squeeze %dma_start3A_1013 : memref<1x128x128xf32, #tpu.memory_space<vmem>> -> memref<128x128xf32, #tpu.memory_space<vmem>>
        %dma_start3A_1015 = arith.constant 0 : i32
        %dma_start3A_1016 = tpu.memref_slice %arg7[%run_scoped3A_610, %dma_start3A_1015] : memref<2x128xi32, #tpu.memory_space<vmem>> -> memref<1x128xi32, #tpu.memory_space<vmem>>
        %dma_start3A_1017 = tpu.memref_squeeze %dma_start3A_1016 : memref<1x128xi32, #tpu.memory_space<vmem>> -> memref<128xi32, #tpu.memory_space<vmem>>
        %dma_start3A_1018 = arith.constant 0 : i32
        %dma_start3A_1019 = arith.constant 0 : i32
        %dma_start3A_1020 = tpu.memref_slice %arg9[%dma_start3A_1018, %dma_start3A_1019] : memref<10112x128xf32, #tpu.memory_space<vmem_shared>> -> memref<10112x128xf32, #tpu.memory_space<vmem_shared>>
        tpu.enqueue_indirect_dma source(%dma_start3A_1014 : memref<128x128xf32, #tpu.memory_space<vmem>>) target(%dma_start3A_1020 : memref<10112x128xf32, #tpu.memory_space<vmem_shared>>) offsets(%dma_start3A_1017 : memref<128xi32, #tpu.memory_space<vmem>>) semaphore(%run_scoped3A_1010 : memref<!tpu.dma_semaphore, #tpu.memory_space<semaphore_mem>>) {add = true}
        %dma_wait3A_1021 = arith.constant 0 : i32
        %dma_wait3A_1022 = arith.constant 0 : i32
        %dma_wait3A_1023 = tpu.memref_slice %arg8[%run_scoped3A_609, %dma_wait3A_1021, %dma_wait3A_1022] : memref<2x128x128xf32, #tpu.memory_space<vmem>> -> memref<1x128x128xf32, #tpu.memory_space<vmem>>
        %dma_wait3A_1024 = tpu.memref_squeeze %dma_wait3A_1023 : memref<1x128x128xf32, #tpu.memory_space<vmem>> -> memref<128x128xf32, #tpu.memory_space<vmem>>
        %dma_wait3A_1025 = arith.constant 0 : i32
        %dma_wait3A_1026 = tpu.memref_slice %arg7[%run_scoped3A_610, %dma_wait3A_1025] : memref<2x128xi32, #tpu.memory_space<vmem>> -> memref<1x128xi32, #tpu.memory_space<vmem>>
        %dma_wait3A_1027 = tpu.memref_squeeze %dma_wait3A_1026 : memref<1x128xi32, #tpu.memory_space<vmem>> -> memref<128xi32, #tpu.memory_space<vmem>>
        %dma_wait3A_1028 = arith.constant 0 : i32
        %dma_wait3A_1029 = arith.constant 0 : i32
        %dma_wait3A_1030 = tpu.memref_slice %arg9[%dma_wait3A_1028, %dma_wait3A_1029] : memref<10112x128xf32, #tpu.memory_space<vmem_shared>> -> memref<10112x128xf32, #tpu.memory_space<vmem_shared>>
        tpu.wait_indirect_dma semaphore(%run_scoped3A_1010 : memref<!tpu.dma_semaphore, #tpu.memory_space<semaphore_mem>>) src(%dma_wait3A_1024 : memref<128x128xf32, #tpu.memory_space<vmem>>) dst(%dma_wait3A_1030 : memref<10112x128xf32, #tpu.memory_space<vmem_shared>>)
        tpu.yield
      }) : () -> ()
      %add3A_611 = arith.constant 2 : i32
      %add3A_612 = arith.addi %add3A_596, %add3A_611 : i32
      %get3A_613 = arith.index_cast %add3A_612 : i32 to index
      %get3A_614 = arith.constant 0 : index
      %get3A_615 = tpu.vector_load %arg5[%get3A_613, %get3A_614] {strides = array<i32>} : memref<128x128xi32, #tpu.memory_space<vmem>>, vector<1x16xi32>,
      %get3A_616 = vector.shape_cast %get3A_615 : vector<1x16xi32> to vector<16xi32>
      %shift_right_logical3A_617 = arith.constant 14 : i32
      %shift_right_logical3A_618 = vector.broadcast %shift_right_logical3A_617 : i32 to vector<16xi32>
      %shift_right_logical3A_619 = arith.shrui %get3A_616, %shift_right_logical3A_618 : vector<16xi32>
      %swap3A_620 = arith.constant 0 : i32
      %swap3A_621 = arith.index_cast %swap3A_620 : i32 to index
      %swap3A_622 = arith.constant 0 : index
      %swap3A_623 = tpu.vector_load %arg6[%swap3A_621, %swap3A_622] {strides = array<i32>} : memref<2x128xi32, #tpu.memory_space<vmem>>, vector<1x16xi32>,
      %swap3A_624 = vector.shape_cast %swap3A_623 : vector<1x16xi32> to vector<16xi32>
      %swap3A_625 = vector.shape_cast %shift_right_logical3A_619 : vector<16xi32> to vector<1x16xi32>
      tpu.vector_store %arg6[%swap3A_621, %swap3A_622], %swap3A_625 {strides = array<i32>} : memref<2x128xi32, #tpu.memory_space<vmem>>, vector<1x16xi32>,
      %and3A_626 = arith.constant 16383 : i32
      %and3A_627 = vector.broadcast %and3A_626 : i32 to vector<16xi32>
      %and3A_628 = arith.andi %get3A_616, %and3A_627 : vector<16xi32>
      %swap3A_629 = arith.constant 0 : i32
      %swap3A_630 = arith.index_cast %swap3A_629 : i32 to index
      %swap3A_631 = arith.constant 0 : index
      %swap3A_632 = tpu.vector_load %arg7[%swap3A_630, %swap3A_631] {strides = array<i32>} : memref<2x128xi32, #tpu.memory_space<vmem>>, vector<1x16xi32>,
      %swap3A_633 = vector.shape_cast %swap3A_632 : vector<1x16xi32> to vector<16xi32>
      %swap3A_634 = vector.shape_cast %and3A_628 : vector<16xi32> to vector<1x16xi32>
      tpu.vector_store %arg7[%swap3A_630, %swap3A_631], %swap3A_634 {strides = array<i32>} : memref<2x128xi32, #tpu.memory_space<vmem>>, vector<1x16xi32>,
      %get3A_635 = arith.index_cast %add3A_612 : i32 to index
      %get3A_636 = arith.constant 16 : index
      %get3A_637 = tpu.vector_load %arg5[%get3A_635, %get3A_636] {strides = array<i32>} : memref<128x128xi32, #tpu.memory_space<vmem>>, vector<1x16xi32>,
      %get3A_638 = vector.shape_cast %get3A_637 : vector<1x16xi32> to vector<16xi32>
      %shift_right_logical3A_639 = arith.constant 14 : i32
      %shift_right_logical3A_640 = vector.broadcast %shift_right_logical3A_639 : i32 to vector<16xi32>
      %shift_right_logical3A_641 = arith.shrui %get3A_638, %shift_right_logical3A_640 : vector<16xi32>
      %swap3A_642 = arith.constant 0 : i32
      %swap3A_643 = arith.index_cast %swap3A_642 : i32 to index
      %swap3A_644 = arith.constant 16 : index
      %swap3A_645 = tpu.vector_load %arg6[%swap3A_643, %swap3A_644] {strides = array<i32>} : memref<2x128xi32, #tpu.memory_space<vmem>>, vector<1x16xi32>,
      %swap3A_646 = vector.shape_cast %swap3A_645 : vector<1x16xi32> to vector<16xi32>
      %swap3A_647 = vector.shape_cast %shift_right_logical3A_641 : vector<16xi32> to vector<1x16xi32>
      tpu.vector_store %arg6[%swap3A_643, %swap3A_644], %swap3A_647 {strides = array<i32>} : memref<2x128xi32, #tpu.memory_space<vmem>>, vector<1x16xi32>,
      %and3A_648 = arith.constant 16383 : i32
      %and3A_649 = vector.broadcast %and3A_648 : i32 to vector<16xi32>
      %and3A_650 = arith.andi %get3A_638, %and3A_649 : vector<16xi32>
      %swap3A_651 = arith.constant 0 : i32
      %swap3A_652 = arith.index_cast %swap3A_651 : i32 to index
      %swap3A_653 = arith.constant 16 : index
      %swap3A_654 = tpu.vector_load %arg7[%swap3A_652, %swap3A_653] {strides = array<i32>} : memref<2x128xi32, #tpu.memory_space<vmem>>, vector<1x16xi32>,
      %swap3A_655 = vector.shape_cast %swap3A_654 : vector<1x16xi32> to vector<16xi32>
      %swap3A_656 = vector.shape_cast %and3A_650 : vector<16xi32> to vector<1x16xi32>
      tpu.vector_store %arg7[%swap3A_652, %swap3A_653], %swap3A_656 {strides = array<i32>} : memref<2x128xi32, #tpu.memory_space<vmem>>, vector<1x16xi32>,
      %get3A_657 = arith.index_cast %add3A_612 : i32 to index
      %get3A_658 = arith.constant 32 : index
      %get3A_659 = tpu.vector_load %arg5[%get3A_657, %get3A_658] {strides = array<i32>} : memref<128x128xi32, #tpu.memory_space<vmem>>, vector<1x16xi32>,
      %get3A_660 = vector.shape_cast %get3A_659 : vector<1x16xi32> to vector<16xi32>
      %shift_right_logical3A_661 = arith.constant 14 : i32
      %shift_right_logical3A_662 = vector.broadcast %shift_right_logical3A_661 : i32 to vector<16xi32>
      %shift_right_logical3A_663 = arith.shrui %get3A_660, %shift_right_logical3A_662 : vector<16xi32>
      %swap3A_664 = arith.constant 0 : i32
      %swap3A_665 = arith.index_cast %swap3A_664 : i32 to index
      %swap3A_666 = arith.constant 32 : index
      %swap3A_667 = tpu.vector_load %arg6[%swap3A_665, %swap3A_666] {strides = array<i32>} : memref<2x128xi32, #tpu.memory_space<vmem>>, vector<1x16xi32>,
      %swap3A_668 = vector.shape_cast %swap3A_667 : vector<1x16xi32> to vector<16xi32>
      %swap3A_669 = vector.shape_cast %shift_right_logical3A_663 : vector<16xi32> to vector<1x16xi32>
      tpu.vector_store %arg6[%swap3A_665, %swap3A_666], %swap3A_669 {strides = array<i32>} : memref<2x128xi32, #tpu.memory_space<vmem>>, vector<1x16xi32>,
      %and3A_670 = arith.constant 16383 : i32
      %and3A_671 = vector.broadcast %and3A_670 : i32 to vector<16xi32>
      %and3A_672 = arith.andi %get3A_660, %and3A_671 : vector<16xi32>
      %swap3A_673 = arith.constant 0 : i32
      %swap3A_674 = arith.index_cast %swap3A_673 : i32 to index
      %swap3A_675 = arith.constant 32 : index
      %swap3A_676 = tpu.vector_load %arg7[%swap3A_674, %swap3A_675] {strides = array<i32>} : memref<2x128xi32, #tpu.memory_space<vmem>>, vector<1x16xi32>,
      %swap3A_677 = vector.shape_cast %swap3A_676 : vector<1x16xi32> to vector<16xi32>
      %swap3A_678 = vector.shape_cast %and3A_672 : vector<16xi32> to vector<1x16xi32>
      tpu.vector_store %arg7[%swap3A_674, %swap3A_675], %swap3A_678 {strides = array<i32>} : memref<2x128xi32, #tpu.memory_space<vmem>>, vector<1x16xi32>,
      %get3A_679 = arith.index_cast %add3A_612 : i32 to index
      %get3A_680 = arith.constant 48 : index
      %get3A_681 = tpu.vector_load %arg5[%get3A_679, %get3A_680] {strides = array<i32>} : memref<128x128xi32, #tpu.memory_space<vmem>>, vector<1x16xi32>,
      %get3A_682 = vector.shape_cast %get3A_681 : vector<1x16xi32> to vector<16xi32>
      %shift_right_logical3A_683 = arith.constant 14 : i32
      %shift_right_logical3A_684 = vector.broadcast %shift_right_logical3A_683 : i32 to vector<16xi32>
      %shift_right_logical3A_685 = arith.shrui %get3A_682, %shift_right_logical3A_684 : vector<16xi32>
      %swap3A_686 = arith.constant 0 : i32
      %swap3A_687 = arith.index_cast %swap3A_686 : i32 to index
      %swap3A_688 = arith.constant 48 : index
      %swap3A_689 = tpu.vector_load %arg6[%swap3A_687, %swap3A_688] {strides = array<i32>} : memref<2x128xi32, #tpu.memory_space<vmem>>, vector<1x16xi32>,
      %swap3A_690 = vector.shape_cast %swap3A_689 : vector<1x16xi32> to vector<16xi32>
      %swap3A_691 = vector.shape_cast %shift_right_logical3A_685 : vector<16xi32> to vector<1x16xi32>
      tpu.vector_store %arg6[%swap3A_687, %swap3A_688], %swap3A_691 {strides = array<i32>} : memref<2x128xi32, #tpu.memory_space<vmem>>, vector<1x16xi32>,
      %and3A_692 = arith.constant 16383 : i32
      %and3A_693 = vector.broadcast %and3A_692 : i32 to vector<16xi32>
      %and3A_694 = arith.andi %get3A_682, %and3A_693 : vector<16xi32>
      %swap3A_695 = arith.constant 0 : i32
      %swap3A_696 = arith.index_cast %swap3A_695 : i32 to index
      %swap3A_697 = arith.constant 48 : index
      %swap3A_698 = tpu.vector_load %arg7[%swap3A_696, %swap3A_697] {strides = array<i32>} : memref<2x128xi32, #tpu.memory_space<vmem>>, vector<1x16xi32>,
      %swap3A_699 = vector.shape_cast %swap3A_698 : vector<1x16xi32> to vector<16xi32>
      %swap3A_700 = vector.shape_cast %and3A_694 : vector<16xi32> to vector<1x16xi32>
      tpu.vector_store %arg7[%swap3A_696, %swap3A_697], %swap3A_700 {strides = array<i32>} : memref<2x128xi32, #tpu.memory_space<vmem>>, vector<1x16xi32>,
      %get3A_701 = arith.index_cast %add3A_612 : i32 to index
      %get3A_702 = arith.constant 64 : index
      %get3A_703 = tpu.vector_load %arg5[%get3A_701, %get3A_702] {strides = array<i32>} : memref<128x128xi32, #tpu.memory_space<vmem>>, vector<1x16xi32>,
      %get3A_704 = vector.shape_cast %get3A_703 : vector<1x16xi32> to vector<16xi32>
      %shift_right_logical3A_705 = arith.constant 14 : i32
      %shift_right_logical3A_706 = vector.broadcast %shift_right_logical3A_705 : i32 to vector<16xi32>
      %shift_right_logical3A_707 = arith.shrui %get3A_704, %shift_right_logical3A_706 : vector<16xi32>
      %swap3A_708 = arith.constant 0 : i32
      %swap3A_709 = arith.index_cast %swap3A_708 : i32 to index
      %swap3A_710 = arith.constant 64 : index
      %swap3A_711 = tpu.vector_load %arg6[%swap3A_709, %swap3A_710] {strides = array<i32>} : memref<2x128xi32, #tpu.memory_space<vmem>>, vector<1x16xi32>,
      %swap3A_712 = vector.shape_cast %swap3A_711 : vector<1x16xi32> to vector<16xi32>
      %swap3A_713 = vector.shape_cast %shift_right_logical3A_707 : vector<16xi32> to vector<1x16xi32>
      tpu.vector_store %arg6[%swap3A_709, %swap3A_710], %swap3A_713 {strides = array<i32>} : memref<2x128xi32, #tpu.memory_space<vmem>>, vector<1x16xi32>,
      %and3A_714 = arith.constant 16383 : i32
      %and3A_715 = vector.broadcast %and3A_714 : i32 to vector<16xi32>
      %and3A_716 = arith.andi %get3A_704, %and3A_715 : vector<16xi32>
      %swap3A_717 = arith.constant 0 : i32
      %swap3A_718 = arith.index_cast %swap3A_717 : i32 to index
      %swap3A_719 = arith.constant 64 : index
      %swap3A_720 = tpu.vector_load %arg7[%swap3A_718, %swap3A_719] {strides = array<i32>} : memref<2x128xi32, #tpu.memory_space<vmem>>, vector<1x16xi32>,
      %swap3A_721 = vector.shape_cast %swap3A_720 : vector<1x16xi32> to vector<16xi32>
      %swap3A_722 = vector.shape_cast %and3A_716 : vector<16xi32> to vector<1x16xi32>
      tpu.vector_store %arg7[%swap3A_718, %swap3A_719], %swap3A_722 {strides = array<i32>} : memref<2x128xi32, #tpu.memory_space<vmem>>, vector<1x16xi32>,
      %get3A_723 = arith.index_cast %add3A_612 : i32 to index
      %get3A_724 = arith.constant 80 : index
      %get3A_725 = tpu.vector_load %arg5[%get3A_723, %get3A_724] {strides = array<i32>} : memref<128x128xi32, #tpu.memory_space<vmem>>, vector<1x16xi32>,
      %get3A_726 = vector.shape_cast %get3A_725 : vector<1x16xi32> to vector<16xi32>
      %shift_right_logical3A_727 = arith.constant 14 : i32
      %shift_right_logical3A_728 = vector.broadcast %shift_right_logical3A_727 : i32 to vector<16xi32>
      %shift_right_logical3A_729 = arith.shrui %get3A_726, %shift_right_logical3A_728 : vector<16xi32>
      %swap3A_730 = arith.constant 0 : i32
      %swap3A_731 = arith.index_cast %swap3A_730 : i32 to index
      %swap3A_732 = arith.constant 80 : index
      %swap3A_733 = tpu.vector_load %arg6[%swap3A_731, %swap3A_732] {strides = array<i32>} : memref<2x128xi32, #tpu.memory_space<vmem>>, vector<1x16xi32>,
      %swap3A_734 = vector.shape_cast %swap3A_733 : vector<1x16xi32> to vector<16xi32>
      %swap3A_735 = vector.shape_cast %shift_right_logical3A_729 : vector<16xi32> to vector<1x16xi32>
      tpu.vector_store %arg6[%swap3A_731, %swap3A_732], %swap3A_735 {strides = array<i32>} : memref<2x128xi32, #tpu.memory_space<vmem>>, vector<1x16xi32>,
      %and3A_736 = arith.constant 16383 : i32
      %and3A_737 = vector.broadcast %and3A_736 : i32 to vector<16xi32>
      %and3A_738 = arith.andi %get3A_726, %and3A_737 : vector<16xi32>
      %swap3A_739 = arith.constant 0 : i32
      %swap3A_740 = arith.index_cast %swap3A_739 : i32 to index
      %swap3A_741 = arith.constant 80 : index
      %swap3A_742 = tpu.vector_load %arg7[%swap3A_740, %swap3A_741] {strides = array<i32>} : memref<2x128xi32, #tpu.memory_space<vmem>>, vector<1x16xi32>,
      %swap3A_743 = vector.shape_cast %swap3A_742 : vector<1x16xi32> to vector<16xi32>
      %swap3A_744 = vector.shape_cast %and3A_738 : vector<16xi32> to vector<1x16xi32>
      tpu.vector_store %arg7[%swap3A_740, %swap3A_741], %swap3A_744 {strides = array<i32>} : memref<2x128xi32, #tpu.memory_space<vmem>>, vector<1x16xi32>,
      %get3A_745 = arith.index_cast %add3A_612 : i32 to index
      %get3A_746 = arith.constant 96 : index
      %get3A_747 = tpu.vector_load %arg5[%get3A_745, %get3A_746] {strides = array<i32>} : memref<128x128xi32, #tpu.memory_space<vmem>>, vector<1x16xi32>,
      %get3A_748 = vector.shape_cast %get3A_747 : vector<1x16xi32> to vector<16xi32>
      %shift_right_logical3A_749 = arith.constant 14 : i32
      %shift_right_logical3A_750 = vector.broadcast %shift_right_logical3A_749 : i32 to vector<16xi32>
      %shift_right_logical3A_751 = arith.shrui %get3A_748, %shift_right_logical3A_750 : vector<16xi32>
      %swap3A_752 = arith.constant 0 : i32
      %swap3A_753 = arith.index_cast %swap3A_752 : i32 to index
      %swap3A_754 = arith.constant 96 : index
      %swap3A_755 = tpu.vector_load %arg6[%swap3A_753, %swap3A_754] {strides = array<i32>} : memref<2x128xi32, #tpu.memory_space<vmem>>, vector<1x16xi32>,
      %swap3A_756 = vector.shape_cast %swap3A_755 : vector<1x16xi32> to vector<16xi32>
      %swap3A_757 = vector.shape_cast %shift_right_logical3A_751 : vector<16xi32> to vector<1x16xi32>
      tpu.vector_store %arg6[%swap3A_753, %swap3A_754], %swap3A_757 {strides = array<i32>} : memref<2x128xi32, #tpu.memory_space<vmem>>, vector<1x16xi32>,
      %and3A_758 = arith.constant 16383 : i32
      %and3A_759 = vector.broadcast %and3A_758 : i32 to vector<16xi32>
      %and3A_760 = arith.andi %get3A_748, %and3A_759 : vector<16xi32>
      %swap3A_761 = arith.constant 0 : i32
      %swap3A_762 = arith.index_cast %swap3A_761 : i32 to index
      %swap3A_763 = arith.constant 96 : index
      %swap3A_764 = tpu.vector_load %arg7[%swap3A_762, %swap3A_763] {strides = array<i32>} : memref<2x128xi32, #tpu.memory_space<vmem>>, vector<1x16xi32>,
      %swap3A_765 = vector.shape_cast %swap3A_764 : vector<1x16xi32> to vector<16xi32>
      %swap3A_766 = vector.shape_cast %and3A_760 : vector<16xi32> to vector<1x16xi32>
      tpu.vector_store %arg7[%swap3A_762, %swap3A_763], %swap3A_766 {strides = array<i32>} : memref<2x128xi32, #tpu.memory_space<vmem>>, vector<1x16xi32>,
      %get3A_767 = arith.index_cast %add3A_612 : i32 to index
      %get3A_768 = arith.constant 112 : index
      %get3A_769 = tpu.vector_load %arg5[%get3A_767, %get3A_768] {strides = array<i32>} : memref<128x128xi32, #tpu.memory_space<vmem>>, vector<1x16xi32>,
      %get3A_770 = vector.shape_cast %get3A_769 : vector<1x16xi32> to vector<16xi32>
      %shift_right_logical3A_771 = arith.constant 14 : i32
      %shift_right_logical3A_772 = vector.broadcast %shift_right_logical3A_771 : i32 to vector<16xi32>
      %shift_right_logical3A_773 = arith.shrui %get3A_770, %shift_right_logical3A_772 : vector<16xi32>
      %swap3A_774 = arith.constant 0 : i32
      %swap3A_775 = arith.index_cast %swap3A_774 : i32 to index
      %swap3A_776 = arith.constant 112 : index
      %swap3A_777 = tpu.vector_load %arg6[%swap3A_775, %swap3A_776] {strides = array<i32>} : memref<2x128xi32, #tpu.memory_space<vmem>>, vector<1x16xi32>,
      %swap3A_778 = vector.shape_cast %swap3A_777 : vector<1x16xi32> to vector<16xi32>
      %swap3A_779 = vector.shape_cast %shift_right_logical3A_773 : vector<16xi32> to vector<1x16xi32>
      tpu.vector_store %arg6[%swap3A_775, %swap3A_776], %swap3A_779 {strides = array<i32>} : memref<2x128xi32, #tpu.memory_space<vmem>>, vector<1x16xi32>,
      %and3A_780 = arith.constant 16383 : i32
      %and3A_781 = vector.broadcast %and3A_780 : i32 to vector<16xi32>
      %and3A_782 = arith.andi %get3A_770, %and3A_781 : vector<16xi32>
      %swap3A_783 = arith.constant 0 : i32
      %swap3A_784 = arith.index_cast %swap3A_783 : i32 to index
      %swap3A_785 = arith.constant 112 : index
      %swap3A_786 = tpu.vector_load %arg7[%swap3A_784, %swap3A_785] {strides = array<i32>} : memref<2x128xi32, #tpu.memory_space<vmem>>, vector<1x16xi32>,
      %swap3A_787 = vector.shape_cast %swap3A_786 : vector<1x16xi32> to vector<16xi32>
      %swap3A_788 = vector.shape_cast %and3A_782 : vector<16xi32> to vector<1x16xi32>
      tpu.vector_store %arg7[%swap3A_784, %swap3A_785], %swap3A_788 {strides = array<i32>} : memref<2x128xi32, #tpu.memory_space<vmem>>, vector<1x16xi32>,
      %dma_start3A_789 = arith.constant 0 : i32
      %dma_start3A_790 = arith.constant 0 : i32
      %dma_start3A_791 = arith.constant 0 : i32
      %dma_start3A_792 = arith.constant 0 : i32
      %dma_start3A_793 = tpu.memref_slice %arg8[%dma_start3A_790, %dma_start3A_791, %dma_start3A_792] : memref<2x128x128xf32, #tpu.memory_space<vmem>> -> memref<1x128x128xf32, #tpu.memory_space<vmem>>
      %dma_start3A_794 = tpu.memref_squeeze %dma_start3A_793 : memref<1x128x128xf32, #tpu.memory_space<vmem>> -> memref<128x128xf32, #tpu.memory_space<vmem>>
      %dma_start3A_795 = arith.constant 0 : i32
      %dma_start3A_796 = tpu.memref_slice %arg6[%dma_start3A_789, %dma_start3A_795] : memref<2x128xi32, #tpu.memory_space<vmem>> -> memref<1x128xi32, #tpu.memory_space<vmem>>
      %dma_start3A_797 = tpu.memref_squeeze %dma_start3A_796 : memref<1x128xi32, #tpu.memory_space<vmem>> -> memref<128xi32, #tpu.memory_space<vmem>>
      %dma_start3A_798 = arith.constant 0 : i32
      %dma_start3A_799 = arith.constant 0 : i32
      %dma_start3A_800 = tpu.memref_slice %arg2[%dma_start3A_798, %dma_start3A_799] : memref<10016x128xf32, #tpu.memory_space<hbm>> -> memref<10016x128xf32, #tpu.memory_space<hbm>>
      tpu.enqueue_indirect_dma source(%dma_start3A_800 : memref<10016x128xf32, #tpu.memory_space<hbm>>) target(%dma_start3A_794 : memref<128x128xf32, #tpu.memory_space<vmem>>) offsets(%dma_start3A_797 : memref<128xi32, #tpu.memory_space<vmem>>) semaphore(%arg10 : memref<!tpu.dma_semaphore, #tpu.memory_space<semaphore_mem>>)
      %mul3A_801 = arith.constant 2 : i32
      %mul3A_802 = arith.muli %while3A_591, %mul3A_801 : i32
      %add3A_803 = arith.constant 1 : i32
      %add3A_804 = arith.addi %mul3A_802, %add3A_803 : i32
      %dma_wait3A_805 = arith.constant 1 : i32
      %dma_wait3A_806 = arith.constant 1 : i32
      %dma_wait3A_807 = arith.constant 0 : i32
      %dma_wait3A_808 = arith.constant 0 : i32
      %dma_wait3A_809 = tpu.memref_slice %arg8[%dma_wait3A_806, %dma_wait3A_807, %dma_wait3A_808] : memref<2x128x128xf32, #tpu.memory_space<vmem>> -> memref<1x128x128xf32, #tpu.memory_space<vmem>>
      %dma_wait3A_810 = tpu.memref_squeeze %dma_wait3A_809 : memref<1x128x128xf32, #tpu.memory_space<vmem>> -> memref<128x128xf32, #tpu.memory_space<vmem>>
      %dma_wait3A_811 = arith.constant 0 : i32
      %dma_wait3A_812 = tpu.memref_slice %arg6[%dma_wait3A_805, %dma_wait3A_811] : memref<2x128xi32, #tpu.memory_space<vmem>> -> memref<1x128xi32, #tpu.memory_space<vmem>>
      %dma_wait3A_813 = tpu.memref_squeeze %dma_wait3A_812 : memref<1x128xi32, #tpu.memory_space<vmem>> -> memref<128xi32, #tpu.memory_space<vmem>>
      %dma_wait3A_814 = arith.constant 0 : i32
      %dma_wait3A_815 = arith.constant 0 : i32
      %dma_wait3A_816 = tpu.memref_slice %arg2[%dma_wait3A_814, %dma_wait3A_815] : memref<10016x128xf32, #tpu.memory_space<hbm>> -> memref<10016x128xf32, #tpu.memory_space<hbm>>
      tpu.wait_indirect_dma semaphore(%arg11 : memref<!tpu.dma_semaphore, #tpu.memory_space<semaphore_mem>>) src(%dma_wait3A_816 : memref<10016x128xf32, #tpu.memory_space<hbm>>) dst(%dma_wait3A_810 : memref<128x128xf32, #tpu.memory_space<vmem>>)
      %run_scoped3A_817 = arith.constant 1 : i32
      %run_scoped3A_818 = arith.constant 1 : i32
      "tpu.region"() ({
        %run_scoped3A_1010 = tpu.sem_alloc : memref<!tpu.dma_semaphore, #tpu.memory_space<semaphore_mem>>
        %dma_start3A_1011 = arith.constant 0 : i32
        %dma_start3A_1012 = arith.constant 0 : i32
        %dma_start3A_1013 = tpu.memref_slice %arg8[%run_scoped3A_817, %dma_start3A_1011, %dma_start3A_1012] : memref<2x128x128xf32, #tpu.memory_space<vmem>> -> memref<1x128x128xf32, #tpu.memory_space<vmem>>
        %dma_start3A_1014 = tpu.memref_squeeze %dma_start3A_1013 : memref<1x128x128xf32, #tpu.memory_space<vmem>> -> memref<128x128xf32, #tpu.memory_space<vmem>>
        %dma_start3A_1015 = arith.constant 0 : i32
        %dma_start3A_1016 = tpu.memref_slice %arg7[%run_scoped3A_818, %dma_start3A_1015] : memref<2x128xi32, #tpu.memory_space<vmem>> -> memref<1x128xi32, #tpu.memory_space<vmem>>
        %dma_start3A_1017 = tpu.memref_squeeze %dma_start3A_1016 : memref<1x128xi32, #tpu.memory_space<vmem>> -> memref<128xi32, #tpu.memory_space<vmem>>
        %dma_start3A_1018 = arith.constant 0 : i32
        %dma_start3A_1019 = arith.constant 0 : i32
        %dma_start3A_1020 = tpu.memref_slice %arg9[%dma_start3A_1018, %dma_start3A_1019] : memref<10112x128xf32, #tpu.memory_space<vmem_shared>> -> memref<10112x128xf32, #tpu.memory_space<vmem_shared>>
        tpu.enqueue_indirect_dma source(%dma_start3A_1014 : memref<128x128xf32, #tpu.memory_space<vmem>>) target(%dma_start3A_1020 : memref<10112x128xf32, #tpu.memory_space<vmem_shared>>) offsets(%dma_start3A_1017 : memref<128xi32, #tpu.memory_space<vmem>>) semaphore(%run_scoped3A_1010 : memref<!tpu.dma_semaphore, #tpu.memory_space<semaphore_mem>>) {add = true}
        %dma_wait3A_1021 = arith.constant 0 : i32
        %dma_wait3A_1022 = arith.constant 0 : i32
        %dma_wait3A_1023 = tpu.memref_slice %arg8[%run_scoped3A_817, %dma_wait3A_1021, %dma_wait3A_1022] : memref<2x128x128xf32, #tpu.memory_space<vmem>> -> memref<1x128x128xf32, #tpu.memory_space<vmem>>
        %dma_wait3A_1024 = tpu.memref_squeeze %dma_wait3A_1023 : memref<1x128x128xf32, #tpu.memory_space<vmem>> -> memref<128x128xf32, #tpu.memory_space<vmem>>
        %dma_wait3A_1025 = arith.constant 0 : i32
        %dma_wait3A_1026 = tpu.memref_slice %arg7[%run_scoped3A_818, %dma_wait3A_1025] : memref<2x128xi32, #tpu.memory_space<vmem>> -> memref<1x128xi32, #tpu.memory_space<vmem>>
        %dma_wait3A_1027 = tpu.memref_squeeze %dma_wait3A_1026 : memref<1x128xi32, #tpu.memory_space<vmem>> -> memref<128xi32, #tpu.memory_space<vmem>>
        %dma_wait3A_1028 = arith.constant 0 : i32
        %dma_wait3A_1029 = arith.constant 0 : i32
        %dma_wait3A_1030 = tpu.memref_slice %arg9[%dma_wait3A_1028, %dma_wait3A_1029] : memref<10112x128xf32, #tpu.memory_space<vmem_shared>> -> memref<10112x128xf32, #tpu.memory_space<vmem_shared>>
        tpu.wait_indirect_dma semaphore(%run_scoped3A_1010 : memref<!tpu.dma_semaphore, #tpu.memory_space<semaphore_mem>>) src(%dma_wait3A_1024 : memref<128x128xf32, #tpu.memory_space<vmem>>) dst(%dma_wait3A_1030 : memref<10112x128xf32, #tpu.memory_space<vmem_shared>>)
        tpu.yield
      }) : () -> ()
      %add3A_819 = arith.constant 2 : i32
      %add3A_820 = arith.addi %add3A_804, %add3A_819 : i32
      %get3A_821 = arith.index_cast %add3A_820 : i32 to index
      %get3A_822 = arith.constant 0 : index
      %get3A_823 = tpu.vector_load %arg5[%get3A_821, %get3A_822] {strides = array<i32>} : memref<128x128xi32, #tpu.memory_space<vmem>>, vector<1x16xi32>,
      %get3A_824 = vector.shape_cast %get3A_823 : vector<1x16xi32> to vector<16xi32>
      %shift_right_logical3A_825 = arith.constant 14 : i32
      %shift_right_logical3A_826 = vector.broadcast %shift_right_logical3A_825 : i32 to vector<16xi32>
      %shift_right_logical3A_827 = arith.shrui %get3A_824, %shift_right_logical3A_826 : vector<16xi32>
      %swap3A_828 = arith.constant 1 : i32
      %swap3A_829 = arith.index_cast %swap3A_828 : i32 to index
      %swap3A_830 = arith.constant 0 : index
      %swap3A_831 = tpu.vector_load %arg6[%swap3A_829, %swap3A_830] {strides = array<i32>} : memref<2x128xi32, #tpu.memory_space<vmem>>, vector<1x16xi32>,
      %swap3A_832 = vector.shape_cast %swap3A_831 : vector<1x16xi32> to vector<16xi32>
      %swap3A_833 = vector.shape_cast %shift_right_logical3A_827 : vector<16xi32> to vector<1x16xi32>
      tpu.vector_store %arg6[%swap3A_829, %swap3A_830], %swap3A_833 {strides = array<i32>} : memref<2x128xi32, #tpu.memory_space<vmem>>, vector<1x16xi32>,
      %and3A_834 = arith.constant 16383 : i32
      %and3A_835 = vector.broadcast %and3A_834 : i32 to vector<16xi32>
      %and3A_836 = arith.andi %get3A_824, %and3A_835 : vector<16xi32>
      %swap3A_837 = arith.constant 1 : i32
      %swap3A_838 = arith.index_cast %swap3A_837 : i32 to index
      %swap3A_839 = arith.constant 0 : index
      %swap3A_840 = tpu.vector_load %arg7[%swap3A_838, %swap3A_839] {strides = array<i32>} : memref<2x128xi32, #tpu.memory_space<vmem>>, vector<1x16xi32>,
      %swap3A_841 = vector.shape_cast %swap3A_840 : vector<1x16xi32> to vector<16xi32>
      %swap3A_842 = vector.shape_cast %and3A_836 : vector<16xi32> to vector<1x16xi32>
      tpu.vector_store %arg7[%swap3A_838, %swap3A_839], %swap3A_842 {strides = array<i32>} : memref<2x128xi32, #tpu.memory_space<vmem>>, vector<1x16xi32>,
      %get3A_843 = arith.index_cast %add3A_820 : i32 to index
      %get3A_844 = arith.constant 16 : index
      %get3A_845 = tpu.vector_load %arg5[%get3A_843, %get3A_844] {strides = array<i32>} : memref<128x128xi32, #tpu.memory_space<vmem>>, vector<1x16xi32>,
      %get3A_846 = vector.shape_cast %get3A_845 : vector<1x16xi32> to vector<16xi32>
      %shift_right_logical3A_847 = arith.constant 14 : i32
      %shift_right_logical3A_848 = vector.broadcast %shift_right_logical3A_847 : i32 to vector<16xi32>
      %shift_right_logical3A_849 = arith.shrui %get3A_846, %shift_right_logical3A_848 : vector<16xi32>
      %swap3A_850 = arith.constant 1 : i32
      %swap3A_851 = arith.index_cast %swap3A_850 : i32 to index
      %swap3A_852 = arith.constant 16 : index
      %swap3A_853 = tpu.vector_load %arg6[%swap3A_851, %swap3A_852] {strides = array<i32>} : memref<2x128xi32, #tpu.memory_space<vmem>>, vector<1x16xi32>,
      %swap3A_854 = vector.shape_cast %swap3A_853 : vector<1x16xi32> to vector<16xi32>
      %swap3A_855 = vector.shape_cast %shift_right_logical3A_849 : vector<16xi32> to vector<1x16xi32>
      tpu.vector_store %arg6[%swap3A_851, %swap3A_852], %swap3A_855 {strides = array<i32>} : memref<2x128xi32, #tpu.memory_space<vmem>>, vector<1x16xi32>,
      %and3A_856 = arith.constant 16383 : i32
      %and3A_857 = vector.broadcast %and3A_856 : i32 to vector<16xi32>
      %and3A_858 = arith.andi %get3A_846, %and3A_857 : vector<16xi32>
      %swap3A_859 = arith.constant 1 : i32
      %swap3A_860 = arith.index_cast %swap3A_859 : i32 to index
      %swap3A_861 = arith.constant 16 : index
      %swap3A_862 = tpu.vector_load %arg7[%swap3A_860, %swap3A_861] {strides = array<i32>} : memref<2x128xi32, #tpu.memory_space<vmem>>, vector<1x16xi32>,
      %swap3A_863 = vector.shape_cast %swap3A_862 : vector<1x16xi32> to vector<16xi32>
      %swap3A_864 = vector.shape_cast %and3A_858 : vector<16xi32> to vector<1x16xi32>
      tpu.vector_store %arg7[%swap3A_860, %swap3A_861], %swap3A_864 {strides = array<i32>} : memref<2x128xi32, #tpu.memory_space<vmem>>, vector<1x16xi32>,
      %get3A_865 = arith.index_cast %add3A_820 : i32 to index
      %get3A_866 = arith.constant 32 : index
      %get3A_867 = tpu.vector_load %arg5[%get3A_865, %get3A_866] {strides = array<i32>} : memref<128x128xi32, #tpu.memory_space<vmem>>, vector<1x16xi32>,
      %get3A_868 = vector.shape_cast %get3A_867 : vector<1x16xi32> to vector<16xi32>
      %shift_right_logical3A_869 = arith.constant 14 : i32
      %shift_right_logical3A_870 = vector.broadcast %shift_right_logical3A_869 : i32 to vector<16xi32>
      %shift_right_logical3A_871 = arith.shrui %get3A_868, %shift_right_logical3A_870 : vector<16xi32>
      %swap3A_872 = arith.constant 1 : i32
      %swap3A_873 = arith.index_cast %swap3A_872 : i32 to index
      %swap3A_874 = arith.constant 32 : index
      %swap3A_875 = tpu.vector_load %arg6[%swap3A_873, %swap3A_874] {strides = array<i32>} : memref<2x128xi32, #tpu.memory_space<vmem>>, vector<1x16xi32>,
      %swap3A_876 = vector.shape_cast %swap3A_875 : vector<1x16xi32> to vector<16xi32>
      %swap3A_877 = vector.shape_cast %shift_right_logical3A_871 : vector<16xi32> to vector<1x16xi32>
      tpu.vector_store %arg6[%swap3A_873, %swap3A_874], %swap3A_877 {strides = array<i32>} : memref<2x128xi32, #tpu.memory_space<vmem>>, vector<1x16xi32>,
      %and3A_878 = arith.constant 16383 : i32
      %and3A_879 = vector.broadcast %and3A_878 : i32 to vector<16xi32>
      %and3A_880 = arith.andi %get3A_868, %and3A_879 : vector<16xi32>
      %swap3A_881 = arith.constant 1 : i32
      %swap3A_882 = arith.index_cast %swap3A_881 : i32 to index
      %swap3A_883 = arith.constant 32 : index
      %swap3A_884 = tpu.vector_load %arg7[%swap3A_882, %swap3A_883] {strides = array<i32>} : memref<2x128xi32, #tpu.memory_space<vmem>>, vector<1x16xi32>,
      %swap3A_885 = vector.shape_cast %swap3A_884 : vector<1x16xi32> to vector<16xi32>
      %swap3A_886 = vector.shape_cast %and3A_880 : vector<16xi32> to vector<1x16xi32>
      tpu.vector_store %arg7[%swap3A_882, %swap3A_883], %swap3A_886 {strides = array<i32>} : memref<2x128xi32, #tpu.memory_space<vmem>>, vector<1x16xi32>,
      %get3A_887 = arith.index_cast %add3A_820 : i32 to index
      %get3A_888 = arith.constant 48 : index
      %get3A_889 = tpu.vector_load %arg5[%get3A_887, %get3A_888] {strides = array<i32>} : memref<128x128xi32, #tpu.memory_space<vmem>>, vector<1x16xi32>,
      %get3A_890 = vector.shape_cast %get3A_889 : vector<1x16xi32> to vector<16xi32>
      %shift_right_logical3A_891 = arith.constant 14 : i32
      %shift_right_logical3A_892 = vector.broadcast %shift_right_logical3A_891 : i32 to vector<16xi32>
      %shift_right_logical3A_893 = arith.shrui %get3A_890, %shift_right_logical3A_892 : vector<16xi32>
      %swap3A_894 = arith.constant 1 : i32
      %swap3A_895 = arith.index_cast %swap3A_894 : i32 to index
      %swap3A_896 = arith.constant 48 : index
      %swap3A_897 = tpu.vector_load %arg6[%swap3A_895, %swap3A_896] {strides = array<i32>} : memref<2x128xi32, #tpu.memory_space<vmem>>, vector<1x16xi32>,
      %swap3A_898 = vector.shape_cast %swap3A_897 : vector<1x16xi32> to vector<16xi32>
      %swap3A_899 = vector.shape_cast %shift_right_logical3A_893 : vector<16xi32> to vector<1x16xi32>
      tpu.vector_store %arg6[%swap3A_895, %swap3A_896], %swap3A_899 {strides = array<i32>} : memref<2x128xi32, #tpu.memory_space<vmem>>, vector<1x16xi32>,
      %and3A_900 = arith.constant 16383 : i32
      %and3A_901 = vector.broadcast %and3A_900 : i32 to vector<16xi32>
      %and3A_902 = arith.andi %get3A_890, %and3A_901 : vector<16xi32>
      %swap3A_903 = arith.constant 1 : i32
      %swap3A_904 = arith.index_cast %swap3A_903 : i32 to index
      %swap3A_905 = arith.constant 48 : index
      %swap3A_906 = tpu.vector_load %arg7[%swap3A_904, %swap3A_905] {strides = array<i32>} : memref<2x128xi32, #tpu.memory_space<vmem>>, vector<1x16xi32>,
      %swap3A_907 = vector.shape_cast %swap3A_906 : vector<1x16xi32> to vector<16xi32>
      %swap3A_908 = vector.shape_cast %and3A_902 : vector<16xi32> to vector<1x16xi32>
      tpu.vector_store %arg7[%swap3A_904, %swap3A_905], %swap3A_908 {strides = array<i32>} : memref<2x128xi32, #tpu.memory_space<vmem>>, vector<1x16xi32>,
      %get3A_909 = arith.index_cast %add3A_820 : i32 to index
      %get3A_910 = arith.constant 64 : index
      %get3A_911 = tpu.vector_load %arg5[%get3A_909, %get3A_910] {strides = array<i32>} : memref<128x128xi32, #tpu.memory_space<vmem>>, vector<1x16xi32>,
      %get3A_912 = vector.shape_cast %get3A_911 : vector<1x16xi32> to vector<16xi32>
      %shift_right_logical3A_913 = arith.constant 14 : i32
      %shift_right_logical3A_914 = vector.broadcast %shift_right_logical3A_913 : i32 to vector<16xi32>
      %shift_right_logical3A_915 = arith.shrui %get3A_912, %shift_right_logical3A_914 : vector<16xi32>
      %swap3A_916 = arith.constant 1 : i32
      %swap3A_917 = arith.index_cast %swap3A_916 : i32 to index
      %swap3A_918 = arith.constant 64 : index
      %swap3A_919 = tpu.vector_load %arg6[%swap3A_917, %swap3A_918] {strides = array<i32>} : memref<2x128xi32, #tpu.memory_space<vmem>>, vector<1x16xi32>,
      %swap3A_920 = vector.shape_cast %swap3A_919 : vector<1x16xi32> to vector<16xi32>
      %swap3A_921 = vector.shape_cast %shift_right_logical3A_915 : vector<16xi32> to vector<1x16xi32>
      tpu.vector_store %arg6[%swap3A_917, %swap3A_918], %swap3A_921 {strides = array<i32>} : memref<2x128xi32, #tpu.memory_space<vmem>>, vector<1x16xi32>,
      %and3A_922 = arith.constant 16383 : i32
      %and3A_923 = vector.broadcast %and3A_922 : i32 to vector<16xi32>
      %and3A_924 = arith.andi %get3A_912, %and3A_923 : vector<16xi32>
      %swap3A_925 = arith.constant 1 : i32
      %swap3A_926 = arith.index_cast %swap3A_925 : i32 to index
      %swap3A_927 = arith.constant 64 : index
      %swap3A_928 = tpu.vector_load %arg7[%swap3A_926, %swap3A_927] {strides = array<i32>} : memref<2x128xi32, #tpu.memory_space<vmem>>, vector<1x16xi32>,
      %swap3A_929 = vector.shape_cast %swap3A_928 : vector<1x16xi32> to vector<16xi32>
      %swap3A_930 = vector.shape_cast %and3A_924 : vector<16xi32> to vector<1x16xi32>
      tpu.vector_store %arg7[%swap3A_926, %swap3A_927], %swap3A_930 {strides = array<i32>} : memref<2x128xi32, #tpu.memory_space<vmem>>, vector<1x16xi32>,
      %get3A_931 = arith.index_cast %add3A_820 : i32 to index
      %get3A_932 = arith.constant 80 : index
      %get3A_933 = tpu.vector_load %arg5[%get3A_931, %get3A_932] {strides = array<i32>} : memref<128x128xi32, #tpu.memory_space<vmem>>, vector<1x16xi32>,
      %get3A_934 = vector.shape_cast %get3A_933 : vector<1x16xi32> to vector<16xi32>
      %shift_right_logical3A_935 = arith.constant 14 : i32
      %shift_right_logical3A_936 = vector.broadcast %shift_right_logical3A_935 : i32 to vector<16xi32>
      %shift_right_logical3A_937 = arith.shrui %get3A_934, %shift_right_logical3A_936 : vector<16xi32>
      %swap3A_938 = arith.constant 1 : i32
      %swap3A_939 = arith.index_cast %swap3A_938 : i32 to index
      %swap3A_940 = arith.constant 80 : index
      %swap3A_941 = tpu.vector_load %arg6[%swap3A_939, %swap3A_940] {strides = array<i32>} : memref<2x128xi32, #tpu.memory_space<vmem>>, vector<1x16xi32>,
      %swap3A_942 = vector.shape_cast %swap3A_941 : vector<1x16xi32> to vector<16xi32>
      %swap3A_943 = vector.shape_cast %shift_right_logical3A_937 : vector<16xi32> to vector<1x16xi32>
      tpu.vector_store %arg6[%swap3A_939, %swap3A_940], %swap3A_943 {strides = array<i32>} : memref<2x128xi32, #tpu.memory_space<vmem>>, vector<1x16xi32>,
      %and3A_944 = arith.constant 16383 : i32
      %and3A_945 = vector.broadcast %and3A_944 : i32 to vector<16xi32>
      %and3A_946 = arith.andi %get3A_934, %and3A_945 : vector<16xi32>
      %swap3A_947 = arith.constant 1 : i32
      %swap3A_948 = arith.index_cast %swap3A_947 : i32 to index
      %swap3A_949 = arith.constant 80 : index
      %swap3A_950 = tpu.vector_load %arg7[%swap3A_948, %swap3A_949] {strides = array<i32>} : memref<2x128xi32, #tpu.memory_space<vmem>>, vector<1x16xi32>,
      %swap3A_951 = vector.shape_cast %swap3A_950 : vector<1x16xi32> to vector<16xi32>
      %swap3A_952 = vector.shape_cast %and3A_946 : vector<16xi32> to vector<1x16xi32>
      tpu.vector_store %arg7[%swap3A_948, %swap3A_949], %swap3A_952 {strides = array<i32>} : memref<2x128xi32, #tpu.memory_space<vmem>>, vector<1x16xi32>,
      %get3A_953 = arith.index_cast %add3A_820 : i32 to index
      %get3A_954 = arith.constant 96 : index
      %get3A_955 = tpu.vector_load %arg5[%get3A_953, %get3A_954] {strides = array<i32>} : memref<128x128xi32, #tpu.memory_space<vmem>>, vector<1x16xi32>,
      %get3A_956 = vector.shape_cast %get3A_955 : vector<1x16xi32> to vector<16xi32>
      %shift_right_logical3A_957 = arith.constant 14 : i32
      %shift_right_logical3A_958 = vector.broadcast %shift_right_logical3A_957 : i32 to vector<16xi32>
      %shift_right_logical3A_959 = arith.shrui %get3A_956, %shift_right_logical3A_958 : vector<16xi32>
      %swap3A_960 = arith.constant 1 : i32
      %swap3A_961 = arith.index_cast %swap3A_960 : i32 to index
      %swap3A_962 = arith.constant 96 : index
      %swap3A_963 = tpu.vector_load %arg6[%swap3A_961, %swap3A_962] {strides = array<i32>} : memref<2x128xi32, #tpu.memory_space<vmem>>, vector<1x16xi32>,
      %swap3A_964 = vector.shape_cast %swap3A_963 : vector<1x16xi32> to vector<16xi32>
      %swap3A_965 = vector.shape_cast %shift_right_logical3A_959 : vector<16xi32> to vector<1x16xi32>
      tpu.vector_store %arg6[%swap3A_961, %swap3A_962], %swap3A_965 {strides = array<i32>} : memref<2x128xi32, #tpu.memory_space<vmem>>, vector<1x16xi32>,
      %and3A_966 = arith.constant 16383 : i32
      %and3A_967 = vector.broadcast %and3A_966 : i32 to vector<16xi32>
      %and3A_968 = arith.andi %get3A_956, %and3A_967 : vector<16xi32>
      %swap3A_969 = arith.constant 1 : i32
      %swap3A_970 = arith.index_cast %swap3A_969 : i32 to index
      %swap3A_971 = arith.constant 96 : index
      %swap3A_972 = tpu.vector_load %arg7[%swap3A_970, %swap3A_971] {strides = array<i32>} : memref<2x128xi32, #tpu.memory_space<vmem>>, vector<1x16xi32>,
      %swap3A_973 = vector.shape_cast %swap3A_972 : vector<1x16xi32> to vector<16xi32>
      %swap3A_974 = vector.shape_cast %and3A_968 : vector<16xi32> to vector<1x16xi32>
      tpu.vector_store %arg7[%swap3A_970, %swap3A_971], %swap3A_974 {strides = array<i32>} : memref<2x128xi32, #tpu.memory_space<vmem>>, vector<1x16xi32>,
      %get3A_975 = arith.index_cast %add3A_820 : i32 to index
      %get3A_976 = arith.constant 112 : index
      %get3A_977 = tpu.vector_load %arg5[%get3A_975, %get3A_976] {strides = array<i32>} : memref<128x128xi32, #tpu.memory_space<vmem>>, vector<1x16xi32>,
      %get3A_978 = vector.shape_cast %get3A_977 : vector<1x16xi32> to vector<16xi32>
      %shift_right_logical3A_979 = arith.constant 14 : i32
      %shift_right_logical3A_980 = vector.broadcast %shift_right_logical3A_979 : i32 to vector<16xi32>
      %shift_right_logical3A_981 = arith.shrui %get3A_978, %shift_right_logical3A_980 : vector<16xi32>
      %swap3A_982 = arith.constant 1 : i32
      %swap3A_983 = arith.index_cast %swap3A_982 : i32 to index
      %swap3A_984 = arith.constant 112 : index
      %swap3A_985 = tpu.vector_load %arg6[%swap3A_983, %swap3A_984] {strides = array<i32>} : memref<2x128xi32, #tpu.memory_space<vmem>>, vector<1x16xi32>,
      %swap3A_986 = vector.shape_cast %swap3A_985 : vector<1x16xi32> to vector<16xi32>
      %swap3A_987 = vector.shape_cast %shift_right_logical3A_981 : vector<16xi32> to vector<1x16xi32>
      tpu.vector_store %arg6[%swap3A_983, %swap3A_984], %swap3A_987 {strides = array<i32>} : memref<2x128xi32, #tpu.memory_space<vmem>>, vector<1x16xi32>,
      %and3A_988 = arith.constant 16383 : i32
      %and3A_989 = vector.broadcast %and3A_988 : i32 to vector<16xi32>
      %and3A_990 = arith.andi %get3A_978, %and3A_989 : vector<16xi32>
      %swap3A_991 = arith.constant 1 : i32
      %swap3A_992 = arith.index_cast %swap3A_991 : i32 to index
      %swap3A_993 = arith.constant 112 : index
      %swap3A_994 = tpu.vector_load %arg7[%swap3A_992, %swap3A_993] {strides = array<i32>} : memref<2x128xi32, #tpu.memory_space<vmem>>, vector<1x16xi32>,
      %swap3A_995 = vector.shape_cast %swap3A_994 : vector<1x16xi32> to vector<16xi32>
      %swap3A_996 = vector.shape_cast %and3A_990 : vector<16xi32> to vector<1x16xi32>
      tpu.vector_store %arg7[%swap3A_992, %swap3A_993], %swap3A_996 {strides = array<i32>} : memref<2x128xi32, #tpu.memory_space<vmem>>, vector<1x16xi32>,
      %dma_start3A_997 = arith.constant 1 : i32
      %dma_start3A_998 = arith.constant 1 : i32
      %dma_start3A_999 = arith.constant 0 : i32
      %dma_start3A_1000 = arith.constant 0 : i32
      %dma_start3A_1001 = tpu.memref_slice %arg8[%dma_start3A_998, %dma_start3A_999, %dma_start3A_1000] : memref<2x128x128xf32, #tpu.memory_space<vmem>> -> memref<1x128x128xf32, #tpu.memory_space<vmem>>
      %dma_start3A_1002 = tpu.memref_squeeze %dma_start3A_1001 : memref<1x128x128xf32, #tpu.memory_space<vmem>> -> memref<128x128xf32, #tpu.memory_space<vmem>>
      %dma_start3A_1003 = arith.constant 0 : i32
      %dma_start3A_1004 = tpu.memref_slice %arg6[%dma_start3A_997, %dma_start3A_1003] : memref<2x128xi32, #tpu.memory_space<vmem>> -> memref<1x128xi32, #tpu.memory_space<vmem>>
      %dma_start3A_1005 = tpu.memref_squeeze %dma_start3A_1004 : memref<1x128xi32, #tpu.memory_space<vmem>> -> memref<128xi32, #tpu.memory_space<vmem>>
      %dma_start3A_1006 = arith.constant 0 : i32
      %dma_start3A_1007 = arith.constant 0 : i32
      %dma_start3A_1008 = tpu.memref_slice %arg2[%dma_start3A_1006, %dma_start3A_1007] : memref<10016x128xf32, #tpu.memory_space<hbm>> -> memref<10016x128xf32, #tpu.memory_space<hbm>>
      tpu.enqueue_indirect_dma source(%dma_start3A_1008 : memref<10016x128xf32, #tpu.memory_space<hbm>>) target(%dma_start3A_1002 : memref<128x128xf32, #tpu.memory_space<vmem>>) offsets(%dma_start3A_1005 : memref<128xi32, #tpu.memory_space<vmem>>) semaphore(%arg11 : memref<!tpu.dma_semaphore, #tpu.memory_space<semaphore_mem>>)
      %while3A_1009 = arith.constant 0 : i32
      scf.yield %while3A_1009 : i32
    }
    %while3A_559 = arith.constant 1 : i32
    %while3A_560 = scf.for %while3A_591 = %while3A_556 to %while3A_552 step %while3A_559 iter_args(%while3A_592 = %while3A_558) -> (i32)  : i32 {
      %mul3A_593 = arith.constant 2 : i32
      %mul3A_594 = arith.muli %while3A_591, %mul3A_593 : i32
      %add3A_595 = arith.constant 0 : i32
      %add3A_596 = arith.addi %mul3A_594, %add3A_595 : i32
      %dma_wait3A_597 = arith.constant 0 : i32
      %dma_wait3A_598 = arith.constant 0 : i32
      %dma_wait3A_599 = arith.constant 0 : i32
      %dma_wait3A_600 = arith.constant 0 : i32
      %dma_wait3A_601 = tpu.memref_slice %arg8[%dma_wait3A_598, %dma_wait3A_599, %dma_wait3A_600] : memref<2x128x128xf32, #tpu.memory_space<vmem>> -> memref<1x128x128xf32, #tpu.memory_space<vmem>>
      %dma_wait3A_602 = tpu.memref_squeeze %dma_wait3A_601 : memref<1x128x128xf32, #tpu.memory_space<vmem>> -> memref<128x128xf32, #tpu.memory_space<vmem>>
      %dma_wait3A_603 = arith.constant 0 : i32
      %dma_wait3A_604 = tpu.memref_slice %arg6[%dma_wait3A_597, %dma_wait3A_603] : memref<2x128xi32, #tpu.memory_space<vmem>> -> memref<1x128xi32, #tpu.memory_space<vmem>>
      %dma_wait3A_605 = tpu.memref_squeeze %dma_wait3A_604 : memref<1x128xi32, #tpu.memory_space<vmem>> -> memref<128xi32, #tpu.memory_space<vmem>>
      %dma_wait3A_606 = arith.constant 0 : i32
      %dma_wait3A_607 = arith.constant 0 : i32
      %dma_wait3A_608 = tpu.memref_slice %arg2[%dma_wait3A_606, %dma_wait3A_607] : memref<10016x128xf32, #tpu.memory_space<hbm>> -> memref<10016x128xf32, #tpu.memory_space<hbm>>
      tpu.wait_indirect_dma semaphore(%arg10 : memref<!tpu.dma_semaphore, #tpu.memory_space<semaphore_mem>>) src(%dma_wait3A_608 : memref<10016x128xf32, #tpu.memory_space<hbm>>) dst(%dma_wait3A_602 : memref<128x128xf32, #tpu.memory_space<vmem>>)
      %run_scoped3A_609 = arith.constant 0 : i32
      %run_scoped3A_610 = arith.constant 0 : i32
      "tpu.region"() ({
        %run_scoped3A_1010 = tpu.sem_alloc : memref<!tpu.dma_semaphore, #tpu.memory_space<semaphore_mem>>
        %dma_start3A_1011 = arith.constant 0 : i32
        %dma_start3A_1012 = arith.constant 0 : i32
        %dma_start3A_1013 = tpu.memref_slice %arg8[%run_scoped3A_609, %dma_start3A_1011, %dma_start3A_1012] : memref<2x128x128xf32, #tpu.memory_space<vmem>> -> memref<1x128x128xf32, #tpu.memory_space<vmem>>
        %dma_start3A_1014 = tpu.memref_squeeze %dma_start3A_1013 : memref<1x128x128xf32, #tpu.memory_space<vmem>> -> memref<128x128xf32, #tpu.memory_space<vmem>>
        %dma_start3A_1015 = arith.constant 0 : i32
        %dma_start3A_1016 = tpu.memref_slice %arg7[%run_scoped3A_610, %dma_start3A_1015] : memref<2x128xi32, #tpu.memory_space<vmem>> -> memref<1x128xi32, #tpu.memory_space<vmem>>
        %dma_start3A_1017 = tpu.memref_squeeze %dma_start3A_1016 : memref<1x128xi32, #tpu.memory_space<vmem>> -> memref<128xi32, #tpu.memory_space<vmem>>
        %dma_start3A_1018 = arith.constant 0 : i32
        %dma_start3A_1019 = arith.constant 0 : i32
        %dma_start3A_1020 = tpu.memref_slice %arg9[%dma_start3A_1018, %dma_start3A_1019] : memref<10112x128xf32, #tpu.memory_space<vmem_shared>> -> memref<10112x128xf32, #tpu.memory_space<vmem_shared>>
        tpu.enqueue_indirect_dma source(%dma_start3A_1014 : memref<128x128xf32, #tpu.memory_space<vmem>>) target(%dma_start3A_1020 : memref<10112x128xf32, #tpu.memory_space<vmem_shared>>) offsets(%dma_start3A_1017 : memref<128xi32, #tpu.memory_space<vmem>>) semaphore(%run_scoped3A_1010 : memref<!tpu.dma_semaphore, #tpu.memory_space<semaphore_mem>>) {add = true}
        %dma_wait3A_1021 = arith.constant 0 : i32
        %dma_wait3A_1022 = arith.constant 0 : i32
        %dma_wait3A_1023 = tpu.memref_slice %arg8[%run_scoped3A_609, %dma_wait3A_1021, %dma_wait3A_1022] : memref<2x128x128xf32, #tpu.memory_space<vmem>> -> memref<1x128x128xf32, #tpu.memory_space<vmem>>
        %dma_wait3A_1024 = tpu.memref_squeeze %dma_wait3A_1023 : memref<1x128x128xf32, #tpu.memory_space<vmem>> -> memref<128x128xf32, #tpu.memory_space<vmem>>
        %dma_wait3A_1025 = arith.constant 0 : i32
        %dma_wait3A_1026 = tpu.memref_slice %arg7[%run_scoped3A_610, %dma_wait3A_1025] : memref<2x128xi32, #tpu.memory_space<vmem>> -> memref<1x128xi32, #tpu.memory_space<vmem>>
        %dma_wait3A_1027 = tpu.memref_squeeze %dma_wait3A_1026 : memref<1x128xi32, #tpu.memory_space<vmem>> -> memref<128xi32, #tpu.memory_space<vmem>>
        %dma_wait3A_1028 = arith.constant 0 : i32
        %dma_wait3A_1029 = arith.constant 0 : i32
        %dma_wait3A_1030 = tpu.memref_slice %arg9[%dma_wait3A_1028, %dma_wait3A_1029] : memref<10112x128xf32, #tpu.memory_space<vmem_shared>> -> memref<10112x128xf32, #tpu.memory_space<vmem_shared>>
        tpu.wait_indirect_dma semaphore(%run_scoped3A_1010 : memref<!tpu.dma_semaphore, #tpu.memory_space<semaphore_mem>>) src(%dma_wait3A_1024 : memref<128x128xf32, #tpu.memory_space<vmem>>) dst(%dma_wait3A_1030 : memref<10112x128xf32, #tpu.memory_space<vmem_shared>>)
        tpu.yield
      }) : () -> ()
      %add3A_611 = arith.constant 2 : i32
      %add3A_612 = arith.addi %add3A_596, %add3A_611 : i32
      %get3A_613 = arith.index_cast %add3A_612 : i32 to index
      %get3A_614 = arith.constant 0 : index
      %get3A_615 = tpu.vector_load %arg5[%get3A_613, %get3A_614] {strides = array<i32>} : memref<128x128xi32, #tpu.memory_space<vmem>>, vector<1x16xi32>,
      %get3A_616 = vector.shape_cast %get3A_615 : vector<1x16xi32> to vector<16xi32>
      %shift_right_logical3A_617 = arith.constant 14 : i32
      %shift_right_logical3A_618 = vector.broadcast %shift_right_logical3A_617 : i32 to vector<16xi32>
      %shift_right_logical3A_619 = arith.shrui %get3A_616, %shift_right_logical3A_618 : vector<16xi32>
      %swap3A_620 = arith.constant 0 : i32
      %swap3A_621 = arith.index_cast %swap3A_620 : i32 to index
      %swap3A_622 = arith.constant 0 : index
      %swap3A_623 = tpu.vector_load %arg6[%swap3A_621, %swap3A_622] {strides = array<i32>} : memref<2x128xi32, #tpu.memory_space<vmem>>, vector<1x16xi32>,
      %swap3A_624 = vector.shape_cast %swap3A_623 : vector<1x16xi32> to vector<16xi32>
      %swap3A_625 = vector.shape_cast %shift_right_logical3A_619 : vector<16xi32> to vector<1x16xi32>
      tpu.vector_store %arg6[%swap3A_621, %swap3A_622], %swap3A_625 {strides = array<i32>} : memref<2x128xi32, #tpu.memory_space<vmem>>, vector<1x16xi32>,
      %and3A_626 = arith.constant 16383 : i32
      %and3A_627 = vector.broadcast %and3A_626 : i32 to vector<16xi32>
      %and3A_628 = arith.andi %get3A_616, %and3A_627 : vector<16xi32>
      %swap3A_629 = arith.constant 0 : i32
      %swap3A_630 = arith.index_cast %swap3A_629 : i32 to index
      %swap3A_631 = arith.constant 0 : index
      %swap3A_632 = tpu.vector_load %arg7[%swap3A_630, %swap3A_631] {strides = array<i32>} : memref<2x128xi32, #tpu.memory_space<vmem>>, vector<1x16xi32>,
      %swap3A_633 = vector.shape_cast %swap3A_632 : vector<1x16xi32> to vector<16xi32>
      %swap3A_634 = vector.shape_cast %and3A_628 : vector<16xi32> to vector<1x16xi32>
      tpu.vector_store %arg7[%swap3A_630, %swap3A_631], %swap3A_634 {strides = array<i32>} : memref<2x128xi32, #tpu.memory_space<vmem>>, vector<1x16xi32>,
      %get3A_635 = arith.index_cast %add3A_612 : i32 to index
      %get3A_636 = arith.constant 16 : index
      %get3A_637 = tpu.vector_load %arg5[%get3A_635, %get3A_636] {strides = array<i32>} : memref<128x128xi32, #tpu.memory_space<vmem>>, vector<1x16xi32>,
      %get3A_638 = vector.shape_cast %get3A_637 : vector<1x16xi32> to vector<16xi32>
      %shift_right_logical3A_639 = arith.constant 14 : i32
      %shift_right_logical3A_640 = vector.broadcast %shift_right_logical3A_639 : i32 to vector<16xi32>
      %shift_right_logical3A_641 = arith.shrui %get3A_638, %shift_right_logical3A_640 : vector<16xi32>
      %swap3A_642 = arith.constant 0 : i32
      %swap3A_643 = arith.index_cast %swap3A_642 : i32 to index
      %swap3A_644 = arith.constant 16 : index
      %swap3A_645 = tpu.vector_load %arg6[%swap3A_643, %swap3A_644] {strides = array<i32>} : memref<2x128xi32, #tpu.memory_space<vmem>>, vector<1x16xi32>,
      %swap3A_646 = vector.shape_cast %swap3A_645 : vector<1x16xi32> to vector<16xi32>
      %swap3A_647 = vector.shape_cast %shift_right_logical3A_641 : vector<16xi32> to vector<1x16xi32>
      tpu.vector_store %arg6[%swap3A_643, %swap3A_644], %swap3A_647 {strides = array<i32>} : memref<2x128xi32, #tpu.memory_space<vmem>>, vector<1x16xi32>,
      %and3A_648 = arith.constant 16383 : i32
      %and3A_649 = vector.broadcast %and3A_648 : i32 to vector<16xi32>
      %and3A_650 = arith.andi %get3A_638, %and3A_649 : vector<16xi32>
      %swap3A_651 = arith.constant 0 : i32
      %swap3A_652 = arith.index_cast %swap3A_651 : i32 to index
      %swap3A_653 = arith.constant 16 : index
      %swap3A_654 = tpu.vector_load %arg7[%swap3A_652, %swap3A_653] {strides = array<i32>} : memref<2x128xi32, #tpu.memory_space<vmem>>, vector<1x16xi32>,
      %swap3A_655 = vector.shape_cast %swap3A_654 : vector<1x16xi32> to vector<16xi32>
      %swap3A_656 = vector.shape_cast %and3A_650 : vector<16xi32> to vector<1x16xi32>
      tpu.vector_store %arg7[%swap3A_652, %swap3A_653], %swap3A_656 {strides = array<i32>} : memref<2x128xi32, #tpu.memory_space<vmem>>, vector<1x16xi32>,
      %get3A_657 = arith.index_cast %add3A_612 : i32 to index
      %get3A_658 = arith.constant 32 : index
      %get3A_659 = tpu.vector_load %arg5[%get3A_657, %get3A_658] {strides = array<i32>} : memref<128x128xi32, #tpu.memory_space<vmem>>, vector<1x16xi32>,
      %get3A_660 = vector.shape_cast %get3A_659 : vector<1x16xi32> to vector<16xi32>
      %shift_right_logical3A_661 = arith.constant 14 : i32
      %shift_right_logical3A_662 = vector.broadcast %shift_right_logical3A_661 : i32 to vector<16xi32>
      %shift_right_logical3A_663 = arith.shrui %get3A_660, %shift_right_logical3A_662 : vector<16xi32>
      %swap3A_664 = arith.constant 0 : i32
      %swap3A_665 = arith.index_cast %swap3A_664 : i32 to index
      %swap3A_666 = arith.constant 32 : index
      %swap3A_667 = tpu.vector_load %arg6[%swap3A_665, %swap3A_666] {strides = array<i32>} : memref<2x128xi32, #tpu.memory_space<vmem>>, vector<1x16xi32>,
      %swap3A_668 = vector.shape_cast %swap3A_667 : vector<1x16xi32> to vector<16xi32>
      %swap3A_669 = vector.shape_cast %shift_right_logical3A_663 : vector<16xi32> to vector<1x16xi32>
      tpu.vector_store %arg6[%swap3A_665, %swap3A_666], %swap3A_669 {strides = array<i32>} : memref<2x128xi32, #tpu.memory_space<vmem>>, vector<1x16xi32>,
      %and3A_670 = arith.constant 16383 : i32
      %and3A_671 = vector.broadcast %and3A_670 : i32 to vector<16xi32>
      %and3A_672 = arith.andi %get3A_660, %and3A_671 : vector<16xi32>
      %swap3A_673 = arith.constant 0 : i32
      %swap3A_674 = arith.index_cast %swap3A_673 : i32 to index
      %swap3A_675 = arith.constant 32 : index
      %swap3A_676 = tpu.vector_load %arg7[%swap3A_674, %swap3A_675] {strides = array<i32>} : memref<2x128xi32, #tpu.memory_space<vmem>>, vector<1x16xi32>,
      %swap3A_677 = vector.shape_cast %swap3A_676 : vector<1x16xi32> to vector<16xi32>
      %swap3A_678 = vector.shape_cast %and3A_672 : vector<16xi32> to vector<1x16xi32>
      tpu.vector_store %arg7[%swap3A_674, %swap3A_675], %swap3A_678 {strides = array<i32>} : memref<2x128xi32, #tpu.memory_space<vmem>>, vector<1x16xi32>,
      %get3A_679 = arith.index_cast %add3A_612 : i32 to index
      %get3A_680 = arith.constant 48 : index
      %get3A_681 = tpu.vector_load %arg5[%get3A_679, %get3A_680] {strides = array<i32>} : memref<128x128xi32, #tpu.memory_space<vmem>>, vector<1x16xi32>,
      %get3A_682 = vector.shape_cast %get3A_681 : vector<1x16xi32> to vector<16xi32>
      %shift_right_logical3A_683 = arith.constant 14 : i32
      %shift_right_logical3A_684 = vector.broadcast %shift_right_logical3A_683 : i32 to vector<16xi32>
      %shift_right_logical3A_685 = arith.shrui %get3A_682, %shift_right_logical3A_684 : vector<16xi32>
      %swap3A_686 = arith.constant 0 : i32
      %swap3A_687 = arith.index_cast %swap3A_686 : i32 to index
      %swap3A_688 = arith.constant 48 : index
      %swap3A_689 = tpu.vector_load %arg6[%swap3A_687, %swap3A_688] {strides = array<i32>} : memref<2x128xi32, #tpu.memory_space<vmem>>, vector<1x16xi32>,
      %swap3A_690 = vector.shape_cast %swap3A_689 : vector<1x16xi32> to vector<16xi32>
      %swap3A_691 = vector.shape_cast %shift_right_logical3A_685 : vector<16xi32> to vector<1x16xi32>
      tpu.vector_store %arg6[%swap3A_687, %swap3A_688], %swap3A_691 {strides = array<i32>} : memref<2x128xi32, #tpu.memory_space<vmem>>, vector<1x16xi32>,
      %and3A_692 = arith.constant 16383 : i32
      %and3A_693 = vector.broadcast %and3A_692 : i32 to vector<16xi32>
      %and3A_694 = arith.andi %get3A_682, %and3A_693 : vector<16xi32>
      %swap3A_695 = arith.constant 0 : i32
      %swap3A_696 = arith.index_cast %swap3A_695 : i32 to index
      %swap3A_697 = arith.constant 48 : index
      %swap3A_698 = tpu.vector_load %arg7[%swap3A_696, %swap3A_697] {strides = array<i32>} : memref<2x128xi32, #tpu.memory_space<vmem>>, vector<1x16xi32>,
      %swap3A_699 = vector.shape_cast %swap3A_698 : vector<1x16xi32> to vector<16xi32>
      %swap3A_700 = vector.shape_cast %and3A_694 : vector<16xi32> to vector<1x16xi32>
      tpu.vector_store %arg7[%swap3A_696, %swap3A_697], %swap3A_700 {strides = array<i32>} : memref<2x128xi32, #tpu.memory_space<vmem>>, vector<1x16xi32>,
      %get3A_701 = arith.index_cast %add3A_612 : i32 to index
      %get3A_702 = arith.constant 64 : index
      %get3A_703 = tpu.vector_load %arg5[%get3A_701, %get3A_702] {strides = array<i32>} : memref<128x128xi32, #tpu.memory_space<vmem>>, vector<1x16xi32>,
      %get3A_704 = vector.shape_cast %get3A_703 : vector<1x16xi32> to vector<16xi32>
      %shift_right_logical3A_705 = arith.constant 14 : i32
      %shift_right_logical3A_706 = vector.broadcast %shift_right_logical3A_705 : i32 to vector<16xi32>
      %shift_right_logical3A_707 = arith.shrui %get3A_704, %shift_right_logical3A_706 : vector<16xi32>
      %swap3A_708 = arith.constant 0 : i32
      %swap3A_709 = arith.index_cast %swap3A_708 : i32 to index
      %swap3A_710 = arith.constant 64 : index
      %swap3A_711 = tpu.vector_load %arg6[%swap3A_709, %swap3A_710] {strides = array<i32>} : memref<2x128xi32, #tpu.memory_space<vmem>>, vector<1x16xi32>,
      %swap3A_712 = vector.shape_cast %swap3A_711 : vector<1x16xi32> to vector<16xi32>
      %swap3A_713 = vector.shape_cast %shift_right_logical3A_707 : vector<16xi32> to vector<1x16xi32>
      tpu.vector_store %arg6[%swap3A_709, %swap3A_710], %swap3A_713 {strides = array<i32>} : memref<2x128xi32, #tpu.memory_space<vmem>>, vector<1x16xi32>,
      %and3A_714 = arith.constant 16383 : i32
      %and3A_715 = vector.broadcast %and3A_714 : i32 to vector<16xi32>
      %and3A_716 = arith.andi %get3A_704, %and3A_715 : vector<16xi32>
      %swap3A_717 = arith.constant 0 : i32
      %swap3A_718 = arith.index_cast %swap3A_717 : i32 to index
      %swap3A_719 = arith.constant 64 : index
      %swap3A_720 = tpu.vector_load %arg7[%swap3A_718, %swap3A_719] {strides = array<i32>} : memref<2x128xi32, #tpu.memory_space<vmem>>, vector<1x16xi32>,
      %swap3A_721 = vector.shape_cast %swap3A_720 : vector<1x16xi32> to vector<16xi32>
      %swap3A_722 = vector.shape_cast %and3A_716 : vector<16xi32> to vector<1x16xi32>
      tpu.vector_store %arg7[%swap3A_718, %swap3A_719], %swap3A_722 {strides = array<i32>} : memref<2x128xi32, #tpu.memory_space<vmem>>, vector<1x16xi32>,
      %get3A_723 = arith.index_cast %add3A_612 : i32 to index
      %get3A_724 = arith.constant 80 : index
      %get3A_725 = tpu.vector_load %arg5[%get3A_723, %get3A_724] {strides = array<i32>} : memref<128x128xi32, #tpu.memory_space<vmem>>, vector<1x16xi32>,
      %get3A_726 = vector.shape_cast %get3A_725 : vector<1x16xi32> to vector<16xi32>
      %shift_right_logical3A_727 = arith.constant 14 : i32
      %shift_right_logical3A_728 = vector.broadcast %shift_right_logical3A_727 : i32 to vector<16xi32>
      %shift_right_logical3A_729 = arith.shrui %get3A_726, %shift_right_logical3A_728 : vector<16xi32>
      %swap3A_730 = arith.constant 0 : i32
      %swap3A_731 = arith.index_cast %swap3A_730 : i32 to index
      %swap3A_732 = arith.constant 80 : index
      %swap3A_733 = tpu.vector_load %arg6[%swap3A_731, %swap3A_732] {strides = array<i32>} : memref<2x128xi32, #tpu.memory_space<vmem>>, vector<1x16xi32>,
      %swap3A_734 = vector.shape_cast %swap3A_733 : vector<1x16xi32> to vector<16xi32>
      %swap3A_735 = vector.shape_cast %shift_right_logical3A_729 : vector<16xi32> to vector<1x16xi32>
      tpu.vector_store %arg6[%swap3A_731, %swap3A_732], %swap3A_735 {strides = array<i32>} : memref<2x128xi32, #tpu.memory_space<vmem>>, vector<1x16xi32>,
      %and3A_736 = arith.constant 16383 : i32
      %and3A_737 = vector.broadcast %and3A_736 : i32 to vector<16xi32>
      %and3A_738 = arith.andi %get3A_726, %and3A_737 : vector<16xi32>
      %swap3A_739 = arith.constant 0 : i32
      %swap3A_740 = arith.index_cast %swap3A_739 : i32 to index
      %swap3A_741 = arith.constant 80 : index
      %swap3A_742 = tpu.vector_load %arg7[%swap3A_740, %swap3A_741] {strides = array<i32>} : memref<2x128xi32, #tpu.memory_space<vmem>>, vector<1x16xi32>,
      %swap3A_743 = vector.shape_cast %swap3A_742 : vector<1x16xi32> to vector<16xi32>
      %swap3A_744 = vector.shape_cast %and3A_738 : vector<16xi32> to vector<1x16xi32>
      tpu.vector_store %arg7[%swap3A_740, %swap3A_741], %swap3A_744 {strides = array<i32>} : memref<2x128xi32, #tpu.memory_space<vmem>>, vector<1x16xi32>,
      %get3A_745 = arith.index_cast %add3A_612 : i32 to index
      %get3A_746 = arith.constant 96 : index
      %get3A_747 = tpu.vector_load %arg5[%get3A_745, %get3A_746] {strides = array<i32>} : memref<128x128xi32, #tpu.memory_space<vmem>>, vector<1x16xi32>,
      %get3A_748 = vector.shape_cast %get3A_747 : vector<1x16xi32> to vector<16xi32>
      %shift_right_logical3A_749 = arith.constant 14 : i32
      %shift_right_logical3A_750 = vector.broadcast %shift_right_logical3A_749 : i32 to vector<16xi32>
      %shift_right_logical3A_751 = arith.shrui %get3A_748, %shift_right_logical3A_750 : vector<16xi32>
      %swap3A_752 = arith.constant 0 : i32
      %swap3A_753 = arith.index_cast %swap3A_752 : i32 to index
      %swap3A_754 = arith.constant 96 : index
      %swap3A_755 = tpu.vector_load %arg6[%swap3A_753, %swap3A_754] {strides = array<i32>} : memref<2x128xi32, #tpu.memory_space<vmem>>, vector<1x16xi32>,
      %swap3A_756 = vector.shape_cast %swap3A_755 : vector<1x16xi32> to vector<16xi32>
      %swap3A_757 = vector.shape_cast %shift_right_logical3A_751 : vector<16xi32> to vector<1x16xi32>
      tpu.vector_store %arg6[%swap3A_753, %swap3A_754], %swap3A_757 {strides = array<i32>} : memref<2x128xi32, #tpu.memory_space<vmem>>, vector<1x16xi32>,
      %and3A_758 = arith.constant 16383 : i32
      %and3A_759 = vector.broadcast %and3A_758 : i32 to vector<16xi32>
      %and3A_760 = arith.andi %get3A_748, %and3A_759 : vector<16xi32>
      %swap3A_761 = arith.constant 0 : i32
      %swap3A_762 = arith.index_cast %swap3A_761 : i32 to index
      %swap3A_763 = arith.constant 96 : index
      %swap3A_764 = tpu.vector_load %arg7[%swap3A_762, %swap3A_763] {strides = array<i32>} : memref<2x128xi32, #tpu.memory_space<vmem>>, vector<1x16xi32>,
      %swap3A_765 = vector.shape_cast %swap3A_764 : vector<1x16xi32> to vector<16xi32>
      %swap3A_766 = vector.shape_cast %and3A_760 : vector<16xi32> to vector<1x16xi32>
      tpu.vector_store %arg7[%swap3A_762, %swap3A_763], %swap3A_766 {strides = array<i32>} : memref<2x128xi32, #tpu.memory_space<vmem>>, vector<1x16xi32>,
      %get3A_767 = arith.index_cast %add3A_612 : i32 to index
      %get3A_768 = arith.constant 112 : index
      %get3A_769 = tpu.vector_load %arg5[%get3A_767, %get3A_768] {strides = array<i32>} : memref<128x128xi32, #tpu.memory_space<vmem>>, vector<1x16xi32>,
      %get3A_770 = vector.shape_cast %get3A_769 : vector<1x16xi32> to vector<16xi32>
      %shift_right_logical3A_771 = arith.constant 14 : i32
      %shift_right_logical3A_772 = vector.broadcast %shift_right_logical3A_771 : i32 to vector<16xi32>
      %shift_right_logical3A_773 = arith.shrui %get3A_770, %shift_right_logical3A_772 : vector<16xi32>
      %swap3A_774 = arith.constant 0 : i32
      %swap3A_775 = arith.index_cast %swap3A_774 : i32 to index
      %swap3A_776 = arith.constant 112 : index
      %swap3A_777 = tpu.vector_load %arg6[%swap3A_775, %swap3A_776] {strides = array<i32>} : memref<2x128xi32, #tpu.memory_space<vmem>>, vector<1x16xi32>,
      %swap3A_778 = vector.shape_cast %swap3A_777 : vector<1x16xi32> to vector<16xi32>
      %swap3A_779 = vector.shape_cast %shift_right_logical3A_773 : vector<16xi32> to vector<1x16xi32>
      tpu.vector_store %arg6[%swap3A_775, %swap3A_776], %swap3A_779 {strides = array<i32>} : memref<2x128xi32, #tpu.memory_space<vmem>>, vector<1x16xi32>,
      %and3A_780 = arith.constant 16383 : i32
      %and3A_781 = vector.broadcast %and3A_780 : i32 to vector<16xi32>
      %and3A_782 = arith.andi %get3A_770, %and3A_781 : vector<16xi32>
      %swap3A_783 = arith.constant 0 : i32
      %swap3A_784 = arith.index_cast %swap3A_783 : i32 to index
      %swap3A_785 = arith.constant 112 : index
      %swap3A_786 = tpu.vector_load %arg7[%swap3A_784, %swap3A_785] {strides = array<i32>} : memref<2x128xi32, #tpu.memory_space<vmem>>, vector<1x16xi32>,
      %swap3A_787 = vector.shape_cast %swap3A_786 : vector<1x16xi32> to vector<16xi32>
      %swap3A_788 = vector.shape_cast %and3A_782 : vector<16xi32> to vector<1x16xi32>
      tpu.vector_store %arg7[%swap3A_784, %swap3A_785], %swap3A_788 {strides = array<i32>} : memref<2x128xi32, #tpu.memory_space<vmem>>, vector<1x16xi32>,
      %dma_start3A_789 = arith.constant 0 : i32
      %dma_start3A_790 = arith.constant 0 : i32
      %dma_start3A_791 = arith.constant 0 : i32
      %dma_start3A_792 = arith.constant 0 : i32
      %dma_start3A_793 = tpu.memref_slice %arg8[%dma_start3A_790, %dma_start3A_791, %dma_start3A_792] : memref<2x128x128xf32, #tpu.memory_space<vmem>> -> memref<1x128x128xf32, #tpu.memory_space<vmem>>
      %dma_start3A_794 = tpu.memref_squeeze %dma_start3A_793 : memref<1x128x128xf32, #tpu.memory_space<vmem>> -> memref<128x128xf32, #tpu.memory_space<vmem>>
      %dma_start3A_795 = arith.constant 0 : i32
      %dma_start3A_796 = tpu.memref_slice %arg6[%dma_start3A_789, %dma_start3A_795] : memref<2x128xi32, #tpu.memory_space<vmem>> -> memref<1x128xi32, #tpu.memory_space<vmem>>
      %dma_start3A_797 = tpu.memref_squeeze %dma_start3A_796 : memref<1x128xi32, #tpu.memory_space<vmem>> -> memref<128xi32, #tpu.memory_space<vmem>>
      %dma_start3A_798 = arith.constant 0 : i32
      %dma_start3A_799 = arith.constant 0 : i32
      %dma_start3A_800 = tpu.memref_slice %arg2[%dma_start3A_798, %dma_start3A_799] : memref<10016x128xf32, #tpu.memory_space<hbm>> -> memref<10016x128xf32, #tpu.memory_space<hbm>>
      tpu.enqueue_indirect_dma source(%dma_start3A_800 : memref<10016x128xf32, #tpu.memory_space<hbm>>) target(%dma_start3A_794 : memref<128x128xf32, #tpu.memory_space<vmem>>) offsets(%dma_start3A_797 : memref<128xi32, #tpu.memory_space<vmem>>) semaphore(%arg10 : memref<!tpu.dma_semaphore, #tpu.memory_space<semaphore_mem>>)
      %mul3A_801 = arith.constant 2 : i32
      %mul3A_802 = arith.muli %while3A_591, %mul3A_801 : i32
      %add3A_803 = arith.constant 1 : i32
      %add3A_804 = arith.addi %mul3A_802, %add3A_803 : i32
      %dma_wait3A_805 = arith.constant 1 : i32
      %dma_wait3A_806 = arith.constant 1 : i32
      %dma_wait3A_807 = arith.constant 0 : i32
      %dma_wait3A_808 = arith.constant 0 : i32
      %dma_wait3A_809 = tpu.memref_slice %arg8[%dma_wait3A_806, %dma_wait3A_807, %dma_wait3A_808] : memref<2x128x128xf32, #tpu.memory_space<vmem>> -> memref<1x128x128xf32, #tpu.memory_space<vmem>>
      %dma_wait3A_810 = tpu.memref_squeeze %dma_wait3A_809 : memref<1x128x128xf32, #tpu.memory_space<vmem>> -> memref<128x128xf32, #tpu.memory_space<vmem>>
      %dma_wait3A_811 = arith.constant 0 : i32
      %dma_wait3A_812 = tpu.memref_slice %arg6[%dma_wait3A_805, %dma_wait3A_811] : memref<2x128xi32, #tpu.memory_space<vmem>> -> memref<1x128xi32, #tpu.memory_space<vmem>>
      %dma_wait3A_813 = tpu.memref_squeeze %dma_wait3A_812 : memref<1x128xi32, #tpu.memory_space<vmem>> -> memref<128xi32, #tpu.memory_space<vmem>>
      %dma_wait3A_814 = arith.constant 0 : i32
      %dma_wait3A_815 = arith.constant 0 : i32
      %dma_wait3A_816 = tpu.memref_slice %arg2[%dma_wait3A_814, %dma_wait3A_815] : memref<10016x128xf32, #tpu.memory_space<hbm>> -> memref<10016x128xf32, #tpu.memory_space<hbm>>
      tpu.wait_indirect_dma semaphore(%arg11 : memref<!tpu.dma_semaphore, #tpu.memory_space<semaphore_mem>>) src(%dma_wait3A_816 : memref<10016x128xf32, #tpu.memory_space<hbm>>) dst(%dma_wait3A_810 : memref<128x128xf32, #tpu.memory_space<vmem>>)
      %run_scoped3A_817 = arith.constant 1 : i32
      %run_scoped3A_818 = arith.constant 1 : i32
      "tpu.region"() ({
        %run_scoped3A_1010 = tpu.sem_alloc : memref<!tpu.dma_semaphore, #tpu.memory_space<semaphore_mem>>
        %dma_start3A_1011 = arith.constant 0 : i32
        %dma_start3A_1012 = arith.constant 0 : i32
        %dma_start3A_1013 = tpu.memref_slice %arg8[%run_scoped3A_817, %dma_start3A_1011, %dma_start3A_1012] : memref<2x128x128xf32, #tpu.memory_space<vmem>> -> memref<1x128x128xf32, #tpu.memory_space<vmem>>
        %dma_start3A_1014 = tpu.memref_squeeze %dma_start3A_1013 : memref<1x128x128xf32, #tpu.memory_space<vmem>> -> memref<128x128xf32, #tpu.memory_space<vmem>>
        %dma_start3A_1015 = arith.constant 0 : i32
        %dma_start3A_1016 = tpu.memref_slice %arg7[%run_scoped3A_818, %dma_start3A_1015] : memref<2x128xi32, #tpu.memory_space<vmem>> -> memref<1x128xi32, #tpu.memory_space<vmem>>
        %dma_start3A_1017 = tpu.memref_squeeze %dma_start3A_1016 : memref<1x128xi32, #tpu.memory_space<vmem>> -> memref<128xi32, #tpu.memory_space<vmem>>
        %dma_start3A_1018 = arith.constant 0 : i32
        %dma_start3A_1019 = arith.constant 0 : i32
        %dma_start3A_1020 = tpu.memref_slice %arg9[%dma_start3A_1018, %dma_start3A_1019] : memref<10112x128xf32, #tpu.memory_space<vmem_shared>> -> memref<10112x128xf32, #tpu.memory_space<vmem_shared>>
        tpu.enqueue_indirect_dma source(%dma_start3A_1014 : memref<128x128xf32, #tpu.memory_space<vmem>>) target(%dma_start3A_1020 : memref<10112x128xf32, #tpu.memory_space<vmem_shared>>) offsets(%dma_start3A_1017 : memref<128xi32, #tpu.memory_space<vmem>>) semaphore(%run_scoped3A_1010 : memref<!tpu.dma_semaphore, #tpu.memory_space<semaphore_mem>>) {add = true}
        %dma_wait3A_1021 = arith.constant 0 : i32
        %dma_wait3A_1022 = arith.constant 0 : i32
        %dma_wait3A_1023 = tpu.memref_slice %arg8[%run_scoped3A_817, %dma_wait3A_1021, %dma_wait3A_1022] : memref<2x128x128xf32, #tpu.memory_space<vmem>> -> memref<1x128x128xf32, #tpu.memory_space<vmem>>
        %dma_wait3A_1024 = tpu.memref_squeeze %dma_wait3A_1023 : memref<1x128x128xf32, #tpu.memory_space<vmem>> -> memref<128x128xf32, #tpu.memory_space<vmem>>
        %dma_wait3A_1025 = arith.constant 0 : i32
        %dma_wait3A_1026 = tpu.memref_slice %arg7[%run_scoped3A_818, %dma_wait3A_1025] : memref<2x128xi32, #tpu.memory_space<vmem>> -> memref<1x128xi32, #tpu.memory_space<vmem>>
        %dma_wait3A_1027 = tpu.memref_squeeze %dma_wait3A_1026 : memref<1x128xi32, #tpu.memory_space<vmem>> -> memref<128xi32, #tpu.memory_space<vmem>>
        %dma_wait3A_1028 = arith.constant 0 : i32
        %dma_wait3A_1029 = arith.constant 0 : i32
        %dma_wait3A_1030 = tpu.memref_slice %arg9[%dma_wait3A_1028, %dma_wait3A_1029] : memref<10112x128xf32, #tpu.memory_space<vmem_shared>> -> memref<10112x128xf32, #tpu.memory_space<vmem_shared>>
        tpu.wait_indirect_dma semaphore(%run_scoped3A_1010 : memref<!tpu.dma_semaphore, #tpu.memory_space<semaphore_mem>>) src(%dma_wait3A_1024 : memref<128x128xf32, #tpu.memory_space<vmem>>) dst(%dma_wait3A_1030 : memref<10112x128xf32, #tpu.memory_space<vmem_shared>>)
        tpu.yield
      }) : () -> ()
      %add3A_819 = arith.constant 2 : i32
      %add3A_820 = arith.addi %add3A_804, %add3A_819 : i32
      %get3A_821 = arith.index_cast %add3A_820 : i32 to index
      %get3A_822 = arith.constant 0 : index
      %get3A_823 = tpu.vector_load %arg5[%get3A_821, %get3A_822] {strides = array<i32>} : memref<128x128xi32, #tpu.memory_space<vmem>>, vector<1x16xi32>,
      %get3A_824 = vector.shape_cast %get3A_823 : vector<1x16xi32> to vector<16xi32>
      %shift_right_logical3A_825 = arith.constant 14 : i32
      %shift_right_logical3A_826 = vector.broadcast %shift_right_logical3A_825 : i32 to vector<16xi32>
      %shift_right_logical3A_827 = arith.shrui %get3A_824, %shift_right_logical3A_826 : vector<16xi32>
      %swap3A_828 = arith.constant 1 : i32
      %swap3A_829 = arith.index_cast %swap3A_828 : i32 to index
      %swap3A_830 = arith.constant 0 : index
      %swap3A_831 = tpu.vector_load %arg6[%swap3A_829, %swap3A_830] {strides = array<i32>} : memref<2x128xi32, #tpu.memory_space<vmem>>, vector<1x16xi32>,
      %swap3A_832 = vector.shape_cast %swap3A_831 : vector<1x16xi32> to vector<16xi32>
      %swap3A_833 = vector.shape_cast %shift_right_logical3A_827 : vector<16xi32> to vector<1x16xi32>
      tpu.vector_store %arg6[%swap3A_829, %swap3A_830], %swap3A_833 {strides = array<i32>} : memref<2x128xi32, #tpu.memory_space<vmem>>, vector<1x16xi32>,
      %and3A_834 = arith.constant 16383 : i32
      %and3A_835 = vector.broadcast %and3A_834 : i32 to vector<16xi32>
      %and3A_836 = arith.andi %get3A_824, %and3A_835 : vector<16xi32>
      %swap3A_837 = arith.constant 1 : i32
      %swap3A_838 = arith.index_cast %swap3A_837 : i32 to index
      %swap3A_839 = arith.constant 0 : index
      %swap3A_840 = tpu.vector_load %arg7[%swap3A_838, %swap3A_839] {strides = array<i32>} : memref<2x128xi32, #tpu.memory_space<vmem>>, vector<1x16xi32>,
      %swap3A_841 = vector.shape_cast %swap3A_840 : vector<1x16xi32> to vector<16xi32>
      %swap3A_842 = vector.shape_cast %and3A_836 : vector<16xi32> to vector<1x16xi32>
      tpu.vector_store %arg7[%swap3A_838, %swap3A_839], %swap3A_842 {strides = array<i32>} : memref<2x128xi32, #tpu.memory_space<vmem>>, vector<1x16xi32>,
      %get3A_843 = arith.index_cast %add3A_820 : i32 to index
      %get3A_844 = arith.constant 16 : index
      %get3A_845 = tpu.vector_load %arg5[%get3A_843, %get3A_844] {strides = array<i32>} : memref<128x128xi32, #tpu.memory_space<vmem>>, vector<1x16xi32>,
      %get3A_846 = vector.shape_cast %get3A_845 : vector<1x16xi32> to vector<16xi32>
      %shift_right_logical3A_847 = arith.constant 14 : i32
      %shift_right_logical3A_848 = vector.broadcast %shift_right_logical3A_847 : i32 to vector<16xi32>
      %shift_right_logical3A_849 = arith.shrui %get3A_846, %shift_right_logical3A_848 : vector<16xi32>
      %swap3A_850 = arith.constant 1 : i32
      %swap3A_851 = arith.index_cast %swap3A_850 : i32 to index
      %swap3A_852 = arith.constant 16 : index
      %swap3A_853 = tpu.vector_load %arg6[%swap3A_851, %swap3A_852] {strides = array<i32>} : memref<2x128xi32, #tpu.memory_space<vmem>>, vector<1x16xi32>,
      %swap3A_854 = vector.shape_cast %swap3A_853 : vector<1x16xi32> to vector<16xi32>
      %swap3A_855 = vector.shape_cast %shift_right_logical3A_849 : vector<16xi32> to vector<1x16xi32>
      tpu.vector_store %arg6[%swap3A_851, %swap3A_852], %swap3A_855 {strides = array<i32>} : memref<2x128xi32, #tpu.memory_space<vmem>>, vector<1x16xi32>,
      %and3A_856 = arith.constant 16383 : i32
      %and3A_857 = vector.broadcast %and3A_856 : i32 to vector<16xi32>
      %and3A_858 = arith.andi %get3A_846, %and3A_857 : vector<16xi32>
      %swap3A_859 = arith.constant 1 : i32
      %swap3A_860 = arith.index_cast %swap3A_859 : i32 to index
      %swap3A_861 = arith.constant 16 : index
      %swap3A_862 = tpu.vector_load %arg7[%swap3A_860, %swap3A_861] {strides = array<i32>} : memref<2x128xi32, #tpu.memory_space<vmem>>, vector<1x16xi32>,
      %swap3A_863 = vector.shape_cast %swap3A_862 : vector<1x16xi32> to vector<16xi32>
      %swap3A_864 = vector.shape_cast %and3A_858 : vector<16xi32> to vector<1x16xi32>
      tpu.vector_store %arg7[%swap3A_860, %swap3A_861], %swap3A_864 {strides = array<i32>} : memref<2x128xi32, #tpu.memory_space<vmem>>, vector<1x16xi32>,
      %get3A_865 = arith.index_cast %add3A_820 : i32 to index
      %get3A_866 = arith.constant 32 : index
      %get3A_867 = tpu.vector_load %arg5[%get3A_865, %get3A_866] {strides = array<i32>} : memref<128x128xi32, #tpu.memory_space<vmem>>, vector<1x16xi32>,
      %get3A_868 = vector.shape_cast %get3A_867 : vector<1x16xi32> to vector<16xi32>
      %shift_right_logical3A_869 = arith.constant 14 : i32
      %shift_right_logical3A_870 = vector.broadcast %shift_right_logical3A_869 : i32 to vector<16xi32>
      %shift_right_logical3A_871 = arith.shrui %get3A_868, %shift_right_logical3A_870 : vector<16xi32>
      %swap3A_872 = arith.constant 1 : i32
      %swap3A_873 = arith.index_cast %swap3A_872 : i32 to index
      %swap3A_874 = arith.constant 32 : index
      %swap3A_875 = tpu.vector_load %arg6[%swap3A_873, %swap3A_874] {strides = array<i32>} : memref<2x128xi32, #tpu.memory_space<vmem>>, vector<1x16xi32>,
      %swap3A_876 = vector.shape_cast %swap3A_875 : vector<1x16xi32> to vector<16xi32>
      %swap3A_877 = vector.shape_cast %shift_right_logical3A_871 : vector<16xi32> to vector<1x16xi32>
      tpu.vector_store %arg6[%swap3A_873, %swap3A_874], %swap3A_877 {strides = array<i32>} : memref<2x128xi32, #tpu.memory_space<vmem>>, vector<1x16xi32>,
      %and3A_878 = arith.constant 16383 : i32
      %and3A_879 = vector.broadcast %and3A_878 : i32 to vector<16xi32>
      %and3A_880 = arith.andi %get3A_868, %and3A_879 : vector<16xi32>
      %swap3A_881 = arith.constant 1 : i32
      %swap3A_882 = arith.index_cast %swap3A_881 : i32 to index
      %swap3A_883 = arith.constant 32 : index
      %swap3A_884 = tpu.vector_load %arg7[%swap3A_882, %swap3A_883] {strides = array<i32>} : memref<2x128xi32, #tpu.memory_space<vmem>>, vector<1x16xi32>,
      %swap3A_885 = vector.shape_cast %swap3A_884 : vector<1x16xi32> to vector<16xi32>
      %swap3A_886 = vector.shape_cast %and3A_880 : vector<16xi32> to vector<1x16xi32>
      tpu.vector_store %arg7[%swap3A_882, %swap3A_883], %swap3A_886 {strides = array<i32>} : memref<2x128xi32, #tpu.memory_space<vmem>>, vector<1x16xi32>,
      %get3A_887 = arith.index_cast %add3A_820 : i32 to index
      %get3A_888 = arith.constant 48 : index
      %get3A_889 = tpu.vector_load %arg5[%get3A_887, %get3A_888] {strides = array<i32>} : memref<128x128xi32, #tpu.memory_space<vmem>>, vector<1x16xi32>,
      %get3A_890 = vector.shape_cast %get3A_889 : vector<1x16xi32> to vector<16xi32>
      %shift_right_logical3A_891 = arith.constant 14 : i32
      %shift_right_logical3A_892 = vector.broadcast %shift_right_logical3A_891 : i32 to vector<16xi32>
      %shift_right_logical3A_893 = arith.shrui %get3A_890, %shift_right_logical3A_892 : vector<16xi32>
      %swap3A_894 = arith.constant 1 : i32
      %swap3A_895 = arith.index_cast %swap3A_894 : i32 to index
      %swap3A_896 = arith.constant 48 : index
      %swap3A_897 = tpu.vector_load %arg6[%swap3A_895, %swap3A_896] {strides = array<i32>} : memref<2x128xi32, #tpu.memory_space<vmem>>, vector<1x16xi32>,
      %swap3A_898 = vector.shape_cast %swap3A_897 : vector<1x16xi32> to vector<16xi32>
      %swap3A_899 = vector.shape_cast %shift_right_logical3A_893 : vector<16xi32> to vector<1x16xi32>
      tpu.vector_store %arg6[%swap3A_895, %swap3A_896], %swap3A_899 {strides = array<i32>} : memref<2x128xi32, #tpu.memory_space<vmem>>, vector<1x16xi32>,
      %and3A_900 = arith.constant 16383 : i32
      %and3A_901 = vector.broadcast %and3A_900 : i32 to vector<16xi32>
      %and3A_902 = arith.andi %get3A_890, %and3A_901 : vector<16xi32>
      %swap3A_903 = arith.constant 1 : i32
      %swap3A_904 = arith.index_cast %swap3A_903 : i32 to index
      %swap3A_905 = arith.constant 48 : index
      %swap3A_906 = tpu.vector_load %arg7[%swap3A_904, %swap3A_905] {strides = array<i32>} : memref<2x128xi32, #tpu.memory_space<vmem>>, vector<1x16xi32>,
      %swap3A_907 = vector.shape_cast %swap3A_906 : vector<1x16xi32> to vector<16xi32>
      %swap3A_908 = vector.shape_cast %and3A_902 : vector<16xi32> to vector<1x16xi32>
      tpu.vector_store %arg7[%swap3A_904, %swap3A_905], %swap3A_908 {strides = array<i32>} : memref<2x128xi32, #tpu.memory_space<vmem>>, vector<1x16xi32>,
      %get3A_909 = arith.index_cast %add3A_820 : i32 to index
      %get3A_910 = arith.constant 64 : index
      %get3A_911 = tpu.vector_load %arg5[%get3A_909, %get3A_910] {strides = array<i32>} : memref<128x128xi32, #tpu.memory_space<vmem>>, vector<1x16xi32>,
      %get3A_912 = vector.shape_cast %get3A_911 : vector<1x16xi32> to vector<16xi32>
      %shift_right_logical3A_913 = arith.constant 14 : i32
      %shift_right_logical3A_914 = vector.broadcast %shift_right_logical3A_913 : i32 to vector<16xi32>
      %shift_right_logical3A_915 = arith.shrui %get3A_912, %shift_right_logical3A_914 : vector<16xi32>
      %swap3A_916 = arith.constant 1 : i32
      %swap3A_917 = arith.index_cast %swap3A_916 : i32 to index
      %swap3A_918 = arith.constant 64 : index
      %swap3A_919 = tpu.vector_load %arg6[%swap3A_917, %swap3A_918] {strides = array<i32>} : memref<2x128xi32, #tpu.memory_space<vmem>>, vector<1x16xi32>,
      %swap3A_920 = vector.shape_cast %swap3A_919 : vector<1x16xi32> to vector<16xi32>
      %swap3A_921 = vector.shape_cast %shift_right_logical3A_915 : vector<16xi32> to vector<1x16xi32>
      tpu.vector_store %arg6[%swap3A_917, %swap3A_918], %swap3A_921 {strides = array<i32>} : memref<2x128xi32, #tpu.memory_space<vmem>>, vector<1x16xi32>,
      %and3A_922 = arith.constant 16383 : i32
      %and3A_923 = vector.broadcast %and3A_922 : i32 to vector<16xi32>
      %and3A_924 = arith.andi %get3A_912, %and3A_923 : vector<16xi32>
      %swap3A_925 = arith.constant 1 : i32
      %swap3A_926 = arith.index_cast %swap3A_925 : i32 to index
      %swap3A_927 = arith.constant 64 : index
      %swap3A_928 = tpu.vector_load %arg7[%swap3A_926, %swap3A_927] {strides = array<i32>} : memref<2x128xi32, #tpu.memory_space<vmem>>, vector<1x16xi32>,
      %swap3A_929 = vector.shape_cast %swap3A_928 : vector<1x16xi32> to vector<16xi32>
      %swap3A_930 = vector.shape_cast %and3A_924 : vector<16xi32> to vector<1x16xi32>
      tpu.vector_store %arg7[%swap3A_926, %swap3A_927], %swap3A_930 {strides = array<i32>} : memref<2x128xi32, #tpu.memory_space<vmem>>, vector<1x16xi32>,
      %get3A_931 = arith.index_cast %add3A_820 : i32 to index
      %get3A_932 = arith.constant 80 : index
      %get3A_933 = tpu.vector_load %arg5[%get3A_931, %get3A_932] {strides = array<i32>} : memref<128x128xi32, #tpu.memory_space<vmem>>, vector<1x16xi32>,
      %get3A_934 = vector.shape_cast %get3A_933 : vector<1x16xi32> to vector<16xi32>
      %shift_right_logical3A_935 = arith.constant 14 : i32
      %shift_right_logical3A_936 = vector.broadcast %shift_right_logical3A_935 : i32 to vector<16xi32>
      %shift_right_logical3A_937 = arith.shrui %get3A_934, %shift_right_logical3A_936 : vector<16xi32>
      %swap3A_938 = arith.constant 1 : i32
      %swap3A_939 = arith.index_cast %swap3A_938 : i32 to index
      %swap3A_940 = arith.constant 80 : index
      %swap3A_941 = tpu.vector_load %arg6[%swap3A_939, %swap3A_940] {strides = array<i32>} : memref<2x128xi32, #tpu.memory_space<vmem>>, vector<1x16xi32>,
      %swap3A_942 = vector.shape_cast %swap3A_941 : vector<1x16xi32> to vector<16xi32>
      %swap3A_943 = vector.shape_cast %shift_right_logical3A_937 : vector<16xi32> to vector<1x16xi32>
      tpu.vector_store %arg6[%swap3A_939, %swap3A_940], %swap3A_943 {strides = array<i32>} : memref<2x128xi32, #tpu.memory_space<vmem>>, vector<1x16xi32>,
      %and3A_944 = arith.constant 16383 : i32
      %and3A_945 = vector.broadcast %and3A_944 : i32 to vector<16xi32>
      %and3A_946 = arith.andi %get3A_934, %and3A_945 : vector<16xi32>
      %swap3A_947 = arith.constant 1 : i32
      %swap3A_948 = arith.index_cast %swap3A_947 : i32 to index
      %swap3A_949 = arith.constant 80 : index
      %swap3A_950 = tpu.vector_load %arg7[%swap3A_948, %swap3A_949] {strides = array<i32>} : memref<2x128xi32, #tpu.memory_space<vmem>>, vector<1x16xi32>,
      %swap3A_951 = vector.shape_cast %swap3A_950 : vector<1x16xi32> to vector<16xi32>
      %swap3A_952 = vector.shape_cast %and3A_946 : vector<16xi32> to vector<1x16xi32>
      tpu.vector_store %arg7[%swap3A_948, %swap3A_949], %swap3A_952 {strides = array<i32>} : memref<2x128xi32, #tpu.memory_space<vmem>>, vector<1x16xi32>,
      %get3A_953 = arith.index_cast %add3A_820 : i32 to index
      %get3A_954 = arith.constant 96 : index
      %get3A_955 = tpu.vector_load %arg5[%get3A_953, %get3A_954] {strides = array<i32>} : memref<128x128xi32, #tpu.memory_space<vmem>>, vector<1x16xi32>,
      %get3A_956 = vector.shape_cast %get3A_955 : vector<1x16xi32> to vector<16xi32>
      %shift_right_logical3A_957 = arith.constant 14 : i32
      %shift_right_logical3A_958 = vector.broadcast %shift_right_logical3A_957 : i32 to vector<16xi32>
      %shift_right_logical3A_959 = arith.shrui %get3A_956, %shift_right_logical3A_958 : vector<16xi32>
      %swap3A_960 = arith.constant 1 : i32
      %swap3A_961 = arith.index_cast %swap3A_960 : i32 to index
      %swap3A_962 = arith.constant 96 : index
      %swap3A_963 = tpu.vector_load %arg6[%swap3A_961, %swap3A_962] {strides = array<i32>} : memref<2x128xi32, #tpu.memory_space<vmem>>, vector<1x16xi32>,
      %swap3A_964 = vector.shape_cast %swap3A_963 : vector<1x16xi32> to vector<16xi32>
      %swap3A_965 = vector.shape_cast %shift_right_logical3A_959 : vector<16xi32> to vector<1x16xi32>
      tpu.vector_store %arg6[%swap3A_961, %swap3A_962], %swap3A_965 {strides = array<i32>} : memref<2x128xi32, #tpu.memory_space<vmem>>, vector<1x16xi32>,
      %and3A_966 = arith.constant 16383 : i32
      %and3A_967 = vector.broadcast %and3A_966 : i32 to vector<16xi32>
      %and3A_968 = arith.andi %get3A_956, %and3A_967 : vector<16xi32>
      %swap3A_969 = arith.constant 1 : i32
      %swap3A_970 = arith.index_cast %swap3A_969 : i32 to index
      %swap3A_971 = arith.constant 96 : index
      %swap3A_972 = tpu.vector_load %arg7[%swap3A_970, %swap3A_971] {strides = array<i32>} : memref<2x128xi32, #tpu.memory_space<vmem>>, vector<1x16xi32>,
      %swap3A_973 = vector.shape_cast %swap3A_972 : vector<1x16xi32> to vector<16xi32>
      %swap3A_974 = vector.shape_cast %and3A_968 : vector<16xi32> to vector<1x16xi32>
      tpu.vector_store %arg7[%swap3A_970, %swap3A_971], %swap3A_974 {strides = array<i32>} : memref<2x128xi32, #tpu.memory_space<vmem>>, vector<1x16xi32>,
      %get3A_975 = arith.index_cast %add3A_820 : i32 to index
      %get3A_976 = arith.constant 112 : index
      %get3A_977 = tpu.vector_load %arg5[%get3A_975, %get3A_976] {strides = array<i32>} : memref<128x128xi32, #tpu.memory_space<vmem>>, vector<1x16xi32>,
      %get3A_978 = vector.shape_cast %get3A_977 : vector<1x16xi32> to vector<16xi32>
      %shift_right_logical3A_979 = arith.constant 14 : i32
      %shift_right_logical3A_980 = vector.broadcast %shift_right_logical3A_979 : i32 to vector<16xi32>
      %shift_right_logical3A_981 = arith.shrui %get3A_978, %shift_right_logical3A_980 : vector<16xi32>
      %swap3A_982 = arith.constant 1 : i32
      %swap3A_983 = arith.index_cast %swap3A_982 : i32 to index
      %swap3A_984 = arith.constant 112 : index
      %swap3A_985 = tpu.vector_load %arg6[%swap3A_983, %swap3A_984] {strides = array<i32>} : memref<2x128xi32, #tpu.memory_space<vmem>>, vector<1x16xi32>,
      %swap3A_986 = vector.shape_cast %swap3A_985 : vector<1x16xi32> to vector<16xi32>
      %swap3A_987 = vector.shape_cast %shift_right_logical3A_981 : vector<16xi32> to vector<1x16xi32>
      tpu.vector_store %arg6[%swap3A_983, %swap3A_984], %swap3A_987 {strides = array<i32>} : memref<2x128xi32, #tpu.memory_space<vmem>>, vector<1x16xi32>,
      %and3A_988 = arith.constant 16383 : i32
      %and3A_989 = vector.broadcast %and3A_988 : i32 to vector<16xi32>
      %and3A_990 = arith.andi %get3A_978, %and3A_989 : vector<16xi32>
      %swap3A_991 = arith.constant 1 : i32
      %swap3A_992 = arith.index_cast %swap3A_991 : i32 to index
      %swap3A_993 = arith.constant 112 : index
      %swap3A_994 = tpu.vector_load %arg7[%swap3A_992, %swap3A_993] {strides = array<i32>} : memref<2x128xi32, #tpu.memory_space<vmem>>, vector<1x16xi32>,
      %swap3A_995 = vector.shape_cast %swap3A_994 : vector<1x16xi32> to vector<16xi32>
      %swap3A_996 = vector.shape_cast %and3A_990 : vector<16xi32> to vector<1x16xi32>
      tpu.vector_store %arg7[%swap3A_992, %swap3A_993], %swap3A_996 {strides = array<i32>} : memref<2x128xi32, #tpu.memory_space<vmem>>, vector<1x16xi32>,
      %dma_start3A_997 = arith.constant 1 : i32
      %dma_start3A_998 = arith.constant 1 : i32
      %dma_start3A_999 = arith.constant 0 : i32
      %dma_start3A_1000 = arith.constant 0 : i32
      %dma_start3A_1001 = tpu.memref_slice %arg8[%dma_start3A_998, %dma_start3A_999, %dma_start3A_1000] : memref<2x128x128xf32, #tpu.memory_space<vmem>> -> memref<1x128x128xf32, #tpu.memory_space<vmem>>
      %dma_start3A_1002 = tpu.memref_squeeze %dma_start3A_1001 : memref<1x128x128xf32, #tpu.memory_space<vmem>> -> memref<128x128xf32, #tpu.memory_space<vmem>>
      %dma_start3A_1003 = arith.constant 0 : i32
      %dma_start3A_1004 = tpu.memref_slice %arg6[%dma_start3A_997, %dma_start3A_1003] : memref<2x128xi32, #tpu.memory_space<vmem>> -> memref<1x128xi32, #tpu.memory_space<vmem>>
      %dma_start3A_1005 = tpu.memref_squeeze %dma_start3A_1004 : memref<1x128xi32, #tpu.memory_space<vmem>> -> memref<128xi32, #tpu.memory_space<vmem>>
      %dma_start3A_1006 = arith.constant 0 : i32
      %dma_start3A_1007 = arith.constant 0 : i32
      %dma_start3A_1008 = tpu.memref_slice %arg2[%dma_start3A_1006, %dma_start3A_1007] : memref<10016x128xf32, #tpu.memory_space<hbm>> -> memref<10016x128xf32, #tpu.memory_space<hbm>>
      tpu.enqueue_indirect_dma source(%dma_start3A_1008 : memref<10016x128xf32, #tpu.memory_space<hbm>>) target(%dma_start3A_1002 : memref<128x128xf32, #tpu.memory_space<vmem>>) offsets(%dma_start3A_1005 : memref<128xi32, #tpu.memory_space<vmem>>) semaphore(%arg11 : memref<!tpu.dma_semaphore, #tpu.memory_space<semaphore_mem>>)
      %while3A_1009 = arith.constant 0 : i32
      scf.yield %while3A_1009 : i32
    }
    %dma_wait3A_561 = arith.constant 0 : i32
    %dma_wait3A_562 = arith.constant 0 : i32
    %dma_wait3A_563 = arith.constant 0 : i32
    %dma_wait3A_564 = arith.constant 0 : i32
    %dma_wait3A_565 = tpu.memref_slice %arg8[%dma_wait3A_562, %dma_wait3A_563, %dma_wait3A_564] : memref<2x128x128xf32, #tpu.memory_space<vmem>> -> memref<1x128x128xf32, #tpu.memory_space<vmem>>
    %dma_wait3A_566 = tpu.memref_squeeze %dma_wait3A_565 : memref<1x128x128xf32, #tpu.memory_space<vmem>> -> memref<128x128xf32, #tpu.memory_space<vmem>>
    %dma_wait3A_567 = arith.constant 0 : i32
    %dma_wait3A_568 = tpu.memref_slice %arg6[%dma_wait3A_561, %dma_wait3A_567] : memref<2x128xi32, #tpu.memory_space<vmem>> -> memref<1x128xi32, #tpu.memory_space<vmem>>
    %dma_wait3A_569 = tpu.memref_squeeze %dma_wait3A_568 : memref<1x128xi32, #tpu.memory_space<vmem>> -> memref<128xi32, #tpu.memory_space<vmem>>
    %dma_wait3A_570 = arith.constant 0 : i32
    %dma_wait3A_571 = arith.constant 0 : i32
    %dma_wait3A_572 = tpu.memref_slice %arg2[%dma_wait3A_570, %dma_wait3A_571] : memref<10016x128xf32, #tpu.memory_space<hbm>> -> memref<10016x128xf32, #tpu.memory_space<hbm>>
    tpu.wait_indirect_dma semaphore(%arg10 : memref<!tpu.dma_semaphore, #tpu.memory_space<semaphore_mem>>) src(%dma_wait3A_572 : memref<10016x128xf32, #tpu.memory_space<hbm>>) dst(%dma_wait3A_566 : memref<128x128xf32, #tpu.memory_space<vmem>>)
    %run_scoped3A = arith.constant 0 : i32
    %run_scoped3A_573 = arith.constant 0 : i32
    "tpu.region"() ({
      %run_scoped3A_591 = tpu.sem_alloc : memref<!tpu.dma_semaphore, #tpu.memory_space<semaphore_mem>>
      %dma_start3A_592 = arith.constant 0 : i32
      %dma_start3A_593 = arith.constant 0 : i32
      %dma_start3A_594 = tpu.memref_slice %arg8[%run_scoped3A, %dma_start3A_592, %dma_start3A_593] : memref<2x128x128xf32, #tpu.memory_space<vmem>> -> memref<1x128x128xf32, #tpu.memory_space<vmem>>
      %dma_start3A_595 = tpu.memref_squeeze %dma_start3A_594 : memref<1x128x128xf32, #tpu.memory_space<vmem>> -> memref<128x128xf32, #tpu.memory_space<vmem>>
      %dma_start3A_596 = arith.constant 0 : i32
      %dma_start3A_597 = tpu.memref_slice %arg7[%run_scoped3A_573, %dma_start3A_596] : memref<2x128xi32, #tpu.memory_space<vmem>> -> memref<1x128xi32, #tpu.memory_space<vmem>>
      %dma_start3A_598 = tpu.memref_squeeze %dma_start3A_597 : memref<1x128xi32, #tpu.memory_space<vmem>> -> memref<128xi32, #tpu.memory_space<vmem>>
      %dma_start3A_599 = arith.constant 0 : i32
      %dma_start3A_600 = arith.constant 0 : i32
      %dma_start3A_601 = tpu.memref_slice %arg9[%dma_start3A_599, %dma_start3A_600] : memref<10112x128xf32, #tpu.memory_space<vmem_shared>> -> memref<10112x128xf32, #tpu.memory_space<vmem_shared>>
      tpu.enqueue_indirect_dma source(%dma_start3A_595 : memref<128x128xf32, #tpu.memory_space<vmem>>) target(%dma_start3A_601 : memref<10112x128xf32, #tpu.memory_space<vmem_shared>>) offsets(%dma_start3A_598 : memref<128xi32, #tpu.memory_space<vmem>>) semaphore(%run_scoped3A_591 : memref<!tpu.dma_semaphore, #tpu.memory_space<semaphore_mem>>) {add = true}
      %dma_wait3A_602 = arith.constant 0 : i32
      %dma_wait3A_603 = arith.constant 0 : i32
      %dma_wait3A_604 = tpu.memref_slice %arg8[%run_scoped3A, %dma_wait3A_602, %dma_wait3A_603] : memref<2x128x128xf32, #tpu.memory_space<vmem>> -> memref<1x128x128xf32, #tpu.memory_space<vmem>>
      %dma_wait3A_605 = tpu.memref_squeeze %dma_wait3A_604 : memref<1x128x128xf32, #tpu.memory_space<vmem>> -> memref<128x128xf32, #tpu.memory_space<vmem>>
      %dma_wait3A_606 = arith.constant 0 : i32
      %dma_wait3A_607 = tpu.memref_slice %arg7[%run_scoped3A_573, %dma_wait3A_606] : memref<2x128xi32, #tpu.memory_space<vmem>> -> memref<1x128xi32, #tpu.memory_space<vmem>>
      %dma_wait3A_608 = tpu.memref_squeeze %dma_wait3A_607 : memref<1x128xi32, #tpu.memory_space<vmem>> -> memref<128xi32, #tpu.memory_space<vmem>>
      %dma_wait3A_609 = arith.constant 0 : i32
      %dma_wait3A_610 = arith.constant 0 : i32
      %dma_wait3A_611 = tpu.memref_slice %arg9[%dma_wait3A_609, %dma_wait3A_610] : memref<10112x128xf32, #tpu.memory_space<vmem_shared>> -> memref<10112x128xf32, #tpu.memory_space<vmem_shared>>
      tpu.wait_indirect_dma semaphore(%run_scoped3A_591 : memref<!tpu.dma_semaphore, #tpu.memory_space<semaphore_mem>>) src(%dma_wait3A_605 : memref<128x128xf32, #tpu.memory_space<vmem>>) dst(%dma_wait3A_611 : memref<10112x128xf32, #tpu.memory_space<vmem_shared>>)
      tpu.yield
    }) : () -> ()
    %dma_wait3A_574 = arith.constant 1 : i32
    %dma_wait3A_575 = arith.constant 1 : i32
    %dma_wait3A_576 = arith.constant 0 : i32
    %dma_wait3A_577 = arith.constant 0 : i32
    %dma_wait3A_578 = tpu.memref_slice %arg8[%dma_wait3A_575, %dma_wait3A_576, %dma_wait3A_577] : memref<2x128x128xf32, #tpu.memory_space<vmem>> -> memref<1x128x128xf32, #tpu.memory_space<vmem>>
    %dma_wait3A_579 = tpu.memref_squeeze %dma_wait3A_578 : memref<1x128x128xf32, #tpu.memory_space<vmem>> -> memref<128x128xf32, #tpu.memory_space<vmem>>
    %dma_wait3A_580 = arith.constant 0 : i32
    %dma_wait3A_581 = tpu.memref_slice %arg6[%dma_wait3A_574, %dma_wait3A_580] : memref<2x128xi32, #tpu.memory_space<vmem>> -> memref<1x128xi32, #tpu.memory_space<vmem>>
    %dma_wait3A_582 = tpu.memref_squeeze %dma_wait3A_581 : memref<1x128xi32, #tpu.memory_space<vmem>> -> memref<128xi32, #tpu.memory_space<vmem>>
    %dma_wait3A_583 = arith.constant 0 : i32
    %dma_wait3A_584 = arith.constant 0 : i32
    %dma_wait3A_585 = tpu.memref_slice %arg2[%dma_wait3A_583, %dma_wait3A_584] : memref<10016x128xf32, #tpu.memory_space<hbm>> -> memref<10016x128xf32, #tpu.memory_space<hbm>>
    tpu.wait_indirect_dma semaphore(%arg11 : memref<!tpu.dma_semaphore, #tpu.memory_space<semaphore_mem>>) src(%dma_wait3A_585 : memref<10016x128xf32, #tpu.memory_space<hbm>>) dst(%dma_wait3A_579 : memref<128x128xf32, #tpu.memory_space<vmem>>)
    %run_scoped3A_586 = arith.constant 1 : i32
    %run_scoped3A_587 = arith.constant 1 : i32
    "tpu.region"() ({
      %run_scoped3A_591 = tpu.sem_alloc : memref<!tpu.dma_semaphore, #tpu.memory_space<semaphore_mem>>
      %dma_start3A_592 = arith.constant 0 : i32
      %dma_start3A_593 = arith.constant 0 : i32
      %dma_start3A_594 = tpu.memref_slice %arg8[%run_scoped3A_586, %dma_start3A_592, %dma_start3A_593] : memref<2x128x128xf32, #tpu.memory_space<vmem>> -> memref<1x128x128xf32, #tpu.memory_space<vmem>>
      %dma_start3A_595 = tpu.memref_squeeze %dma_start3A_594 : memref<1x128x128xf32, #tpu.memory_space<vmem>> -> memref<128x128xf32, #tpu.memory_space<vmem>>
      %dma_start3A_596 = arith.constant 0 : i32
      %dma_start3A_597 = tpu.memref_slice %arg7[%run_scoped3A_587, %dma_start3A_596] : memref<2x128xi32, #tpu.memory_space<vmem>> -> memref<1x128xi32, #tpu.memory_space<vmem>>
      %dma_start3A_598 = tpu.memref_squeeze %dma_start3A_597 : memref<1x128xi32, #tpu.memory_space<vmem>> -> memref<128xi32, #tpu.memory_space<vmem>>
      %dma_start3A_599 = arith.constant 0 : i32
      %dma_start3A_600 = arith.constant 0 : i32
      %dma_start3A_601 = tpu.memref_slice %arg9[%dma_start3A_599, %dma_start3A_600] : memref<10112x128xf32, #tpu.memory_space<vmem_shared>> -> memref<10112x128xf32, #tpu.memory_space<vmem_shared>>
      tpu.enqueue_indirect_dma source(%dma_start3A_595 : memref<128x128xf32, #tpu.memory_space<vmem>>) target(%dma_start3A_601 : memref<10112x128xf32, #tpu.memory_space<vmem_shared>>) offsets(%dma_start3A_598 : memref<128xi32, #tpu.memory_space<vmem>>) semaphore(%run_scoped3A_591 : memref<!tpu.dma_semaphore, #tpu.memory_space<semaphore_mem>>) {add = true}
      %dma_wait3A_602 = arith.constant 0 : i32
      %dma_wait3A_603 = arith.constant 0 : i32
      %dma_wait3A_604 = tpu.memref_slice %arg8[%run_scoped3A_586, %dma_wait3A_602, %dma_wait3A_603] : memref<2x128x128xf32, #tpu.memory_space<vmem>> -> memref<1x128x128xf32, #tpu.memory_space<vmem>>
      %dma_wait3A_605 = tpu.memref_squeeze %dma_wait3A_604 : memref<1x128x128xf32, #tpu.memory_space<vmem>> -> memref<128x128xf32, #tpu.memory_space<vmem>>
      %dma_wait3A_606 = arith.constant 0 : i32
      %dma_wait3A_607 = tpu.memref_slice %arg7[%run_scoped3A_587, %dma_wait3A_606] : memref<2x128xi32, #tpu.memory_space<vmem>> -> memref<1x128xi32, #tpu.memory_space<vmem>>
      %dma_wait3A_608 = tpu.memref_squeeze %dma_wait3A_607 : memref<1x128xi32, #tpu.memory_space<vmem>> -> memref<128xi32, #tpu.memory_space<vmem>>
      %dma_wait3A_609 = arith.constant 0 : i32
      %dma_wait3A_610 = arith.constant 0 : i32
      %dma_wait3A_611 = tpu.memref_slice %arg9[%dma_wait3A_609, %dma_wait3A_610] : memref<10112x128xf32, #tpu.memory_space<vmem_shared>> -> memref<10112x128xf32, #tpu.memory_space<vmem_shared>>
      tpu.wait_indirect_dma semaphore(%run_scoped3A_591 : memref<!tpu.dma_semaphore, #tpu.memory_space<semaphore_mem>>) src(%dma_wait3A_605 : memref<128x128xf32, #tpu.memory_space<vmem>>) dst(%dma_wait3A_611 : memref<10112x128xf32, #tpu.memory_space<vmem_shared>>)
      tpu.yield
    }) : () -> ()
    %barrier3A_588 = arith.constant 0 : index
    tpu.barrier barrier_id(%barrier3A_588)
    %mul3A_589 = arith.constant 632 : i32
    %mul3A_590 = arith.muli %arg1, %mul3A_589 : i32
    "tpu.region"() ({
      %run_scoped3A_591 = tpu.sem_alloc : memref<!tpu.dma_semaphore, #tpu.memory_space<semaphore_mem>>
      %dma_start3A_592 = arith.constant 0 : i32
      %dma_start3A_593 = tpu.memref_slice %arg4[%arg0, %mul3A_590, %dma_start3A_592] : memref<2x10112x128xf32, #tpu.memory_space<hbm>> -> memref<1x632x128xf32, #tpu.memory_space<hbm>>
      %dma_start3A_594 = tpu.memref_squeeze %dma_start3A_593 : memref<1x632x128xf32, #tpu.memory_space<hbm>> -> memref<632x128xf32, #tpu.memory_space<hbm>>
      %dma_start3A_595 = arith.constant 0 : i32
      %dma_start3A_596 = tpu.memref_slice %arg9[%mul3A_590, %dma_start3A_595] : memref<10112x128xf32, #tpu.memory_space<vmem_shared>> -> memref<632x128xf32, #tpu.memory_space<vmem_shared>>
      tpu.enqueue_dma source(%dma_start3A_596 : memref<632x128xf32, #tpu.memory_space<vmem_shared>>) target(%dma_start3A_594 : memref<632x128xf32, #tpu.memory_space<hbm>>) target_semaphore(%run_scoped3A_591 : memref<!tpu.dma_semaphore, #tpu.memory_space<semaphore_mem>>)
      %dma_wait3A_597 = arith.constant 0 : i32
      %dma_wait3A_598 = tpu.memref_slice %arg4[%arg0, %mul3A_590, %dma_wait3A_597] : memref<2x10112x128xf32, #tpu.memory_space<hbm>> -> memref<1x632x128xf32, #tpu.memory_space<hbm>>
      %dma_wait3A_599 = tpu.memref_squeeze %dma_wait3A_598 : memref<1x632x128xf32, #tpu.memory_space<hbm>> -> memref<632x128xf32, #tpu.memory_space<hbm>>
      %dma_wait3A_600 = arith.constant 0 : i32
      %dma_wait3A_601 = tpu.memref_slice %arg9[%mul3A_590, %dma_wait3A_600] : memref<10112x128xf32, #tpu.memory_space<vmem_shared>> -> memref<632x128xf32, #tpu.memory_space<vmem_shared>>
      tpu.wait_dma2 semaphore(%run_scoped3A_591 : memref<!tpu.dma_semaphore, #tpu.memory_space<semaphore_mem>>) src(%dma_wait3A_601 : memref<632x128xf32, #tpu.memory_space<vmem_shared>>) dst(%dma_wait3A_599 : memref<632x128xf32, #tpu.memory_space<hbm>>)
      tpu.yield
    }) : () -> ()
    return
  }
}

#map = affine_map<(d0, d1) -> (0, 0)>
#map1 = affine_map<(d0, d1) -> (0, 0, 0)>
module attributes {stable_mosaic.version = 14 : i64} {
  func.func @_msg_kernel(%arg0: i32, %arg1: i32, %arg2: memref<10016x128xf32, #tpu.memory_space<hbm>>, %arg3: memref<32x128x128xi32, #tpu.memory_space<hbm>>, %arg4: memref<2x10112x128xf32, #tpu.memory_space<hbm>>, %arg5: memref<128x128xi32, #tpu.memory_space<vmem>>, %arg6: memref<2x128xi32, #tpu.memory_space<vmem>>, %arg7: memref<2x128xi32, #tpu.memory_space<vmem>>, %arg8: memref<2x128x128xf32, #tpu.memory_space<vmem>>, %arg9: memref<10112x128xf32, #tpu.memory_space<vmem_shared>>, %arg10: memref<!tpu.dma_semaphore, #tpu.memory_space<semaphore_mem>>, %arg11: memref<!tpu.dma_semaphore, #tpu.memory_space<semaphore_mem>>, %arg12: memref<!tpu.dma_semaphore, #tpu.memory_space<semaphore_mem>>) attributes {dimension_semantics = [#tpu.dimension_semantics<core_parallel>, #tpu.dimension_semantics<subcore_parallel>], iteration_bounds = array<i64: 2, 16>, scalar_prefetch = 0 : i64, scratch_operands = 8 : i64, tpu.core_type = #tpu.core_type<sc_vector_subcore>, window_params = [{transform_indices = #map}, {transform_indices = #map1}, {transform_indices = #map1}]} {
    %mul3A = arith.constant 16 : i32
    %mul3A_0 = arith.muli %arg0, %mul3A : i32
    %add3A = arith.addi %mul3A_0, %arg1 : i32
    "tpu.region"() ({
      %run_scoped3A_591 = tpu.sem_alloc : memref<!tpu.dma_semaphore, #tpu.memory_space<semaphore_mem>>
      %dma_start3A_592 = arith.constant 0 : i32
      %dma_start3A_593 = arith.constant 0 : i32
      %dma_start3A_594 = tpu.memref_slice %arg3[%add3A, %dma_start3A_592, %dma_start3A_593] : memref<32x128x128xi32, #tpu.memory_space<hbm>> -> memref<1x128x128xi32, #tpu.memory_space<hbm>>
      %dma_start3A_595 = tpu.memref_squeeze %dma_start3A_594 : memref<1x128x128xi32, #tpu.memory_space<hbm>> -> memref<128x128xi32, #tpu.memory_space<hbm>>
      %dma_start3A_596 = arith.constant 0 : i32
      %dma_start3A_597 = arith.constant 0 : i32
      %dma_start3A_598 = tpu.memref_slice %arg3[%add3A, %dma_start3A_596, %dma_start3A_597] : memref<32x128x128xi32, #tpu.memory_space<hbm>> -> memref<1x128x128xi32, #tpu.memory_space<hbm>>
      %dma_start3A_599 = tpu.memref_squeeze %dma_start3A_598 : memref<1x128x128xi32, #tpu.memory_space<hbm>> -> memref<128x128xi32, #tpu.memory_space<hbm>>
      tpu.enqueue_dma source(%dma_start3A_599 : memref<128x128xi32, #tpu.memory_space<hbm>>) target(%arg5 : memref<128x128xi32, #tpu.memory_space<vmem>>) target_semaphore(%run_scoped3A_591 : memref<!tpu.dma_semaphore, #tpu.memory_space<semaphore_mem>>)
      %dma_wait3A_600 = arith.constant 0 : i32
      %dma_wait3A_601 = arith.constant 0 : i32
      %dma_wait3A_602 = tpu.memref_slice %arg3[%add3A, %dma_wait3A_600, %dma_wait3A_601] : memref<32x128x128xi32, #tpu.memory_space<hbm>> -> memref<1x128x128xi32, #tpu.memory_space<hbm>>
      %dma_wait3A_603 = tpu.memref_squeeze %dma_wait3A_602 : memref<1x128x128xi32, #tpu.memory_space<hbm>> -> memref<128x128xi32, #tpu.memory_space<hbm>>
      %dma_wait3A_604 = arith.constant 0 : i32
      %dma_wait3A_605 = arith.constant 0 : i32
      %dma_wait3A_606 = tpu.memref_slice %arg3[%add3A, %dma_wait3A_604, %dma_wait3A_605] : memref<32x128x128xi32, #tpu.memory_space<hbm>> -> memref<1x128x128xi32, #tpu.memory_space<hbm>>
      %dma_wait3A_607 = tpu.memref_squeeze %dma_wait3A_606 : memref<1x128x128xi32, #tpu.memory_space<hbm>> -> memref<128x128xi32, #tpu.memory_space<hbm>>
      tpu.wait_dma2 semaphore(%run_scoped3A_591 : memref<!tpu.dma_semaphore, #tpu.memory_space<semaphore_mem>>) src(%dma_wait3A_607 : memref<128x128xi32, #tpu.memory_space<hbm>>) dst(%arg5 : memref<128x128xi32, #tpu.memory_space<vmem>>)
      tpu.yield
    }) : () -> ()
    %broadcast_in_dim3A = arith.constant 0.000000e+00 : f32
    %broadcast_in_dim3A_1 = vector.broadcast %broadcast_in_dim3A : f32 to vector<16xf32>
    %scan3A = arith.constant 1 : i32
    %scan3A_2 = arith.constant 0 : i32
    %scan3A_3 = arith.constant 0 : i32
    %scan3A_4 = arith.constant 128 : i32
    %scan3A_5 = arith.addi %scan3A_3, %scan3A_4 : i32
    %scan3A_6 = arith.constant 1 : i32
    %scan3A_7 = scf.for %scan3A_591 = %scan3A_3 to %scan3A_5 step %scan3A_6 iter_args(%scan3A_592 = %scan3A_2) -> (i32)  : i32 {
      %swap3A_593 = arith.constant 0 : i32
      %swap3A_594 = arith.constant 0 : i32
      %swap3A_595 = tpu.memref_slice %arg8[%scan3A, %swap3A_593, %swap3A_594] : memref<2x128x128xf32, #tpu.memory_space<vmem>> -> memref<1x128x128xf32, #tpu.memory_space<vmem>>
      %swap3A_596 = tpu.memref_squeeze %swap3A_595 : memref<1x128x128xf32, #tpu.memory_space<vmem>> -> memref<128x128xf32, #tpu.memory_space<vmem>>
      %swap3A_597 = arith.index_cast %scan3A_591 : i32 to index
      %swap3A_598 = arith.constant 0 : index
      %swap3A_599 = tpu.vector_load %swap3A_596[%swap3A_597, %swap3A_598] {strides = array<i32>} : memref<128x128xf32, #tpu.memory_space<vmem>>, vector<1x16xf32>,
      %swap3A_600 = vector.shape_cast %swap3A_599 : vector<1x16xf32> to vector<16xf32>
      %swap3A_601 = vector.shape_cast %broadcast_in_dim3A_1 : vector<16xf32> to vector<1x16xf32>
      tpu.vector_store %swap3A_596[%swap3A_597, %swap3A_598], %swap3A_601 {strides = array<i32>} : memref<128x128xf32, #tpu.memory_space<vmem>>, vector<1x16xf32>,
      %swap3A_602 = arith.constant 0 : i32
      %swap3A_603 = arith.constant 0 : i32
      %swap3A_604 = tpu.memref_slice %arg8[%scan3A, %swap3A_602, %swap3A_603] : memref<2x128x128xf32, #tpu.memory_space<vmem>> -> memref<1x128x128xf32, #tpu.memory_space<vmem>>
      %swap3A_605 = tpu.memref_squeeze %swap3A_604 : memref<1x128x128xf32, #tpu.memory_space<vmem>> -> memref<128x128xf32, #tpu.memory_space<vmem>>
      %swap3A_606 = arith.index_cast %scan3A_591 : i32 to index
      %swap3A_607 = arith.constant 16 : index
      %swap3A_608 = tpu.vector_load %swap3A_605[%swap3A_606, %swap3A_607] {strides = array<i32>} : memref<128x128xf32, #tpu.memory_space<vmem>>, vector<1x16xf32>,
      %swap3A_609 = vector.shape_cast %swap3A_608 : vector<1x16xf32> to vector<16xf32>
      %swap3A_610 = vector.shape_cast %broadcast_in_dim3A_1 : vector<16xf32> to vector<1x16xf32>
      tpu.vector_store %swap3A_605[%swap3A_606, %swap3A_607], %swap3A_610 {strides = array<i32>} : memref<128x128xf32, #tpu.memory_space<vmem>>, vector<1x16xf32>,
      %swap3A_611 = arith.constant 0 : i32
      %swap3A_612 = arith.constant 0 : i32
      %swap3A_613 = tpu.memref_slice %arg8[%scan3A, %swap3A_611, %swap3A_612] : memref<2x128x128xf32, #tpu.memory_space<vmem>> -> memref<1x128x128xf32, #tpu.memory_space<vmem>>
      %swap3A_614 = tpu.memref_squeeze %swap3A_613 : memref<1x128x128xf32, #tpu.memory_space<vmem>> -> memref<128x128xf32, #tpu.memory_space<vmem>>
      %swap3A_615 = arith.index_cast %scan3A_591 : i32 to index
      %swap3A_616 = arith.constant 32 : index
      %swap3A_617 = tpu.vector_load %swap3A_614[%swap3A_615, %swap3A_616] {strides = array<i32>} : memref<128x128xf32, #tpu.memory_space<vmem>>, vector<1x16xf32>,
      %swap3A_618 = vector.shape_cast %swap3A_617 : vector<1x16xf32> to vector<16xf32>
      %swap3A_619 = vector.shape_cast %broadcast_in_dim3A_1 : vector<16xf32> to vector<1x16xf32>
      tpu.vector_store %swap3A_614[%swap3A_615, %swap3A_616], %swap3A_619 {strides = array<i32>} : memref<128x128xf32, #tpu.memory_space<vmem>>, vector<1x16xf32>,
      %swap3A_620 = arith.constant 0 : i32
      %swap3A_621 = arith.constant 0 : i32
      %swap3A_622 = tpu.memref_slice %arg8[%scan3A, %swap3A_620, %swap3A_621] : memref<2x128x128xf32, #tpu.memory_space<vmem>> -> memref<1x128x128xf32, #tpu.memory_space<vmem>>
      %swap3A_623 = tpu.memref_squeeze %swap3A_622 : memref<1x128x128xf32, #tpu.memory_space<vmem>> -> memref<128x128xf32, #tpu.memory_space<vmem>>
      %swap3A_624 = arith.index_cast %scan3A_591 : i32 to index
      %swap3A_625 = arith.constant 48 : index
      %swap3A_626 = tpu.vector_load %swap3A_623[%swap3A_624, %swap3A_625] {strides = array<i32>} : memref<128x128xf32, #tpu.memory_space<vmem>>, vector<1x16xf32>,
      %swap3A_627 = vector.shape_cast %swap3A_626 : vector<1x16xf32> to vector<16xf32>
      %swap3A_628 = vector.shape_cast %broadcast_in_dim3A_1 : vector<16xf32> to vector<1x16xf32>
      tpu.vector_store %swap3A_623[%swap3A_624, %swap3A_625], %swap3A_628 {strides = array<i32>} : memref<128x128xf32, #tpu.memory_space<vmem>>, vector<1x16xf32>,
      %swap3A_629 = arith.constant 0 : i32
      %swap3A_630 = arith.constant 0 : i32
      %swap3A_631 = tpu.memref_slice %arg8[%scan3A, %swap3A_629, %swap3A_630] : memref<2x128x128xf32, #tpu.memory_space<vmem>> -> memref<1x128x128xf32, #tpu.memory_space<vmem>>
      %swap3A_632 = tpu.memref_squeeze %swap3A_631 : memref<1x128x128xf32, #tpu.memory_space<vmem>> -> memref<128x128xf32, #tpu.memory_space<vmem>>
      %swap3A_633 = arith.index_cast %scan3A_591 : i32 to index
      %swap3A_634 = arith.constant 64 : index
      %swap3A_635 = tpu.vector_load %swap3A_632[%swap3A_633, %swap3A_634] {strides = array<i32>} : memref<128x128xf32, #tpu.memory_space<vmem>>, vector<1x16xf32>,
      %swap3A_636 = vector.shape_cast %swap3A_635 : vector<1x16xf32> to vector<16xf32>
      %swap3A_637 = vector.shape_cast %broadcast_in_dim3A_1 : vector<16xf32> to vector<1x16xf32>
      tpu.vector_store %swap3A_632[%swap3A_633, %swap3A_634], %swap3A_637 {strides = array<i32>} : memref<128x128xf32, #tpu.memory_space<vmem>>, vector<1x16xf32>,
      %swap3A_638 = arith.constant 0 : i32
      %swap3A_639 = arith.constant 0 : i32
      %swap3A_640 = tpu.memref_slice %arg8[%scan3A, %swap3A_638, %swap3A_639] : memref<2x128x128xf32, #tpu.memory_space<vmem>> -> memref<1x128x128xf32, #tpu.memory_space<vmem>>
      %swap3A_641 = tpu.memref_squeeze %swap3A_640 : memref<1x128x128xf32, #tpu.memory_space<vmem>> -> memref<128x128xf32, #tpu.memory_space<vmem>>
      %swap3A_642 = arith.index_cast %scan3A_591 : i32 to index
      %swap3A_643 = arith.constant 80 : index
      %swap3A_644 = tpu.vector_load %swap3A_641[%swap3A_642, %swap3A_643] {strides = array<i32>} : memref<128x128xf32, #tpu.memory_space<vmem>>, vector<1x16xf32>,
      %swap3A_645 = vector.shape_cast %swap3A_644 : vector<1x16xf32> to vector<16xf32>
      %swap3A_646 = vector.shape_cast %broadcast_in_dim3A_1 : vector<16xf32> to vector<1x16xf32>
      tpu.vector_store %swap3A_641[%swap3A_642, %swap3A_643], %swap3A_646 {strides = array<i32>} : memref<128x128xf32, #tpu.memory_space<vmem>>, vector<1x16xf32>,
      %swap3A_647 = arith.constant 0 : i32
      %swap3A_648 = arith.constant 0 : i32
      %swap3A_649 = tpu.memref_slice %arg8[%scan3A, %swap3A_647, %swap3A_648] : memref<2x128x128xf32, #tpu.memory_space<vmem>> -> memref<1x128x128xf32, #tpu.memory_space<vmem>>
      %swap3A_650 = tpu.memref_squeeze %swap3A_649 : memref<1x128x128xf32, #tpu.memory_space<vmem>> -> memref<128x128xf32, #tpu.memory_space<vmem>>
      %swap3A_651 = arith.index_cast %scan3A_591 : i32 to index
      %swap3A_652 = arith.constant 96 : index
      %swap3A_653 = tpu.vector_load %swap3A_650[%swap3A_651, %swap3A_652] {strides = array<i32>} : memref<128x128xf32, #tpu.memory_space<vmem>>, vector<1x16xf32>,
      %swap3A_654 = vector.shape_cast %swap3A_653 : vector<1x16xf32> to vector<16xf32>
      %swap3A_655 = vector.shape_cast %broadcast_in_dim3A_1 : vector<16xf32> to vector<1x16xf32>
      tpu.vector_store %swap3A_650[%swap3A_651, %swap3A_652], %swap3A_655 {strides = array<i32>} : memref<128x128xf32, #tpu.memory_space<vmem>>, vector<1x16xf32>,
      %swap3A_656 = arith.constant 0 : i32
      %swap3A_657 = arith.constant 0 : i32
      %swap3A_658 = tpu.memref_slice %arg8[%scan3A, %swap3A_656, %swap3A_657] : memref<2x128x128xf32, #tpu.memory_space<vmem>> -> memref<1x128x128xf32, #tpu.memory_space<vmem>>
      %swap3A_659 = tpu.memref_squeeze %swap3A_658 : memref<1x128x128xf32, #tpu.memory_space<vmem>> -> memref<128x128xf32, #tpu.memory_space<vmem>>
      %swap3A_660 = arith.index_cast %scan3A_591 : i32 to index
      %swap3A_661 = arith.constant 112 : index
      %swap3A_662 = tpu.vector_load %swap3A_659[%swap3A_660, %swap3A_661] {strides = array<i32>} : memref<128x128xf32, #tpu.memory_space<vmem>>, vector<1x16xf32>,
      %swap3A_663 = vector.shape_cast %swap3A_662 : vector<1x16xf32> to vector<16xf32>
      %swap3A_664 = vector.shape_cast %broadcast_in_dim3A_1 : vector<16xf32> to vector<1x16xf32>
      tpu.vector_store %swap3A_659[%swap3A_660, %swap3A_661], %swap3A_664 {strides = array<i32>} : memref<128x128xf32, #tpu.memory_space<vmem>>, vector<1x16xf32>,
      %scan3A_665 = arith.constant 0 : i32
      scf.yield %scan3A_665 : i32
    }
    %scan3A_8 = arith.constant 128 : i32
    %mul3A_9 = arith.constant 632 : i32
    %mul3A_10 = arith.muli %arg1, %mul3A_9 : i32
    %dma_start3A = arith.constant 1 : i32
    %dma_start3A_11 = arith.constant 0 : i32
    %dma_start3A_12 = arith.constant 0 : i32
    %dma_start3A_13 = tpu.memref_slice %arg8[%dma_start3A, %dma_start3A_11, %dma_start3A_12] : memref<2x128x128xf32, #tpu.memory_space<vmem>> -> memref<1x128x128xf32, #tpu.memory_space<vmem>>
    %dma_start3A_14 = tpu.memref_squeeze %dma_start3A_13 : memref<1x128x128xf32, #tpu.memory_space<vmem>> -> memref<128x128xf32, #tpu.memory_space<vmem>>
    %dma_start3A_15 = arith.constant 0 : i32
    %dma_start3A_16 = tpu.memref_slice %arg9[%mul3A_10, %dma_start3A_15] : memref<10112x128xf32, #tpu.memory_space<vmem_shared>> -> memref<128x128xf32, #tpu.memory_space<vmem_shared>>
    %dma_start3A_17 = arith.constant 0 : i32
    %dma_start3A_18 = tpu.memref_slice %arg9[%mul3A_10, %dma_start3A_17] : memref<10112x128xf32, #tpu.memory_space<vmem_shared>> -> memref<128x128xf32, #tpu.memory_space<vmem_shared>>
    %dma_start3A_19 = arith.constant 0 : i32
    %dma_start3A_20 = arith.constant 0 : i32
    %dma_start3A_21 = tpu.memref_slice %arg8[%dma_start3A, %dma_start3A_19, %dma_start3A_20] : memref<2x128x128xf32, #tpu.memory_space<vmem>> -> memref<1x128x128xf32, #tpu.memory_space<vmem>>
    %dma_start3A_22 = tpu.memref_squeeze %dma_start3A_21 : memref<1x128x128xf32, #tpu.memory_space<vmem>> -> memref<128x128xf32, #tpu.memory_space<vmem>>
    tpu.enqueue_dma source(%dma_start3A_22 : memref<128x128xf32, #tpu.memory_space<vmem>>) target(%dma_start3A_18 : memref<128x128xf32, #tpu.memory_space<vmem_shared>>) target_semaphore(%arg12 : memref<!tpu.dma_semaphore, #tpu.memory_space<semaphore_mem>>)
    %add3A_23 = arith.constant 128 : i32
    %add3A_24 = arith.addi %mul3A_10, %add3A_23 : i32
    %dma_start3A_25 = arith.constant 1 : i32
    %dma_start3A_26 = arith.constant 0 : i32
    %dma_start3A_27 = arith.constant 0 : i32
    %dma_start3A_28 = tpu.memref_slice %arg8[%dma_start3A_25, %dma_start3A_26, %dma_start3A_27] : memref<2x128x128xf32, #tpu.memory_space<vmem>> -> memref<1x128x128xf32, #tpu.memory_space<vmem>>
    %dma_start3A_29 = tpu.memref_squeeze %dma_start3A_28 : memref<1x128x128xf32, #tpu.memory_space<vmem>> -> memref<128x128xf32, #tpu.memory_space<vmem>>
    %dma_start3A_30 = arith.constant 0 : i32
    %dma_start3A_31 = tpu.memref_slice %arg9[%add3A_24, %dma_start3A_30] : memref<10112x128xf32, #tpu.memory_space<vmem_shared>> -> memref<128x128xf32, #tpu.memory_space<vmem_shared>>
    %dma_start3A_32 = arith.constant 0 : i32
    %dma_start3A_33 = tpu.memref_slice %arg9[%add3A_24, %dma_start3A_32] : memref<10112x128xf32, #tpu.memory_space<vmem_shared>> -> memref<128x128xf32, #tpu.memory_space<vmem_shared>>
    %dma_start3A_34 = arith.constant 0 : i32
    %dma_start3A_35 = arith.constant 0 : i32
    %dma_start3A_36 = tpu.memref_slice %arg8[%dma_start3A_25, %dma_start3A_34, %dma_start3A_35] : memref<2x128x128xf32, #tpu.memory_space<vmem>> -> memref<1x128x128xf32, #tpu.memory_space<vmem>>
    %dma_start3A_37 = tpu.memref_squeeze %dma_start3A_36 : memref<1x128x128xf32, #tpu.memory_space<vmem>> -> memref<128x128xf32, #tpu.memory_space<vmem>>
    tpu.enqueue_dma source(%dma_start3A_37 : memref<128x128xf32, #tpu.memory_space<vmem>>) target(%dma_start3A_33 : memref<128x128xf32, #tpu.memory_space<vmem_shared>>) target_semaphore(%arg12 : memref<!tpu.dma_semaphore, #tpu.memory_space<semaphore_mem>>)
    %add3A_38 = arith.constant 256 : i32
    %add3A_39 = arith.addi %mul3A_10, %add3A_38 : i32
    %dma_start3A_40 = arith.constant 1 : i32
    %dma_start3A_41 = arith.constant 0 : i32
    %dma_start3A_42 = arith.constant 0 : i32
    %dma_start3A_43 = tpu.memref_slice %arg8[%dma_start3A_40, %dma_start3A_41, %dma_start3A_42] : memref<2x128x128xf32, #tpu.memory_space<vmem>> -> memref<1x128x128xf32, #tpu.memory_space<vmem>>
    %dma_start3A_44 = tpu.memref_squeeze %dma_start3A_43 : memref<1x128x128xf32, #tpu.memory_space<vmem>> -> memref<128x128xf32, #tpu.memory_space<vmem>>
    %dma_start3A_45 = arith.constant 0 : i32
    %dma_start3A_46 = tpu.memref_slice %arg9[%add3A_39, %dma_start3A_45] : memref<10112x128xf32, #tpu.memory_space<vmem_shared>> -> memref<128x128xf32, #tpu.memory_space<vmem_shared>>
    %dma_start3A_47 = arith.constant 0 : i32
    %dma_start3A_48 = tpu.memref_slice %arg9[%add3A_39, %dma_start3A_47] : memref<10112x128xf32, #tpu.memory_space<vmem_shared>> -> memref<128x128xf32, #tpu.memory_space<vmem_shared>>
    %dma_start3A_49 = arith.constant 0 : i32
    %dma_start3A_50 = arith.constant 0 : i32
    %dma_start3A_51 = tpu.memref_slice %arg8[%dma_start3A_40, %dma_start3A_49, %dma_start3A_50] : memref<2x128x128xf32, #tpu.memory_space<vmem>> -> memref<1x128x128xf32, #tpu.memory_space<vmem>>
    %dma_start3A_52 = tpu.memref_squeeze %dma_start3A_51 : memref<1x128x128xf32, #tpu.memory_space<vmem>> -> memref<128x128xf32, #tpu.memory_space<vmem>>
    tpu.enqueue_dma source(%dma_start3A_52 : memref<128x128xf32, #tpu.memory_space<vmem>>) target(%dma_start3A_48 : memref<128x128xf32, #tpu.memory_space<vmem_shared>>) target_semaphore(%arg12 : memref<!tpu.dma_semaphore, #tpu.memory_space<semaphore_mem>>)
    %add3A_53 = arith.constant 384 : i32
    %add3A_54 = arith.addi %mul3A_10, %add3A_53 : i32
    %dma_start3A_55 = arith.constant 1 : i32
    %dma_start3A_56 = arith.constant 0 : i32
    %dma_start3A_57 = arith.constant 0 : i32
    %dma_start3A_58 = tpu.memref_slice %arg8[%dma_start3A_55, %dma_start3A_56, %dma_start3A_57] : memref<2x128x128xf32, #tpu.memory_space<vmem>> -> memref<1x128x128xf32, #tpu.memory_space<vmem>>
    %dma_start3A_59 = tpu.memref_squeeze %dma_start3A_58 : memref<1x128x128xf32, #tpu.memory_space<vmem>> -> memref<128x128xf32, #tpu.memory_space<vmem>>
    %dma_start3A_60 = arith.constant 0 : i32
    %dma_start3A_61 = tpu.memref_slice %arg9[%add3A_54, %dma_start3A_60] : memref<10112x128xf32, #tpu.memory_space<vmem_shared>> -> memref<128x128xf32, #tpu.memory_space<vmem_shared>>
    %dma_start3A_62 = arith.constant 0 : i32
    %dma_start3A_63 = tpu.memref_slice %arg9[%add3A_54, %dma_start3A_62] : memref<10112x128xf32, #tpu.memory_space<vmem_shared>> -> memref<128x128xf32, #tpu.memory_space<vmem_shared>>
    %dma_start3A_64 = arith.constant 0 : i32
    %dma_start3A_65 = arith.constant 0 : i32
    %dma_start3A_66 = tpu.memref_slice %arg8[%dma_start3A_55, %dma_start3A_64, %dma_start3A_65] : memref<2x128x128xf32, #tpu.memory_space<vmem>> -> memref<1x128x128xf32, #tpu.memory_space<vmem>>
    %dma_start3A_67 = tpu.memref_squeeze %dma_start3A_66 : memref<1x128x128xf32, #tpu.memory_space<vmem>> -> memref<128x128xf32, #tpu.memory_space<vmem>>
    tpu.enqueue_dma source(%dma_start3A_67 : memref<128x128xf32, #tpu.memory_space<vmem>>) target(%dma_start3A_63 : memref<128x128xf32, #tpu.memory_space<vmem_shared>>) target_semaphore(%arg12 : memref<!tpu.dma_semaphore, #tpu.memory_space<semaphore_mem>>)
    %add3A_68 = arith.constant 512 : i32
    %add3A_69 = arith.addi %mul3A_10, %add3A_68 : i32
    %dma_start3A_70 = arith.constant 1 : i32
    %dma_start3A_71 = arith.constant 0 : i32
    %dma_start3A_72 = arith.constant 0 : i32
    %dma_start3A_73 = tpu.memref_slice %arg8[%dma_start3A_70, %dma_start3A_71, %dma_start3A_72] : memref<2x128x128xf32, #tpu.memory_space<vmem>> -> memref<1x128x128xf32, #tpu.memory_space<vmem>>
    %dma_start3A_74 = tpu.memref_squeeze %dma_start3A_73 : memref<1x128x128xf32, #tpu.memory_space<vmem>> -> memref<128x128xf32, #tpu.memory_space<vmem>>
    %dma_start3A_75 = arith.constant 0 : i32
    %dma_start3A_76 = arith.constant 0 : i32
    %dma_start3A_77 = tpu.memref_slice %dma_start3A_74[%dma_start3A_75, %dma_start3A_76] : memref<128x128xf32, #tpu.memory_space<vmem>> -> memref<120x128xf32, #tpu.memory_space<vmem>>
    %dma_start3A_78 = arith.constant 0 : i32
    %dma_start3A_79 = tpu.memref_slice %arg9[%add3A_69, %dma_start3A_78] : memref<10112x128xf32, #tpu.memory_space<vmem_shared>> -> memref<120x128xf32, #tpu.memory_space<vmem_shared>>
    %dma_start3A_80 = arith.constant 0 : i32
    %dma_start3A_81 = tpu.memref_slice %arg9[%add3A_69, %dma_start3A_80] : memref<10112x128xf32, #tpu.memory_space<vmem_shared>> -> memref<120x128xf32, #tpu.memory_space<vmem_shared>>
    %dma_start3A_82 = arith.constant 0 : i32
    %dma_start3A_83 = arith.constant 0 : i32
    %dma_start3A_84 = tpu.memref_slice %arg8[%dma_start3A_70, %dma_start3A_82, %dma_start3A_83] : memref<2x128x128xf32, #tpu.memory_space<vmem>> -> memref<1x128x128xf32, #tpu.memory_space<vmem>>
    %dma_start3A_85 = tpu.memref_squeeze %dma_start3A_84 : memref<1x128x128xf32, #tpu.memory_space<vmem>> -> memref<128x128xf32, #tpu.memory_space<vmem>>
    %dma_start3A_86 = arith.constant 0 : i32
    %dma_start3A_87 = arith.constant 0 : i32
    %dma_start3A_88 = tpu.memref_slice %dma_start3A_85[%dma_start3A_86, %dma_start3A_87] : memref<128x128xf32, #tpu.memory_space<vmem>> -> memref<120x128xf32, #tpu.memory_space<vmem>>
    tpu.enqueue_dma source(%dma_start3A_88 : memref<120x128xf32, #tpu.memory_space<vmem>>) target(%dma_start3A_81 : memref<120x128xf32, #tpu.memory_space<vmem_shared>>) target_semaphore(%arg12 : memref<!tpu.dma_semaphore, #tpu.memory_space<semaphore_mem>>)
    %dma_wait3A = arith.constant 1 : i32
    %dma_wait3A_89 = arith.constant 0 : i32
    %dma_wait3A_90 = arith.constant 0 : i32
    %dma_wait3A_91 = tpu.memref_slice %arg8[%dma_wait3A, %dma_wait3A_89, %dma_wait3A_90] : memref<2x128x128xf32, #tpu.memory_space<vmem>> -> memref<1x128x128xf32, #tpu.memory_space<vmem>>
    %dma_wait3A_92 = tpu.memref_squeeze %dma_wait3A_91 : memref<1x128x128xf32, #tpu.memory_space<vmem>> -> memref<128x128xf32, #tpu.memory_space<vmem>>
    %dma_wait3A_93 = arith.constant 0 : i32
    %dma_wait3A_94 = tpu.memref_slice %arg9[%mul3A_10, %dma_wait3A_93] : memref<10112x128xf32, #tpu.memory_space<vmem_shared>> -> memref<128x128xf32, #tpu.memory_space<vmem_shared>>
    %dma_wait3A_95 = arith.constant 0 : i32
    %dma_wait3A_96 = tpu.memref_slice %arg9[%mul3A_10, %dma_wait3A_95] : memref<10112x128xf32, #tpu.memory_space<vmem_shared>> -> memref<128x128xf32, #tpu.memory_space<vmem_shared>>
    %dma_wait3A_97 = arith.constant 0 : i32
    %dma_wait3A_98 = arith.constant 0 : i32
    %dma_wait3A_99 = tpu.memref_slice %arg8[%dma_wait3A, %dma_wait3A_97, %dma_wait3A_98] : memref<2x128x128xf32, #tpu.memory_space<vmem>> -> memref<1x128x128xf32, #tpu.memory_space<vmem>>
    %dma_wait3A_100 = tpu.memref_squeeze %dma_wait3A_99 : memref<1x128x128xf32, #tpu.memory_space<vmem>> -> memref<128x128xf32, #tpu.memory_space<vmem>>
    tpu.wait_dma2 semaphore(%arg12 : memref<!tpu.dma_semaphore, #tpu.memory_space<semaphore_mem>>) src(%dma_wait3A_100 : memref<128x128xf32, #tpu.memory_space<vmem>>) dst(%dma_wait3A_96 : memref<128x128xf32, #tpu.memory_space<vmem_shared>>)
    %dma_wait3A_101 = arith.constant 1 : i32
    %dma_wait3A_102 = arith.constant 0 : i32
    %dma_wait3A_103 = arith.constant 0 : i32
    %dma_wait3A_104 = tpu.memref_slice %arg8[%dma_wait3A_101, %dma_wait3A_102, %dma_wait3A_103] : memref<2x128x128xf32, #tpu.memory_space<vmem>> -> memref<1x128x128xf32, #tpu.memory_space<vmem>>
    %dma_wait3A_105 = tpu.memref_squeeze %dma_wait3A_104 : memref<1x128x128xf32, #tpu.memory_space<vmem>> -> memref<128x128xf32, #tpu.memory_space<vmem>>
    %dma_wait3A_106 = arith.constant 0 : i32
    %dma_wait3A_107 = tpu.memref_slice %arg9[%mul3A_10, %dma_wait3A_106] : memref<10112x128xf32, #tpu.memory_space<vmem_shared>> -> memref<128x128xf32, #tpu.memory_space<vmem_shared>>
    %dma_wait3A_108 = arith.constant 0 : i32
    %dma_wait3A_109 = tpu.memref_slice %arg9[%mul3A_10, %dma_wait3A_108] : memref<10112x128xf32, #tpu.memory_space<vmem_shared>> -> memref<128x128xf32, #tpu.memory_space<vmem_shared>>
    %dma_wait3A_110 = arith.constant 0 : i32
    %dma_wait3A_111 = arith.constant 0 : i32
    %dma_wait3A_112 = tpu.memref_slice %arg8[%dma_wait3A_101, %dma_wait3A_110, %dma_wait3A_111] : memref<2x128x128xf32, #tpu.memory_space<vmem>> -> memref<1x128x128xf32, #tpu.memory_space<vmem>>
    %dma_wait3A_113 = tpu.memref_squeeze %dma_wait3A_112 : memref<1x128x128xf32, #tpu.memory_space<vmem>> -> memref<128x128xf32, #tpu.memory_space<vmem>>
    tpu.wait_dma2 semaphore(%arg12 : memref<!tpu.dma_semaphore, #tpu.memory_space<semaphore_mem>>) src(%dma_wait3A_113 : memref<128x128xf32, #tpu.memory_space<vmem>>) dst(%dma_wait3A_109 : memref<128x128xf32, #tpu.memory_space<vmem_shared>>)
    %dma_wait3A_114 = arith.constant 1 : i32
    %dma_wait3A_115 = arith.constant 0 : i32
    %dma_wait3A_116 = arith.constant 0 : i32
    %dma_wait3A_117 = tpu.memref_slice %arg8[%dma_wait3A_114, %dma_wait3A_115, %dma_wait3A_116] : memref<2x128x128xf32, #tpu.memory_space<vmem>> -> memref<1x128x128xf32, #tpu.memory_space<vmem>>
    %dma_wait3A_118 = tpu.memref_squeeze %dma_wait3A_117 : memref<1x128x128xf32, #tpu.memory_space<vmem>> -> memref<128x128xf32, #tpu.memory_space<vmem>>
    %dma_wait3A_119 = arith.constant 0 : i32
    %dma_wait3A_120 = tpu.memref_slice %arg9[%mul3A_10, %dma_wait3A_119] : memref<10112x128xf32, #tpu.memory_space<vmem_shared>> -> memref<128x128xf32, #tpu.memory_space<vmem_shared>>
    %dma_wait3A_121 = arith.constant 0 : i32
    %dma_wait3A_122 = tpu.memref_slice %arg9[%mul3A_10, %dma_wait3A_121] : memref<10112x128xf32, #tpu.memory_space<vmem_shared>> -> memref<128x128xf32, #tpu.memory_space<vmem_shared>>
    %dma_wait3A_123 = arith.constant 0 : i32
    %dma_wait3A_124 = arith.constant 0 : i32
    %dma_wait3A_125 = tpu.memref_slice %arg8[%dma_wait3A_114, %dma_wait3A_123, %dma_wait3A_124] : memref<2x128x128xf32, #tpu.memory_space<vmem>> -> memref<1x128x128xf32, #tpu.memory_space<vmem>>
    %dma_wait3A_126 = tpu.memref_squeeze %dma_wait3A_125 : memref<1x128x128xf32, #tpu.memory_space<vmem>> -> memref<128x128xf32, #tpu.memory_space<vmem>>
    tpu.wait_dma2 semaphore(%arg12 : memref<!tpu.dma_semaphore, #tpu.memory_space<semaphore_mem>>) src(%dma_wait3A_126 : memref<128x128xf32, #tpu.memory_space<vmem>>) dst(%dma_wait3A_122 : memref<128x128xf32, #tpu.memory_space<vmem_shared>>)
    %dma_wait3A_127 = arith.constant 1 : i32
    %dma_wait3A_128 = arith.constant 0 : i32
    %dma_wait3A_129 = arith.constant 0 : i32
    %dma_wait3A_130 = tpu.memref_slice %arg8[%dma_wait3A_127, %dma_wait3A_128, %dma_wait3A_129] : memref<2x128x128xf32, #tpu.memory_space<vmem>> -> memref<1x128x128xf32, #tpu.memory_space<vmem>>
    %dma_wait3A_131 = tpu.memref_squeeze %dma_wait3A_130 : memref<1x128x128xf32, #tpu.memory_space<vmem>> -> memref<128x128xf32, #tpu.memory_space<vmem>>
    %dma_wait3A_132 = arith.constant 0 : i32
    %dma_wait3A_133 = tpu.memref_slice %arg9[%mul3A_10, %dma_wait3A_132] : memref<10112x128xf32, #tpu.memory_space<vmem_shared>> -> memref<128x128xf32, #tpu.memory_space<vmem_shared>>
    %dma_wait3A_134 = arith.constant 0 : i32
    %dma_wait3A_135 = tpu.memref_slice %arg9[%mul3A_10, %dma_wait3A_134] : memref<10112x128xf32, #tpu.memory_space<vmem_shared>> -> memref<128x128xf32, #tpu.memory_space<vmem_shared>>
    %dma_wait3A_136 = arith.constant 0 : i32
    %dma_wait3A_137 = arith.constant 0 : i32
    %dma_wait3A_138 = tpu.memref_slice %arg8[%dma_wait3A_127, %dma_wait3A_136, %dma_wait3A_137] : memref<2x128x128xf32, #tpu.memory_space<vmem>> -> memref<1x128x128xf32, #tpu.memory_space<vmem>>
    %dma_wait3A_139 = tpu.memref_squeeze %dma_wait3A_138 : memref<1x128x128xf32, #tpu.memory_space<vmem>> -> memref<128x128xf32, #tpu.memory_space<vmem>>
    tpu.wait_dma2 semaphore(%arg12 : memref<!tpu.dma_semaphore, #tpu.memory_space<semaphore_mem>>) src(%dma_wait3A_139 : memref<128x128xf32, #tpu.memory_space<vmem>>) dst(%dma_wait3A_135 : memref<128x128xf32, #tpu.memory_space<vmem_shared>>)
    %dma_wait3A_140 = arith.constant 1 : i32
    %dma_wait3A_141 = arith.constant 0 : i32
    %dma_wait3A_142 = arith.constant 0 : i32
    %dma_wait3A_143 = tpu.memref_slice %arg8[%dma_wait3A_140, %dma_wait3A_141, %dma_wait3A_142] : memref<2x128x128xf32, #tpu.memory_space<vmem>> -> memref<1x128x128xf32, #tpu.memory_space<vmem>>
    %dma_wait3A_144 = tpu.memref_squeeze %dma_wait3A_143 : memref<1x128x128xf32, #tpu.memory_space<vmem>> -> memref<128x128xf32, #tpu.memory_space<vmem>>
    %dma_wait3A_145 = arith.constant 0 : i32
    %dma_wait3A_146 = arith.constant 0 : i32
    %dma_wait3A_147 = tpu.memref_slice %dma_wait3A_144[%dma_wait3A_145, %dma_wait3A_146] : memref<128x128xf32, #tpu.memory_space<vmem>> -> memref<120x128xf32, #tpu.memory_space<vmem>>
    %dma_wait3A_148 = arith.constant 0 : i32
    %dma_wait3A_149 = tpu.memref_slice %arg9[%mul3A_10, %dma_wait3A_148] : memref<10112x128xf32, #tpu.memory_space<vmem_shared>> -> memref<120x128xf32, #tpu.memory_space<vmem_shared>>
    %dma_wait3A_150 = arith.constant 0 : i32
    %dma_wait3A_151 = tpu.memref_slice %arg9[%mul3A_10, %dma_wait3A_150] : memref<10112x128xf32, #tpu.memory_space<vmem_shared>> -> memref<120x128xf32, #tpu.memory_space<vmem_shared>>
    %dma_wait3A_152 = arith.constant 0 : i32
    %dma_wait3A_153 = arith.constant 0 : i32
    %dma_wait3A_154 = tpu.memref_slice %arg8[%dma_wait3A_140, %dma_wait3A_152, %dma_wait3A_153] : memref<2x128x128xf32, #tpu.memory_space<vmem>> -> memref<1x128x128xf32, #tpu.memory_space<vmem>>
    %dma_wait3A_155 = tpu.memref_squeeze %dma_wait3A_154 : memref<1x128x128xf32, #tpu.memory_space<vmem>> -> memref<128x128xf32, #tpu.memory_space<vmem>>
    %dma_wait3A_156 = arith.constant 0 : i32
    %dma_wait3A_157 = arith.constant 0 : i32
    %dma_wait3A_158 = tpu.memref_slice %dma_wait3A_155[%dma_wait3A_156, %dma_wait3A_157] : memref<128x128xf32, #tpu.memory_space<vmem>> -> memref<120x128xf32, #tpu.memory_space<vmem>>
    tpu.wait_dma2 semaphore(%arg12 : memref<!tpu.dma_semaphore, #tpu.memory_space<semaphore_mem>>) src(%dma_wait3A_158 : memref<120x128xf32, #tpu.memory_space<vmem>>) dst(%dma_wait3A_151 : memref<120x128xf32, #tpu.memory_space<vmem_shared>>)
    %barrier3A = arith.constant 0 : index
    tpu.barrier barrier_id(%barrier3A)
    %get3A = arith.constant 0 : i32
    %get3A_159 = arith.index_cast %get3A : i32 to index
    %get3A_160 = arith.constant 0 : index
    %get3A_161 = tpu.vector_load %arg5[%get3A_159, %get3A_160] {strides = array<i32>} : memref<128x128xi32, #tpu.memory_space<vmem>>, vector<1x16xi32>,
    %get3A_162 = vector.shape_cast %get3A_161 : vector<1x16xi32> to vector<16xi32>
    %shift_right_logical3A = arith.constant 14 : i32
    %shift_right_logical3A_163 = vector.broadcast %shift_right_logical3A : i32 to vector<16xi32>
    %shift_right_logical3A_164 = arith.shrui %get3A_162, %shift_right_logical3A_163 : vector<16xi32>
    %swap3A = arith.constant 0 : i32
    %swap3A_165 = arith.index_cast %swap3A : i32 to index
    %swap3A_166 = arith.constant 0 : index
    %swap3A_167 = tpu.vector_load %arg6[%swap3A_165, %swap3A_166] {strides = array<i32>} : memref<2x128xi32, #tpu.memory_space<vmem>>, vector<1x16xi32>,
    %swap3A_168 = vector.shape_cast %swap3A_167 : vector<1x16xi32> to vector<16xi32>
    %swap3A_169 = vector.shape_cast %shift_right_logical3A_164 : vector<16xi32> to vector<1x16xi32>
    tpu.vector_store %arg6[%swap3A_165, %swap3A_166], %swap3A_169 {strides = array<i32>} : memref<2x128xi32, #tpu.memory_space<vmem>>, vector<1x16xi32>,
    %and3A = arith.constant 16383 : i32
    %and3A_170 = vector.broadcast %and3A : i32 to vector<16xi32>
    %and3A_171 = arith.andi %get3A_162, %and3A_170 : vector<16xi32>
    %swap3A_172 = arith.constant 0 : i32
    %swap3A_173 = arith.index_cast %swap3A_172 : i32 to index
    %swap3A_174 = arith.constant 0 : index
    %swap3A_175 = tpu.vector_load %arg7[%swap3A_173, %swap3A_174] {strides = array<i32>} : memref<2x128xi32, #tpu.memory_space<vmem>>, vector<1x16xi32>,
    %swap3A_176 = vector.shape_cast %swap3A_175 : vector<1x16xi32> to vector<16xi32>
    %swap3A_177 = vector.shape_cast %and3A_171 : vector<16xi32> to vector<1x16xi32>
    tpu.vector_store %arg7[%swap3A_173, %swap3A_174], %swap3A_177 {strides = array<i32>} : memref<2x128xi32, #tpu.memory_space<vmem>>, vector<1x16xi32>,
    %get3A_178 = arith.constant 0 : i32
    %get3A_179 = arith.index_cast %get3A_178 : i32 to index
    %get3A_180 = arith.constant 16 : index
    %get3A_181 = tpu.vector_load %arg5[%get3A_179, %get3A_180] {strides = array<i32>} : memref<128x128xi32, #tpu.memory_space<vmem>>, vector<1x16xi32>,
    %get3A_182 = vector.shape_cast %get3A_181 : vector<1x16xi32> to vector<16xi32>
    %shift_right_logical3A_183 = arith.constant 14 : i32
    %shift_right_logical3A_184 = vector.broadcast %shift_right_logical3A_183 : i32 to vector<16xi32>
    %shift_right_logical3A_185 = arith.shrui %get3A_182, %shift_right_logical3A_184 : vector<16xi32>
    %swap3A_186 = arith.constant 0 : i32
    %swap3A_187 = arith.index_cast %swap3A_186 : i32 to index
    %swap3A_188 = arith.constant 16 : index
    %swap3A_189 = tpu.vector_load %arg6[%swap3A_187, %swap3A_188] {strides = array<i32>} : memref<2x128xi32, #tpu.memory_space<vmem>>, vector<1x16xi32>,
    %swap3A_190 = vector.shape_cast %swap3A_189 : vector<1x16xi32> to vector<16xi32>
    %swap3A_191 = vector.shape_cast %shift_right_logical3A_185 : vector<16xi32> to vector<1x16xi32>
    tpu.vector_store %arg6[%swap3A_187, %swap3A_188], %swap3A_191 {strides = array<i32>} : memref<2x128xi32, #tpu.memory_space<vmem>>, vector<1x16xi32>,
    %and3A_192 = arith.constant 16383 : i32
    %and3A_193 = vector.broadcast %and3A_192 : i32 to vector<16xi32>
    %and3A_194 = arith.andi %get3A_182, %and3A_193 : vector<16xi32>
    %swap3A_195 = arith.constant 0 : i32
    %swap3A_196 = arith.index_cast %swap3A_195 : i32 to index
    %swap3A_197 = arith.constant 16 : index
    %swap3A_198 = tpu.vector_load %arg7[%swap3A_196, %swap3A_197] {strides = array<i32>} : memref<2x128xi32, #tpu.memory_space<vmem>>, vector<1x16xi32>,
    %swap3A_199 = vector.shape_cast %swap3A_198 : vector<1x16xi32> to vector<16xi32>
    %swap3A_200 = vector.shape_cast %and3A_194 : vector<16xi32> to vector<1x16xi32>
    tpu.vector_store %arg7[%swap3A_196, %swap3A_197], %swap3A_200 {strides = array<i32>} : memref<2x128xi32, #tpu.memory_space<vmem>>, vector<1x16xi32>,
    %get3A_201 = arith.constant 0 : i32
    %get3A_202 = arith.index_cast %get3A_201 : i32 to index
    %get3A_203 = arith.constant 32 : index
    %get3A_204 = tpu.vector_load %arg5[%get3A_202, %get3A_203] {strides = array<i32>} : memref<128x128xi32, #tpu.memory_space<vmem>>, vector<1x16xi32>,
    %get3A_205 = vector.shape_cast %get3A_204 : vector<1x16xi32> to vector<16xi32>
    %shift_right_logical3A_206 = arith.constant 14 : i32
    %shift_right_logical3A_207 = vector.broadcast %shift_right_logical3A_206 : i32 to vector<16xi32>
    %shift_right_logical3A_208 = arith.shrui %get3A_205, %shift_right_logical3A_207 : vector<16xi32>
    %swap3A_209 = arith.constant 0 : i32
    %swap3A_210 = arith.index_cast %swap3A_209 : i32 to index
    %swap3A_211 = arith.constant 32 : index
    %swap3A_212 = tpu.vector_load %arg6[%swap3A_210, %swap3A_211] {strides = array<i32>} : memref<2x128xi32, #tpu.memory_space<vmem>>, vector<1x16xi32>,
    %swap3A_213 = vector.shape_cast %swap3A_212 : vector<1x16xi32> to vector<16xi32>
    %swap3A_214 = vector.shape_cast %shift_right_logical3A_208 : vector<16xi32> to vector<1x16xi32>
    tpu.vector_store %arg6[%swap3A_210, %swap3A_211], %swap3A_214 {strides = array<i32>} : memref<2x128xi32, #tpu.memory_space<vmem>>, vector<1x16xi32>,
    %and3A_215 = arith.constant 16383 : i32
    %and3A_216 = vector.broadcast %and3A_215 : i32 to vector<16xi32>
    %and3A_217 = arith.andi %get3A_205, %and3A_216 : vector<16xi32>
    %swap3A_218 = arith.constant 0 : i32
    %swap3A_219 = arith.index_cast %swap3A_218 : i32 to index
    %swap3A_220 = arith.constant 32 : index
    %swap3A_221 = tpu.vector_load %arg7[%swap3A_219, %swap3A_220] {strides = array<i32>} : memref<2x128xi32, #tpu.memory_space<vmem>>, vector<1x16xi32>,
    %swap3A_222 = vector.shape_cast %swap3A_221 : vector<1x16xi32> to vector<16xi32>
    %swap3A_223 = vector.shape_cast %and3A_217 : vector<16xi32> to vector<1x16xi32>
    tpu.vector_store %arg7[%swap3A_219, %swap3A_220], %swap3A_223 {strides = array<i32>} : memref<2x128xi32, #tpu.memory_space<vmem>>, vector<1x16xi32>,
    %get3A_224 = arith.constant 0 : i32
    %get3A_225 = arith.index_cast %get3A_224 : i32 to index
    %get3A_226 = arith.constant 48 : index
    %get3A_227 = tpu.vector_load %arg5[%get3A_225, %get3A_226] {strides = array<i32>} : memref<128x128xi32, #tpu.memory_space<vmem>>, vector<1x16xi32>,
    %get3A_228 = vector.shape_cast %get3A_227 : vector<1x16xi32> to vector<16xi32>
    %shift_right_logical3A_229 = arith.constant 14 : i32
    %shift_right_logical3A_230 = vector.broadcast %shift_right_logical3A_229 : i32 to vector<16xi32>
    %shift_right_logical3A_231 = arith.shrui %get3A_228, %shift_right_logical3A_230 : vector<16xi32>
    %swap3A_232 = arith.constant 0 : i32
    %swap3A_233 = arith.index_cast %swap3A_232 : i32 to index
    %swap3A_234 = arith.constant 48 : index
    %swap3A_235 = tpu.vector_load %arg6[%swap3A_233, %swap3A_234] {strides = array<i32>} : memref<2x128xi32, #tpu.memory_space<vmem>>, vector<1x16xi32>,
    %swap3A_236 = vector.shape_cast %swap3A_235 : vector<1x16xi32> to vector<16xi32>
    %swap3A_237 = vector.shape_cast %shift_right_logical3A_231 : vector<16xi32> to vector<1x16xi32>
    tpu.vector_store %arg6[%swap3A_233, %swap3A_234], %swap3A_237 {strides = array<i32>} : memref<2x128xi32, #tpu.memory_space<vmem>>, vector<1x16xi32>,
    %and3A_238 = arith.constant 16383 : i32
    %and3A_239 = vector.broadcast %and3A_238 : i32 to vector<16xi32>
    %and3A_240 = arith.andi %get3A_228, %and3A_239 : vector<16xi32>
    %swap3A_241 = arith.constant 0 : i32
    %swap3A_242 = arith.index_cast %swap3A_241 : i32 to index
    %swap3A_243 = arith.constant 48 : index
    %swap3A_244 = tpu.vector_load %arg7[%swap3A_242, %swap3A_243] {strides = array<i32>} : memref<2x128xi32, #tpu.memory_space<vmem>>, vector<1x16xi32>,
    %swap3A_245 = vector.shape_cast %swap3A_244 : vector<1x16xi32> to vector<16xi32>
    %swap3A_246 = vector.shape_cast %and3A_240 : vector<16xi32> to vector<1x16xi32>
    tpu.vector_store %arg7[%swap3A_242, %swap3A_243], %swap3A_246 {strides = array<i32>} : memref<2x128xi32, #tpu.memory_space<vmem>>, vector<1x16xi32>,
    %get3A_247 = arith.constant 0 : i32
    %get3A_248 = arith.index_cast %get3A_247 : i32 to index
    %get3A_249 = arith.constant 64 : index
    %get3A_250 = tpu.vector_load %arg5[%get3A_248, %get3A_249] {strides = array<i32>} : memref<128x128xi32, #tpu.memory_space<vmem>>, vector<1x16xi32>,
    %get3A_251 = vector.shape_cast %get3A_250 : vector<1x16xi32> to vector<16xi32>
    %shift_right_logical3A_252 = arith.constant 14 : i32
    %shift_right_logical3A_253 = vector.broadcast %shift_right_logical3A_252 : i32 to vector<16xi32>
    %shift_right_logical3A_254 = arith.shrui %get3A_251, %shift_right_logical3A_253 : vector<16xi32>
    %swap3A_255 = arith.constant 0 : i32
    %swap3A_256 = arith.index_cast %swap3A_255 : i32 to index
    %swap3A_257 = arith.constant 64 : index
    %swap3A_258 = tpu.vector_load %arg6[%swap3A_256, %swap3A_257] {strides = array<i32>} : memref<2x128xi32, #tpu.memory_space<vmem>>, vector<1x16xi32>,
    %swap3A_259 = vector.shape_cast %swap3A_258 : vector<1x16xi32> to vector<16xi32>
    %swap3A_260 = vector.shape_cast %shift_right_logical3A_254 : vector<16xi32> to vector<1x16xi32>
    tpu.vector_store %arg6[%swap3A_256, %swap3A_257], %swap3A_260 {strides = array<i32>} : memref<2x128xi32, #tpu.memory_space<vmem>>, vector<1x16xi32>,
    %and3A_261 = arith.constant 16383 : i32
    %and3A_262 = vector.broadcast %and3A_261 : i32 to vector<16xi32>
    %and3A_263 = arith.andi %get3A_251, %and3A_262 : vector<16xi32>
    %swap3A_264 = arith.constant 0 : i32
    %swap3A_265 = arith.index_cast %swap3A_264 : i32 to index
    %swap3A_266 = arith.constant 64 : index
    %swap3A_267 = tpu.vector_load %arg7[%swap3A_265, %swap3A_266] {strides = array<i32>} : memref<2x128xi32, #tpu.memory_space<vmem>>, vector<1x16xi32>,
    %swap3A_268 = vector.shape_cast %swap3A_267 : vector<1x16xi32> to vector<16xi32>
    %swap3A_269 = vector.shape_cast %and3A_263 : vector<16xi32> to vector<1x16xi32>
    tpu.vector_store %arg7[%swap3A_265, %swap3A_266], %swap3A_269 {strides = array<i32>} : memref<2x128xi32, #tpu.memory_space<vmem>>, vector<1x16xi32>,
    %get3A_270 = arith.constant 0 : i32
    %get3A_271 = arith.index_cast %get3A_270 : i32 to index
    %get3A_272 = arith.constant 80 : index
    %get3A_273 = tpu.vector_load %arg5[%get3A_271, %get3A_272] {strides = array<i32>} : memref<128x128xi32, #tpu.memory_space<vmem>>, vector<1x16xi32>,
    %get3A_274 = vector.shape_cast %get3A_273 : vector<1x16xi32> to vector<16xi32>
    %shift_right_logical3A_275 = arith.constant 14 : i32
    %shift_right_logical3A_276 = vector.broadcast %shift_right_logical3A_275 : i32 to vector<16xi32>
    %shift_right_logical3A_277 = arith.shrui %get3A_274, %shift_right_logical3A_276 : vector<16xi32>
    %swap3A_278 = arith.constant 0 : i32
    %swap3A_279 = arith.index_cast %swap3A_278 : i32 to index
    %swap3A_280 = arith.constant 80 : index
    %swap3A_281 = tpu.vector_load %arg6[%swap3A_279, %swap3A_280] {strides = array<i32>} : memref<2x128xi32, #tpu.memory_space<vmem>>, vector<1x16xi32>,
    %swap3A_282 = vector.shape_cast %swap3A_281 : vector<1x16xi32> to vector<16xi32>
    %swap3A_283 = vector.shape_cast %shift_right_logical3A_277 : vector<16xi32> to vector<1x16xi32>
    tpu.vector_store %arg6[%swap3A_279, %swap3A_280], %swap3A_283 {strides = array<i32>} : memref<2x128xi32, #tpu.memory_space<vmem>>, vector<1x16xi32>,
    %and3A_284 = arith.constant 16383 : i32
    %and3A_285 = vector.broadcast %and3A_284 : i32 to vector<16xi32>
    %and3A_286 = arith.andi %get3A_274, %and3A_285 : vector<16xi32>
    %swap3A_287 = arith.constant 0 : i32
    %swap3A_288 = arith.index_cast %swap3A_287 : i32 to index
    %swap3A_289 = arith.constant 80 : index
    %swap3A_290 = tpu.vector_load %arg7[%swap3A_288, %swap3A_289] {strides = array<i32>} : memref<2x128xi32, #tpu.memory_space<vmem>>, vector<1x16xi32>,
    %swap3A_291 = vector.shape_cast %swap3A_290 : vector<1x16xi32> to vector<16xi32>
    %swap3A_292 = vector.shape_cast %and3A_286 : vector<16xi32> to vector<1x16xi32>
    tpu.vector_store %arg7[%swap3A_288, %swap3A_289], %swap3A_292 {strides = array<i32>} : memref<2x128xi32, #tpu.memory_space<vmem>>, vector<1x16xi32>,
    %get3A_293 = arith.constant 0 : i32
    %get3A_294 = arith.index_cast %get3A_293 : i32 to index
    %get3A_295 = arith.constant 96 : index
    %get3A_296 = tpu.vector_load %arg5[%get3A_294, %get3A_295] {strides = array<i32>} : memref<128x128xi32, #tpu.memory_space<vmem>>, vector<1x16xi32>,
    %get3A_297 = vector.shape_cast %get3A_296 : vector<1x16xi32> to vector<16xi32>
    %shift_right_logical3A_298 = arith.constant 14 : i32
    %shift_right_logical3A_299 = vector.broadcast %shift_right_logical3A_298 : i32 to vector<16xi32>
    %shift_right_logical3A_300 = arith.shrui %get3A_297, %shift_right_logical3A_299 : vector<16xi32>
    %swap3A_301 = arith.constant 0 : i32
    %swap3A_302 = arith.index_cast %swap3A_301 : i32 to index
    %swap3A_303 = arith.constant 96 : index
    %swap3A_304 = tpu.vector_load %arg6[%swap3A_302, %swap3A_303] {strides = array<i32>} : memref<2x128xi32, #tpu.memory_space<vmem>>, vector<1x16xi32>,
    %swap3A_305 = vector.shape_cast %swap3A_304 : vector<1x16xi32> to vector<16xi32>
    %swap3A_306 = vector.shape_cast %shift_right_logical3A_300 : vector<16xi32> to vector<1x16xi32>
    tpu.vector_store %arg6[%swap3A_302, %swap3A_303], %swap3A_306 {strides = array<i32>} : memref<2x128xi32, #tpu.memory_space<vmem>>, vector<1x16xi32>,
    %and3A_307 = arith.constant 16383 : i32
    %and3A_308 = vector.broadcast %and3A_307 : i32 to vector<16xi32>
    %and3A_309 = arith.andi %get3A_297, %and3A_308 : vector<16xi32>
    %swap3A_310 = arith.constant 0 : i32
    %swap3A_311 = arith.index_cast %swap3A_310 : i32 to index
    %swap3A_312 = arith.constant 96 : index
    %swap3A_313 = tpu.vector_load %arg7[%swap3A_311, %swap3A_312] {strides = array<i32>} : memref<2x128xi32, #tpu.memory_space<vmem>>, vector<1x16xi32>,
    %swap3A_314 = vector.shape_cast %swap3A_313 : vector<1x16xi32> to vector<16xi32>
    %swap3A_315 = vector.shape_cast %and3A_309 : vector<16xi32> to vector<1x16xi32>
    tpu.vector_store %arg7[%swap3A_311, %swap3A_312], %swap3A_315 {strides = array<i32>} : memref<2x128xi32, #tpu.memory_space<vmem>>, vector<1x16xi32>,
    %get3A_316 = arith.constant 0 : i32
    %get3A_317 = arith.index_cast %get3A_316 : i32 to index
    %get3A_318 = arith.constant 112 : index
    %get3A_319 = tpu.vector_load %arg5[%get3A_317, %get3A_318] {strides = array<i32>} : memref<128x128xi32, #tpu.memory_space<vmem>>, vector<1x16xi32>,
    %get3A_320 = vector.shape_cast %get3A_319 : vector<1x16xi32> to vector<16xi32>
    %shift_right_logical3A_321 = arith.constant 14 : i32
    %shift_right_logical3A_322 = vector.broadcast %shift_right_logical3A_321 : i32 to vector<16xi32>
    %shift_right_logical3A_323 = arith.shrui %get3A_320, %shift_right_logical3A_322 : vector<16xi32>
    %swap3A_324 = arith.constant 0 : i32
    %swap3A_325 = arith.index_cast %swap3A_324 : i32 to index
    %swap3A_326 = arith.constant 112 : index
    %swap3A_327 = tpu.vector_load %arg6[%swap3A_325, %swap3A_326] {strides = array<i32>} : memref<2x128xi32, #tpu.memory_space<vmem>>, vector<1x16xi32>,
    %swap3A_328 = vector.shape_cast %swap3A_327 : vector<1x16xi32> to vector<16xi32>
    %swap3A_329 = vector.shape_cast %shift_right_logical3A_323 : vector<16xi32> to vector<1x16xi32>
    tpu.vector_store %arg6[%swap3A_325, %swap3A_326], %swap3A_329 {strides = array<i32>} : memref<2x128xi32, #tpu.memory_space<vmem>>, vector<1x16xi32>,
    %and3A_330 = arith.constant 16383 : i32
    %and3A_331 = vector.broadcast %and3A_330 : i32 to vector<16xi32>
    %and3A_332 = arith.andi %get3A_320, %and3A_331 : vector<16xi32>
    %swap3A_333 = arith.constant 0 : i32
    %swap3A_334 = arith.index_cast %swap3A_333 : i32 to index
    %swap3A_335 = arith.constant 112 : index
    %swap3A_336 = tpu.vector_load %arg7[%swap3A_334, %swap3A_335] {strides = array<i32>} : memref<2x128xi32, #tpu.memory_space<vmem>>, vector<1x16xi32>,
    %swap3A_337 = vector.shape_cast %swap3A_336 : vector<1x16xi32> to vector<16xi32>
    %swap3A_338 = vector.shape_cast %and3A_332 : vector<16xi32> to vector<1x16xi32>
    tpu.vector_store %arg7[%swap3A_334, %swap3A_335], %swap3A_338 {strides = array<i32>} : memref<2x128xi32, #tpu.memory_space<vmem>>, vector<1x16xi32>,
    %dma_start3A_339 = arith.constant 0 : i32
    %dma_start3A_340 = arith.constant 0 : i32
    %dma_start3A_341 = arith.constant 0 : i32
    %dma_start3A_342 = arith.constant 0 : i32
    %dma_start3A_343 = tpu.memref_slice %arg8[%dma_start3A_340, %dma_start3A_341, %dma_start3A_342] : memref<2x128x128xf32, #tpu.memory_space<vmem>> -> memref<1x128x128xf32, #tpu.memory_space<vmem>>
    %dma_start3A_344 = tpu.memref_squeeze %dma_start3A_343 : memref<1x128x128xf32, #tpu.memory_space<vmem>> -> memref<128x128xf32, #tpu.memory_space<vmem>>
    %dma_start3A_345 = arith.constant 0 : i32
    %dma_start3A_346 = tpu.memref_slice %arg6[%dma_start3A_339, %dma_start3A_345] : memref<2x128xi32, #tpu.memory_space<vmem>> -> memref<1x128xi32, #tpu.memory_space<vmem>>
    %dma_start3A_347 = tpu.memref_squeeze %dma_start3A_346 : memref<1x128xi32, #tpu.memory_space<vmem>> -> memref<128xi32, #tpu.memory_space<vmem>>
    %dma_start3A_348 = arith.constant 0 : i32
    %dma_start3A_349 = arith.constant 0 : i32
    %dma_start3A_350 = tpu.memref_slice %arg2[%dma_start3A_348, %dma_start3A_349] : memref<10016x128xf32, #tpu.memory_space<hbm>> -> memref<10016x128xf32, #tpu.memory_space<hbm>>
    tpu.enqueue_indirect_dma source(%dma_start3A_350 : memref<10016x128xf32, #tpu.memory_space<hbm>>) target(%dma_start3A_344 : memref<128x128xf32, #tpu.memory_space<vmem>>) offsets(%dma_start3A_347 : memref<128xi32, #tpu.memory_space<vmem>>) semaphore(%arg10 : memref<!tpu.dma_semaphore, #tpu.memory_space<semaphore_mem>>)
    %get3A_351 = arith.constant 1 : i32
    %get3A_352 = arith.index_cast %get3A_351 : i32 to index
    %get3A_353 = arith.constant 0 : index
    %get3A_354 = tpu.vector_load %arg5[%get3A_352, %get3A_353] {strides = array<i32>} : memref<128x128xi32, #tpu.memory_space<vmem>>, vector<1x16xi32>,
    %get3A_355 = vector.shape_cast %get3A_354 : vector<1x16xi32> to vector<16xi32>
    %shift_right_logical3A_356 = arith.constant 14 : i32
    %shift_right_logical3A_357 = vector.broadcast %shift_right_logical3A_356 : i32 to vector<16xi32>
    %shift_right_logical3A_358 = arith.shrui %get3A_355, %shift_right_logical3A_357 : vector<16xi32>
    %swap3A_359 = arith.constant 1 : i32
    %swap3A_360 = arith.index_cast %swap3A_359 : i32 to index
    %swap3A_361 = arith.constant 0 : index
    %swap3A_362 = tpu.vector_load %arg6[%swap3A_360, %swap3A_361] {strides = array<i32>} : memref<2x128xi32, #tpu.memory_space<vmem>>, vector<1x16xi32>,
    %swap3A_363 = vector.shape_cast %swap3A_362 : vector<1x16xi32> to vector<16xi32>
    %swap3A_364 = vector.shape_cast %shift_right_logical3A_358 : vector<16xi32> to vector<1x16xi32>
    tpu.vector_store %arg6[%swap3A_360, %swap3A_361], %swap3A_364 {strides = array<i32>} : memref<2x128xi32, #tpu.memory_space<vmem>>, vector<1x16xi32>,
    %and3A_365 = arith.constant 16383 : i32
    %and3A_366 = vector.broadcast %and3A_365 : i32 to vector<16xi32>
    %and3A_367 = arith.andi %get3A_355, %and3A_366 : vector<16xi32>
    %swap3A_368 = arith.constant 1 : i32
    %swap3A_369 = arith.index_cast %swap3A_368 : i32 to index
    %swap3A_370 = arith.constant 0 : index
    %swap3A_371 = tpu.vector_load %arg7[%swap3A_369, %swap3A_370] {strides = array<i32>} : memref<2x128xi32, #tpu.memory_space<vmem>>, vector<1x16xi32>,
    %swap3A_372 = vector.shape_cast %swap3A_371 : vector<1x16xi32> to vector<16xi32>
    %swap3A_373 = vector.shape_cast %and3A_367 : vector<16xi32> to vector<1x16xi32>
    tpu.vector_store %arg7[%swap3A_369, %swap3A_370], %swap3A_373 {strides = array<i32>} : memref<2x128xi32, #tpu.memory_space<vmem>>, vector<1x16xi32>,
    %get3A_374 = arith.constant 1 : i32
    %get3A_375 = arith.index_cast %get3A_374 : i32 to index
    %get3A_376 = arith.constant 16 : index
    %get3A_377 = tpu.vector_load %arg5[%get3A_375, %get3A_376] {strides = array<i32>} : memref<128x128xi32, #tpu.memory_space<vmem>>, vector<1x16xi32>,
    %get3A_378 = vector.shape_cast %get3A_377 : vector<1x16xi32> to vector<16xi32>
    %shift_right_logical3A_379 = arith.constant 14 : i32
    %shift_right_logical3A_380 = vector.broadcast %shift_right_logical3A_379 : i32 to vector<16xi32>
    %shift_right_logical3A_381 = arith.shrui %get3A_378, %shift_right_logical3A_380 : vector<16xi32>
    %swap3A_382 = arith.constant 1 : i32
    %swap3A_383 = arith.index_cast %swap3A_382 : i32 to index
    %swap3A_384 = arith.constant 16 : index
    %swap3A_385 = tpu.vector_load %arg6[%swap3A_383, %swap3A_384] {strides = array<i32>} : memref<2x128xi32, #tpu.memory_space<vmem>>, vector<1x16xi32>,
    %swap3A_386 = vector.shape_cast %swap3A_385 : vector<1x16xi32> to vector<16xi32>
    %swap3A_387 = vector.shape_cast %shift_right_logical3A_381 : vector<16xi32> to vector<1x16xi32>
    tpu.vector_store %arg6[%swap3A_383, %swap3A_384], %swap3A_387 {strides = array<i32>} : memref<2x128xi32, #tpu.memory_space<vmem>>, vector<1x16xi32>,
    %and3A_388 = arith.constant 16383 : i32
    %and3A_389 = vector.broadcast %and3A_388 : i32 to vector<16xi32>
    %and3A_390 = arith.andi %get3A_378, %and3A_389 : vector<16xi32>
    %swap3A_391 = arith.constant 1 : i32
    %swap3A_392 = arith.index_cast %swap3A_391 : i32 to index
    %swap3A_393 = arith.constant 16 : index
    %swap3A_394 = tpu.vector_load %arg7[%swap3A_392, %swap3A_393] {strides = array<i32>} : memref<2x128xi32, #tpu.memory_space<vmem>>, vector<1x16xi32>,
    %swap3A_395 = vector.shape_cast %swap3A_394 : vector<1x16xi32> to vector<16xi32>
    %swap3A_396 = vector.shape_cast %and3A_390 : vector<16xi32> to vector<1x16xi32>
    tpu.vector_store %arg7[%swap3A_392, %swap3A_393], %swap3A_396 {strides = array<i32>} : memref<2x128xi32, #tpu.memory_space<vmem>>, vector<1x16xi32>,
    %get3A_397 = arith.constant 1 : i32
    %get3A_398 = arith.index_cast %get3A_397 : i32 to index
    %get3A_399 = arith.constant 32 : index
    %get3A_400 = tpu.vector_load %arg5[%get3A_398, %get3A_399] {strides = array<i32>} : memref<128x128xi32, #tpu.memory_space<vmem>>, vector<1x16xi32>,
    %get3A_401 = vector.shape_cast %get3A_400 : vector<1x16xi32> to vector<16xi32>
    %shift_right_logical3A_402 = arith.constant 14 : i32
    %shift_right_logical3A_403 = vector.broadcast %shift_right_logical3A_402 : i32 to vector<16xi32>
    %shift_right_logical3A_404 = arith.shrui %get3A_401, %shift_right_logical3A_403 : vector<16xi32>
    %swap3A_405 = arith.constant 1 : i32
    %swap3A_406 = arith.index_cast %swap3A_405 : i32 to index
    %swap3A_407 = arith.constant 32 : index
    %swap3A_408 = tpu.vector_load %arg6[%swap3A_406, %swap3A_407] {strides = array<i32>} : memref<2x128xi32, #tpu.memory_space<vmem>>, vector<1x16xi32>,
    %swap3A_409 = vector.shape_cast %swap3A_408 : vector<1x16xi32> to vector<16xi32>
    %swap3A_410 = vector.shape_cast %shift_right_logical3A_404 : vector<16xi32> to vector<1x16xi32>
    tpu.vector_store %arg6[%swap3A_406, %swap3A_407], %swap3A_410 {strides = array<i32>} : memref<2x128xi32, #tpu.memory_space<vmem>>, vector<1x16xi32>,
    %and3A_411 = arith.constant 16383 : i32
    %and3A_412 = vector.broadcast %and3A_411 : i32 to vector<16xi32>
    %and3A_413 = arith.andi %get3A_401, %and3A_412 : vector<16xi32>
    %swap3A_414 = arith.constant 1 : i32
    %swap3A_415 = arith.index_cast %swap3A_414 : i32 to index
    %swap3A_416 = arith.constant 32 : index
    %swap3A_417 = tpu.vector_load %arg7[%swap3A_415, %swap3A_416] {strides = array<i32>} : memref<2x128xi32, #tpu.memory_space<vmem>>, vector<1x16xi32>,
    %swap3A_418 = vector.shape_cast %swap3A_417 : vector<1x16xi32> to vector<16xi32>
    %swap3A_419 = vector.shape_cast %and3A_413 : vector<16xi32> to vector<1x16xi32>
    tpu.vector_store %arg7[%swap3A_415, %swap3A_416], %swap3A_419 {strides = array<i32>} : memref<2x128xi32, #tpu.memory_space<vmem>>, vector<1x16xi32>,
    %get3A_420 = arith.constant 1 : i32
    %get3A_421 = arith.index_cast %get3A_420 : i32 to index
    %get3A_422 = arith.constant 48 : index
    %get3A_423 = tpu.vector_load %arg5[%get3A_421, %get3A_422] {strides = array<i32>} : memref<128x128xi32, #tpu.memory_space<vmem>>, vector<1x16xi32>,
    %get3A_424 = vector.shape_cast %get3A_423 : vector<1x16xi32> to vector<16xi32>
    %shift_right_logical3A_425 = arith.constant 14 : i32
    %shift_right_logical3A_426 = vector.broadcast %shift_right_logical3A_425 : i32 to vector<16xi32>
    %shift_right_logical3A_427 = arith.shrui %get3A_424, %shift_right_logical3A_426 : vector<16xi32>
    %swap3A_428 = arith.constant 1 : i32
    %swap3A_429 = arith.index_cast %swap3A_428 : i32 to index
    %swap3A_430 = arith.constant 48 : index
    %swap3A_431 = tpu.vector_load %arg6[%swap3A_429, %swap3A_430] {strides = array<i32>} : memref<2x128xi32, #tpu.memory_space<vmem>>, vector<1x16xi32>,
    %swap3A_432 = vector.shape_cast %swap3A_431 : vector<1x16xi32> to vector<16xi32>
    %swap3A_433 = vector.shape_cast %shift_right_logical3A_427 : vector<16xi32> to vector<1x16xi32>
    tpu.vector_store %arg6[%swap3A_429, %swap3A_430], %swap3A_433 {strides = array<i32>} : memref<2x128xi32, #tpu.memory_space<vmem>>, vector<1x16xi32>,
    %and3A_434 = arith.constant 16383 : i32
    %and3A_435 = vector.broadcast %and3A_434 : i32 to vector<16xi32>
    %and3A_436 = arith.andi %get3A_424, %and3A_435 : vector<16xi32>
    %swap3A_437 = arith.constant 1 : i32
    %swap3A_438 = arith.index_cast %swap3A_437 : i32 to index
    %swap3A_439 = arith.constant 48 : index
    %swap3A_440 = tpu.vector_load %arg7[%swap3A_438, %swap3A_439] {strides = array<i32>} : memref<2x128xi32, #tpu.memory_space<vmem>>, vector<1x16xi32>,
    %swap3A_441 = vector.shape_cast %swap3A_440 : vector<1x16xi32> to vector<16xi32>
    %swap3A_442 = vector.shape_cast %and3A_436 : vector<16xi32> to vector<1x16xi32>
    tpu.vector_store %arg7[%swap3A_438, %swap3A_439], %swap3A_442 {strides = array<i32>} : memref<2x128xi32, #tpu.memory_space<vmem>>, vector<1x16xi32>,
    %get3A_443 = arith.constant 1 : i32
    %get3A_444 = arith.index_cast %get3A_443 : i32 to index
    %get3A_445 = arith.constant 64 : index
    %get3A_446 = tpu.vector_load %arg5[%get3A_444, %get3A_445] {strides = array<i32>} : memref<128x128xi32, #tpu.memory_space<vmem>>, vector<1x16xi32>,
    %get3A_447 = vector.shape_cast %get3A_446 : vector<1x16xi32> to vector<16xi32>
    %shift_right_logical3A_448 = arith.constant 14 : i32
    %shift_right_logical3A_449 = vector.broadcast %shift_right_logical3A_448 : i32 to vector<16xi32>
    %shift_right_logical3A_450 = arith.shrui %get3A_447, %shift_right_logical3A_449 : vector<16xi32>
    %swap3A_451 = arith.constant 1 : i32
    %swap3A_452 = arith.index_cast %swap3A_451 : i32 to index
    %swap3A_453 = arith.constant 64 : index
    %swap3A_454 = tpu.vector_load %arg6[%swap3A_452, %swap3A_453] {strides = array<i32>} : memref<2x128xi32, #tpu.memory_space<vmem>>, vector<1x16xi32>,
    %swap3A_455 = vector.shape_cast %swap3A_454 : vector<1x16xi32> to vector<16xi32>
    %swap3A_456 = vector.shape_cast %shift_right_logical3A_450 : vector<16xi32> to vector<1x16xi32>
    tpu.vector_store %arg6[%swap3A_452, %swap3A_453], %swap3A_456 {strides = array<i32>} : memref<2x128xi32, #tpu.memory_space<vmem>>, vector<1x16xi32>,
    %and3A_457 = arith.constant 16383 : i32
    %and3A_458 = vector.broadcast %and3A_457 : i32 to vector<16xi32>
    %and3A_459 = arith.andi %get3A_447, %and3A_458 : vector<16xi32>
    %swap3A_460 = arith.constant 1 : i32
    %swap3A_461 = arith.index_cast %swap3A_460 : i32 to index
    %swap3A_462 = arith.constant 64 : index
    %swap3A_463 = tpu.vector_load %arg7[%swap3A_461, %swap3A_462] {strides = array<i32>} : memref<2x128xi32, #tpu.memory_space<vmem>>, vector<1x16xi32>,
    %swap3A_464 = vector.shape_cast %swap3A_463 : vector<1x16xi32> to vector<16xi32>
    %swap3A_465 = vector.shape_cast %and3A_459 : vector<16xi32> to vector<1x16xi32>
    tpu.vector_store %arg7[%swap3A_461, %swap3A_462], %swap3A_465 {strides = array<i32>} : memref<2x128xi32, #tpu.memory_space<vmem>>, vector<1x16xi32>,
    %get3A_466 = arith.constant 1 : i32
    %get3A_467 = arith.index_cast %get3A_466 : i32 to index
    %get3A_468 = arith.constant 80 : index
    %get3A_469 = tpu.vector_load %arg5[%get3A_467, %get3A_468] {strides = array<i32>} : memref<128x128xi32, #tpu.memory_space<vmem>>, vector<1x16xi32>,
    %get3A_470 = vector.shape_cast %get3A_469 : vector<1x16xi32> to vector<16xi32>
    %shift_right_logical3A_471 = arith.constant 14 : i32
    %shift_right_logical3A_472 = vector.broadcast %shift_right_logical3A_471 : i32 to vector<16xi32>
    %shift_right_logical3A_473 = arith.shrui %get3A_470, %shift_right_logical3A_472 : vector<16xi32>
    %swap3A_474 = arith.constant 1 : i32
    %swap3A_475 = arith.index_cast %swap3A_474 : i32 to index
    %swap3A_476 = arith.constant 80 : index
    %swap3A_477 = tpu.vector_load %arg6[%swap3A_475, %swap3A_476] {strides = array<i32>} : memref<2x128xi32, #tpu.memory_space<vmem>>, vector<1x16xi32>,
    %swap3A_478 = vector.shape_cast %swap3A_477 : vector<1x16xi32> to vector<16xi32>
    %swap3A_479 = vector.shape_cast %shift_right_logical3A_473 : vector<16xi32> to vector<1x16xi32>
    tpu.vector_store %arg6[%swap3A_475, %swap3A_476], %swap3A_479 {strides = array<i32>} : memref<2x128xi32, #tpu.memory_space<vmem>>, vector<1x16xi32>,
    %and3A_480 = arith.constant 16383 : i32
    %and3A_481 = vector.broadcast %and3A_480 : i32 to vector<16xi32>
    %and3A_482 = arith.andi %get3A_470, %and3A_481 : vector<16xi32>
    %swap3A_483 = arith.constant 1 : i32
    %swap3A_484 = arith.index_cast %swap3A_483 : i32 to index
    %swap3A_485 = arith.constant 80 : index
    %swap3A_486 = tpu.vector_load %arg7[%swap3A_484, %swap3A_485] {strides = array<i32>} : memref<2x128xi32, #tpu.memory_space<vmem>>, vector<1x16xi32>,
    %swap3A_487 = vector.shape_cast %swap3A_486 : vector<1x16xi32> to vector<16xi32>
    %swap3A_488 = vector.shape_cast %and3A_482 : vector<16xi32> to vector<1x16xi32>
    tpu.vector_store %arg7[%swap3A_484, %swap3A_485], %swap3A_488 {strides = array<i32>} : memref<2x128xi32, #tpu.memory_space<vmem>>, vector<1x16xi32>,
    %get3A_489 = arith.constant 1 : i32
    %get3A_490 = arith.index_cast %get3A_489 : i32 to index
    %get3A_491 = arith.constant 96 : index
    %get3A_492 = tpu.vector_load %arg5[%get3A_490, %get3A_491] {strides = array<i32>} : memref<128x128xi32, #tpu.memory_space<vmem>>, vector<1x16xi32>,
    %get3A_493 = vector.shape_cast %get3A_492 : vector<1x16xi32> to vector<16xi32>
    %shift_right_logical3A_494 = arith.constant 14 : i32
    %shift_right_logical3A_495 = vector.broadcast %shift_right_logical3A_494 : i32 to vector<16xi32>
    %shift_right_logical3A_496 = arith.shrui %get3A_493, %shift_right_logical3A_495 : vector<16xi32>
    %swap3A_497 = arith.constant 1 : i32
    %swap3A_498 = arith.index_cast %swap3A_497 : i32 to index
    %swap3A_499 = arith.constant 96 : index
    %swap3A_500 = tpu.vector_load %arg6[%swap3A_498, %swap3A_499] {strides = array<i32>} : memref<2x128xi32, #tpu.memory_space<vmem>>, vector<1x16xi32>,
    %swap3A_501 = vector.shape_cast %swap3A_500 : vector<1x16xi32> to vector<16xi32>
    %swap3A_502 = vector.shape_cast %shift_right_logical3A_496 : vector<16xi32> to vector<1x16xi32>
    tpu.vector_store %arg6[%swap3A_498, %swap3A_499], %swap3A_502 {strides = array<i32>} : memref<2x128xi32, #tpu.memory_space<vmem>>, vector<1x16xi32>,
    %and3A_503 = arith.constant 16383 : i32
    %and3A_504 = vector.broadcast %and3A_503 : i32 to vector<16xi32>
    %and3A_505 = arith.andi %get3A_493, %and3A_504 : vector<16xi32>
    %swap3A_506 = arith.constant 1 : i32
    %swap3A_507 = arith.index_cast %swap3A_506 : i32 to index
    %swap3A_508 = arith.constant 96 : index
    %swap3A_509 = tpu.vector_load %arg7[%swap3A_507, %swap3A_508] {strides = array<i32>} : memref<2x128xi32, #tpu.memory_space<vmem>>, vector<1x16xi32>,
    %swap3A_510 = vector.shape_cast %swap3A_509 : vector<1x16xi32> to vector<16xi32>
    %swap3A_511 = vector.shape_cast %and3A_505 : vector<16xi32> to vector<1x16xi32>
    tpu.vector_store %arg7[%swap3A_507, %swap3A_508], %swap3A_511 {strides = array<i32>} : memref<2x128xi32, #tpu.memory_space<vmem>>, vector<1x16xi32>,
    %get3A_512 = arith.constant 1 : i32
    %get3A_513 = arith.index_cast %get3A_512 : i32 to index
    %get3A_514 = arith.constant 112 : index
    %get3A_515 = tpu.vector_load %arg5[%get3A_513, %get3A_514] {strides = array<i32>} : memref<128x128xi32, #tpu.memory_space<vmem>>, vector<1x16xi32>,
    %get3A_516 = vector.shape_cast %get3A_515 : vector<1x16xi32> to vector<16xi32>
    %shift_right_logical3A_517 = arith.constant 14 : i32
    %shift_right_logical3A_518 = vector.broadcast %shift_right_logical3A_517 : i32 to vector<16xi32>
    %shift_right_logical3A_519 = arith.shrui %get3A_516, %shift_right_logical3A_518 : vector<16xi32>
    %swap3A_520 = arith.constant 1 : i32
    %swap3A_521 = arith.index_cast %swap3A_520 : i32 to index
    %swap3A_522 = arith.constant 112 : index
    %swap3A_523 = tpu.vector_load %arg6[%swap3A_521, %swap3A_522] {strides = array<i32>} : memref<2x128xi32, #tpu.memory_space<vmem>>, vector<1x16xi32>,
    %swap3A_524 = vector.shape_cast %swap3A_523 : vector<1x16xi32> to vector<16xi32>
    %swap3A_525 = vector.shape_cast %shift_right_logical3A_519 : vector<16xi32> to vector<1x16xi32>
    tpu.vector_store %arg6[%swap3A_521, %swap3A_522], %swap3A_525 {strides = array<i32>} : memref<2x128xi32, #tpu.memory_space<vmem>>, vector<1x16xi32>,
    %and3A_526 = arith.constant 16383 : i32
    %and3A_527 = vector.broadcast %and3A_526 : i32 to vector<16xi32>
    %and3A_528 = arith.andi %get3A_516, %and3A_527 : vector<16xi32>
    %swap3A_529 = arith.constant 1 : i32
    %swap3A_530 = arith.index_cast %swap3A_529 : i32 to index
    %swap3A_531 = arith.constant 112 : index
    %swap3A_532 = tpu.vector_load %arg7[%swap3A_530, %swap3A_531] {strides = array<i32>} : memref<2x128xi32, #tpu.memory_space<vmem>>, vector<1x16xi32>,
    %swap3A_533 = vector.shape_cast %swap3A_532 : vector<1x16xi32> to vector<16xi32>
    %swap3A_534 = vector.shape_cast %and3A_528 : vector<16xi32> to vector<1x16xi32>
    tpu.vector_store %arg7[%swap3A_530, %swap3A_531], %swap3A_534 {strides = array<i32>} : memref<2x128xi32, #tpu.memory_space<vmem>>, vector<1x16xi32>,
    %dma_start3A_535 = arith.constant 1 : i32
    %dma_start3A_536 = arith.constant 1 : i32
    %dma_start3A_537 = arith.constant 0 : i32
    %dma_start3A_538 = arith.constant 0 : i32
    %dma_start3A_539 = tpu.memref_slice %arg8[%dma_start3A_536, %dma_start3A_537, %dma_start3A_538] : memref<2x128x128xf32, #tpu.memory_space<vmem>> -> memref<1x128x128xf32, #tpu.memory_space<vmem>>
    %dma_start3A_540 = tpu.memref_squeeze %dma_start3A_539 : memref<1x128x128xf32, #tpu.memory_space<vmem>> -> memref<128x128xf32, #tpu.memory_space<vmem>>
    %dma_start3A_541 = arith.constant 0 : i32
    %dma_start3A_542 = tpu.memref_slice %arg6[%dma_start3A_535, %dma_start3A_541] : memref<2x128xi32, #tpu.memory_space<vmem>> -> memref<1x128xi32, #tpu.memory_space<vmem>>
    %dma_start3A_543 = tpu.memref_squeeze %dma_start3A_542 : memref<1x128xi32, #tpu.memory_space<vmem>> -> memref<128xi32, #tpu.memory_space<vmem>>
    %dma_start3A_544 = arith.constant 0 : i32
    %dma_start3A_545 = arith.constant 0 : i32
    %dma_start3A_546 = tpu.memref_slice %arg2[%dma_start3A_544, %dma_start3A_545] : memref<10016x128xf32, #tpu.memory_space<hbm>> -> memref<10016x128xf32, #tpu.memory_space<hbm>>
    tpu.enqueue_indirect_dma source(%dma_start3A_546 : memref<10016x128xf32, #tpu.memory_space<hbm>>) target(%dma_start3A_540 : memref<128x128xf32, #tpu.memory_space<vmem>>) offsets(%dma_start3A_543 : memref<128xi32, #tpu.memory_space<vmem>>) semaphore(%arg11 : memref<!tpu.dma_semaphore, #tpu.memory_space<semaphore_mem>>)
    %eq3A = arith.constant 0 : i32
    %eq3A_547 = arith.cmpi eq, %arg0, %eq3A : i32
    %jit3A = arith.constant 16 : i32
    %jit3A_548 = arith.constant 64 : i32
    %select_n3A = arith.select %eq3A_547, %jit3A, %jit3A_548 : i32
    %sub3A = arith.constant 1 : i32
    %sub3A_549 = arith.subi %select_n3A, %sub3A : i32
    %while3A = arith.constant 0 : i32
    %while3A_550 = arith.constant 0 : i32
    %while3A_551 = arith.subi %sub3A_549, %while3A : i32
    %while3A_552 = arith.addi %while3A, %while3A_551 : i32
    %while3A_553 = arith.constant 1 : i32
    %while3A_554 = arith.divsi %while3A_551, %while3A_553 : i32
    %while3A_555 = arith.muli %while3A_554, %while3A_553 : i32
    %while3A_556 = arith.addi %while3A, %while3A_555 : i32
    %while3A_557 = arith.constant 1 : i32
    %while3A_558 = scf.for %while3A_591 = %while3A to %while3A_556 step %while3A_557 iter_args(%while3A_592 = %while3A_550) -> (i32)  : i32 {
      %mul3A_593 = arith.constant 2 : i32
      %mul3A_594 = arith.muli %while3A_591, %mul3A_593 : i32
      %add3A_595 = arith.constant 0 : i32
      %add3A_596 = arith.addi %mul3A_594, %add3A_595 : i32
      %dma_wait3A_597 = arith.constant 0 : i32
      %dma_wait3A_598 = arith.constant 0 : i32
      %dma_wait3A_599 = arith.constant 0 : i32
      %dma_wait3A_600 = arith.constant 0 : i32
      %dma_wait3A_601 = tpu.memref_slice %arg8[%dma_wait3A_598, %dma_wait3A_599, %dma_wait3A_600] : memref<2x128x128xf32, #tpu.memory_space<vmem>> -> memref<1x128x128xf32, #tpu.memory_space<vmem>>
      %dma_wait3A_602 = tpu.memref_squeeze %dma_wait3A_601 : memref<1x128x128xf32, #tpu.memory_space<vmem>> -> memref<128x128xf32, #tpu.memory_space<vmem>>
      %dma_wait3A_603 = arith.constant 0 : i32
      %dma_wait3A_604 = tpu.memref_slice %arg6[%dma_wait3A_597, %dma_wait3A_603] : memref<2x128xi32, #tpu.memory_space<vmem>> -> memref<1x128xi32, #tpu.memory_space<vmem>>
      %dma_wait3A_605 = tpu.memref_squeeze %dma_wait3A_604 : memref<1x128xi32, #tpu.memory_space<vmem>> -> memref<128xi32, #tpu.memory_space<vmem>>
      %dma_wait3A_606 = arith.constant 0 : i32
      %dma_wait3A_607 = arith.constant 0 : i32
      %dma_wait3A_608 = tpu.memref_slice %arg2[%dma_wait3A_606, %dma_wait3A_607] : memref<10016x128xf32, #tpu.memory_space<hbm>> -> memref<10016x128xf32, #tpu.memory_space<hbm>>
      tpu.wait_indirect_dma semaphore(%arg10 : memref<!tpu.dma_semaphore, #tpu.memory_space<semaphore_mem>>) src(%dma_wait3A_608 : memref<10016x128xf32, #tpu.memory_space<hbm>>) dst(%dma_wait3A_602 : memref<128x128xf32, #tpu.memory_space<vmem>>)
      %run_scoped3A_609 = arith.constant 0 : i32
      %run_scoped3A_610 = arith.constant 0 : i32
      "tpu.region"() ({
        %run_scoped3A_1010 = tpu.sem_alloc : memref<!tpu.dma_semaphore, #tpu.memory_space<semaphore_mem>>
        %dma_start3A_1011 = arith.constant 0 : i32
        %dma_start3A_1012 = arith.constant 0 : i32
        %dma_start3A_1013 = tpu.memref_slice %arg8[%run_scoped3A_609, %dma_start3A_1011, %dma_start3A_1012] : memref<2x128x128xf32, #tpu.memory_space<vmem>> -> memref<1x128x128xf32, #tpu.memory_space<vmem>>
        %dma_start3A_1014 = tpu.memref_squeeze %dma_start3A_1013 : memref<1x128x128xf32, #tpu.memory_space<vmem>> -> memref<128x128xf32, #tpu.memory_space<vmem>>
        %dma_start3A_1015 = arith.constant 0 : i32
        %dma_start3A_1016 = tpu.memref_slice %arg7[%run_scoped3A_610, %dma_start3A_1015] : memref<2x128xi32, #tpu.memory_space<vmem>> -> memref<1x128xi32, #tpu.memory_space<vmem>>
        %dma_start3A_1017 = tpu.memref_squeeze %dma_start3A_1016 : memref<1x128xi32, #tpu.memory_space<vmem>> -> memref<128xi32, #tpu.memory_space<vmem>>
        %dma_start3A_1018 = arith.constant 0 : i32
        %dma_start3A_1019 = arith.constant 0 : i32
        %dma_start3A_1020 = tpu.memref_slice %arg9[%dma_start3A_1018, %dma_start3A_1019] : memref<10112x128xf32, #tpu.memory_space<vmem_shared>> -> memref<10112x128xf32, #tpu.memory_space<vmem_shared>>
        tpu.enqueue_indirect_dma source(%dma_start3A_1014 : memref<128x128xf32, #tpu.memory_space<vmem>>) target(%dma_start3A_1020 : memref<10112x128xf32, #tpu.memory_space<vmem_shared>>) offsets(%dma_start3A_1017 : memref<128xi32, #tpu.memory_space<vmem>>) semaphore(%run_scoped3A_1010 : memref<!tpu.dma_semaphore, #tpu.memory_space<semaphore_mem>>) {add = true}
        %dma_wait3A_1021 = arith.constant 0 : i32
        %dma_wait3A_1022 = arith.constant 0 : i32
        %dma_wait3A_1023 = tpu.memref_slice %arg8[%run_scoped3A_609, %dma_wait3A_1021, %dma_wait3A_1022] : memref<2x128x128xf32, #tpu.memory_space<vmem>> -> memref<1x128x128xf32, #tpu.memory_space<vmem>>
        %dma_wait3A_1024 = tpu.memref_squeeze %dma_wait3A_1023 : memref<1x128x128xf32, #tpu.memory_space<vmem>> -> memref<128x128xf32, #tpu.memory_space<vmem>>
        %dma_wait3A_1025 = arith.constant 0 : i32
        %dma_wait3A_1026 = tpu.memref_slice %arg7[%run_scoped3A_610, %dma_wait3A_1025] : memref<2x128xi32, #tpu.memory_space<vmem>> -> memref<1x128xi32, #tpu.memory_space<vmem>>
        %dma_wait3A_1027 = tpu.memref_squeeze %dma_wait3A_1026 : memref<1x128xi32, #tpu.memory_space<vmem>> -> memref<128xi32, #tpu.memory_space<vmem>>
        %dma_wait3A_1028 = arith.constant 0 : i32
        %dma_wait3A_1029 = arith.constant 0 : i32
        %dma_wait3A_1030 = tpu.memref_slice %arg9[%dma_wait3A_1028, %dma_wait3A_1029] : memref<10112x128xf32, #tpu.memory_space<vmem_shared>> -> memref<10112x128xf32, #tpu.memory_space<vmem_shared>>
        tpu.wait_indirect_dma semaphore(%run_scoped3A_1010 : memref<!tpu.dma_semaphore, #tpu.memory_space<semaphore_mem>>) src(%dma_wait3A_1024 : memref<128x128xf32, #tpu.memory_space<vmem>>) dst(%dma_wait3A_1030 : memref<10112x128xf32, #tpu.memory_space<vmem_shared>>)
        tpu.yield
      }) : () -> ()
      %add3A_611 = arith.constant 2 : i32
      %add3A_612 = arith.addi %add3A_596, %add3A_611 : i32
      %get3A_613 = arith.index_cast %add3A_612 : i32 to index
      %get3A_614 = arith.constant 0 : index
      %get3A_615 = tpu.vector_load %arg5[%get3A_613, %get3A_614] {strides = array<i32>} : memref<128x128xi32, #tpu.memory_space<vmem>>, vector<1x16xi32>,
      %get3A_616 = vector.shape_cast %get3A_615 : vector<1x16xi32> to vector<16xi32>
      %shift_right_logical3A_617 = arith.constant 14 : i32
      %shift_right_logical3A_618 = vector.broadcast %shift_right_logical3A_617 : i32 to vector<16xi32>
      %shift_right_logical3A_619 = arith.shrui %get3A_616, %shift_right_logical3A_618 : vector<16xi32>
      %swap3A_620 = arith.constant 0 : i32
      %swap3A_621 = arith.index_cast %swap3A_620 : i32 to index
      %swap3A_622 = arith.constant 0 : index
      %swap3A_623 = tpu.vector_load %arg6[%swap3A_621, %swap3A_622] {strides = array<i32>} : memref<2x128xi32, #tpu.memory_space<vmem>>, vector<1x16xi32>,
      %swap3A_624 = vector.shape_cast %swap3A_623 : vector<1x16xi32> to vector<16xi32>
      %swap3A_625 = vector.shape_cast %shift_right_logical3A_619 : vector<16xi32> to vector<1x16xi32>
      tpu.vector_store %arg6[%swap3A_621, %swap3A_622], %swap3A_625 {strides = array<i32>} : memref<2x128xi32, #tpu.memory_space<vmem>>, vector<1x16xi32>,
      %and3A_626 = arith.constant 16383 : i32
      %and3A_627 = vector.broadcast %and3A_626 : i32 to vector<16xi32>
      %and3A_628 = arith.andi %get3A_616, %and3A_627 : vector<16xi32>
      %swap3A_629 = arith.constant 0 : i32
      %swap3A_630 = arith.index_cast %swap3A_629 : i32 to index
      %swap3A_631 = arith.constant 0 : index
      %swap3A_632 = tpu.vector_load %arg7[%swap3A_630, %swap3A_631] {strides = array<i32>} : memref<2x128xi32, #tpu.memory_space<vmem>>, vector<1x16xi32>,
      %swap3A_633 = vector.shape_cast %swap3A_632 : vector<1x16xi32> to vector<16xi32>
      %swap3A_634 = vector.shape_cast %and3A_628 : vector<16xi32> to vector<1x16xi32>
      tpu.vector_store %arg7[%swap3A_630, %swap3A_631], %swap3A_634 {strides = array<i32>} : memref<2x128xi32, #tpu.memory_space<vmem>>, vector<1x16xi32>,
      %get3A_635 = arith.index_cast %add3A_612 : i32 to index
      %get3A_636 = arith.constant 16 : index
      %get3A_637 = tpu.vector_load %arg5[%get3A_635, %get3A_636] {strides = array<i32>} : memref<128x128xi32, #tpu.memory_space<vmem>>, vector<1x16xi32>,
      %get3A_638 = vector.shape_cast %get3A_637 : vector<1x16xi32> to vector<16xi32>
      %shift_right_logical3A_639 = arith.constant 14 : i32
      %shift_right_logical3A_640 = vector.broadcast %shift_right_logical3A_639 : i32 to vector<16xi32>
      %shift_right_logical3A_641 = arith.shrui %get3A_638, %shift_right_logical3A_640 : vector<16xi32>
      %swap3A_642 = arith.constant 0 : i32
      %swap3A_643 = arith.index_cast %swap3A_642 : i32 to index
      %swap3A_644 = arith.constant 16 : index
      %swap3A_645 = tpu.vector_load %arg6[%swap3A_643, %swap3A_644] {strides = array<i32>} : memref<2x128xi32, #tpu.memory_space<vmem>>, vector<1x16xi32>,
      %swap3A_646 = vector.shape_cast %swap3A_645 : vector<1x16xi32> to vector<16xi32>
      %swap3A_647 = vector.shape_cast %shift_right_logical3A_641 : vector<16xi32> to vector<1x16xi32>
      tpu.vector_store %arg6[%swap3A_643, %swap3A_644], %swap3A_647 {strides = array<i32>} : memref<2x128xi32, #tpu.memory_space<vmem>>, vector<1x16xi32>,
      %and3A_648 = arith.constant 16383 : i32
      %and3A_649 = vector.broadcast %and3A_648 : i32 to vector<16xi32>
      %and3A_650 = arith.andi %get3A_638, %and3A_649 : vector<16xi32>
      %swap3A_651 = arith.constant 0 : i32
      %swap3A_652 = arith.index_cast %swap3A_651 : i32 to index
      %swap3A_653 = arith.constant 16 : index
      %swap3A_654 = tpu.vector_load %arg7[%swap3A_652, %swap3A_653] {strides = array<i32>} : memref<2x128xi32, #tpu.memory_space<vmem>>, vector<1x16xi32>,
      %swap3A_655 = vector.shape_cast %swap3A_654 : vector<1x16xi32> to vector<16xi32>
      %swap3A_656 = vector.shape_cast %and3A_650 : vector<16xi32> to vector<1x16xi32>
      tpu.vector_store %arg7[%swap3A_652, %swap3A_653], %swap3A_656 {strides = array<i32>} : memref<2x128xi32, #tpu.memory_space<vmem>>, vector<1x16xi32>,
      %get3A_657 = arith.index_cast %add3A_612 : i32 to index
      %get3A_658 = arith.constant 32 : index
      %get3A_659 = tpu.vector_load %arg5[%get3A_657, %get3A_658] {strides = array<i32>} : memref<128x128xi32, #tpu.memory_space<vmem>>, vector<1x16xi32>,
      %get3A_660 = vector.shape_cast %get3A_659 : vector<1x16xi32> to vector<16xi32>
      %shift_right_logical3A_661 = arith.constant 14 : i32
      %shift_right_logical3A_662 = vector.broadcast %shift_right_logical3A_661 : i32 to vector<16xi32>
      %shift_right_logical3A_663 = arith.shrui %get3A_660, %shift_right_logical3A_662 : vector<16xi32>
      %swap3A_664 = arith.constant 0 : i32
      %swap3A_665 = arith.index_cast %swap3A_664 : i32 to index
      %swap3A_666 = arith.constant 32 : index
      %swap3A_667 = tpu.vector_load %arg6[%swap3A_665, %swap3A_666] {strides = array<i32>} : memref<2x128xi32, #tpu.memory_space<vmem>>, vector<1x16xi32>,
      %swap3A_668 = vector.shape_cast %swap3A_667 : vector<1x16xi32> to vector<16xi32>
      %swap3A_669 = vector.shape_cast %shift_right_logical3A_663 : vector<16xi32> to vector<1x16xi32>
      tpu.vector_store %arg6[%swap3A_665, %swap3A_666], %swap3A_669 {strides = array<i32>} : memref<2x128xi32, #tpu.memory_space<vmem>>, vector<1x16xi32>,
      %and3A_670 = arith.constant 16383 : i32
      %and3A_671 = vector.broadcast %and3A_670 : i32 to vector<16xi32>
      %and3A_672 = arith.andi %get3A_660, %and3A_671 : vector<16xi32>
      %swap3A_673 = arith.constant 0 : i32
      %swap3A_674 = arith.index_cast %swap3A_673 : i32 to index
      %swap3A_675 = arith.constant 32 : index
      %swap3A_676 = tpu.vector_load %arg7[%swap3A_674, %swap3A_675] {strides = array<i32>} : memref<2x128xi32, #tpu.memory_space<vmem>>, vector<1x16xi32>,
      %swap3A_677 = vector.shape_cast %swap3A_676 : vector<1x16xi32> to vector<16xi32>
      %swap3A_678 = vector.shape_cast %and3A_672 : vector<16xi32> to vector<1x16xi32>
      tpu.vector_store %arg7[%swap3A_674, %swap3A_675], %swap3A_678 {strides = array<i32>} : memref<2x128xi32, #tpu.memory_space<vmem>>, vector<1x16xi32>,
      %get3A_679 = arith.index_cast %add3A_612 : i32 to index
      %get3A_680 = arith.constant 48 : index
      %get3A_681 = tpu.vector_load %arg5[%get3A_679, %get3A_680] {strides = array<i32>} : memref<128x128xi32, #tpu.memory_space<vmem>>, vector<1x16xi32>,
      %get3A_682 = vector.shape_cast %get3A_681 : vector<1x16xi32> to vector<16xi32>
      %shift_right_logical3A_683 = arith.constant 14 : i32
      %shift_right_logical3A_684 = vector.broadcast %shift_right_logical3A_683 : i32 to vector<16xi32>
      %shift_right_logical3A_685 = arith.shrui %get3A_682, %shift_right_logical3A_684 : vector<16xi32>
      %swap3A_686 = arith.constant 0 : i32
      %swap3A_687 = arith.index_cast %swap3A_686 : i32 to index
      %swap3A_688 = arith.constant 48 : index
      %swap3A_689 = tpu.vector_load %arg6[%swap3A_687, %swap3A_688] {strides = array<i32>} : memref<2x128xi32, #tpu.memory_space<vmem>>, vector<1x16xi32>,
      %swap3A_690 = vector.shape_cast %swap3A_689 : vector<1x16xi32> to vector<16xi32>
      %swap3A_691 = vector.shape_cast %shift_right_logical3A_685 : vector<16xi32> to vector<1x16xi32>
      tpu.vector_store %arg6[%swap3A_687, %swap3A_688], %swap3A_691 {strides = array<i32>} : memref<2x128xi32, #tpu.memory_space<vmem>>, vector<1x16xi32>,
      %and3A_692 = arith.constant 16383 : i32
      %and3A_693 = vector.broadcast %and3A_692 : i32 to vector<16xi32>
      %and3A_694 = arith.andi %get3A_682, %and3A_693 : vector<16xi32>
      %swap3A_695 = arith.constant 0 : i32
      %swap3A_696 = arith.index_cast %swap3A_695 : i32 to index
      %swap3A_697 = arith.constant 48 : index
      %swap3A_698 = tpu.vector_load %arg7[%swap3A_696, %swap3A_697] {strides = array<i32>} : memref<2x128xi32, #tpu.memory_space<vmem>>, vector<1x16xi32>,
      %swap3A_699 = vector.shape_cast %swap3A_698 : vector<1x16xi32> to vector<16xi32>
      %swap3A_700 = vector.shape_cast %and3A_694 : vector<16xi32> to vector<1x16xi32>
      tpu.vector_store %arg7[%swap3A_696, %swap3A_697], %swap3A_700 {strides = array<i32>} : memref<2x128xi32, #tpu.memory_space<vmem>>, vector<1x16xi32>,
      %get3A_701 = arith.index_cast %add3A_612 : i32 to index
      %get3A_702 = arith.constant 64 : index
      %get3A_703 = tpu.vector_load %arg5[%get3A_701, %get3A_702] {strides = array<i32>} : memref<128x128xi32, #tpu.memory_space<vmem>>, vector<1x16xi32>,
      %get3A_704 = vector.shape_cast %get3A_703 : vector<1x16xi32> to vector<16xi32>
      %shift_right_logical3A_705 = arith.constant 14 : i32
      %shift_right_logical3A_706 = vector.broadcast %shift_right_logical3A_705 : i32 to vector<16xi32>
      %shift_right_logical3A_707 = arith.shrui %get3A_704, %shift_right_logical3A_706 : vector<16xi32>
      %swap3A_708 = arith.constant 0 : i32
      %swap3A_709 = arith.index_cast %swap3A_708 : i32 to index
      %swap3A_710 = arith.constant 64 : index
      %swap3A_711 = tpu.vector_load %arg6[%swap3A_709, %swap3A_710] {strides = array<i32>} : memref<2x128xi32, #tpu.memory_space<vmem>>, vector<1x16xi32>,
      %swap3A_712 = vector.shape_cast %swap3A_711 : vector<1x16xi32> to vector<16xi32>
      %swap3A_713 = vector.shape_cast %shift_right_logical3A_707 : vector<16xi32> to vector<1x16xi32>
      tpu.vector_store %arg6[%swap3A_709, %swap3A_710], %swap3A_713 {strides = array<i32>} : memref<2x128xi32, #tpu.memory_space<vmem>>, vector<1x16xi32>,
      %and3A_714 = arith.constant 16383 : i32
      %and3A_715 = vector.broadcast %and3A_714 : i32 to vector<16xi32>
      %and3A_716 = arith.andi %get3A_704, %and3A_715 : vector<16xi32>
      %swap3A_717 = arith.constant 0 : i32
      %swap3A_718 = arith.index_cast %swap3A_717 : i32 to index
      %swap3A_719 = arith.constant 64 : index
      %swap3A_720 = tpu.vector_load %arg7[%swap3A_718, %swap3A_719] {strides = array<i32>} : memref<2x128xi32, #tpu.memory_space<vmem>>, vector<1x16xi32>,
      %swap3A_721 = vector.shape_cast %swap3A_720 : vector<1x16xi32> to vector<16xi32>
      %swap3A_722 = vector.shape_cast %and3A_716 : vector<16xi32> to vector<1x16xi32>
      tpu.vector_store %arg7[%swap3A_718, %swap3A_719], %swap3A_722 {strides = array<i32>} : memref<2x128xi32, #tpu.memory_space<vmem>>, vector<1x16xi32>,
      %get3A_723 = arith.index_cast %add3A_612 : i32 to index
      %get3A_724 = arith.constant 80 : index
      %get3A_725 = tpu.vector_load %arg5[%get3A_723, %get3A_724] {strides = array<i32>} : memref<128x128xi32, #tpu.memory_space<vmem>>, vector<1x16xi32>,
      %get3A_726 = vector.shape_cast %get3A_725 : vector<1x16xi32> to vector<16xi32>
      %shift_right_logical3A_727 = arith.constant 14 : i32
      %shift_right_logical3A_728 = vector.broadcast %shift_right_logical3A_727 : i32 to vector<16xi32>
      %shift_right_logical3A_729 = arith.shrui %get3A_726, %shift_right_logical3A_728 : vector<16xi32>
      %swap3A_730 = arith.constant 0 : i32
      %swap3A_731 = arith.index_cast %swap3A_730 : i32 to index
      %swap3A_732 = arith.constant 80 : index
      %swap3A_733 = tpu.vector_load %arg6[%swap3A_731, %swap3A_732] {strides = array<i32>} : memref<2x128xi32, #tpu.memory_space<vmem>>, vector<1x16xi32>,
      %swap3A_734 = vector.shape_cast %swap3A_733 : vector<1x16xi32> to vector<16xi32>
      %swap3A_735 = vector.shape_cast %shift_right_logical3A_729 : vector<16xi32> to vector<1x16xi32>
      tpu.vector_store %arg6[%swap3A_731, %swap3A_732], %swap3A_735 {strides = array<i32>} : memref<2x128xi32, #tpu.memory_space<vmem>>, vector<1x16xi32>,
      %and3A_736 = arith.constant 16383 : i32
      %and3A_737 = vector.broadcast %and3A_736 : i32 to vector<16xi32>
      %and3A_738 = arith.andi %get3A_726, %and3A_737 : vector<16xi32>
      %swap3A_739 = arith.constant 0 : i32
      %swap3A_740 = arith.index_cast %swap3A_739 : i32 to index
      %swap3A_741 = arith.constant 80 : index
      %swap3A_742 = tpu.vector_load %arg7[%swap3A_740, %swap3A_741] {strides = array<i32>} : memref<2x128xi32, #tpu.memory_space<vmem>>, vector<1x16xi32>,
      %swap3A_743 = vector.shape_cast %swap3A_742 : vector<1x16xi32> to vector<16xi32>
      %swap3A_744 = vector.shape_cast %and3A_738 : vector<16xi32> to vector<1x16xi32>
      tpu.vector_store %arg7[%swap3A_740, %swap3A_741], %swap3A_744 {strides = array<i32>} : memref<2x128xi32, #tpu.memory_space<vmem>>, vector<1x16xi32>,
      %get3A_745 = arith.index_cast %add3A_612 : i32 to index
      %get3A_746 = arith.constant 96 : index
      %get3A_747 = tpu.vector_load %arg5[%get3A_745, %get3A_746] {strides = array<i32>} : memref<128x128xi32, #tpu.memory_space<vmem>>, vector<1x16xi32>,
      %get3A_748 = vector.shape_cast %get3A_747 : vector<1x16xi32> to vector<16xi32>
      %shift_right_logical3A_749 = arith.constant 14 : i32
      %shift_right_logical3A_750 = vector.broadcast %shift_right_logical3A_749 : i32 to vector<16xi32>
      %shift_right_logical3A_751 = arith.shrui %get3A_748, %shift_right_logical3A_750 : vector<16xi32>
      %swap3A_752 = arith.constant 0 : i32
      %swap3A_753 = arith.index_cast %swap3A_752 : i32 to index
      %swap3A_754 = arith.constant 96 : index
      %swap3A_755 = tpu.vector_load %arg6[%swap3A_753, %swap3A_754] {strides = array<i32>} : memref<2x128xi32, #tpu.memory_space<vmem>>, vector<1x16xi32>,
      %swap3A_756 = vector.shape_cast %swap3A_755 : vector<1x16xi32> to vector<16xi32>
      %swap3A_757 = vector.shape_cast %shift_right_logical3A_751 : vector<16xi32> to vector<1x16xi32>
      tpu.vector_store %arg6[%swap3A_753, %swap3A_754], %swap3A_757 {strides = array<i32>} : memref<2x128xi32, #tpu.memory_space<vmem>>, vector<1x16xi32>,
      %and3A_758 = arith.constant 16383 : i32
      %and3A_759 = vector.broadcast %and3A_758 : i32 to vector<16xi32>
      %and3A_760 = arith.andi %get3A_748, %and3A_759 : vector<16xi32>
      %swap3A_761 = arith.constant 0 : i32
      %swap3A_762 = arith.index_cast %swap3A_761 : i32 to index
      %swap3A_763 = arith.constant 96 : index
      %swap3A_764 = tpu.vector_load %arg7[%swap3A_762, %swap3A_763] {strides = array<i32>} : memref<2x128xi32, #tpu.memory_space<vmem>>, vector<1x16xi32>,
      %swap3A_765 = vector.shape_cast %swap3A_764 : vector<1x16xi32> to vector<16xi32>
      %swap3A_766 = vector.shape_cast %and3A_760 : vector<16xi32> to vector<1x16xi32>
      tpu.vector_store %arg7[%swap3A_762, %swap3A_763], %swap3A_766 {strides = array<i32>} : memref<2x128xi32, #tpu.memory_space<vmem>>, vector<1x16xi32>,
      %get3A_767 = arith.index_cast %add3A_612 : i32 to index
      %get3A_768 = arith.constant 112 : index
      %get3A_769 = tpu.vector_load %arg5[%get3A_767, %get3A_768] {strides = array<i32>} : memref<128x128xi32, #tpu.memory_space<vmem>>, vector<1x16xi32>,
      %get3A_770 = vector.shape_cast %get3A_769 : vector<1x16xi32> to vector<16xi32>
      %shift_right_logical3A_771 = arith.constant 14 : i32
      %shift_right_logical3A_772 = vector.broadcast %shift_right_logical3A_771 : i32 to vector<16xi32>
      %shift_right_logical3A_773 = arith.shrui %get3A_770, %shift_right_logical3A_772 : vector<16xi32>
      %swap3A_774 = arith.constant 0 : i32
      %swap3A_775 = arith.index_cast %swap3A_774 : i32 to index
      %swap3A_776 = arith.constant 112 : index
      %swap3A_777 = tpu.vector_load %arg6[%swap3A_775, %swap3A_776] {strides = array<i32>} : memref<2x128xi32, #tpu.memory_space<vmem>>, vector<1x16xi32>,
      %swap3A_778 = vector.shape_cast %swap3A_777 : vector<1x16xi32> to vector<16xi32>
      %swap3A_779 = vector.shape_cast %shift_right_logical3A_773 : vector<16xi32> to vector<1x16xi32>
      tpu.vector_store %arg6[%swap3A_775, %swap3A_776], %swap3A_779 {strides = array<i32>} : memref<2x128xi32, #tpu.memory_space<vmem>>, vector<1x16xi32>,
      %and3A_780 = arith.constant 16383 : i32
      %and3A_781 = vector.broadcast %and3A_780 : i32 to vector<16xi32>
      %and3A_782 = arith.andi %get3A_770, %and3A_781 : vector<16xi32>
      %swap3A_783 = arith.constant 0 : i32
      %swap3A_784 = arith.index_cast %swap3A_783 : i32 to index
      %swap3A_785 = arith.constant 112 : index
      %swap3A_786 = tpu.vector_load %arg7[%swap3A_784, %swap3A_785] {strides = array<i32>} : memref<2x128xi32, #tpu.memory_space<vmem>>, vector<1x16xi32>,
      %swap3A_787 = vector.shape_cast %swap3A_786 : vector<1x16xi32> to vector<16xi32>
      %swap3A_788 = vector.shape_cast %and3A_782 : vector<16xi32> to vector<1x16xi32>
      tpu.vector_store %arg7[%swap3A_784, %swap3A_785], %swap3A_788 {strides = array<i32>} : memref<2x128xi32, #tpu.memory_space<vmem>>, vector<1x16xi32>,
      %dma_start3A_789 = arith.constant 0 : i32
      %dma_start3A_790 = arith.constant 0 : i32
      %dma_start3A_791 = arith.constant 0 : i32
      %dma_start3A_792 = arith.constant 0 : i32
      %dma_start3A_793 = tpu.memref_slice %arg8[%dma_start3A_790, %dma_start3A_791, %dma_start3A_792] : memref<2x128x128xf32, #tpu.memory_space<vmem>> -> memref<1x128x128xf32, #tpu.memory_space<vmem>>
      %dma_start3A_794 = tpu.memref_squeeze %dma_start3A_793 : memref<1x128x128xf32, #tpu.memory_space<vmem>> -> memref<128x128xf32, #tpu.memory_space<vmem>>
      %dma_start3A_795 = arith.constant 0 : i32
      %dma_start3A_796 = tpu.memref_slice %arg6[%dma_start3A_789, %dma_start3A_795] : memref<2x128xi32, #tpu.memory_space<vmem>> -> memref<1x128xi32, #tpu.memory_space<vmem>>
      %dma_start3A_797 = tpu.memref_squeeze %dma_start3A_796 : memref<1x128xi32, #tpu.memory_space<vmem>> -> memref<128xi32, #tpu.memory_space<vmem>>
      %dma_start3A_798 = arith.constant 0 : i32
      %dma_start3A_799 = arith.constant 0 : i32
      %dma_start3A_800 = tpu.memref_slice %arg2[%dma_start3A_798, %dma_start3A_799] : memref<10016x128xf32, #tpu.memory_space<hbm>> -> memref<10016x128xf32, #tpu.memory_space<hbm>>
      tpu.enqueue_indirect_dma source(%dma_start3A_800 : memref<10016x128xf32, #tpu.memory_space<hbm>>) target(%dma_start3A_794 : memref<128x128xf32, #tpu.memory_space<vmem>>) offsets(%dma_start3A_797 : memref<128xi32, #tpu.memory_space<vmem>>) semaphore(%arg10 : memref<!tpu.dma_semaphore, #tpu.memory_space<semaphore_mem>>)
      %mul3A_801 = arith.constant 2 : i32
      %mul3A_802 = arith.muli %while3A_591, %mul3A_801 : i32
      %add3A_803 = arith.constant 1 : i32
      %add3A_804 = arith.addi %mul3A_802, %add3A_803 : i32
      %dma_wait3A_805 = arith.constant 1 : i32
      %dma_wait3A_806 = arith.constant 1 : i32
      %dma_wait3A_807 = arith.constant 0 : i32
      %dma_wait3A_808 = arith.constant 0 : i32
      %dma_wait3A_809 = tpu.memref_slice %arg8[%dma_wait3A_806, %dma_wait3A_807, %dma_wait3A_808] : memref<2x128x128xf32, #tpu.memory_space<vmem>> -> memref<1x128x128xf32, #tpu.memory_space<vmem>>
      %dma_wait3A_810 = tpu.memref_squeeze %dma_wait3A_809 : memref<1x128x128xf32, #tpu.memory_space<vmem>> -> memref<128x128xf32, #tpu.memory_space<vmem>>
      %dma_wait3A_811 = arith.constant 0 : i32
      %dma_wait3A_812 = tpu.memref_slice %arg6[%dma_wait3A_805, %dma_wait3A_811] : memref<2x128xi32, #tpu.memory_space<vmem>> -> memref<1x128xi32, #tpu.memory_space<vmem>>
      %dma_wait3A_813 = tpu.memref_squeeze %dma_wait3A_812 : memref<1x128xi32, #tpu.memory_space<vmem>> -> memref<128xi32, #tpu.memory_space<vmem>>
      %dma_wait3A_814 = arith.constant 0 : i32
      %dma_wait3A_815 = arith.constant 0 : i32
      %dma_wait3A_816 = tpu.memref_slice %arg2[%dma_wait3A_814, %dma_wait3A_815] : memref<10016x128xf32, #tpu.memory_space<hbm>> -> memref<10016x128xf32, #tpu.memory_space<hbm>>
      tpu.wait_indirect_dma semaphore(%arg11 : memref<!tpu.dma_semaphore, #tpu.memory_space<semaphore_mem>>) src(%dma_wait3A_816 : memref<10016x128xf32, #tpu.memory_space<hbm>>) dst(%dma_wait3A_810 : memref<128x128xf32, #tpu.memory_space<vmem>>)
      %run_scoped3A_817 = arith.constant 1 : i32
      %run_scoped3A_818 = arith.constant 1 : i32
      "tpu.region"() ({
        %run_scoped3A_1010 = tpu.sem_alloc : memref<!tpu.dma_semaphore, #tpu.memory_space<semaphore_mem>>
        %dma_start3A_1011 = arith.constant 0 : i32
        %dma_start3A_1012 = arith.constant 0 : i32
        %dma_start3A_1013 = tpu.memref_slice %arg8[%run_scoped3A_817, %dma_start3A_1011, %dma_start3A_1012] : memref<2x128x128xf32, #tpu.memory_space<vmem>> -> memref<1x128x128xf32, #tpu.memory_space<vmem>>
        %dma_start3A_1014 = tpu.memref_squeeze %dma_start3A_1013 : memref<1x128x128xf32, #tpu.memory_space<vmem>> -> memref<128x128xf32, #tpu.memory_space<vmem>>
        %dma_start3A_1015 = arith.constant 0 : i32
        %dma_start3A_1016 = tpu.memref_slice %arg7[%run_scoped3A_818, %dma_start3A_1015] : memref<2x128xi32, #tpu.memory_space<vmem>> -> memref<1x128xi32, #tpu.memory_space<vmem>>
        %dma_start3A_1017 = tpu.memref_squeeze %dma_start3A_1016 : memref<1x128xi32, #tpu.memory_space<vmem>> -> memref<128xi32, #tpu.memory_space<vmem>>
        %dma_start3A_1018 = arith.constant 0 : i32
        %dma_start3A_1019 = arith.constant 0 : i32
        %dma_start3A_1020 = tpu.memref_slice %arg9[%dma_start3A_1018, %dma_start3A_1019] : memref<10112x128xf32, #tpu.memory_space<vmem_shared>> -> memref<10112x128xf32, #tpu.memory_space<vmem_shared>>
        tpu.enqueue_indirect_dma source(%dma_start3A_1014 : memref<128x128xf32, #tpu.memory_space<vmem>>) target(%dma_start3A_1020 : memref<10112x128xf32, #tpu.memory_space<vmem_shared>>) offsets(%dma_start3A_1017 : memref<128xi32, #tpu.memory_space<vmem>>) semaphore(%run_scoped3A_1010 : memref<!tpu.dma_semaphore, #tpu.memory_space<semaphore_mem>>) {add = true}
        %dma_wait3A_1021 = arith.constant 0 : i32
        %dma_wait3A_1022 = arith.constant 0 : i32
        %dma_wait3A_1023 = tpu.memref_slice %arg8[%run_scoped3A_817, %dma_wait3A_1021, %dma_wait3A_1022] : memref<2x128x128xf32, #tpu.memory_space<vmem>> -> memref<1x128x128xf32, #tpu.memory_space<vmem>>
        %dma_wait3A_1024 = tpu.memref_squeeze %dma_wait3A_1023 : memref<1x128x128xf32, #tpu.memory_space<vmem>> -> memref<128x128xf32, #tpu.memory_space<vmem>>
        %dma_wait3A_1025 = arith.constant 0 : i32
        %dma_wait3A_1026 = tpu.memref_slice %arg7[%run_scoped3A_818, %dma_wait3A_1025] : memref<2x128xi32, #tpu.memory_space<vmem>> -> memref<1x128xi32, #tpu.memory_space<vmem>>
        %dma_wait3A_1027 = tpu.memref_squeeze %dma_wait3A_1026 : memref<1x128xi32, #tpu.memory_space<vmem>> -> memref<128xi32, #tpu.memory_space<vmem>>
        %dma_wait3A_1028 = arith.constant 0 : i32
        %dma_wait3A_1029 = arith.constant 0 : i32
        %dma_wait3A_1030 = tpu.memref_slice %arg9[%dma_wait3A_1028, %dma_wait3A_1029] : memref<10112x128xf32, #tpu.memory_space<vmem_shared>> -> memref<10112x128xf32, #tpu.memory_space<vmem_shared>>
        tpu.wait_indirect_dma semaphore(%run_scoped3A_1010 : memref<!tpu.dma_semaphore, #tpu.memory_space<semaphore_mem>>) src(%dma_wait3A_1024 : memref<128x128xf32, #tpu.memory_space<vmem>>) dst(%dma_wait3A_1030 : memref<10112x128xf32, #tpu.memory_space<vmem_shared>>)
        tpu.yield
      }) : () -> ()
      %add3A_819 = arith.constant 2 : i32
      %add3A_820 = arith.addi %add3A_804, %add3A_819 : i32
      %get3A_821 = arith.index_cast %add3A_820 : i32 to index
      %get3A_822 = arith.constant 0 : index
      %get3A_823 = tpu.vector_load %arg5[%get3A_821, %get3A_822] {strides = array<i32>} : memref<128x128xi32, #tpu.memory_space<vmem>>, vector<1x16xi32>,
      %get3A_824 = vector.shape_cast %get3A_823 : vector<1x16xi32> to vector<16xi32>
      %shift_right_logical3A_825 = arith.constant 14 : i32
      %shift_right_logical3A_826 = vector.broadcast %shift_right_logical3A_825 : i32 to vector<16xi32>
      %shift_right_logical3A_827 = arith.shrui %get3A_824, %shift_right_logical3A_826 : vector<16xi32>
      %swap3A_828 = arith.constant 1 : i32
      %swap3A_829 = arith.index_cast %swap3A_828 : i32 to index
      %swap3A_830 = arith.constant 0 : index
      %swap3A_831 = tpu.vector_load %arg6[%swap3A_829, %swap3A_830] {strides = array<i32>} : memref<2x128xi32, #tpu.memory_space<vmem>>, vector<1x16xi32>,
      %swap3A_832 = vector.shape_cast %swap3A_831 : vector<1x16xi32> to vector<16xi32>
      %swap3A_833 = vector.shape_cast %shift_right_logical3A_827 : vector<16xi32> to vector<1x16xi32>
      tpu.vector_store %arg6[%swap3A_829, %swap3A_830], %swap3A_833 {strides = array<i32>} : memref<2x128xi32, #tpu.memory_space<vmem>>, vector<1x16xi32>,
      %and3A_834 = arith.constant 16383 : i32
      %and3A_835 = vector.broadcast %and3A_834 : i32 to vector<16xi32>
      %and3A_836 = arith.andi %get3A_824, %and3A_835 : vector<16xi32>
      %swap3A_837 = arith.constant 1 : i32
      %swap3A_838 = arith.index_cast %swap3A_837 : i32 to index
      %swap3A_839 = arith.constant 0 : index
      %swap3A_840 = tpu.vector_load %arg7[%swap3A_838, %swap3A_839] {strides = array<i32>} : memref<2x128xi32, #tpu.memory_space<vmem>>, vector<1x16xi32>,
      %swap3A_841 = vector.shape_cast %swap3A_840 : vector<1x16xi32> to vector<16xi32>
      %swap3A_842 = vector.shape_cast %and3A_836 : vector<16xi32> to vector<1x16xi32>
      tpu.vector_store %arg7[%swap3A_838, %swap3A_839], %swap3A_842 {strides = array<i32>} : memref<2x128xi32, #tpu.memory_space<vmem>>, vector<1x16xi32>,
      %get3A_843 = arith.index_cast %add3A_820 : i32 to index
      %get3A_844 = arith.constant 16 : index
      %get3A_845 = tpu.vector_load %arg5[%get3A_843, %get3A_844] {strides = array<i32>} : memref<128x128xi32, #tpu.memory_space<vmem>>, vector<1x16xi32>,
      %get3A_846 = vector.shape_cast %get3A_845 : vector<1x16xi32> to vector<16xi32>
      %shift_right_logical3A_847 = arith.constant 14 : i32
      %shift_right_logical3A_848 = vector.broadcast %shift_right_logical3A_847 : i32 to vector<16xi32>
      %shift_right_logical3A_849 = arith.shrui %get3A_846, %shift_right_logical3A_848 : vector<16xi32>
      %swap3A_850 = arith.constant 1 : i32
      %swap3A_851 = arith.index_cast %swap3A_850 : i32 to index
      %swap3A_852 = arith.constant 16 : index
      %swap3A_853 = tpu.vector_load %arg6[%swap3A_851, %swap3A_852] {strides = array<i32>} : memref<2x128xi32, #tpu.memory_space<vmem>>, vector<1x16xi32>,
      %swap3A_854 = vector.shape_cast %swap3A_853 : vector<1x16xi32> to vector<16xi32>
      %swap3A_855 = vector.shape_cast %shift_right_logical3A_849 : vector<16xi32> to vector<1x16xi32>
      tpu.vector_store %arg6[%swap3A_851, %swap3A_852], %swap3A_855 {strides = array<i32>} : memref<2x128xi32, #tpu.memory_space<vmem>>, vector<1x16xi32>,
      %and3A_856 = arith.constant 16383 : i32
      %and3A_857 = vector.broadcast %and3A_856 : i32 to vector<16xi32>
      %and3A_858 = arith.andi %get3A_846, %and3A_857 : vector<16xi32>
      %swap3A_859 = arith.constant 1 : i32
      %swap3A_860 = arith.index_cast %swap3A_859 : i32 to index
      %swap3A_861 = arith.constant 16 : index
      %swap3A_862 = tpu.vector_load %arg7[%swap3A_860, %swap3A_861] {strides = array<i32>} : memref<2x128xi32, #tpu.memory_space<vmem>>, vector<1x16xi32>,
      %swap3A_863 = vector.shape_cast %swap3A_862 : vector<1x16xi32> to vector<16xi32>
      %swap3A_864 = vector.shape_cast %and3A_858 : vector<16xi32> to vector<1x16xi32>
      tpu.vector_store %arg7[%swap3A_860, %swap3A_861], %swap3A_864 {strides = array<i32>} : memref<2x128xi32, #tpu.memory_space<vmem>>, vector<1x16xi32>,
      %get3A_865 = arith.index_cast %add3A_820 : i32 to index
      %get3A_866 = arith.constant 32 : index
      %get3A_867 = tpu.vector_load %arg5[%get3A_865, %get3A_866] {strides = array<i32>} : memref<128x128xi32, #tpu.memory_space<vmem>>, vector<1x16xi32>,
      %get3A_868 = vector.shape_cast %get3A_867 : vector<1x16xi32> to vector<16xi32>
      %shift_right_logical3A_869 = arith.constant 14 : i32
      %shift_right_logical3A_870 = vector.broadcast %shift_right_logical3A_869 : i32 to vector<16xi32>
      %shift_right_logical3A_871 = arith.shrui %get3A_868, %shift_right_logical3A_870 : vector<16xi32>
      %swap3A_872 = arith.constant 1 : i32
      %swap3A_873 = arith.index_cast %swap3A_872 : i32 to index
      %swap3A_874 = arith.constant 32 : index
      %swap3A_875 = tpu.vector_load %arg6[%swap3A_873, %swap3A_874] {strides = array<i32>} : memref<2x128xi32, #tpu.memory_space<vmem>>, vector<1x16xi32>,
      %swap3A_876 = vector.shape_cast %swap3A_875 : vector<1x16xi32> to vector<16xi32>
      %swap3A_877 = vector.shape_cast %shift_right_logical3A_871 : vector<16xi32> to vector<1x16xi32>
      tpu.vector_store %arg6[%swap3A_873, %swap3A_874], %swap3A_877 {strides = array<i32>} : memref<2x128xi32, #tpu.memory_space<vmem>>, vector<1x16xi32>,
      %and3A_878 = arith.constant 16383 : i32
      %and3A_879 = vector.broadcast %and3A_878 : i32 to vector<16xi32>
      %and3A_880 = arith.andi %get3A_868, %and3A_879 : vector<16xi32>
      %swap3A_881 = arith.constant 1 : i32
      %swap3A_882 = arith.index_cast %swap3A_881 : i32 to index
      %swap3A_883 = arith.constant 32 : index
      %swap3A_884 = tpu.vector_load %arg7[%swap3A_882, %swap3A_883] {strides = array<i32>} : memref<2x128xi32, #tpu.memory_space<vmem>>, vector<1x16xi32>,
      %swap3A_885 = vector.shape_cast %swap3A_884 : vector<1x16xi32> to vector<16xi32>
      %swap3A_886 = vector.shape_cast %and3A_880 : vector<16xi32> to vector<1x16xi32>
      tpu.vector_store %arg7[%swap3A_882, %swap3A_883], %swap3A_886 {strides = array<i32>} : memref<2x128xi32, #tpu.memory_space<vmem>>, vector<1x16xi32>,
      %get3A_887 = arith.index_cast %add3A_820 : i32 to index
      %get3A_888 = arith.constant 48 : index
      %get3A_889 = tpu.vector_load %arg5[%get3A_887, %get3A_888] {strides = array<i32>} : memref<128x128xi32, #tpu.memory_space<vmem>>, vector<1x16xi32>,
      %get3A_890 = vector.shape_cast %get3A_889 : vector<1x16xi32> to vector<16xi32>
      %shift_right_logical3A_891 = arith.constant 14 : i32
      %shift_right_logical3A_892 = vector.broadcast %shift_right_logical3A_891 : i32 to vector<16xi32>
      %shift_right_logical3A_893 = arith.shrui %get3A_890, %shift_right_logical3A_892 : vector<16xi32>
      %swap3A_894 = arith.constant 1 : i32
      %swap3A_895 = arith.index_cast %swap3A_894 : i32 to index
      %swap3A_896 = arith.constant 48 : index
      %swap3A_897 = tpu.vector_load %arg6[%swap3A_895, %swap3A_896] {strides = array<i32>} : memref<2x128xi32, #tpu.memory_space<vmem>>, vector<1x16xi32>,
      %swap3A_898 = vector.shape_cast %swap3A_897 : vector<1x16xi32> to vector<16xi32>
      %swap3A_899 = vector.shape_cast %shift_right_logical3A_893 : vector<16xi32> to vector<1x16xi32>
      tpu.vector_store %arg6[%swap3A_895, %swap3A_896], %swap3A_899 {strides = array<i32>} : memref<2x128xi32, #tpu.memory_space<vmem>>, vector<1x16xi32>,
      %and3A_900 = arith.constant 16383 : i32
      %and3A_901 = vector.broadcast %and3A_900 : i32 to vector<16xi32>
      %and3A_902 = arith.andi %get3A_890, %and3A_901 : vector<16xi32>
      %swap3A_903 = arith.constant 1 : i32
      %swap3A_904 = arith.index_cast %swap3A_903 : i32 to index
      %swap3A_905 = arith.constant 48 : index
      %swap3A_906 = tpu.vector_load %arg7[%swap3A_904, %swap3A_905] {strides = array<i32>} : memref<2x128xi32, #tpu.memory_space<vmem>>, vector<1x16xi32>,
      %swap3A_907 = vector.shape_cast %swap3A_906 : vector<1x16xi32> to vector<16xi32>
      %swap3A_908 = vector.shape_cast %and3A_902 : vector<16xi32> to vector<1x16xi32>
      tpu.vector_store %arg7[%swap3A_904, %swap3A_905], %swap3A_908 {strides = array<i32>} : memref<2x128xi32, #tpu.memory_space<vmem>>, vector<1x16xi32>,
      %get3A_909 = arith.index_cast %add3A_820 : i32 to index
      %get3A_910 = arith.constant 64 : index
      %get3A_911 = tpu.vector_load %arg5[%get3A_909, %get3A_910] {strides = array<i32>} : memref<128x128xi32, #tpu.memory_space<vmem>>, vector<1x16xi32>,
      %get3A_912 = vector.shape_cast %get3A_911 : vector<1x16xi32> to vector<16xi32>
      %shift_right_logical3A_913 = arith.constant 14 : i32
      %shift_right_logical3A_914 = vector.broadcast %shift_right_logical3A_913 : i32 to vector<16xi32>
      %shift_right_logical3A_915 = arith.shrui %get3A_912, %shift_right_logical3A_914 : vector<16xi32>
      %swap3A_916 = arith.constant 1 : i32
      %swap3A_917 = arith.index_cast %swap3A_916 : i32 to index
      %swap3A_918 = arith.constant 64 : index
      %swap3A_919 = tpu.vector_load %arg6[%swap3A_917, %swap3A_918] {strides = array<i32>} : memref<2x128xi32, #tpu.memory_space<vmem>>, vector<1x16xi32>,
      %swap3A_920 = vector.shape_cast %swap3A_919 : vector<1x16xi32> to vector<16xi32>
      %swap3A_921 = vector.shape_cast %shift_right_logical3A_915 : vector<16xi32> to vector<1x16xi32>
      tpu.vector_store %arg6[%swap3A_917, %swap3A_918], %swap3A_921 {strides = array<i32>} : memref<2x128xi32, #tpu.memory_space<vmem>>, vector<1x16xi32>,
      %and3A_922 = arith.constant 16383 : i32
      %and3A_923 = vector.broadcast %and3A_922 : i32 to vector<16xi32>
      %and3A_924 = arith.andi %get3A_912, %and3A_923 : vector<16xi32>
      %swap3A_925 = arith.constant 1 : i32
      %swap3A_926 = arith.index_cast %swap3A_925 : i32 to index
      %swap3A_927 = arith.constant 64 : index
      %swap3A_928 = tpu.vector_load %arg7[%swap3A_926, %swap3A_927] {strides = array<i32>} : memref<2x128xi32, #tpu.memory_space<vmem>>, vector<1x16xi32>,
      %swap3A_929 = vector.shape_cast %swap3A_928 : vector<1x16xi32> to vector<16xi32>
      %swap3A_930 = vector.shape_cast %and3A_924 : vector<16xi32> to vector<1x16xi32>
      tpu.vector_store %arg7[%swap3A_926, %swap3A_927], %swap3A_930 {strides = array<i32>} : memref<2x128xi32, #tpu.memory_space<vmem>>, vector<1x16xi32>,
      %get3A_931 = arith.index_cast %add3A_820 : i32 to index
      %get3A_932 = arith.constant 80 : index
      %get3A_933 = tpu.vector_load %arg5[%get3A_931, %get3A_932] {strides = array<i32>} : memref<128x128xi32, #tpu.memory_space<vmem>>, vector<1x16xi32>,
      %get3A_934 = vector.shape_cast %get3A_933 : vector<1x16xi32> to vector<16xi32>
      %shift_right_logical3A_935 = arith.constant 14 : i32
      %shift_right_logical3A_936 = vector.broadcast %shift_right_logical3A_935 : i32 to vector<16xi32>
      %shift_right_logical3A_937 = arith.shrui %get3A_934, %shift_right_logical3A_936 : vector<16xi32>
      %swap3A_938 = arith.constant 1 : i32
      %swap3A_939 = arith.index_cast %swap3A_938 : i32 to index
      %swap3A_940 = arith.constant 80 : index
      %swap3A_941 = tpu.vector_load %arg6[%swap3A_939, %swap3A_940] {strides = array<i32>} : memref<2x128xi32, #tpu.memory_space<vmem>>, vector<1x16xi32>,
      %swap3A_942 = vector.shape_cast %swap3A_941 : vector<1x16xi32> to vector<16xi32>
      %swap3A_943 = vector.shape_cast %shift_right_logical3A_937 : vector<16xi32> to vector<1x16xi32>
      tpu.vector_store %arg6[%swap3A_939, %swap3A_940], %swap3A_943 {strides = array<i32>} : memref<2x128xi32, #tpu.memory_space<vmem>>, vector<1x16xi32>,
      %and3A_944 = arith.constant 16383 : i32
      %and3A_945 = vector.broadcast %and3A_944 : i32 to vector<16xi32>
      %and3A_946 = arith.andi %get3A_934, %and3A_945 : vector<16xi32>
      %swap3A_947 = arith.constant 1 : i32
      %swap3A_948 = arith.index_cast %swap3A_947 : i32 to index
      %swap3A_949 = arith.constant 80 : index
      %swap3A_950 = tpu.vector_load %arg7[%swap3A_948, %swap3A_949] {strides = array<i32>} : memref<2x128xi32, #tpu.memory_space<vmem>>, vector<1x16xi32>,
      %swap3A_951 = vector.shape_cast %swap3A_950 : vector<1x16xi32> to vector<16xi32>
      %swap3A_952 = vector.shape_cast %and3A_946 : vector<16xi32> to vector<1x16xi32>
      tpu.vector_store %arg7[%swap3A_948, %swap3A_949], %swap3A_952 {strides = array<i32>} : memref<2x128xi32, #tpu.memory_space<vmem>>, vector<1x16xi32>,
      %get3A_953 = arith.index_cast %add3A_820 : i32 to index
      %get3A_954 = arith.constant 96 : index
      %get3A_955 = tpu.vector_load %arg5[%get3A_953, %get3A_954] {strides = array<i32>} : memref<128x128xi32, #tpu.memory_space<vmem>>, vector<1x16xi32>,
      %get3A_956 = vector.shape_cast %get3A_955 : vector<1x16xi32> to vector<16xi32>
      %shift_right_logical3A_957 = arith.constant 14 : i32
      %shift_right_logical3A_958 = vector.broadcast %shift_right_logical3A_957 : i32 to vector<16xi32>
      %shift_right_logical3A_959 = arith.shrui %get3A_956, %shift_right_logical3A_958 : vector<16xi32>
      %swap3A_960 = arith.constant 1 : i32
      %swap3A_961 = arith.index_cast %swap3A_960 : i32 to index
      %swap3A_962 = arith.constant 96 : index
      %swap3A_963 = tpu.vector_load %arg6[%swap3A_961, %swap3A_962] {strides = array<i32>} : memref<2x128xi32, #tpu.memory_space<vmem>>, vector<1x16xi32>,
      %swap3A_964 = vector.shape_cast %swap3A_963 : vector<1x16xi32> to vector<16xi32>
      %swap3A_965 = vector.shape_cast %shift_right_logical3A_959 : vector<16xi32> to vector<1x16xi32>
      tpu.vector_store %arg6[%swap3A_961, %swap3A_962], %swap3A_965 {strides = array<i32>} : memref<2x128xi32, #tpu.memory_space<vmem>>, vector<1x16xi32>,
      %and3A_966 = arith.constant 16383 : i32
      %and3A_967 = vector.broadcast %and3A_966 : i32 to vector<16xi32>
      %and3A_968 = arith.andi %get3A_956, %and3A_967 : vector<16xi32>
      %swap3A_969 = arith.constant 1 : i32
      %swap3A_970 = arith.index_cast %swap3A_969 : i32 to index
      %swap3A_971 = arith.constant 96 : index
      %swap3A_972 = tpu.vector_load %arg7[%swap3A_970, %swap3A_971] {strides = array<i32>} : memref<2x128xi32, #tpu.memory_space<vmem>>, vector<1x16xi32>,
      %swap3A_973 = vector.shape_cast %swap3A_972 : vector<1x16xi32> to vector<16xi32>
      %swap3A_974 = vector.shape_cast %and3A_968 : vector<16xi32> to vector<1x16xi32>
      tpu.vector_store %arg7[%swap3A_970, %swap3A_971], %swap3A_974 {strides = array<i32>} : memref<2x128xi32, #tpu.memory_space<vmem>>, vector<1x16xi32>,
      %get3A_975 = arith.index_cast %add3A_820 : i32 to index
      %get3A_976 = arith.constant 112 : index
      %get3A_977 = tpu.vector_load %arg5[%get3A_975, %get3A_976] {strides = array<i32>} : memref<128x128xi32, #tpu.memory_space<vmem>>, vector<1x16xi32>,
      %get3A_978 = vector.shape_cast %get3A_977 : vector<1x16xi32> to vector<16xi32>
      %shift_right_logical3A_979 = arith.constant 14 : i32
      %shift_right_logical3A_980 = vector.broadcast %shift_right_logical3A_979 : i32 to vector<16xi32>
      %shift_right_logical3A_981 = arith.shrui %get3A_978, %shift_right_logical3A_980 : vector<16xi32>
      %swap3A_982 = arith.constant 1 : i32
      %swap3A_983 = arith.index_cast %swap3A_982 : i32 to index
      %swap3A_984 = arith.constant 112 : index
      %swap3A_985 = tpu.vector_load %arg6[%swap3A_983, %swap3A_984] {strides = array<i32>} : memref<2x128xi32, #tpu.memory_space<vmem>>, vector<1x16xi32>,
      %swap3A_986 = vector.shape_cast %swap3A_985 : vector<1x16xi32> to vector<16xi32>
      %swap3A_987 = vector.shape_cast %shift_right_logical3A_981 : vector<16xi32> to vector<1x16xi32>
      tpu.vector_store %arg6[%swap3A_983, %swap3A_984], %swap3A_987 {strides = array<i32>} : memref<2x128xi32, #tpu.memory_space<vmem>>, vector<1x16xi32>,
      %and3A_988 = arith.constant 16383 : i32
      %and3A_989 = vector.broadcast %and3A_988 : i32 to vector<16xi32>
      %and3A_990 = arith.andi %get3A_978, %and3A_989 : vector<16xi32>
      %swap3A_991 = arith.constant 1 : i32
      %swap3A_992 = arith.index_cast %swap3A_991 : i32 to index
      %swap3A_993 = arith.constant 112 : index
      %swap3A_994 = tpu.vector_load %arg7[%swap3A_992, %swap3A_993] {strides = array<i32>} : memref<2x128xi32, #tpu.memory_space<vmem>>, vector<1x16xi32>,
      %swap3A_995 = vector.shape_cast %swap3A_994 : vector<1x16xi32> to vector<16xi32>
      %swap3A_996 = vector.shape_cast %and3A_990 : vector<16xi32> to vector<1x16xi32>
      tpu.vector_store %arg7[%swap3A_992, %swap3A_993], %swap3A_996 {strides = array<i32>} : memref<2x128xi32, #tpu.memory_space<vmem>>, vector<1x16xi32>,
      %dma_start3A_997 = arith.constant 1 : i32
      %dma_start3A_998 = arith.constant 1 : i32
      %dma_start3A_999 = arith.constant 0 : i32
      %dma_start3A_1000 = arith.constant 0 : i32
      %dma_start3A_1001 = tpu.memref_slice %arg8[%dma_start3A_998, %dma_start3A_999, %dma_start3A_1000] : memref<2x128x128xf32, #tpu.memory_space<vmem>> -> memref<1x128x128xf32, #tpu.memory_space<vmem>>
      %dma_start3A_1002 = tpu.memref_squeeze %dma_start3A_1001 : memref<1x128x128xf32, #tpu.memory_space<vmem>> -> memref<128x128xf32, #tpu.memory_space<vmem>>
      %dma_start3A_1003 = arith.constant 0 : i32
      %dma_start3A_1004 = tpu.memref_slice %arg6[%dma_start3A_997, %dma_start3A_1003] : memref<2x128xi32, #tpu.memory_space<vmem>> -> memref<1x128xi32, #tpu.memory_space<vmem>>
      %dma_start3A_1005 = tpu.memref_squeeze %dma_start3A_1004 : memref<1x128xi32, #tpu.memory_space<vmem>> -> memref<128xi32, #tpu.memory_space<vmem>>
      %dma_start3A_1006 = arith.constant 0 : i32
      %dma_start3A_1007 = arith.constant 0 : i32
      %dma_start3A_1008 = tpu.memref_slice %arg2[%dma_start3A_1006, %dma_start3A_1007] : memref<10016x128xf32, #tpu.memory_space<hbm>> -> memref<10016x128xf32, #tpu.memory_space<hbm>>
      tpu.enqueue_indirect_dma source(%dma_start3A_1008 : memref<10016x128xf32, #tpu.memory_space<hbm>>) target(%dma_start3A_1002 : memref<128x128xf32, #tpu.memory_space<vmem>>) offsets(%dma_start3A_1005 : memref<128xi32, #tpu.memory_space<vmem>>) semaphore(%arg11 : memref<!tpu.dma_semaphore, #tpu.memory_space<semaphore_mem>>)
      %while3A_1009 = arith.constant 0 : i32
      scf.yield %while3A_1009 : i32
    }
    %while3A_559 = arith.constant 1 : i32
    %while3A_560 = scf.for %while3A_591 = %while3A_556 to %while3A_552 step %while3A_559 iter_args(%while3A_592 = %while3A_558) -> (i32)  : i32 {
      %mul3A_593 = arith.constant 2 : i32
      %mul3A_594 = arith.muli %while3A_591, %mul3A_593 : i32
      %add3A_595 = arith.constant 0 : i32
      %add3A_596 = arith.addi %mul3A_594, %add3A_595 : i32
      %dma_wait3A_597 = arith.constant 0 : i32
      %dma_wait3A_598 = arith.constant 0 : i32
      %dma_wait3A_599 = arith.constant 0 : i32
      %dma_wait3A_600 = arith.constant 0 : i32
      %dma_wait3A_601 = tpu.memref_slice %arg8[%dma_wait3A_598, %dma_wait3A_599, %dma_wait3A_600] : memref<2x128x128xf32, #tpu.memory_space<vmem>> -> memref<1x128x128xf32, #tpu.memory_space<vmem>>
      %dma_wait3A_602 = tpu.memref_squeeze %dma_wait3A_601 : memref<1x128x128xf32, #tpu.memory_space<vmem>> -> memref<128x128xf32, #tpu.memory_space<vmem>>
      %dma_wait3A_603 = arith.constant 0 : i32
      %dma_wait3A_604 = tpu.memref_slice %arg6[%dma_wait3A_597, %dma_wait3A_603] : memref<2x128xi32, #tpu.memory_space<vmem>> -> memref<1x128xi32, #tpu.memory_space<vmem>>
      %dma_wait3A_605 = tpu.memref_squeeze %dma_wait3A_604 : memref<1x128xi32, #tpu.memory_space<vmem>> -> memref<128xi32, #tpu.memory_space<vmem>>
      %dma_wait3A_606 = arith.constant 0 : i32
      %dma_wait3A_607 = arith.constant 0 : i32
      %dma_wait3A_608 = tpu.memref_slice %arg2[%dma_wait3A_606, %dma_wait3A_607] : memref<10016x128xf32, #tpu.memory_space<hbm>> -> memref<10016x128xf32, #tpu.memory_space<hbm>>
      tpu.wait_indirect_dma semaphore(%arg10 : memref<!tpu.dma_semaphore, #tpu.memory_space<semaphore_mem>>) src(%dma_wait3A_608 : memref<10016x128xf32, #tpu.memory_space<hbm>>) dst(%dma_wait3A_602 : memref<128x128xf32, #tpu.memory_space<vmem>>)
      %run_scoped3A_609 = arith.constant 0 : i32
      %run_scoped3A_610 = arith.constant 0 : i32
      "tpu.region"() ({
        %run_scoped3A_1010 = tpu.sem_alloc : memref<!tpu.dma_semaphore, #tpu.memory_space<semaphore_mem>>
        %dma_start3A_1011 = arith.constant 0 : i32
        %dma_start3A_1012 = arith.constant 0 : i32
        %dma_start3A_1013 = tpu.memref_slice %arg8[%run_scoped3A_609, %dma_start3A_1011, %dma_start3A_1012] : memref<2x128x128xf32, #tpu.memory_space<vmem>> -> memref<1x128x128xf32, #tpu.memory_space<vmem>>
        %dma_start3A_1014 = tpu.memref_squeeze %dma_start3A_1013 : memref<1x128x128xf32, #tpu.memory_space<vmem>> -> memref<128x128xf32, #tpu.memory_space<vmem>>
        %dma_start3A_1015 = arith.constant 0 : i32
        %dma_start3A_1016 = tpu.memref_slice %arg7[%run_scoped3A_610, %dma_start3A_1015] : memref<2x128xi32, #tpu.memory_space<vmem>> -> memref<1x128xi32, #tpu.memory_space<vmem>>
        %dma_start3A_1017 = tpu.memref_squeeze %dma_start3A_1016 : memref<1x128xi32, #tpu.memory_space<vmem>> -> memref<128xi32, #tpu.memory_space<vmem>>
        %dma_start3A_1018 = arith.constant 0 : i32
        %dma_start3A_1019 = arith.constant 0 : i32
        %dma_start3A_1020 = tpu.memref_slice %arg9[%dma_start3A_1018, %dma_start3A_1019] : memref<10112x128xf32, #tpu.memory_space<vmem_shared>> -> memref<10112x128xf32, #tpu.memory_space<vmem_shared>>
        tpu.enqueue_indirect_dma source(%dma_start3A_1014 : memref<128x128xf32, #tpu.memory_space<vmem>>) target(%dma_start3A_1020 : memref<10112x128xf32, #tpu.memory_space<vmem_shared>>) offsets(%dma_start3A_1017 : memref<128xi32, #tpu.memory_space<vmem>>) semaphore(%run_scoped3A_1010 : memref<!tpu.dma_semaphore, #tpu.memory_space<semaphore_mem>>) {add = true}
        %dma_wait3A_1021 = arith.constant 0 : i32
        %dma_wait3A_1022 = arith.constant 0 : i32
        %dma_wait3A_1023 = tpu.memref_slice %arg8[%run_scoped3A_609, %dma_wait3A_1021, %dma_wait3A_1022] : memref<2x128x128xf32, #tpu.memory_space<vmem>> -> memref<1x128x128xf32, #tpu.memory_space<vmem>>
        %dma_wait3A_1024 = tpu.memref_squeeze %dma_wait3A_1023 : memref<1x128x128xf32, #tpu.memory_space<vmem>> -> memref<128x128xf32, #tpu.memory_space<vmem>>
        %dma_wait3A_1025 = arith.constant 0 : i32
        %dma_wait3A_1026 = tpu.memref_slice %arg7[%run_scoped3A_610, %dma_wait3A_1025] : memref<2x128xi32, #tpu.memory_space<vmem>> -> memref<1x128xi32, #tpu.memory_space<vmem>>
        %dma_wait3A_1027 = tpu.memref_squeeze %dma_wait3A_1026 : memref<1x128xi32, #tpu.memory_space<vmem>> -> memref<128xi32, #tpu.memory_space<vmem>>
        %dma_wait3A_1028 = arith.constant 0 : i32
        %dma_wait3A_1029 = arith.constant 0 : i32
        %dma_wait3A_1030 = tpu.memref_slice %arg9[%dma_wait3A_1028, %dma_wait3A_1029] : memref<10112x128xf32, #tpu.memory_space<vmem_shared>> -> memref<10112x128xf32, #tpu.memory_space<vmem_shared>>
        tpu.wait_indirect_dma semaphore(%run_scoped3A_1010 : memref<!tpu.dma_semaphore, #tpu.memory_space<semaphore_mem>>) src(%dma_wait3A_1024 : memref<128x128xf32, #tpu.memory_space<vmem>>) dst(%dma_wait3A_1030 : memref<10112x128xf32, #tpu.memory_space<vmem_shared>>)
        tpu.yield
      }) : () -> ()
      %add3A_611 = arith.constant 2 : i32
      %add3A_612 = arith.addi %add3A_596, %add3A_611 : i32
      %get3A_613 = arith.index_cast %add3A_612 : i32 to index
      %get3A_614 = arith.constant 0 : index
      %get3A_615 = tpu.vector_load %arg5[%get3A_613, %get3A_614] {strides = array<i32>} : memref<128x128xi32, #tpu.memory_space<vmem>>, vector<1x16xi32>,
      %get3A_616 = vector.shape_cast %get3A_615 : vector<1x16xi32> to vector<16xi32>
      %shift_right_logical3A_617 = arith.constant 14 : i32
      %shift_right_logical3A_618 = vector.broadcast %shift_right_logical3A_617 : i32 to vector<16xi32>
      %shift_right_logical3A_619 = arith.shrui %get3A_616, %shift_right_logical3A_618 : vector<16xi32>
      %swap3A_620 = arith.constant 0 : i32
      %swap3A_621 = arith.index_cast %swap3A_620 : i32 to index
      %swap3A_622 = arith.constant 0 : index
      %swap3A_623 = tpu.vector_load %arg6[%swap3A_621, %swap3A_622] {strides = array<i32>} : memref<2x128xi32, #tpu.memory_space<vmem>>, vector<1x16xi32>,
      %swap3A_624 = vector.shape_cast %swap3A_623 : vector<1x16xi32> to vector<16xi32>
      %swap3A_625 = vector.shape_cast %shift_right_logical3A_619 : vector<16xi32> to vector<1x16xi32>
      tpu.vector_store %arg6[%swap3A_621, %swap3A_622], %swap3A_625 {strides = array<i32>} : memref<2x128xi32, #tpu.memory_space<vmem>>, vector<1x16xi32>,
      %and3A_626 = arith.constant 16383 : i32
      %and3A_627 = vector.broadcast %and3A_626 : i32 to vector<16xi32>
      %and3A_628 = arith.andi %get3A_616, %and3A_627 : vector<16xi32>
      %swap3A_629 = arith.constant 0 : i32
      %swap3A_630 = arith.index_cast %swap3A_629 : i32 to index
      %swap3A_631 = arith.constant 0 : index
      %swap3A_632 = tpu.vector_load %arg7[%swap3A_630, %swap3A_631] {strides = array<i32>} : memref<2x128xi32, #tpu.memory_space<vmem>>, vector<1x16xi32>,
      %swap3A_633 = vector.shape_cast %swap3A_632 : vector<1x16xi32> to vector<16xi32>
      %swap3A_634 = vector.shape_cast %and3A_628 : vector<16xi32> to vector<1x16xi32>
      tpu.vector_store %arg7[%swap3A_630, %swap3A_631], %swap3A_634 {strides = array<i32>} : memref<2x128xi32, #tpu.memory_space<vmem>>, vector<1x16xi32>,
      %get3A_635 = arith.index_cast %add3A_612 : i32 to index
      %get3A_636 = arith.constant 16 : index
      %get3A_637 = tpu.vector_load %arg5[%get3A_635, %get3A_636] {strides = array<i32>} : memref<128x128xi32, #tpu.memory_space<vmem>>, vector<1x16xi32>,
      %get3A_638 = vector.shape_cast %get3A_637 : vector<1x16xi32> to vector<16xi32>
      %shift_right_logical3A_639 = arith.constant 14 : i32
      %shift_right_logical3A_640 = vector.broadcast %shift_right_logical3A_639 : i32 to vector<16xi32>
      %shift_right_logical3A_641 = arith.shrui %get3A_638, %shift_right_logical3A_640 : vector<16xi32>
      %swap3A_642 = arith.constant 0 : i32
      %swap3A_643 = arith.index_cast %swap3A_642 : i32 to index
      %swap3A_644 = arith.constant 16 : index
      %swap3A_645 = tpu.vector_load %arg6[%swap3A_643, %swap3A_644] {strides = array<i32>} : memref<2x128xi32, #tpu.memory_space<vmem>>, vector<1x16xi32>,
      %swap3A_646 = vector.shape_cast %swap3A_645 : vector<1x16xi32> to vector<16xi32>
      %swap3A_647 = vector.shape_cast %shift_right_logical3A_641 : vector<16xi32> to vector<1x16xi32>
      tpu.vector_store %arg6[%swap3A_643, %swap3A_644], %swap3A_647 {strides = array<i32>} : memref<2x128xi32, #tpu.memory_space<vmem>>, vector<1x16xi32>,
      %and3A_648 = arith.constant 16383 : i32
      %and3A_649 = vector.broadcast %and3A_648 : i32 to vector<16xi32>
      %and3A_650 = arith.andi %get3A_638, %and3A_649 : vector<16xi32>
      %swap3A_651 = arith.constant 0 : i32
      %swap3A_652 = arith.index_cast %swap3A_651 : i32 to index
      %swap3A_653 = arith.constant 16 : index
      %swap3A_654 = tpu.vector_load %arg7[%swap3A_652, %swap3A_653] {strides = array<i32>} : memref<2x128xi32, #tpu.memory_space<vmem>>, vector<1x16xi32>,
      %swap3A_655 = vector.shape_cast %swap3A_654 : vector<1x16xi32> to vector<16xi32>
      %swap3A_656 = vector.shape_cast %and3A_650 : vector<16xi32> to vector<1x16xi32>
      tpu.vector_store %arg7[%swap3A_652, %swap3A_653], %swap3A_656 {strides = array<i32>} : memref<2x128xi32, #tpu.memory_space<vmem>>, vector<1x16xi32>,
      %get3A_657 = arith.index_cast %add3A_612 : i32 to index
      %get3A_658 = arith.constant 32 : index
      %get3A_659 = tpu.vector_load %arg5[%get3A_657, %get3A_658] {strides = array<i32>} : memref<128x128xi32, #tpu.memory_space<vmem>>, vector<1x16xi32>,
      %get3A_660 = vector.shape_cast %get3A_659 : vector<1x16xi32> to vector<16xi32>
      %shift_right_logical3A_661 = arith.constant 14 : i32
      %shift_right_logical3A_662 = vector.broadcast %shift_right_logical3A_661 : i32 to vector<16xi32>
      %shift_right_logical3A_663 = arith.shrui %get3A_660, %shift_right_logical3A_662 : vector<16xi32>
      %swap3A_664 = arith.constant 0 : i32
      %swap3A_665 = arith.index_cast %swap3A_664 : i32 to index
      %swap3A_666 = arith.constant 32 : index
      %swap3A_667 = tpu.vector_load %arg6[%swap3A_665, %swap3A_666] {strides = array<i32>} : memref<2x128xi32, #tpu.memory_space<vmem>>, vector<1x16xi32>,
      %swap3A_668 = vector.shape_cast %swap3A_667 : vector<1x16xi32> to vector<16xi32>
      %swap3A_669 = vector.shape_cast %shift_right_logical3A_663 : vector<16xi32> to vector<1x16xi32>
      tpu.vector_store %arg6[%swap3A_665, %swap3A_666], %swap3A_669 {strides = array<i32>} : memref<2x128xi32, #tpu.memory_space<vmem>>, vector<1x16xi32>,
      %and3A_670 = arith.constant 16383 : i32
      %and3A_671 = vector.broadcast %and3A_670 : i32 to vector<16xi32>
      %and3A_672 = arith.andi %get3A_660, %and3A_671 : vector<16xi32>
      %swap3A_673 = arith.constant 0 : i32
      %swap3A_674 = arith.index_cast %swap3A_673 : i32 to index
      %swap3A_675 = arith.constant 32 : index
      %swap3A_676 = tpu.vector_load %arg7[%swap3A_674, %swap3A_675] {strides = array<i32>} : memref<2x128xi32, #tpu.memory_space<vmem>>, vector<1x16xi32>,
      %swap3A_677 = vector.shape_cast %swap3A_676 : vector<1x16xi32> to vector<16xi32>
      %swap3A_678 = vector.shape_cast %and3A_672 : vector<16xi32> to vector<1x16xi32>
      tpu.vector_store %arg7[%swap3A_674, %swap3A_675], %swap3A_678 {strides = array<i32>} : memref<2x128xi32, #tpu.memory_space<vmem>>, vector<1x16xi32>,
      %get3A_679 = arith.index_cast %add3A_612 : i32 to index
      %get3A_680 = arith.constant 48 : index
      %get3A_681 = tpu.vector_load %arg5[%get3A_679, %get3A_680] {strides = array<i32>} : memref<128x128xi32, #tpu.memory_space<vmem>>, vector<1x16xi32>,
      %get3A_682 = vector.shape_cast %get3A_681 : vector<1x16xi32> to vector<16xi32>
      %shift_right_logical3A_683 = arith.constant 14 : i32
      %shift_right_logical3A_684 = vector.broadcast %shift_right_logical3A_683 : i32 to vector<16xi32>
      %shift_right_logical3A_685 = arith.shrui %get3A_682, %shift_right_logical3A_684 : vector<16xi32>
      %swap3A_686 = arith.constant 0 : i32
      %swap3A_687 = arith.index_cast %swap3A_686 : i32 to index
      %swap3A_688 = arith.constant 48 : index
      %swap3A_689 = tpu.vector_load %arg6[%swap3A_687, %swap3A_688] {strides = array<i32>} : memref<2x128xi32, #tpu.memory_space<vmem>>, vector<1x16xi32>,
      %swap3A_690 = vector.shape_cast %swap3A_689 : vector<1x16xi32> to vector<16xi32>
      %swap3A_691 = vector.shape_cast %shift_right_logical3A_685 : vector<16xi32> to vector<1x16xi32>
      tpu.vector_store %arg6[%swap3A_687, %swap3A_688], %swap3A_691 {strides = array<i32>} : memref<2x128xi32, #tpu.memory_space<vmem>>, vector<1x16xi32>,
      %and3A_692 = arith.constant 16383 : i32
      %and3A_693 = vector.broadcast %and3A_692 : i32 to vector<16xi32>
      %and3A_694 = arith.andi %get3A_682, %and3A_693 : vector<16xi32>
      %swap3A_695 = arith.constant 0 : i32
      %swap3A_696 = arith.index_cast %swap3A_695 : i32 to index
      %swap3A_697 = arith.constant 48 : index
      %swap3A_698 = tpu.vector_load %arg7[%swap3A_696, %swap3A_697] {strides = array<i32>} : memref<2x128xi32, #tpu.memory_space<vmem>>, vector<1x16xi32>,
      %swap3A_699 = vector.shape_cast %swap3A_698 : vector<1x16xi32> to vector<16xi32>
      %swap3A_700 = vector.shape_cast %and3A_694 : vector<16xi32> to vector<1x16xi32>
      tpu.vector_store %arg7[%swap3A_696, %swap3A_697], %swap3A_700 {strides = array<i32>} : memref<2x128xi32, #tpu.memory_space<vmem>>, vector<1x16xi32>,
      %get3A_701 = arith.index_cast %add3A_612 : i32 to index
      %get3A_702 = arith.constant 64 : index
      %get3A_703 = tpu.vector_load %arg5[%get3A_701, %get3A_702] {strides = array<i32>} : memref<128x128xi32, #tpu.memory_space<vmem>>, vector<1x16xi32>,
      %get3A_704 = vector.shape_cast %get3A_703 : vector<1x16xi32> to vector<16xi32>
      %shift_right_logical3A_705 = arith.constant 14 : i32
      %shift_right_logical3A_706 = vector.broadcast %shift_right_logical3A_705 : i32 to vector<16xi32>
      %shift_right_logical3A_707 = arith.shrui %get3A_704, %shift_right_logical3A_706 : vector<16xi32>
      %swap3A_708 = arith.constant 0 : i32
      %swap3A_709 = arith.index_cast %swap3A_708 : i32 to index
      %swap3A_710 = arith.constant 64 : index
      %swap3A_711 = tpu.vector_load %arg6[%swap3A_709, %swap3A_710] {strides = array<i32>} : memref<2x128xi32, #tpu.memory_space<vmem>>, vector<1x16xi32>,
      %swap3A_712 = vector.shape_cast %swap3A_711 : vector<1x16xi32> to vector<16xi32>
      %swap3A_713 = vector.shape_cast %shift_right_logical3A_707 : vector<16xi32> to vector<1x16xi32>
      tpu.vector_store %arg6[%swap3A_709, %swap3A_710], %swap3A_713 {strides = array<i32>} : memref<2x128xi32, #tpu.memory_space<vmem>>, vector<1x16xi32>,
      %and3A_714 = arith.constant 16383 : i32
      %and3A_715 = vector.broadcast %and3A_714 : i32 to vector<16xi32>
      %and3A_716 = arith.andi %get3A_704, %and3A_715 : vector<16xi32>
      %swap3A_717 = arith.constant 0 : i32
      %swap3A_718 = arith.index_cast %swap3A_717 : i32 to index
      %swap3A_719 = arith.constant 64 : index
      %swap3A_720 = tpu.vector_load %arg7[%swap3A_718, %swap3A_719] {strides = array<i32>} : memref<2x128xi32, #tpu.memory_space<vmem>>, vector<1x16xi32>,
      %swap3A_721 = vector.shape_cast %swap3A_720 : vector<1x16xi32> to vector<16xi32>
      %swap3A_722 = vector.shape_cast %and3A_716 : vector<16xi32> to vector<1x16xi32>
      tpu.vector_store %arg7[%swap3A_718, %swap3A_719], %swap3A_722 {strides = array<i32>} : memref<2x128xi32, #tpu.memory_space<vmem>>, vector<1x16xi32>,
      %get3A_723 = arith.index_cast %add3A_612 : i32 to index
      %get3A_724 = arith.constant 80 : index
      %get3A_725 = tpu.vector_load %arg5[%get3A_723, %get3A_724] {strides = array<i32>} : memref<128x128xi32, #tpu.memory_space<vmem>>, vector<1x16xi32>,
      %get3A_726 = vector.shape_cast %get3A_725 : vector<1x16xi32> to vector<16xi32>
      %shift_right_logical3A_727 = arith.constant 14 : i32
      %shift_right_logical3A_728 = vector.broadcast %shift_right_logical3A_727 : i32 to vector<16xi32>
      %shift_right_logical3A_729 = arith.shrui %get3A_726, %shift_right_logical3A_728 : vector<16xi32>
      %swap3A_730 = arith.constant 0 : i32
      %swap3A_731 = arith.index_cast %swap3A_730 : i32 to index
      %swap3A_732 = arith.constant 80 : index
      %swap3A_733 = tpu.vector_load %arg6[%swap3A_731, %swap3A_732] {strides = array<i32>} : memref<2x128xi32, #tpu.memory_space<vmem>>, vector<1x16xi32>,
      %swap3A_734 = vector.shape_cast %swap3A_733 : vector<1x16xi32> to vector<16xi32>
      %swap3A_735 = vector.shape_cast %shift_right_logical3A_729 : vector<16xi32> to vector<1x16xi32>
      tpu.vector_store %arg6[%swap3A_731, %swap3A_732], %swap3A_735 {strides = array<i32>} : memref<2x128xi32, #tpu.memory_space<vmem>>, vector<1x16xi32>,
      %and3A_736 = arith.constant 16383 : i32
      %and3A_737 = vector.broadcast %and3A_736 : i32 to vector<16xi32>
      %and3A_738 = arith.andi %get3A_726, %and3A_737 : vector<16xi32>
      %swap3A_739 = arith.constant 0 : i32
      %swap3A_740 = arith.index_cast %swap3A_739 : i32 to index
      %swap3A_741 = arith.constant 80 : index
      %swap3A_742 = tpu.vector_load %arg7[%swap3A_740, %swap3A_741] {strides = array<i32>} : memref<2x128xi32, #tpu.memory_space<vmem>>, vector<1x16xi32>,
      %swap3A_743 = vector.shape_cast %swap3A_742 : vector<1x16xi32> to vector<16xi32>
      %swap3A_744 = vector.shape_cast %and3A_738 : vector<16xi32> to vector<1x16xi32>
      tpu.vector_store %arg7[%swap3A_740, %swap3A_741], %swap3A_744 {strides = array<i32>} : memref<2x128xi32, #tpu.memory_space<vmem>>, vector<1x16xi32>,
      %get3A_745 = arith.index_cast %add3A_612 : i32 to index
      %get3A_746 = arith.constant 96 : index
      %get3A_747 = tpu.vector_load %arg5[%get3A_745, %get3A_746] {strides = array<i32>} : memref<128x128xi32, #tpu.memory_space<vmem>>, vector<1x16xi32>,
      %get3A_748 = vector.shape_cast %get3A_747 : vector<1x16xi32> to vector<16xi32>
      %shift_right_logical3A_749 = arith.constant 14 : i32
      %shift_right_logical3A_750 = vector.broadcast %shift_right_logical3A_749 : i32 to vector<16xi32>
      %shift_right_logical3A_751 = arith.shrui %get3A_748, %shift_right_logical3A_750 : vector<16xi32>
      %swap3A_752 = arith.constant 0 : i32
      %swap3A_753 = arith.index_cast %swap3A_752 : i32 to index
      %swap3A_754 = arith.constant 96 : index
      %swap3A_755 = tpu.vector_load %arg6[%swap3A_753, %swap3A_754] {strides = array<i32>} : memref<2x128xi32, #tpu.memory_space<vmem>>, vector<1x16xi32>,
      %swap3A_756 = vector.shape_cast %swap3A_755 : vector<1x16xi32> to vector<16xi32>
      %swap3A_757 = vector.shape_cast %shift_right_logical3A_751 : vector<16xi32> to vector<1x16xi32>
      tpu.vector_store %arg6[%swap3A_753, %swap3A_754], %swap3A_757 {strides = array<i32>} : memref<2x128xi32, #tpu.memory_space<vmem>>, vector<1x16xi32>,
      %and3A_758 = arith.constant 16383 : i32
      %and3A_759 = vector.broadcast %and3A_758 : i32 to vector<16xi32>
      %and3A_760 = arith.andi %get3A_748, %and3A_759 : vector<16xi32>
      %swap3A_761 = arith.constant 0 : i32
      %swap3A_762 = arith.index_cast %swap3A_761 : i32 to index
      %swap3A_763 = arith.constant 96 : index
      %swap3A_764 = tpu.vector_load %arg7[%swap3A_762, %swap3A_763] {strides = array<i32>} : memref<2x128xi32, #tpu.memory_space<vmem>>, vector<1x16xi32>,
      %swap3A_765 = vector.shape_cast %swap3A_764 : vector<1x16xi32> to vector<16xi32>
      %swap3A_766 = vector.shape_cast %and3A_760 : vector<16xi32> to vector<1x16xi32>
      tpu.vector_store %arg7[%swap3A_762, %swap3A_763], %swap3A_766 {strides = array<i32>} : memref<2x128xi32, #tpu.memory_space<vmem>>, vector<1x16xi32>,
      %get3A_767 = arith.index_cast %add3A_612 : i32 to index
      %get3A_768 = arith.constant 112 : index
      %get3A_769 = tpu.vector_load %arg5[%get3A_767, %get3A_768] {strides = array<i32>} : memref<128x128xi32, #tpu.memory_space<vmem>>, vector<1x16xi32>,
      %get3A_770 = vector.shape_cast %get3A_769 : vector<1x16xi32> to vector<16xi32>
      %shift_right_logical3A_771 = arith.constant 14 : i32
      %shift_right_logical3A_772 = vector.broadcast %shift_right_logical3A_771 : i32 to vector<16xi32>
      %shift_right_logical3A_773 = arith.shrui %get3A_770, %shift_right_logical3A_772 : vector<16xi32>
      %swap3A_774 = arith.constant 0 : i32
      %swap3A_775 = arith.index_cast %swap3A_774 : i32 to index
      %swap3A_776 = arith.constant 112 : index
      %swap3A_777 = tpu.vector_load %arg6[%swap3A_775, %swap3A_776] {strides = array<i32>} : memref<2x128xi32, #tpu.memory_space<vmem>>, vector<1x16xi32>,
      %swap3A_778 = vector.shape_cast %swap3A_777 : vector<1x16xi32> to vector<16xi32>
      %swap3A_779 = vector.shape_cast %shift_right_logical3A_773 : vector<16xi32> to vector<1x16xi32>
      tpu.vector_store %arg6[%swap3A_775, %swap3A_776], %swap3A_779 {strides = array<i32>} : memref<2x128xi32, #tpu.memory_space<vmem>>, vector<1x16xi32>,
      %and3A_780 = arith.constant 16383 : i32
      %and3A_781 = vector.broadcast %and3A_780 : i32 to vector<16xi32>
      %and3A_782 = arith.andi %get3A_770, %and3A_781 : vector<16xi32>
      %swap3A_783 = arith.constant 0 : i32
      %swap3A_784 = arith.index_cast %swap3A_783 : i32 to index
      %swap3A_785 = arith.constant 112 : index
      %swap3A_786 = tpu.vector_load %arg7[%swap3A_784, %swap3A_785] {strides = array<i32>} : memref<2x128xi32, #tpu.memory_space<vmem>>, vector<1x16xi32>,
      %swap3A_787 = vector.shape_cast %swap3A_786 : vector<1x16xi32> to vector<16xi32>
      %swap3A_788 = vector.shape_cast %and3A_782 : vector<16xi32> to vector<1x16xi32>
      tpu.vector_store %arg7[%swap3A_784, %swap3A_785], %swap3A_788 {strides = array<i32>} : memref<2x128xi32, #tpu.memory_space<vmem>>, vector<1x16xi32>,
      %dma_start3A_789 = arith.constant 0 : i32
      %dma_start3A_790 = arith.constant 0 : i32
      %dma_start3A_791 = arith.constant 0 : i32
      %dma_start3A_792 = arith.constant 0 : i32
      %dma_start3A_793 = tpu.memref_slice %arg8[%dma_start3A_790, %dma_start3A_791, %dma_start3A_792] : memref<2x128x128xf32, #tpu.memory_space<vmem>> -> memref<1x128x128xf32, #tpu.memory_space<vmem>>
      %dma_start3A_794 = tpu.memref_squeeze %dma_start3A_793 : memref<1x128x128xf32, #tpu.memory_space<vmem>> -> memref<128x128xf32, #tpu.memory_space<vmem>>
      %dma_start3A_795 = arith.constant 0 : i32
      %dma_start3A_796 = tpu.memref_slice %arg6[%dma_start3A_789, %dma_start3A_795] : memref<2x128xi32, #tpu.memory_space<vmem>> -> memref<1x128xi32, #tpu.memory_space<vmem>>
      %dma_start3A_797 = tpu.memref_squeeze %dma_start3A_796 : memref<1x128xi32, #tpu.memory_space<vmem>> -> memref<128xi32, #tpu.memory_space<vmem>>
      %dma_start3A_798 = arith.constant 0 : i32
      %dma_start3A_799 = arith.constant 0 : i32
      %dma_start3A_800 = tpu.memref_slice %arg2[%dma_start3A_798, %dma_start3A_799] : memref<10016x128xf32, #tpu.memory_space<hbm>> -> memref<10016x128xf32, #tpu.memory_space<hbm>>
      tpu.enqueue_indirect_dma source(%dma_start3A_800 : memref<10016x128xf32, #tpu.memory_space<hbm>>) target(%dma_start3A_794 : memref<128x128xf32, #tpu.memory_space<vmem>>) offsets(%dma_start3A_797 : memref<128xi32, #tpu.memory_space<vmem>>) semaphore(%arg10 : memref<!tpu.dma_semaphore, #tpu.memory_space<semaphore_mem>>)
      %mul3A_801 = arith.constant 2 : i32
      %mul3A_802 = arith.muli %while3A_591, %mul3A_801 : i32
      %add3A_803 = arith.constant 1 : i32
      %add3A_804 = arith.addi %mul3A_802, %add3A_803 : i32
      %dma_wait3A_805 = arith.constant 1 : i32
      %dma_wait3A_806 = arith.constant 1 : i32
      %dma_wait3A_807 = arith.constant 0 : i32
      %dma_wait3A_808 = arith.constant 0 : i32
      %dma_wait3A_809 = tpu.memref_slice %arg8[%dma_wait3A_806, %dma_wait3A_807, %dma_wait3A_808] : memref<2x128x128xf32, #tpu.memory_space<vmem>> -> memref<1x128x128xf32, #tpu.memory_space<vmem>>
      %dma_wait3A_810 = tpu.memref_squeeze %dma_wait3A_809 : memref<1x128x128xf32, #tpu.memory_space<vmem>> -> memref<128x128xf32, #tpu.memory_space<vmem>>
      %dma_wait3A_811 = arith.constant 0 : i32
      %dma_wait3A_812 = tpu.memref_slice %arg6[%dma_wait3A_805, %dma_wait3A_811] : memref<2x128xi32, #tpu.memory_space<vmem>> -> memref<1x128xi32, #tpu.memory_space<vmem>>
      %dma_wait3A_813 = tpu.memref_squeeze %dma_wait3A_812 : memref<1x128xi32, #tpu.memory_space<vmem>> -> memref<128xi32, #tpu.memory_space<vmem>>
      %dma_wait3A_814 = arith.constant 0 : i32
      %dma_wait3A_815 = arith.constant 0 : i32
      %dma_wait3A_816 = tpu.memref_slice %arg2[%dma_wait3A_814, %dma_wait3A_815] : memref<10016x128xf32, #tpu.memory_space<hbm>> -> memref<10016x128xf32, #tpu.memory_space<hbm>>
      tpu.wait_indirect_dma semaphore(%arg11 : memref<!tpu.dma_semaphore, #tpu.memory_space<semaphore_mem>>) src(%dma_wait3A_816 : memref<10016x128xf32, #tpu.memory_space<hbm>>) dst(%dma_wait3A_810 : memref<128x128xf32, #tpu.memory_space<vmem>>)
      %run_scoped3A_817 = arith.constant 1 : i32
      %run_scoped3A_818 = arith.constant 1 : i32
      "tpu.region"() ({
        %run_scoped3A_1010 = tpu.sem_alloc : memref<!tpu.dma_semaphore, #tpu.memory_space<semaphore_mem>>
        %dma_start3A_1011 = arith.constant 0 : i32
        %dma_start3A_1012 = arith.constant 0 : i32
        %dma_start3A_1013 = tpu.memref_slice %arg8[%run_scoped3A_817, %dma_start3A_1011, %dma_start3A_1012] : memref<2x128x128xf32, #tpu.memory_space<vmem>> -> memref<1x128x128xf32, #tpu.memory_space<vmem>>
        %dma_start3A_1014 = tpu.memref_squeeze %dma_start3A_1013 : memref<1x128x128xf32, #tpu.memory_space<vmem>> -> memref<128x128xf32, #tpu.memory_space<vmem>>
        %dma_start3A_1015 = arith.constant 0 : i32
        %dma_start3A_1016 = tpu.memref_slice %arg7[%run_scoped3A_818, %dma_start3A_1015] : memref<2x128xi32, #tpu.memory_space<vmem>> -> memref<1x128xi32, #tpu.memory_space<vmem>>
        %dma_start3A_1017 = tpu.memref_squeeze %dma_start3A_1016 : memref<1x128xi32, #tpu.memory_space<vmem>> -> memref<128xi32, #tpu.memory_space<vmem>>
        %dma_start3A_1018 = arith.constant 0 : i32
        %dma_start3A_1019 = arith.constant 0 : i32
        %dma_start3A_1020 = tpu.memref_slice %arg9[%dma_start3A_1018, %dma_start3A_1019] : memref<10112x128xf32, #tpu.memory_space<vmem_shared>> -> memref<10112x128xf32, #tpu.memory_space<vmem_shared>>
        tpu.enqueue_indirect_dma source(%dma_start3A_1014 : memref<128x128xf32, #tpu.memory_space<vmem>>) target(%dma_start3A_1020 : memref<10112x128xf32, #tpu.memory_space<vmem_shared>>) offsets(%dma_start3A_1017 : memref<128xi32, #tpu.memory_space<vmem>>) semaphore(%run_scoped3A_1010 : memref<!tpu.dma_semaphore, #tpu.memory_space<semaphore_mem>>) {add = true}
        %dma_wait3A_1021 = arith.constant 0 : i32
        %dma_wait3A_1022 = arith.constant 0 : i32
        %dma_wait3A_1023 = tpu.memref_slice %arg8[%run_scoped3A_817, %dma_wait3A_1021, %dma_wait3A_1022] : memref<2x128x128xf32, #tpu.memory_space<vmem>> -> memref<1x128x128xf32, #tpu.memory_space<vmem>>
        %dma_wait3A_1024 = tpu.memref_squeeze %dma_wait3A_1023 : memref<1x128x128xf32, #tpu.memory_space<vmem>> -> memref<128x128xf32, #tpu.memory_space<vmem>>
        %dma_wait3A_1025 = arith.constant 0 : i32
        %dma_wait3A_1026 = tpu.memref_slice %arg7[%run_scoped3A_818, %dma_wait3A_1025] : memref<2x128xi32, #tpu.memory_space<vmem>> -> memref<1x128xi32, #tpu.memory_space<vmem>>
        %dma_wait3A_1027 = tpu.memref_squeeze %dma_wait3A_1026 : memref<1x128xi32, #tpu.memory_space<vmem>> -> memref<128xi32, #tpu.memory_space<vmem>>
        %dma_wait3A_1028 = arith.constant 0 : i32
        %dma_wait3A_1029 = arith.constant 0 : i32
        %dma_wait3A_1030 = tpu.memref_slice %arg9[%dma_wait3A_1028, %dma_wait3A_1029] : memref<10112x128xf32, #tpu.memory_space<vmem_shared>> -> memref<10112x128xf32, #tpu.memory_space<vmem_shared>>
        tpu.wait_indirect_dma semaphore(%run_scoped3A_1010 : memref<!tpu.dma_semaphore, #tpu.memory_space<semaphore_mem>>) src(%dma_wait3A_1024 : memref<128x128xf32, #tpu.memory_space<vmem>>) dst(%dma_wait3A_1030 : memref<10112x128xf32, #tpu.memory_space<vmem_shared>>)
        tpu.yield
      }) : () -> ()
      %add3A_819 = arith.constant 2 : i32
      %add3A_820 = arith.addi %add3A_804, %add3A_819 : i32
      %get3A_821 = arith.index_cast %add3A_820 : i32 to index
      %get3A_822 = arith.constant 0 : index
      %get3A_823 = tpu.vector_load %arg5[%get3A_821, %get3A_822] {strides = array<i32>} : memref<128x128xi32, #tpu.memory_space<vmem>>, vector<1x16xi32>,
      %get3A_824 = vector.shape_cast %get3A_823 : vector<1x16xi32> to vector<16xi32>
      %shift_right_logical3A_825 = arith.constant 14 : i32
      %shift_right_logical3A_826 = vector.broadcast %shift_right_logical3A_825 : i32 to vector<16xi32>
      %shift_right_logical3A_827 = arith.shrui %get3A_824, %shift_right_logical3A_826 : vector<16xi32>
      %swap3A_828 = arith.constant 1 : i32
      %swap3A_829 = arith.index_cast %swap3A_828 : i32 to index
      %swap3A_830 = arith.constant 0 : index
      %swap3A_831 = tpu.vector_load %arg6[%swap3A_829, %swap3A_830] {strides = array<i32>} : memref<2x128xi32, #tpu.memory_space<vmem>>, vector<1x16xi32>,
      %swap3A_832 = vector.shape_cast %swap3A_831 : vector<1x16xi32> to vector<16xi32>
      %swap3A_833 = vector.shape_cast %shift_right_logical3A_827 : vector<16xi32> to vector<1x16xi32>
      tpu.vector_store %arg6[%swap3A_829, %swap3A_830], %swap3A_833 {strides = array<i32>} : memref<2x128xi32, #tpu.memory_space<vmem>>, vector<1x16xi32>,
      %and3A_834 = arith.constant 16383 : i32
      %and3A_835 = vector.broadcast %and3A_834 : i32 to vector<16xi32>
      %and3A_836 = arith.andi %get3A_824, %and3A_835 : vector<16xi32>
      %swap3A_837 = arith.constant 1 : i32
      %swap3A_838 = arith.index_cast %swap3A_837 : i32 to index
      %swap3A_839 = arith.constant 0 : index
      %swap3A_840 = tpu.vector_load %arg7[%swap3A_838, %swap3A_839] {strides = array<i32>} : memref<2x128xi32, #tpu.memory_space<vmem>>, vector<1x16xi32>,
      %swap3A_841 = vector.shape_cast %swap3A_840 : vector<1x16xi32> to vector<16xi32>
      %swap3A_842 = vector.shape_cast %and3A_836 : vector<16xi32> to vector<1x16xi32>
      tpu.vector_store %arg7[%swap3A_838, %swap3A_839], %swap3A_842 {strides = array<i32>} : memref<2x128xi32, #tpu.memory_space<vmem>>, vector<1x16xi32>,
      %get3A_843 = arith.index_cast %add3A_820 : i32 to index
      %get3A_844 = arith.constant 16 : index
      %get3A_845 = tpu.vector_load %arg5[%get3A_843, %get3A_844] {strides = array<i32>} : memref<128x128xi32, #tpu.memory_space<vmem>>, vector<1x16xi32>,
      %get3A_846 = vector.shape_cast %get3A_845 : vector<1x16xi32> to vector<16xi32>
      %shift_right_logical3A_847 = arith.constant 14 : i32
      %shift_right_logical3A_848 = vector.broadcast %shift_right_logical3A_847 : i32 to vector<16xi32>
      %shift_right_logical3A_849 = arith.shrui %get3A_846, %shift_right_logical3A_848 : vector<16xi32>
      %swap3A_850 = arith.constant 1 : i32
      %swap3A_851 = arith.index_cast %swap3A_850 : i32 to index
      %swap3A_852 = arith.constant 16 : index
      %swap3A_853 = tpu.vector_load %arg6[%swap3A_851, %swap3A_852] {strides = array<i32>} : memref<2x128xi32, #tpu.memory_space<vmem>>, vector<1x16xi32>,
      %swap3A_854 = vector.shape_cast %swap3A_853 : vector<1x16xi32> to vector<16xi32>
      %swap3A_855 = vector.shape_cast %shift_right_logical3A_849 : vector<16xi32> to vector<1x16xi32>
      tpu.vector_store %arg6[%swap3A_851, %swap3A_852], %swap3A_855 {strides = array<i32>} : memref<2x128xi32, #tpu.memory_space<vmem>>, vector<1x16xi32>,
      %and3A_856 = arith.constant 16383 : i32
      %and3A_857 = vector.broadcast %and3A_856 : i32 to vector<16xi32>
      %and3A_858 = arith.andi %get3A_846, %and3A_857 : vector<16xi32>
      %swap3A_859 = arith.constant 1 : i32
      %swap3A_860 = arith.index_cast %swap3A_859 : i32 to index
      %swap3A_861 = arith.constant 16 : index
      %swap3A_862 = tpu.vector_load %arg7[%swap3A_860, %swap3A_861] {strides = array<i32>} : memref<2x128xi32, #tpu.memory_space<vmem>>, vector<1x16xi32>,
      %swap3A_863 = vector.shape_cast %swap3A_862 : vector<1x16xi32> to vector<16xi32>
      %swap3A_864 = vector.shape_cast %and3A_858 : vector<16xi32> to vector<1x16xi32>
      tpu.vector_store %arg7[%swap3A_860, %swap3A_861], %swap3A_864 {strides = array<i32>} : memref<2x128xi32, #tpu.memory_space<vmem>>, vector<1x16xi32>,
      %get3A_865 = arith.index_cast %add3A_820 : i32 to index
      %get3A_866 = arith.constant 32 : index
      %get3A_867 = tpu.vector_load %arg5[%get3A_865, %get3A_866] {strides = array<i32>} : memref<128x128xi32, #tpu.memory_space<vmem>>, vector<1x16xi32>,
      %get3A_868 = vector.shape_cast %get3A_867 : vector<1x16xi32> to vector<16xi32>
      %shift_right_logical3A_869 = arith.constant 14 : i32
      %shift_right_logical3A_870 = vector.broadcast %shift_right_logical3A_869 : i32 to vector<16xi32>
      %shift_right_logical3A_871 = arith.shrui %get3A_868, %shift_right_logical3A_870 : vector<16xi32>
      %swap3A_872 = arith.constant 1 : i32
      %swap3A_873 = arith.index_cast %swap3A_872 : i32 to index
      %swap3A_874 = arith.constant 32 : index
      %swap3A_875 = tpu.vector_load %arg6[%swap3A_873, %swap3A_874] {strides = array<i32>} : memref<2x128xi32, #tpu.memory_space<vmem>>, vector<1x16xi32>,
      %swap3A_876 = vector.shape_cast %swap3A_875 : vector<1x16xi32> to vector<16xi32>
      %swap3A_877 = vector.shape_cast %shift_right_logical3A_871 : vector<16xi32> to vector<1x16xi32>
      tpu.vector_store %arg6[%swap3A_873, %swap3A_874], %swap3A_877 {strides = array<i32>} : memref<2x128xi32, #tpu.memory_space<vmem>>, vector<1x16xi32>,
      %and3A_878 = arith.constant 16383 : i32
      %and3A_879 = vector.broadcast %and3A_878 : i32 to vector<16xi32>
      %and3A_880 = arith.andi %get3A_868, %and3A_879 : vector<16xi32>
      %swap3A_881 = arith.constant 1 : i32
      %swap3A_882 = arith.index_cast %swap3A_881 : i32 to index
      %swap3A_883 = arith.constant 32 : index
      %swap3A_884 = tpu.vector_load %arg7[%swap3A_882, %swap3A_883] {strides = array<i32>} : memref<2x128xi32, #tpu.memory_space<vmem>>, vector<1x16xi32>,
      %swap3A_885 = vector.shape_cast %swap3A_884 : vector<1x16xi32> to vector<16xi32>
      %swap3A_886 = vector.shape_cast %and3A_880 : vector<16xi32> to vector<1x16xi32>
      tpu.vector_store %arg7[%swap3A_882, %swap3A_883], %swap3A_886 {strides = array<i32>} : memref<2x128xi32, #tpu.memory_space<vmem>>, vector<1x16xi32>,
      %get3A_887 = arith.index_cast %add3A_820 : i32 to index
      %get3A_888 = arith.constant 48 : index
      %get3A_889 = tpu.vector_load %arg5[%get3A_887, %get3A_888] {strides = array<i32>} : memref<128x128xi32, #tpu.memory_space<vmem>>, vector<1x16xi32>,
      %get3A_890 = vector.shape_cast %get3A_889 : vector<1x16xi32> to vector<16xi32>
      %shift_right_logical3A_891 = arith.constant 14 : i32
      %shift_right_logical3A_892 = vector.broadcast %shift_right_logical3A_891 : i32 to vector<16xi32>
      %shift_right_logical3A_893 = arith.shrui %get3A_890, %shift_right_logical3A_892 : vector<16xi32>
      %swap3A_894 = arith.constant 1 : i32
      %swap3A_895 = arith.index_cast %swap3A_894 : i32 to index
      %swap3A_896 = arith.constant 48 : index
      %swap3A_897 = tpu.vector_load %arg6[%swap3A_895, %swap3A_896] {strides = array<i32>} : memref<2x128xi32, #tpu.memory_space<vmem>>, vector<1x16xi32>,
      %swap3A_898 = vector.shape_cast %swap3A_897 : vector<1x16xi32> to vector<16xi32>
      %swap3A_899 = vector.shape_cast %shift_right_logical3A_893 : vector<16xi32> to vector<1x16xi32>
      tpu.vector_store %arg6[%swap3A_895, %swap3A_896], %swap3A_899 {strides = array<i32>} : memref<2x128xi32, #tpu.memory_space<vmem>>, vector<1x16xi32>,
      %and3A_900 = arith.constant 16383 : i32
      %and3A_901 = vector.broadcast %and3A_900 : i32 to vector<16xi32>
      %and3A_902 = arith.andi %get3A_890, %and3A_901 : vector<16xi32>
      %swap3A_903 = arith.constant 1 : i32
      %swap3A_904 = arith.index_cast %swap3A_903 : i32 to index
      %swap3A_905 = arith.constant 48 : index
      %swap3A_906 = tpu.vector_load %arg7[%swap3A_904, %swap3A_905] {strides = array<i32>} : memref<2x128xi32, #tpu.memory_space<vmem>>, vector<1x16xi32>,
      %swap3A_907 = vector.shape_cast %swap3A_906 : vector<1x16xi32> to vector<16xi32>
      %swap3A_908 = vector.shape_cast %and3A_902 : vector<16xi32> to vector<1x16xi32>
      tpu.vector_store %arg7[%swap3A_904, %swap3A_905], %swap3A_908 {strides = array<i32>} : memref<2x128xi32, #tpu.memory_space<vmem>>, vector<1x16xi32>,
      %get3A_909 = arith.index_cast %add3A_820 : i32 to index
      %get3A_910 = arith.constant 64 : index
      %get3A_911 = tpu.vector_load %arg5[%get3A_909, %get3A_910] {strides = array<i32>} : memref<128x128xi32, #tpu.memory_space<vmem>>, vector<1x16xi32>,
      %get3A_912 = vector.shape_cast %get3A_911 : vector<1x16xi32> to vector<16xi32>
      %shift_right_logical3A_913 = arith.constant 14 : i32
      %shift_right_logical3A_914 = vector.broadcast %shift_right_logical3A_913 : i32 to vector<16xi32>
      %shift_right_logical3A_915 = arith.shrui %get3A_912, %shift_right_logical3A_914 : vector<16xi32>
      %swap3A_916 = arith.constant 1 : i32
      %swap3A_917 = arith.index_cast %swap3A_916 : i32 to index
      %swap3A_918 = arith.constant 64 : index
      %swap3A_919 = tpu.vector_load %arg6[%swap3A_917, %swap3A_918] {strides = array<i32>} : memref<2x128xi32, #tpu.memory_space<vmem>>, vector<1x16xi32>,
      %swap3A_920 = vector.shape_cast %swap3A_919 : vector<1x16xi32> to vector<16xi32>
      %swap3A_921 = vector.shape_cast %shift_right_logical3A_915 : vector<16xi32> to vector<1x16xi32>
      tpu.vector_store %arg6[%swap3A_917, %swap3A_918], %swap3A_921 {strides = array<i32>} : memref<2x128xi32, #tpu.memory_space<vmem>>, vector<1x16xi32>,
      %and3A_922 = arith.constant 16383 : i32
      %and3A_923 = vector.broadcast %and3A_922 : i32 to vector<16xi32>
      %and3A_924 = arith.andi %get3A_912, %and3A_923 : vector<16xi32>
      %swap3A_925 = arith.constant 1 : i32
      %swap3A_926 = arith.index_cast %swap3A_925 : i32 to index
      %swap3A_927 = arith.constant 64 : index
      %swap3A_928 = tpu.vector_load %arg7[%swap3A_926, %swap3A_927] {strides = array<i32>} : memref<2x128xi32, #tpu.memory_space<vmem>>, vector<1x16xi32>,
      %swap3A_929 = vector.shape_cast %swap3A_928 : vector<1x16xi32> to vector<16xi32>
      %swap3A_930 = vector.shape_cast %and3A_924 : vector<16xi32> to vector<1x16xi32>
      tpu.vector_store %arg7[%swap3A_926, %swap3A_927], %swap3A_930 {strides = array<i32>} : memref<2x128xi32, #tpu.memory_space<vmem>>, vector<1x16xi32>,
      %get3A_931 = arith.index_cast %add3A_820 : i32 to index
      %get3A_932 = arith.constant 80 : index
      %get3A_933 = tpu.vector_load %arg5[%get3A_931, %get3A_932] {strides = array<i32>} : memref<128x128xi32, #tpu.memory_space<vmem>>, vector<1x16xi32>,
      %get3A_934 = vector.shape_cast %get3A_933 : vector<1x16xi32> to vector<16xi32>
      %shift_right_logical3A_935 = arith.constant 14 : i32
      %shift_right_logical3A_936 = vector.broadcast %shift_right_logical3A_935 : i32 to vector<16xi32>
      %shift_right_logical3A_937 = arith.shrui %get3A_934, %shift_right_logical3A_936 : vector<16xi32>
      %swap3A_938 = arith.constant 1 : i32
      %swap3A_939 = arith.index_cast %swap3A_938 : i32 to index
      %swap3A_940 = arith.constant 80 : index
      %swap3A_941 = tpu.vector_load %arg6[%swap3A_939, %swap3A_940] {strides = array<i32>} : memref<2x128xi32, #tpu.memory_space<vmem>>, vector<1x16xi32>,
      %swap3A_942 = vector.shape_cast %swap3A_941 : vector<1x16xi32> to vector<16xi32>
      %swap3A_943 = vector.shape_cast %shift_right_logical3A_937 : vector<16xi32> to vector<1x16xi32>
      tpu.vector_store %arg6[%swap3A_939, %swap3A_940], %swap3A_943 {strides = array<i32>} : memref<2x128xi32, #tpu.memory_space<vmem>>, vector<1x16xi32>,
      %and3A_944 = arith.constant 16383 : i32
      %and3A_945 = vector.broadcast %and3A_944 : i32 to vector<16xi32>
      %and3A_946 = arith.andi %get3A_934, %and3A_945 : vector<16xi32>
      %swap3A_947 = arith.constant 1 : i32
      %swap3A_948 = arith.index_cast %swap3A_947 : i32 to index
      %swap3A_949 = arith.constant 80 : index
      %swap3A_950 = tpu.vector_load %arg7[%swap3A_948, %swap3A_949] {strides = array<i32>} : memref<2x128xi32, #tpu.memory_space<vmem>>, vector<1x16xi32>,
      %swap3A_951 = vector.shape_cast %swap3A_950 : vector<1x16xi32> to vector<16xi32>
      %swap3A_952 = vector.shape_cast %and3A_946 : vector<16xi32> to vector<1x16xi32>
      tpu.vector_store %arg7[%swap3A_948, %swap3A_949], %swap3A_952 {strides = array<i32>} : memref<2x128xi32, #tpu.memory_space<vmem>>, vector<1x16xi32>,
      %get3A_953 = arith.index_cast %add3A_820 : i32 to index
      %get3A_954 = arith.constant 96 : index
      %get3A_955 = tpu.vector_load %arg5[%get3A_953, %get3A_954] {strides = array<i32>} : memref<128x128xi32, #tpu.memory_space<vmem>>, vector<1x16xi32>,
      %get3A_956 = vector.shape_cast %get3A_955 : vector<1x16xi32> to vector<16xi32>
      %shift_right_logical3A_957 = arith.constant 14 : i32
      %shift_right_logical3A_958 = vector.broadcast %shift_right_logical3A_957 : i32 to vector<16xi32>
      %shift_right_logical3A_959 = arith.shrui %get3A_956, %shift_right_logical3A_958 : vector<16xi32>
      %swap3A_960 = arith.constant 1 : i32
      %swap3A_961 = arith.index_cast %swap3A_960 : i32 to index
      %swap3A_962 = arith.constant 96 : index
      %swap3A_963 = tpu.vector_load %arg6[%swap3A_961, %swap3A_962] {strides = array<i32>} : memref<2x128xi32, #tpu.memory_space<vmem>>, vector<1x16xi32>,
      %swap3A_964 = vector.shape_cast %swap3A_963 : vector<1x16xi32> to vector<16xi32>
      %swap3A_965 = vector.shape_cast %shift_right_logical3A_959 : vector<16xi32> to vector<1x16xi32>
      tpu.vector_store %arg6[%swap3A_961, %swap3A_962], %swap3A_965 {strides = array<i32>} : memref<2x128xi32, #tpu.memory_space<vmem>>, vector<1x16xi32>,
      %and3A_966 = arith.constant 16383 : i32
      %and3A_967 = vector.broadcast %and3A_966 : i32 to vector<16xi32>
      %and3A_968 = arith.andi %get3A_956, %and3A_967 : vector<16xi32>
      %swap3A_969 = arith.constant 1 : i32
      %swap3A_970 = arith.index_cast %swap3A_969 : i32 to index
      %swap3A_971 = arith.constant 96 : index
      %swap3A_972 = tpu.vector_load %arg7[%swap3A_970, %swap3A_971] {strides = array<i32>} : memref<2x128xi32, #tpu.memory_space<vmem>>, vector<1x16xi32>,
      %swap3A_973 = vector.shape_cast %swap3A_972 : vector<1x16xi32> to vector<16xi32>
      %swap3A_974 = vector.shape_cast %and3A_968 : vector<16xi32> to vector<1x16xi32>
      tpu.vector_store %arg7[%swap3A_970, %swap3A_971], %swap3A_974 {strides = array<i32>} : memref<2x128xi32, #tpu.memory_space<vmem>>, vector<1x16xi32>,
      %get3A_975 = arith.index_cast %add3A_820 : i32 to index
      %get3A_976 = arith.constant 112 : index
      %get3A_977 = tpu.vector_load %arg5[%get3A_975, %get3A_976] {strides = array<i32>} : memref<128x128xi32, #tpu.memory_space<vmem>>, vector<1x16xi32>,
      %get3A_978 = vector.shape_cast %get3A_977 : vector<1x16xi32> to vector<16xi32>
      %shift_right_logical3A_979 = arith.constant 14 : i32
      %shift_right_logical3A_980 = vector.broadcast %shift_right_logical3A_979 : i32 to vector<16xi32>
      %shift_right_logical3A_981 = arith.shrui %get3A_978, %shift_right_logical3A_980 : vector<16xi32>
      %swap3A_982 = arith.constant 1 : i32
      %swap3A_983 = arith.index_cast %swap3A_982 : i32 to index
      %swap3A_984 = arith.constant 112 : index
      %swap3A_985 = tpu.vector_load %arg6[%swap3A_983, %swap3A_984] {strides = array<i32>} : memref<2x128xi32, #tpu.memory_space<vmem>>, vector<1x16xi32>,
      %swap3A_986 = vector.shape_cast %swap3A_985 : vector<1x16xi32> to vector<16xi32>
      %swap3A_987 = vector.shape_cast %shift_right_logical3A_981 : vector<16xi32> to vector<1x16xi32>
      tpu.vector_store %arg6[%swap3A_983, %swap3A_984], %swap3A_987 {strides = array<i32>} : memref<2x128xi32, #tpu.memory_space<vmem>>, vector<1x16xi32>,
      %and3A_988 = arith.constant 16383 : i32
      %and3A_989 = vector.broadcast %and3A_988 : i32 to vector<16xi32>
      %and3A_990 = arith.andi %get3A_978, %and3A_989 : vector<16xi32>
      %swap3A_991 = arith.constant 1 : i32
      %swap3A_992 = arith.index_cast %swap3A_991 : i32 to index
      %swap3A_993 = arith.constant 112 : index
      %swap3A_994 = tpu.vector_load %arg7[%swap3A_992, %swap3A_993] {strides = array<i32>} : memref<2x128xi32, #tpu.memory_space<vmem>>, vector<1x16xi32>,
      %swap3A_995 = vector.shape_cast %swap3A_994 : vector<1x16xi32> to vector<16xi32>
      %swap3A_996 = vector.shape_cast %and3A_990 : vector<16xi32> to vector<1x16xi32>
      tpu.vector_store %arg7[%swap3A_992, %swap3A_993], %swap3A_996 {strides = array<i32>} : memref<2x128xi32, #tpu.memory_space<vmem>>, vector<1x16xi32>,
      %dma_start3A_997 = arith.constant 1 : i32
      %dma_start3A_998 = arith.constant 1 : i32
      %dma_start3A_999 = arith.constant 0 : i32
      %dma_start3A_1000 = arith.constant 0 : i32
      %dma_start3A_1001 = tpu.memref_slice %arg8[%dma_start3A_998, %dma_start3A_999, %dma_start3A_1000] : memref<2x128x128xf32, #tpu.memory_space<vmem>> -> memref<1x128x128xf32, #tpu.memory_space<vmem>>
      %dma_start3A_1002 = tpu.memref_squeeze %dma_start3A_1001 : memref<1x128x128xf32, #tpu.memory_space<vmem>> -> memref<128x128xf32, #tpu.memory_space<vmem>>
      %dma_start3A_1003 = arith.constant 0 : i32
      %dma_start3A_1004 = tpu.memref_slice %arg6[%dma_start3A_997, %dma_start3A_1003] : memref<2x128xi32, #tpu.memory_space<vmem>> -> memref<1x128xi32, #tpu.memory_space<vmem>>
      %dma_start3A_1005 = tpu.memref_squeeze %dma_start3A_1004 : memref<1x128xi32, #tpu.memory_space<vmem>> -> memref<128xi32, #tpu.memory_space<vmem>>
      %dma_start3A_1006 = arith.constant 0 : i32
      %dma_start3A_1007 = arith.constant 0 : i32
      %dma_start3A_1008 = tpu.memref_slice %arg2[%dma_start3A_1006, %dma_start3A_1007] : memref<10016x128xf32, #tpu.memory_space<hbm>> -> memref<10016x128xf32, #tpu.memory_space<hbm>>
      tpu.enqueue_indirect_dma source(%dma_start3A_1008 : memref<10016x128xf32, #tpu.memory_space<hbm>>) target(%dma_start3A_1002 : memref<128x128xf32, #tpu.memory_space<vmem>>) offsets(%dma_start3A_1005 : memref<128xi32, #tpu.memory_space<vmem>>) semaphore(%arg11 : memref<!tpu.dma_semaphore, #tpu.memory_space<semaphore_mem>>)
      %while3A_1009 = arith.constant 0 : i32
      scf.yield %while3A_1009 : i32
    }
    %dma_wait3A_561 = arith.constant 0 : i32
    %dma_wait3A_562 = arith.constant 0 : i32
    %dma_wait3A_563 = arith.constant 0 : i32
    %dma_wait3A_564 = arith.constant 0 : i32
    %dma_wait3A_565 = tpu.memref_slice %arg8[%dma_wait3A_562, %dma_wait3A_563, %dma_wait3A_564] : memref<2x128x128xf32, #tpu.memory_space<vmem>> -> memref<1x128x128xf32, #tpu.memory_space<vmem>>
    %dma_wait3A_566 = tpu.memref_squeeze %dma_wait3A_565 : memref<1x128x128xf32, #tpu.memory_space<vmem>> -> memref<128x128xf32, #tpu.memory_space<vmem>>
    %dma_wait3A_567 = arith.constant 0 : i32
    %dma_wait3A_568 = tpu.memref_slice %arg6[%dma_wait3A_561, %dma_wait3A_567] : memref<2x128xi32, #tpu.memory_space<vmem>> -> memref<1x128xi32, #tpu.memory_space<vmem>>
    %dma_wait3A_569 = tpu.memref_squeeze %dma_wait3A_568 : memref<1x128xi32, #tpu.memory_space<vmem>> -> memref<128xi32, #tpu.memory_space<vmem>>
    %dma_wait3A_570 = arith.constant 0 : i32
    %dma_wait3A_571 = arith.constant 0 : i32
    %dma_wait3A_572 = tpu.memref_slice %arg2[%dma_wait3A_570, %dma_wait3A_571] : memref<10016x128xf32, #tpu.memory_space<hbm>> -> memref<10016x128xf32, #tpu.memory_space<hbm>>
    tpu.wait_indirect_dma semaphore(%arg10 : memref<!tpu.dma_semaphore, #tpu.memory_space<semaphore_mem>>) src(%dma_wait3A_572 : memref<10016x128xf32, #tpu.memory_space<hbm>>) dst(%dma_wait3A_566 : memref<128x128xf32, #tpu.memory_space<vmem>>)
    %run_scoped3A = arith.constant 0 : i32
    %run_scoped3A_573 = arith.constant 0 : i32
    "tpu.region"() ({
      %run_scoped3A_591 = tpu.sem_alloc : memref<!tpu.dma_semaphore, #tpu.memory_space<semaphore_mem>>
      %dma_start3A_592 = arith.constant 0 : i32
      %dma_start3A_593 = arith.constant 0 : i32
      %dma_start3A_594 = tpu.memref_slice %arg8[%run_scoped3A, %dma_start3A_592, %dma_start3A_593] : memref<2x128x128xf32, #tpu.memory_space<vmem>> -> memref<1x128x128xf32, #tpu.memory_space<vmem>>
      %dma_start3A_595 = tpu.memref_squeeze %dma_start3A_594 : memref<1x128x128xf32, #tpu.memory_space<vmem>> -> memref<128x128xf32, #tpu.memory_space<vmem>>
      %dma_start3A_596 = arith.constant 0 : i32
      %dma_start3A_597 = tpu.memref_slice %arg7[%run_scoped3A_573, %dma_start3A_596] : memref<2x128xi32, #tpu.memory_space<vmem>> -> memref<1x128xi32, #tpu.memory_space<vmem>>
      %dma_start3A_598 = tpu.memref_squeeze %dma_start3A_597 : memref<1x128xi32, #tpu.memory_space<vmem>> -> memref<128xi32, #tpu.memory_space<vmem>>
      %dma_start3A_599 = arith.constant 0 : i32
      %dma_start3A_600 = arith.constant 0 : i32
      %dma_start3A_601 = tpu.memref_slice %arg9[%dma_start3A_599, %dma_start3A_600] : memref<10112x128xf32, #tpu.memory_space<vmem_shared>> -> memref<10112x128xf32, #tpu.memory_space<vmem_shared>>
      tpu.enqueue_indirect_dma source(%dma_start3A_595 : memref<128x128xf32, #tpu.memory_space<vmem>>) target(%dma_start3A_601 : memref<10112x128xf32, #tpu.memory_space<vmem_shared>>) offsets(%dma_start3A_598 : memref<128xi32, #tpu.memory_space<vmem>>) semaphore(%run_scoped3A_591 : memref<!tpu.dma_semaphore, #tpu.memory_space<semaphore_mem>>) {add = true}
      %dma_wait3A_602 = arith.constant 0 : i32
      %dma_wait3A_603 = arith.constant 0 : i32
      %dma_wait3A_604 = tpu.memref_slice %arg8[%run_scoped3A, %dma_wait3A_602, %dma_wait3A_603] : memref<2x128x128xf32, #tpu.memory_space<vmem>> -> memref<1x128x128xf32, #tpu.memory_space<vmem>>
      %dma_wait3A_605 = tpu.memref_squeeze %dma_wait3A_604 : memref<1x128x128xf32, #tpu.memory_space<vmem>> -> memref<128x128xf32, #tpu.memory_space<vmem>>
      %dma_wait3A_606 = arith.constant 0 : i32
      %dma_wait3A_607 = tpu.memref_slice %arg7[%run_scoped3A_573, %dma_wait3A_606] : memref<2x128xi32, #tpu.memory_space<vmem>> -> memref<1x128xi32, #tpu.memory_space<vmem>>
      %dma_wait3A_608 = tpu.memref_squeeze %dma_wait3A_607 : memref<1x128xi32, #tpu.memory_space<vmem>> -> memref<128xi32, #tpu.memory_space<vmem>>
      %dma_wait3A_609 = arith.constant 0 : i32
      %dma_wait3A_610 = arith.constant 0 : i32
      %dma_wait3A_611 = tpu.memref_slice %arg9[%dma_wait3A_609, %dma_wait3A_610] : memref<10112x128xf32, #tpu.memory_space<vmem_shared>> -> memref<10112x128xf32, #tpu.memory_space<vmem_shared>>
      tpu.wait_indirect_dma semaphore(%run_scoped3A_591 : memref<!tpu.dma_semaphore, #tpu.memory_space<semaphore_mem>>) src(%dma_wait3A_605 : memref<128x128xf32, #tpu.memory_space<vmem>>) dst(%dma_wait3A_611 : memref<10112x128xf32, #tpu.memory_space<vmem_shared>>)
      tpu.yield
    }) : () -> ()
    %dma_wait3A_574 = arith.constant 1 : i32
    %dma_wait3A_575 = arith.constant 1 : i32
    %dma_wait3A_576 = arith.constant 0 : i32
    %dma_wait3A_577 = arith.constant 0 : i32
    %dma_wait3A_578 = tpu.memref_slice %arg8[%dma_wait3A_575, %dma_wait3A_576, %dma_wait3A_577] : memref<2x128x128xf32, #tpu.memory_space<vmem>> -> memref<1x128x128xf32, #tpu.memory_space<vmem>>
    %dma_wait3A_579 = tpu.memref_squeeze %dma_wait3A_578 : memref<1x128x128xf32, #tpu.memory_space<vmem>> -> memref<128x128xf32, #tpu.memory_space<vmem>>
    %dma_wait3A_580 = arith.constant 0 : i32
    %dma_wait3A_581 = tpu.memref_slice %arg6[%dma_wait3A_574, %dma_wait3A_580] : memref<2x128xi32, #tpu.memory_space<vmem>> -> memref<1x128xi32, #tpu.memory_space<vmem>>
    %dma_wait3A_582 = tpu.memref_squeeze %dma_wait3A_581 : memref<1x128xi32, #tpu.memory_space<vmem>> -> memref<128xi32, #tpu.memory_space<vmem>>
    %dma_wait3A_583 = arith.constant 0 : i32
    %dma_wait3A_584 = arith.constant 0 : i32
    %dma_wait3A_585 = tpu.memref_slice %arg2[%dma_wait3A_583, %dma_wait3A_584] : memref<10016x128xf32, #tpu.memory_space<hbm>> -> memref<10016x128xf32, #tpu.memory_space<hbm>>
    tpu.wait_indirect_dma semaphore(%arg11 : memref<!tpu.dma_semaphore, #tpu.memory_space<semaphore_mem>>) src(%dma_wait3A_585 : memref<10016x128xf32, #tpu.memory_space<hbm>>) dst(%dma_wait3A_579 : memref<128x128xf32, #tpu.memory_space<vmem>>)
    %run_scoped3A_586 = arith.constant 1 : i32
    %run_scoped3A_587 = arith.constant 1 : i32
    "tpu.region"() ({
      %run_scoped3A_591 = tpu.sem_alloc : memref<!tpu.dma_semaphore, #tpu.memory_space<semaphore_mem>>
      %dma_start3A_592 = arith.constant 0 : i32
      %dma_start3A_593 = arith.constant 0 : i32
      %dma_start3A_594 = tpu.memref_slice %arg8[%run_scoped3A_586, %dma_start3A_592, %dma_start3A_593] : memref<2x128x128xf32, #tpu.memory_space<vmem>> -> memref<1x128x128xf32, #tpu.memory_space<vmem>>
      %dma_start3A_595 = tpu.memref_squeeze %dma_start3A_594 : memref<1x128x128xf32, #tpu.memory_space<vmem>> -> memref<128x128xf32, #tpu.memory_space<vmem>>
      %dma_start3A_596 = arith.constant 0 : i32
      %dma_start3A_597 = tpu.memref_slice %arg7[%run_scoped3A_587, %dma_start3A_596] : memref<2x128xi32, #tpu.memory_space<vmem>> -> memref<1x128xi32, #tpu.memory_space<vmem>>
      %dma_start3A_598 = tpu.memref_squeeze %dma_start3A_597 : memref<1x128xi32, #tpu.memory_space<vmem>> -> memref<128xi32, #tpu.memory_space<vmem>>
      %dma_start3A_599 = arith.constant 0 : i32
      %dma_start3A_600 = arith.constant 0 : i32
      %dma_start3A_601 = tpu.memref_slice %arg9[%dma_start3A_599, %dma_start3A_600] : memref<10112x128xf32, #tpu.memory_space<vmem_shared>> -> memref<10112x128xf32, #tpu.memory_space<vmem_shared>>
      tpu.enqueue_indirect_dma source(%dma_start3A_595 : memref<128x128xf32, #tpu.memory_space<vmem>>) target(%dma_start3A_601 : memref<10112x128xf32, #tpu.memory_space<vmem_shared>>) offsets(%dma_start3A_598 : memref<128xi32, #tpu.memory_space<vmem>>) semaphore(%run_scoped3A_591 : memref<!tpu.dma_semaphore, #tpu.memory_space<semaphore_mem>>) {add = true}
      %dma_wait3A_602 = arith.constant 0 : i32
      %dma_wait3A_603 = arith.constant 0 : i32
      %dma_wait3A_604 = tpu.memref_slice %arg8[%run_scoped3A_586, %dma_wait3A_602, %dma_wait3A_603] : memref<2x128x128xf32, #tpu.memory_space<vmem>> -> memref<1x128x128xf32, #tpu.memory_space<vmem>>
      %dma_wait3A_605 = tpu.memref_squeeze %dma_wait3A_604 : memref<1x128x128xf32, #tpu.memory_space<vmem>> -> memref<128x128xf32, #tpu.memory_space<vmem>>
      %dma_wait3A_606 = arith.constant 0 : i32
      %dma_wait3A_607 = tpu.memref_slice %arg7[%run_scoped3A_587, %dma_wait3A_606] : memref<2x128xi32, #tpu.memory_space<vmem>> -> memref<1x128xi32, #tpu.memory_space<vmem>>
      %dma_wait3A_608 = tpu.memref_squeeze %dma_wait3A_607 : memref<1x128xi32, #tpu.memory_space<vmem>> -> memref<128xi32, #tpu.memory_space<vmem>>
      %dma_wait3A_609 = arith.constant 0 : i32
      %dma_wait3A_610 = arith.constant 0 : i32
      %dma_wait3A_611 = tpu.memref_slice %arg9[%dma_wait3A_609, %dma_wait3A_610] : memref<10112x128xf32, #tpu.memory_space<vmem_shared>> -> memref<10112x128xf32, #tpu.memory_space<vmem_shared>>
      tpu.wait_indirect_dma semaphore(%run_scoped3A_591 : memref<!tpu.dma_semaphore, #tpu.memory_space<semaphore_mem>>) src(%dma_wait3A_605 : memref<128x128xf32, #tpu.memory_space<vmem>>) dst(%dma_wait3A_611 : memref<10112x128xf32, #tpu.memory_space<vmem_shared>>)
      tpu.yield
    }) : () -> ()
    %barrier3A_588 = arith.constant 0 : index
    tpu.barrier barrier_id(%barrier3A_588)
    %mul3A_589 = arith.constant 632 : i32
    %mul3A_590 = arith.muli %arg1, %mul3A_589 : i32
    "tpu.region"() ({
      %run_scoped3A_591 = tpu.sem_alloc : memref<!tpu.dma_semaphore, #tpu.memory_space<semaphore_mem>>
      %dma_start3A_592 = arith.constant 0 : i32
      %dma_start3A_593 = tpu.memref_slice %arg4[%arg0, %mul3A_590, %dma_start3A_592] : memref<2x10112x128xf32, #tpu.memory_space<hbm>> -> memref<1x632x128xf32, #tpu.memory_space<hbm>>
      %dma_start3A_594 = tpu.memref_squeeze %dma_start3A_593 : memref<1x632x128xf32, #tpu.memory_space<hbm>> -> memref<632x128xf32, #tpu.memory_space<hbm>>
      %dma_start3A_595 = arith.constant 0 : i32
      %dma_start3A_596 = tpu.memref_slice %arg9[%mul3A_590, %dma_start3A_595] : memref<10112x128xf32, #tpu.memory_space<vmem_shared>> -> memref<632x128xf32, #tpu.memory_space<vmem_shared>>
      tpu.enqueue_dma source(%dma_start3A_596 : memref<632x128xf32, #tpu.memory_space<vmem_shared>>) target(%dma_start3A_594 : memref<632x128xf32, #tpu.memory_space<hbm>>) target_semaphore(%run_scoped3A_591 : memref<!tpu.dma_semaphore, #tpu.memory_space<semaphore_mem>>)
      %dma_wait3A_597 = arith.constant 0 : i32
      %dma_wait3A_598 = tpu.memref_slice %arg4[%arg0, %mul3A_590, %dma_wait3A_597] : memref<2x10112x128xf32, #tpu.memory_space<hbm>> -> memref<1x632x128xf32, #tpu.memory_space<hbm>>
      %dma_wait3A_599 = tpu.memref_squeeze %dma_wait3A_598 : memref<1x632x128xf32, #tpu.memory_space<hbm>> -> memref<632x128xf32, #tpu.memory_space<hbm>>
      %dma_wait3A_600 = arith.constant 0 : i32
      %dma_wait3A_601 = tpu.memref_slice %arg9[%mul3A_590, %dma_wait3A_600] : memref<10112x128xf32, #tpu.memory_space<vmem_shared>> -> memref<632x128xf32, #tpu.memory_space<vmem_shared>>
      tpu.wait_dma2 semaphore(%run_scoped3A_591 : memref<!tpu.dma_semaphore, #tpu.memory_space<semaphore_mem>>) src(%dma_wait3A_601 : memref<632x128xf32, #tpu.memory_space<vmem_shared>>) dst(%dma_wait3A_599 : memref<632x128xf32, #tpu.memory_space<hbm>>)
      tpu.yield
    }) : () -> ()
    return
  }
}

module attributes {stable_mosaic.version = 14 : i64} {
  func.func @_tc_pre_body(%arg0: memref<10000x128xf32, #tpu.memory_space<vmem>>, %arg1: memref<128x128xf32, #tpu.memory_space<vmem>>, %arg2: memref<2x2x10112x128xf32, #tpu.memory_space<vmem>>, %arg3: memref<10016x128xf32, #tpu.memory_space<vmem>>) attributes {dimension_semantics = [], scalar_prefetch = 0 : i64, scratch_operands = 0 : i64, tpu.core_type = #tpu.core_type<tc>} {
    %get3A = arith.constant 0 : index
    %get3A_0 = arith.constant 0 : index
    %get3A_1 = arith.constant 0 : index
    %get3A_2 = arith.constant 0 : index
    %get3A_3 = vector.load %arg2[%get3A, %get3A_0, %get3A_1, %get3A_2] : memref<2x2x10112x128xf32, #tpu.memory_space<vmem>>, vector<2x2x10112x128xf32>
    %slice3A = vector.extract_strided_slice %get3A_3 {offsets = [0, 0, 0, 0], sizes = [1, 1, 10000, 1], strides = [1, 1, 1, 1]} : vector<2x2x10112x128xf32> to vector<1x1x10000x1xf32>
    %squeeze3A = vector.shape_cast %slice3A : vector<1x1x10000x1xf32> to vector<10000xf32>
    %slice3A_4 = vector.extract_strided_slice %get3A_3 {offsets = [1, 0, 0, 0], sizes = [1, 1, 10000, 1], strides = [1, 1, 1, 1]} : vector<2x2x10112x128xf32> to vector<1x1x10000x1xf32>
    %squeeze3A_5 = vector.shape_cast %slice3A_4 : vector<1x1x10000x1xf32> to vector<10000xf32>
    %add3A = arith.addf %squeeze3A, %squeeze3A_5 : vector<10000xf32>
    %max3A = arith.constant 1.000000e+00 : f32
    %max3A_6 = vector.broadcast %max3A : f32 to vector<10000xf32>
    %max3A_7 = arith.maximumf %add3A, %max3A_6 : vector<10000xf32>
    %rsqrt3A = math.rsqrt %max3A_7 : vector<10000xf32>
    %get3A_8 = arith.constant 0 : index
    %get3A_9 = arith.constant 0 : index
    %get3A_10 = vector.load %arg0[%get3A_8, %get3A_9] : memref<10000x128xf32, #tpu.memory_space<vmem>>, vector<10000x128xf32>
    %get3A_11 = arith.constant 0 : index
    %get3A_12 = arith.constant 0 : index
    %get3A_13 = vector.load %arg1[%get3A_11, %get3A_12] : memref<128x128xf32, #tpu.memory_space<vmem>>, vector<128x128xf32>
    %dot_general3A = arith.constant dense<0.000000e+00> : vector<10000x128xf32>
    %dot_general3A_14 = tpu.matmul %get3A_10, %get3A_13, %dot_general3A {dimension_numbers = #tpu.dot_dimension_numbers<[1], [0], [0], [1], [0, 0, 1, 1], [], []>, transpose_lhs_hint = false} : vector<10000x128xf32>, vector<128x128xf32>, vector<10000x128xf32> -> vector<10000x128xf32>
    %broadcast_in_dim3A = vector.shape_cast %rsqrt3A : vector<10000xf32> to vector<10000x1xf32>
    %mul3A = vector.broadcast %broadcast_in_dim3A : vector<10000x1xf32> to vector<10000x128xf32>
    %mul3A_15 = arith.mulf %dot_general3A_14, %mul3A : vector<10000x128xf32>
    %swap3A = arith.constant 0 : index
    %swap3A_16 = arith.constant 0 : index
    %swap3A_17 = vector.load %arg3[%swap3A, %swap3A_16] : memref<10016x128xf32, #tpu.memory_space<vmem>>, vector<10000x128xf32>
    tpu.vector_store %arg3[%swap3A, %swap3A_16], %mul3A_15 {strides = array<i32>} : memref<10016x128xf32, #tpu.memory_space<vmem>>, vector<10000x128xf32>,
    %broadcast_in_dim3A_18 = arith.constant 0.000000e+00 : f32
    %broadcast_in_dim3A_19 = vector.broadcast %broadcast_in_dim3A_18 : f32 to vector<16x128xf32>
    %swap3A_20 = arith.constant 10000 : index
    %swap3A_21 = arith.constant 0 : index
    %swap3A_22 = vector.load %arg3[%swap3A_20, %swap3A_21] : memref<10016x128xf32, #tpu.memory_space<vmem>>, vector<16x128xf32>
    tpu.vector_store %arg3[%swap3A_20, %swap3A_21], %broadcast_in_dim3A_19 {strides = array<i32>} : memref<10016x128xf32, #tpu.memory_space<vmem>>, vector<16x128xf32>,
    return
  }
}

module attributes {stable_mosaic.version = 14 : i64} {
  func.func @_tc_mid_body(%arg0: memref<2x10112x128xf32, #tpu.memory_space<vmem>>, %arg1: memref<2x2x10112x128xf32, #tpu.memory_space<vmem>>, %arg2: memref<128xf32, #tpu.memory_space<vmem>>, %arg3: memref<128xf32, #tpu.memory_space<vmem>>, %arg4: memref<128xf32, #tpu.memory_space<vmem>>, %arg5: memref<128x128xf32, #tpu.memory_space<vmem>>, %arg6: memref<10000x128xf32, #tpu.memory_space<vmem>>, %arg7: memref<10016x128xf32, #tpu.memory_space<vmem>>) attributes {dimension_semantics = [], scalar_prefetch = 0 : i64, scratch_operands = 0 : i64, tpu.core_type = #tpu.core_type<tc>} {
    %get3A = arith.constant 0 : index
    %get3A_0 = arith.constant 0 : index
    %get3A_1 = arith.constant 0 : index
    %get3A_2 = arith.constant 0 : index
    %get3A_3 = vector.load %arg1[%get3A, %get3A_0, %get3A_1, %get3A_2] : memref<2x2x10112x128xf32, #tpu.memory_space<vmem>>, vector<2x2x10112x128xf32>
    %slice3A = vector.extract_strided_slice %get3A_3 {offsets = [0, 1, 0, 0], sizes = [1, 1, 10000, 1], strides = [1, 1, 1, 1]} : vector<2x2x10112x128xf32> to vector<1x1x10000x1xf32>
    %squeeze3A = vector.shape_cast %slice3A : vector<1x1x10000x1xf32> to vector<10000xf32>
    %slice3A_4 = vector.extract_strided_slice %get3A_3 {offsets = [1, 1, 0, 0], sizes = [1, 1, 10000, 1], strides = [1, 1, 1, 1]} : vector<2x2x10112x128xf32> to vector<1x1x10000x1xf32>
    %squeeze3A_5 = vector.shape_cast %slice3A_4 : vector<1x1x10000x1xf32> to vector<10000xf32>
    %add3A = arith.addf %squeeze3A, %squeeze3A_5 : vector<10000xf32>
    %max3A = arith.constant 1.000000e+00 : f32
    %max3A_6 = vector.broadcast %max3A : f32 to vector<10000xf32>
    %max3A_7 = arith.maximumf %add3A, %max3A_6 : vector<10000xf32>
    %rsqrt3A = math.rsqrt %max3A_7 : vector<10000xf32>
    %get3A_8 = arith.constant 0 : index
    %get3A_9 = arith.constant 0 : index
    %get3A_10 = arith.constant 0 : index
    %get3A_11 = vector.load %arg0[%get3A_8, %get3A_9, %get3A_10] : memref<2x10112x128xf32, #tpu.memory_space<vmem>>, vector<1x10000x128xf32>
    %get3A_12 = vector.shape_cast %get3A_11 : vector<1x10000x128xf32> to vector<10000x128xf32>
    %get3A_13 = arith.constant 1 : index
    %get3A_14 = arith.constant 0 : index
    %get3A_15 = arith.constant 0 : index
    %get3A_16 = vector.load %arg0[%get3A_13, %get3A_14, %get3A_15] : memref<2x10112x128xf32, #tpu.memory_space<vmem>>, vector<1x10000x128xf32>
    %get3A_17 = vector.shape_cast %get3A_16 : vector<1x10000x128xf32> to vector<10000x128xf32>
    %add3A_18 = arith.addf %get3A_12, %get3A_17 : vector<10000x128xf32>
    %broadcast_in_dim3A = vector.shape_cast %rsqrt3A : vector<10000xf32> to vector<10000x1xf32>
    %mul3A = vector.broadcast %broadcast_in_dim3A : vector<10000x1xf32> to vector<10000x128xf32>
    %mul3A_19 = arith.mulf %add3A_18, %mul3A : vector<10000x128xf32>
    %get3A_20 = arith.constant 0 : index
    %get3A_21 = vector.load %arg2[%get3A_20] : memref<128xf32, #tpu.memory_space<vmem>>, vector<128xf32>
    %broadcast_in_dim3A_22 = vector.shape_cast %get3A_21 : vector<128xf32> to vector<1x128xf32>
    %add3A_23 = vector.broadcast %broadcast_in_dim3A_22 : vector<1x128xf32> to vector<10000x128xf32>
    %add3A_24 = arith.addf %mul3A_19, %add3A_23 : vector<10000x128xf32>
    %get3A_25 = arith.constant 0 : index
    %get3A_26 = vector.load %arg3[%get3A_25] : memref<128xf32, #tpu.memory_space<vmem>>, vector<128xf32>
    %get3A_27 = arith.constant 0 : index
    %get3A_28 = vector.load %arg4[%get3A_27] : memref<128xf32, #tpu.memory_space<vmem>>, vector<128xf32>
    %reduce_sum3A = arith.constant dense<0.000000e+00> : vector<128xf32>
    %reduce_sum3A_29 = vector.multi_reduction <add>, %add3A_24, %reduce_sum3A [0] : vector<10000x128xf32> to vector<128xf32>
    %div3A = arith.constant 1.000000e+04 : f32
    %div3A_30 = vector.broadcast %div3A : f32 to vector<128xf32>
    %div3A_31 = arith.divf %reduce_sum3A_29, %div3A_30 : vector<128xf32>
    %broadcast_in_dim3A_32 = vector.shape_cast %div3A_31 : vector<128xf32> to vector<1x128xf32>
    %sub3A = vector.broadcast %broadcast_in_dim3A_32 : vector<1x128xf32> to vector<10000x128xf32>
    %sub3A_33 = arith.subf %add3A_24, %sub3A : vector<10000x128xf32>
    %integer_pow3A = arith.mulf %sub3A_33, %sub3A_33 : vector<10000x128xf32>
    %reduce_sum3A_34 = arith.constant dense<0.000000e+00> : vector<128xf32>
    %reduce_sum3A_35 = vector.multi_reduction <add>, %integer_pow3A, %reduce_sum3A_34 [0] : vector<10000x128xf32> to vector<128xf32>
    %div3A_36 = arith.constant 1.000000e+04 : f32
    %div3A_37 = vector.broadcast %div3A_36 : f32 to vector<128xf32>
    %div3A_38 = arith.divf %reduce_sum3A_35, %div3A_37 : vector<128xf32>
    %broadcast_in_dim3A_39 = vector.shape_cast %div3A_31 : vector<128xf32> to vector<1x128xf32>
    %sub3A_40 = vector.broadcast %broadcast_in_dim3A_39 : vector<1x128xf32> to vector<10000x128xf32>
    %sub3A_41 = arith.subf %add3A_24, %sub3A_40 : vector<10000x128xf32>
    %add3A_42 = arith.constant 9.99999974E-6 : f32
    %add3A_43 = vector.broadcast %add3A_42 : f32 to vector<128xf32>
    %add3A_44 = arith.addf %div3A_38, %add3A_43 : vector<128xf32>
    %sqrt3A = math.sqrt %add3A_44 : vector<128xf32>
    %broadcast_in_dim3A_45 = vector.shape_cast %sqrt3A : vector<128xf32> to vector<1x128xf32>
    %div3A_46 = vector.broadcast %broadcast_in_dim3A_45 : vector<1x128xf32> to vector<10000x128xf32>
    %div3A_47 = arith.divf %sub3A_41, %div3A_46 : vector<10000x128xf32>
    %broadcast_in_dim3A_48 = vector.shape_cast %get3A_26 : vector<128xf32> to vector<1x128xf32>
    %mul3A_49 = vector.broadcast %broadcast_in_dim3A_48 : vector<1x128xf32> to vector<10000x128xf32>
    %mul3A_50 = arith.mulf %div3A_47, %mul3A_49 : vector<10000x128xf32>
    %broadcast_in_dim3A_51 = vector.shape_cast %get3A_28 : vector<128xf32> to vector<1x128xf32>
    %add3A_52 = vector.broadcast %broadcast_in_dim3A_51 : vector<1x128xf32> to vector<10000x128xf32>
    %add3A_53 = arith.addf %mul3A_50, %add3A_52 : vector<10000x128xf32>
    %max3A_54 = arith.constant 0.000000e+00 : f32
    %max3A_55 = vector.broadcast %max3A_54 : f32 to vector<10000x128xf32>
    %max3A_56 = arith.maximumf %add3A_53, %max3A_55 : vector<10000x128xf32>
    %swap3A = arith.constant 0 : index
    %swap3A_57 = arith.constant 0 : index
    %swap3A_58 = vector.load %arg6[%swap3A, %swap3A_57] : memref<10000x128xf32, #tpu.memory_space<vmem>>, vector<10000x128xf32>
    tpu.vector_store %arg6[%swap3A, %swap3A_57], %max3A_56 {strides = array<i32>} : memref<10000x128xf32, #tpu.memory_space<vmem>>, vector<10000x128xf32>,
    %slice3A_59 = vector.extract_strided_slice %get3A_3 {offsets = [0, 0, 0, 0], sizes = [1, 1, 10000, 1], strides = [1, 1, 1, 1]} : vector<2x2x10112x128xf32> to vector<1x1x10000x1xf32>
    %squeeze3A_60 = vector.shape_cast %slice3A_59 : vector<1x1x10000x1xf32> to vector<10000xf32>
    %slice3A_61 = vector.extract_strided_slice %get3A_3 {offsets = [1, 0, 0, 0], sizes = [1, 1, 10000, 1], strides = [1, 1, 1, 1]} : vector<2x2x10112x128xf32> to vector<1x1x10000x1xf32>
    %squeeze3A_62 = vector.shape_cast %slice3A_61 : vector<1x1x10000x1xf32> to vector<10000xf32>
    %add3A_63 = arith.addf %squeeze3A_60, %squeeze3A_62 : vector<10000xf32>
    %max3A_64 = arith.constant 1.000000e+00 : f32
    %max3A_65 = vector.broadcast %max3A_64 : f32 to vector<10000xf32>
    %max3A_66 = arith.maximumf %add3A_63, %max3A_65 : vector<10000xf32>
    %rsqrt3A_67 = math.rsqrt %max3A_66 : vector<10000xf32>
    %get3A_68 = arith.constant 0 : index
    %get3A_69 = arith.constant 0 : index
    %get3A_70 = vector.load %arg5[%get3A_68, %get3A_69] : memref<128x128xf32, #tpu.memory_space<vmem>>, vector<128x128xf32>
    %dot_general3A = arith.constant dense<0.000000e+00> : vector<10000x128xf32>
    %dot_general3A_71 = tpu.matmul %max3A_56, %get3A_70, %dot_general3A {dimension_numbers = #tpu.dot_dimension_numbers<[1], [0], [0], [1], [0, 0, 1, 1], [], []>, transpose_lhs_hint = false} : vector<10000x128xf32>, vector<128x128xf32>, vector<10000x128xf32> -> vector<10000x128xf32>
    %broadcast_in_dim3A_72 = vector.shape_cast %rsqrt3A_67 : vector<10000xf32> to vector<10000x1xf32>
    %mul3A_73 = vector.broadcast %broadcast_in_dim3A_72 : vector<10000x1xf32> to vector<10000x128xf32>
    %mul3A_74 = arith.mulf %dot_general3A_71, %mul3A_73 : vector<10000x128xf32>
    %swap3A_75 = arith.constant 0 : index
    %swap3A_76 = arith.constant 0 : index
    %swap3A_77 = vector.load %arg7[%swap3A_75, %swap3A_76] : memref<10016x128xf32, #tpu.memory_space<vmem>>, vector<10000x128xf32>
    tpu.vector_store %arg7[%swap3A_75, %swap3A_76], %mul3A_74 {strides = array<i32>} : memref<10016x128xf32, #tpu.memory_space<vmem>>, vector<10000x128xf32>,
    %broadcast_in_dim3A_78 = arith.constant 0.000000e+00 : f32
    %broadcast_in_dim3A_79 = vector.broadcast %broadcast_in_dim3A_78 : f32 to vector<16x128xf32>
    %swap3A_80 = arith.constant 10000 : index
    %swap3A_81 = arith.constant 0 : index
    %swap3A_82 = vector.load %arg7[%swap3A_80, %swap3A_81] : memref<10016x128xf32, #tpu.memory_space<vmem>>, vector<16x128xf32>
    tpu.vector_store %arg7[%swap3A_80, %swap3A_81], %broadcast_in_dim3A_79 {strides = array<i32>} : memref<10016x128xf32, #tpu.memory_space<vmem>>, vector<16x128xf32>,
    return
  }
}

module attributes {stable_mosaic.version = 14 : i64} {
  func.func @_tc_post_body(%arg0: memref<2x10112x128xf32, #tpu.memory_space<vmem>>, %arg1: memref<2x2x10112x128xf32, #tpu.memory_space<vmem>>, %arg2: memref<128xf32, #tpu.memory_space<vmem>>, %arg3: memref<128xf32, #tpu.memory_space<vmem>>, %arg4: memref<128xf32, #tpu.memory_space<vmem>>, %arg5: memref<10000x128xf32, #tpu.memory_space<vmem>>, %arg6: memref<10000x128xf32, #tpu.memory_space<vmem>>) attributes {dimension_semantics = [], scalar_prefetch = 0 : i64, scratch_operands = 0 : i64, tpu.core_type = #tpu.core_type<tc>} {
    %get3A = arith.constant 0 : index
    %get3A_0 = arith.constant 0 : index
    %get3A_1 = arith.constant 0 : index
    %get3A_2 = arith.constant 0 : index
    %get3A_3 = vector.load %arg1[%get3A, %get3A_0, %get3A_1, %get3A_2] : memref<2x2x10112x128xf32, #tpu.memory_space<vmem>>, vector<2x2x10112x128xf32>
    %slice3A = vector.extract_strided_slice %get3A_3 {offsets = [0, 1, 0, 0], sizes = [1, 1, 10000, 1], strides = [1, 1, 1, 1]} : vector<2x2x10112x128xf32> to vector<1x1x10000x1xf32>
    %squeeze3A = vector.shape_cast %slice3A : vector<1x1x10000x1xf32> to vector<10000xf32>
    %slice3A_4 = vector.extract_strided_slice %get3A_3 {offsets = [1, 1, 0, 0], sizes = [1, 1, 10000, 1], strides = [1, 1, 1, 1]} : vector<2x2x10112x128xf32> to vector<1x1x10000x1xf32>
    %squeeze3A_5 = vector.shape_cast %slice3A_4 : vector<1x1x10000x1xf32> to vector<10000xf32>
    %add3A = arith.addf %squeeze3A, %squeeze3A_5 : vector<10000xf32>
    %max3A = arith.constant 1.000000e+00 : f32
    %max3A_6 = vector.broadcast %max3A : f32 to vector<10000xf32>
    %max3A_7 = arith.maximumf %add3A, %max3A_6 : vector<10000xf32>
    %rsqrt3A = math.rsqrt %max3A_7 : vector<10000xf32>
    %get3A_8 = arith.constant 0 : index
    %get3A_9 = arith.constant 0 : index
    %get3A_10 = arith.constant 0 : index
    %get3A_11 = vector.load %arg0[%get3A_8, %get3A_9, %get3A_10] : memref<2x10112x128xf32, #tpu.memory_space<vmem>>, vector<1x10000x128xf32>
    %get3A_12 = vector.shape_cast %get3A_11 : vector<1x10000x128xf32> to vector<10000x128xf32>
    %get3A_13 = arith.constant 1 : index
    %get3A_14 = arith.constant 0 : index
    %get3A_15 = arith.constant 0 : index
    %get3A_16 = vector.load %arg0[%get3A_13, %get3A_14, %get3A_15] : memref<2x10112x128xf32, #tpu.memory_space<vmem>>, vector<1x10000x128xf32>
    %get3A_17 = vector.shape_cast %get3A_16 : vector<1x10000x128xf32> to vector<10000x128xf32>
    %add3A_18 = arith.addf %get3A_12, %get3A_17 : vector<10000x128xf32>
    %broadcast_in_dim3A = vector.shape_cast %rsqrt3A : vector<10000xf32> to vector<10000x1xf32>
    %mul3A = vector.broadcast %broadcast_in_dim3A : vector<10000x1xf32> to vector<10000x128xf32>
    %mul3A_19 = arith.mulf %add3A_18, %mul3A : vector<10000x128xf32>
    %get3A_20 = arith.constant 0 : index
    %get3A_21 = vector.load %arg2[%get3A_20] : memref<128xf32, #tpu.memory_space<vmem>>, vector<128xf32>
    %broadcast_in_dim3A_22 = vector.shape_cast %get3A_21 : vector<128xf32> to vector<1x128xf32>
    %add3A_23 = vector.broadcast %broadcast_in_dim3A_22 : vector<1x128xf32> to vector<10000x128xf32>
    %add3A_24 = arith.addf %mul3A_19, %add3A_23 : vector<10000x128xf32>
    %get3A_25 = arith.constant 0 : index
    %get3A_26 = vector.load %arg3[%get3A_25] : memref<128xf32, #tpu.memory_space<vmem>>, vector<128xf32>
    %get3A_27 = arith.constant 0 : index
    %get3A_28 = vector.load %arg4[%get3A_27] : memref<128xf32, #tpu.memory_space<vmem>>, vector<128xf32>
    %reduce_sum3A = arith.constant dense<0.000000e+00> : vector<128xf32>
    %reduce_sum3A_29 = vector.multi_reduction <add>, %add3A_24, %reduce_sum3A [0] : vector<10000x128xf32> to vector<128xf32>
    %div3A = arith.constant 1.000000e+04 : f32
    %div3A_30 = vector.broadcast %div3A : f32 to vector<128xf32>
    %div3A_31 = arith.divf %reduce_sum3A_29, %div3A_30 : vector<128xf32>
    %broadcast_in_dim3A_32 = vector.shape_cast %div3A_31 : vector<128xf32> to vector<1x128xf32>
    %sub3A = vector.broadcast %broadcast_in_dim3A_32 : vector<1x128xf32> to vector<10000x128xf32>
    %sub3A_33 = arith.subf %add3A_24, %sub3A : vector<10000x128xf32>
    %integer_pow3A = arith.mulf %sub3A_33, %sub3A_33 : vector<10000x128xf32>
    %reduce_sum3A_34 = arith.constant dense<0.000000e+00> : vector<128xf32>
    %reduce_sum3A_35 = vector.multi_reduction <add>, %integer_pow3A, %reduce_sum3A_34 [0] : vector<10000x128xf32> to vector<128xf32>
    %div3A_36 = arith.constant 1.000000e+04 : f32
    %div3A_37 = vector.broadcast %div3A_36 : f32 to vector<128xf32>
    %div3A_38 = arith.divf %reduce_sum3A_35, %div3A_37 : vector<128xf32>
    %broadcast_in_dim3A_39 = vector.shape_cast %div3A_31 : vector<128xf32> to vector<1x128xf32>
    %sub3A_40 = vector.broadcast %broadcast_in_dim3A_39 : vector<1x128xf32> to vector<10000x128xf32>
    %sub3A_41 = arith.subf %add3A_24, %sub3A_40 : vector<10000x128xf32>
    %add3A_42 = arith.constant 9.99999974E-6 : f32
    %add3A_43 = vector.broadcast %add3A_42 : f32 to vector<128xf32>
    %add3A_44 = arith.addf %div3A_38, %add3A_43 : vector<128xf32>
    %sqrt3A = math.sqrt %add3A_44 : vector<128xf32>
    %broadcast_in_dim3A_45 = vector.shape_cast %sqrt3A : vector<128xf32> to vector<1x128xf32>
    %div3A_46 = vector.broadcast %broadcast_in_dim3A_45 : vector<1x128xf32> to vector<10000x128xf32>
    %div3A_47 = arith.divf %sub3A_41, %div3A_46 : vector<10000x128xf32>
    %broadcast_in_dim3A_48 = vector.shape_cast %get3A_26 : vector<128xf32> to vector<1x128xf32>
    %mul3A_49 = vector.broadcast %broadcast_in_dim3A_48 : vector<1x128xf32> to vector<10000x128xf32>
    %mul3A_50 = arith.mulf %div3A_47, %mul3A_49 : vector<10000x128xf32>
    %broadcast_in_dim3A_51 = vector.shape_cast %get3A_28 : vector<128xf32> to vector<1x128xf32>
    %add3A_52 = vector.broadcast %broadcast_in_dim3A_51 : vector<1x128xf32> to vector<10000x128xf32>
    %add3A_53 = arith.addf %mul3A_50, %add3A_52 : vector<10000x128xf32>
    %get3A_54 = arith.constant 0 : index
    %get3A_55 = arith.constant 0 : index
    %get3A_56 = vector.load %arg5[%get3A_54, %get3A_55] : memref<10000x128xf32, #tpu.memory_space<vmem>>, vector<10000x128xf32>
    %add3A_57 = arith.addf %add3A_53, %get3A_56 : vector<10000x128xf32>
    %max3A_58 = arith.constant 0.000000e+00 : f32
    %max3A_59 = vector.broadcast %max3A_58 : f32 to vector<10000x128xf32>
    %max3A_60 = arith.maximumf %add3A_57, %max3A_59 : vector<10000x128xf32>
    %swap3A = arith.constant 0 : index
    %swap3A_61 = arith.constant 0 : index
    %swap3A_62 = vector.load %arg6[%swap3A, %swap3A_61] : memref<10000x128xf32, #tpu.memory_space<vmem>>, vector<10000x128xf32>
    tpu.vector_store %arg6[%swap3A, %swap3A_61], %max3A_60 {strides = array<i32>} : memref<10000x128xf32, #tpu.memory_space<vmem>>, vector<10000x128xf32>,
    return
  }
}

</mosaic_0001>

<sc_bundles>
// kernel: kernel.11.cloned.1.call-start
scs
__scs_entry_jumppad:
0x0: {  	(pc) =	sbr.rel $0x88, $3  }
0x1: {  	(tag) =	ssettag $0x0;
	lr =	simm.s32 $0x1  }
0x2: {  	[smem:$0x3F97] =	sst lr;
	_ =	strace $0xD0000000  }
0x3: {  	_ = 	snop  }
0x4: {  	_ = 	snop  }
0x5: {  	_ = 	snop  }
0x6: {  	_ = 	snop  }
0x7: {  	_ = 	snop  }
__scs_overlays_trampoline_lowered:
0x8: {  	[smem:$0x3FA6] =	sst s0  }
0x9: {  	[smem:$0x3FA7] =	sst s1  }
0xa: {  	[smem:$0x3FA8] =	sst s2  }
0xb: {  	[smem:$0x3FA9] =	sst s3  }
0xc: {  	[smem:$0x3FAA] =	sst s4  }
0xd: {  	[smem:$0x3FAB] =	sst s5  }
0xe: {  	[smem:$0x3FAC] =	sst s6  }
0xf: {  	[smem:$0x3FAD] =	sst s7  }
0x10: {  	[smem:$0x3FAE] =	sst s8  }
0x11: {  	[smem:$0x3FAF] =	sst s9;
	s0 =	simm.s32 @!p0 $0x0  }
0x12: {  	s1 =	sld [smem:$0x3F95];
	s0 =	simm.s32 @p0 $0x1  }
0x13: {  	[smem:$0x3FB0] =	sst s0;
	s0 =	simm.s32 @!p1 $0x0  }
0x14: {  	s2 =	sld [smem:$0x3F94];
	s0 =	simm.s32 @p1 $0x1  }
0x15: {  	[smem:$0x3FB1] =	sst s0;
	s0 =	simm.s32 @!p2 $0x0  }
0x16: {  	s3 =	sld [smem:$0x3FDB];
	s0 =	simm.s32 @p2 $0x1  }
0x17: {  	s4 =	simm.s32 $0x1BF5;
	[smem:$0x3FB3] =	sst s0  }
0x18: {  	s0 =	sld [smem:$0x3F96];
	_ =	swait.ge [sflag:s4], $0x0  }
0x19: {  	s7 =	sld [smem:$0x3F97]  }
0x1a: {  	s8 =	sadd.s32 $0xFFFFE003, lr  }
0x1b: {  	s9 =	sadd.s32 $0xFFFFFEF7, lr;
	s5 =	simm.s32 $0xFFFFFFFF;
	p2 =	slt.u32 s8, $0xFFFFF086  }
0x1c: {  	p1 =	slt.u32 s9, $0xF7A;
	s5 =	simm.s32 @!p2 $0x0  }
0x1d: {  	s5 =	simm.s32 @p1 $0x1;
	p0 =	seq.s32 s7, s2  }
0x1e: {  	s7 =	smul.u32 @!p0 $0xF7A, s2;
	p2 =	seq.s32 @!p0 s5, $0x0  }
0x1f: {  	s9 =	smul.u32 $0xF7A, s1;
	s8 =	simm.s32 @!p0 $0x1BF5;
	p2 =	por !p2, p0  }
0x20: {  	[sflag:s8] =	ssyncset.s32 @!p0 $0xFFFFF086;
	s6 =	sadd.s32 @!p0 s3, s7;
	s7 =	simm.s32 @!p0 $0x108  }
0x21: {  	s3 =	sadd.s32 s3, s9;
	s6 =	sadd.s32 @!p0 $0x88, s6;
	s7 =	simm.s32 @p2 $0x1082  }
0x22: {  	[simem:s7], [sflag:s8] =	dma.local @!p0 [hbm:s6], $0xF7A  }
0x23: {  	s9 =	sor.u32 $0xD0000000, s2;
	s6 =	simm.s32 $0x108;
	_ =	swait.ge @!p0 [sflag:s8], $0x0  }
0x24: {  	s3 =	sadd.s32 $0x88, s3;
	s6 =	simm.s32 @!p1 $0x1082;
	[sflag:s4] =	ssyncset.s32 $0xFFFFF086  }
0x25: {  	[simem:s6], [sflag:s4] =	dma.local [hbm:s3], $0xF7A  }
0x26: {  	[smem:$0x3F97] =	sst s1;
	(tag) =	ssettag s2;
	_ =	strace s9  }
0x27: {  	s1 =	sld [smem:$0x3FA7]  }
0x28: {  	s2 =	sld [smem:$0x3FA8]  }
0x29: {  	s4 =	sld [smem:$0x3FAA]  }
0x2a: {  	p0 =	seq.s32 s5, $0x0;
	s5 =	sld [smem:$0x3FAB]  }
0x2b: {  	s6 =	sld [smem:$0x3FAC]  }
0x2c: {  	s7 =	sld [smem:$0x3FAD]  }
0x2d: {  	s3 =	simm.s32 $0x108;
	s8 =	sld [smem:$0x3FAE]  }
0x2e: {  	s3 =	simm.s32 @!p0 $0x1082;
	s9 =	sld [smem:$0x3FAF]  }
0x2f: {  	lr =	sadd.s32 s0, s3;
	s0 =	sld [smem:$0x3FA6]  }
0x30: {  	s3 =	sld [smem:$0x3FA9]  }
0x31: {  	[smem:$0x3FB2] =	sst s10  }
0x32: {  	s10 =	sld [smem:$0x3FB0];
	_ =	sdelay $0x3  }
0x33: {  	p0 =	seq.s32 s10, $0x1;
	s10 =	sld [smem:$0x3FB2];
	_ =	sdelay $0x3  }
0x34: {  	[smem:$0x3FB2] =	sst s10  }
0x35: {  	s10 =	sld [smem:$0x3FB1];
	_ =	sdelay $0x3  }
0x36: {  	p1 =	seq.s32 s10, $0x1;
	s10 =	sld [smem:$0x3FB2];
	_ =	sdelay $0x3  }
0x37: {  	[smem:$0x3FB2] =	sst s10  }
0x38: {  	s10 =	sld [smem:$0x3FB3]  }
0x39: {  	_ = 	snop;
	(pc) =	sbr.ind lr, $3  }
0x3a: {  	_ = 	snop  }
0x3b: {  	_ = 	snop  }
0x3c: {  	p2 =	seq.s32 s10, $0x1;
	s10 =	sld [smem:$0x3FB2]  }
0x3d: {  	_ =	shalt  }
0x3e: {  	_ =	shalt  }
0x3f: {  	_ =	shalt  }
0x40: {  	_ =	shalt  }
0x41: {  	_ =	shalt  }
0x42: {  	_ =	shalt  }
0x43: {  	_ =	shalt  }
0x44: {  	_ =	shalt  }
0x45: {  	_ =	shalt  }
0x46: {  	_ =	shalt  }
0x47: {  	_ =	shalt  }
0x48: {  	_ =	shalt  }
0x49: {  	_ =	shalt  }
0x4a: {  	_ =	shalt  }
0x4b: {  	_ =	shalt  }
0x4c: {  	_ =	shalt  }
0x4d: {  	_ =	shalt  }
0x4e: {  	_ =	shalt  }
0x4f: {  	_ =	shalt  }
0x50: {  	_ =	shalt  }
0x51: {  	_ =	shalt  }
0x52: {  	_ =	shalt  }
0x53: {  	_ =	shalt  }
0x54: {  	_ =	shalt  }
0x55: {  	_ =	shalt  }
0x56: {  	_ =	shalt  }
0x57: {  	_ =	shalt  }
0x58: {  	_ =	shalt  }
0x59: {  	_ =	shalt  }
0x5a: {  	_ =	shalt  }
0x5b: {  	_ =	shalt  }
0x5c: {  	_ =	shalt  }
0x5d: {  	_ =	shalt  }
0x5e: {  	_ =	shalt  }
0x5f: {  	_ =	shalt  }
0x60: {  	_ =	shalt  }
0x61: {  	_ =	shalt  }
0x62: {  	_ =	shalt  }
0x63: {  	_ =	shalt  }
0x64: {  	_ =	shalt  }
0x65: {  	_ =	shalt  }
0x66: {  	_ =	shalt  }
0x67: {  	_ =	shalt  }
0x68: {  	_ =	shalt  }
0x69: {  	_ =	shalt  }
0x6a: {  	_ =	shalt  }
0x6b: {  	_ =	shalt  }
0x6c: {  	_ =	shalt  }
0x6d: {  	_ =	shalt  }
0x6e: {  	_ =	shalt  }
0x6f: {  	_ =	shalt  }
0x70: {  	_ =	shalt  }
0x71: {  	_ =	shalt  }
0x72: {  	_ =	shalt  }
0x73: {  	_ =	shalt  }
0x74: {  	_ =	shalt  }
0x75: {  	_ =	shalt  }
0x76: {  	_ =	shalt  }
0x77: {  	_ =	shalt  }
0x78: {  	_ =	shalt  }
0x79: {  	_ =	shalt  }
0x7a: {  	_ =	shalt  }
0x7b: {  	_ =	shalt  }
0x7c: {  	_ =	shalt  }
0x7d: {  	_ =	shalt  }
0x7e: {  	_ =	shalt  }
0x7f: {  	_ =	shalt  }
0x80: {  	_ =	shalt  }
0x81: {  	_ =	shalt  }
0x82: {  	_ =	shalt  }
0x83: {  	_ =	shalt  }
0x84: {  	_ =	shalt  }
0x85: {  	_ =	shalt  }
0x86: {  	_ =	shalt  }
0x87: {  	_ =	shalt  }
.Lfunc_end0:
.L_simem_size_0:
called_computation.1_lowered:
.L_overlay_start_0:
0x88: {  	s2 =	sld [smem:$0x3FD9]  }
0x89: {  	s3 =	sld [smem:$0x3FFE];
	_ =	sdelay $0x1  }
0x8a: {  	s1 =	srdreg.scid  }
0x8b: {  	s0 =	sand.u32 $0x1, s1  }
0x8c: {  	s17 =	sshll.u32 s0, $0xA;
	s2 =	sadd.s32 s3, s2  }
0x8d: {  	s2 =	sadd.s32 s2, s17  }
0x8e: {  	[smem:$0x3FBE] =	sst s2  }
0x8f: {  	_ = 	snop  }
0x90: {  	s2 =	sld [smem:$0x3FD0];
	(tm) =	ssettm $0x1  }
0x91: {  	s18 =	sld [smem:$0x3FFB];
	_ =	sdelay $0x3  }
0x92: {  	_ =	strace s18  }
0x93: {  	s3 =	sld [smem:$0x3FFC];
	_ =	sdelay $0x3  }
0x94: {  	_ =	strace s3  }
0x95: {  	s3 =	sld [smem:$0x3FFD];
	_ =	sdelay $0x3  }
0x96: {  	_ =	strace s3  }
0x97: {  	_ =	strace $0x8FFFFFFF  }
0x98: {  	s19 =	sld [smem:$0x3FDB];
	_ =	sdelay $0x1  }
0x99: {  	s4 =	simm.s32 $_scs_section_size  }
0x9a: {  	s5 =	simm.s32 $_size__tile_overlayer_lowered;
	s6 =	simm.s32 $_tile_overlayer_lowered  }
0x9b: {  	s22 =	simm.s32 $0x1BFF;
	s21 =	sshll.u32 s6, $0x1;
	s3 =	sadd.s32 s4, s19  }
0x9c: {  	s7 =	simm.s32 $0x0;
	s20 =	sshll.u32 s5, $0x1;
	s5 =	sadd.s32 s21, s3  }
0x9d: {  	[timem:s7], [sflag:s22] =	dma.local [hbm:s5], s20  }
0x9e: {  	_ =	swait.ge [sflag:s22], s20  }
0x9f: {  	s4 =	ssub.s32 $0x0, s20;
	[sflag:s22] =	ssyncset.done $0x0  }
0xa0: {  	[sflag:s22] =	ssyncadd.s32 s4;
	_ =	sdelay $0x1  }
0xa1: {  	s23 =	simm.s32 $0x1B8B  }
0xa2: {  	_ =	swait.ge [sflag:s23], $0x1  }
0xa3: {  	[sflag:s23] =	ssyncset.done $0x0  }
0xa4: {  	s25 =	simm.s32 $0x1B8E;
	s24 =	sld [smem:$0x3FFE];
	[sflag:s23] =	ssyncadd.s32 $0xFFFFFFFF  }
0xa5: {  	s26 =	simm.s32 $execute0_lowered;
	[smem:$0x3FD2] =	sst s25  }
0xa6: {  	s5 =	sshll.u32 s26, $0x1;
	_ =	strace $0x80000049;
	[dreg:$0x1] =	wrdreg $0xFFFFFFFF  }
0xa7: {  	s28 =	simm.s32 $_size_execute0_lowered;
	s3 =	sadd.s32 s3, s5;
	[dreg:$0x0] =	wrdreg $0x0  }
0xa8: {  	s5 =	sshll.u32 s28, $0x1;
	[dreg:$0x2] =	wrdreg s3  }
0xa9: {  	[dreg:$0x3] =	wrdreg s5  }
0xaa: {  	[dreg:$0x4] =	wrdreg $0xC0  }
0xab: {  	_ =	task [dreg:s7], $0x5FFFF  }
0xac: {  	[dreg:$0x1] =	wrdreg $0xFFFFFFFF  }
0xad: {  	[dreg:$0x0] =	wrdreg $0x60  }
0xae: {  	[dreg:$0x2] =	wrdreg s24  }
0xaf: {  	[dreg:$0x3] =	wrdreg s2  }
0xb0: {  	[dreg:$0x4] =	wrdreg $0xC2000  }
0xb1: {  	[dreg:$0x5] =	wrdreg $0x9  }
0xb2: {  	_ =	task.clear_ibuf [dreg:s7], $0x6FFFF;
	_ =	strace $0x90000049  }
0xb3: {  	s29 =	simm.s32 $0x9;
	_ =	strace $0x8000004B  }
0xb4: {  	_ =	swait.ge [sflag:s29], $0x1  }
0xb5: {  	[sflag:s29] =	ssyncadd.s32 $0xFFFFFFFF  }
0xb6: {  	_ =	strace $0x9000004B  }
0xb7: {  	_ =	sfence  }
0xb8: {  	s30 =	sld [smem:$0x0];
	_ =	sdelay $0x2  }
0xb9: {  	s31 =	sshll.u32 s1, $0xD;
	s1 =	sshrl.u32 s1, $0x2  }
0xba: {  	s3 =	sand.u32 $0x4000, s31;
	s1 =	sadd.s32 s1, s30  }
0xbb: {  	s0 =	sor.u32 s3, s0;
	s1 =	sshll.u32 s1, $0x11  }
0xbc: {  	s0 =	sor.u32 s1, s0  }
0xbd: {  	s0 =	sadd.s32 $0x8F2B, s0  }
0xbe: {  	[sflag:s0] =	ssyncadd.remote.s32 $0x1  }
0xbf: {  	_ =	sfence.sel $0xFFFF  }
0xc0: {  	[dreg:$0x0] =	wrdreg $0xFFFFFFFF;
	(pc) =	sbr.abs _section_cstart, $3  }
0xc1: {  	[dreg:$0x1] =	wrdreg $0xFFFFFFFF  }
0xc2: {  	_ =	task.clear_ibuf [dreg:s7], $0x2FFFF;
	_ =	strace $0x9FFFFFFF  }
0xc3: {  	(tm) =	ssettm $0x7FFFFFFF  }
tec
execute0_lowered:
.L_overlay_start_1:
0x0: {  	(tag) =	ssettag $0x1  }
0x1: {  	s5 =	rddreg [dreg:$0x0]  }
0x2: {  	s6 =	rddreg [dreg:$0x1];
	s0 =	srdreg.scid  }
0x3: {  	s2 =	rddreg [dreg:$0x2];
	s1 =	stileid.u32  }
0x4: {  	s3 =	simm.s32 $0x0;
	s14 =	simm.s32 $0x4;
	s15 =	simm.s32 $0x8200  }
0x5: {  	s16 =	simm.s32 $0x3;
	s17 =	simm.s32 $0x80;
	s18 =	simm.s32 $0x4000  }
0x6: {  	s19 =	simm.s32 $0x4200;
	s20 =	simm.s32 $0x4080;
	s21 =	simm.s32 $0x1  }
0x7: {  	s22 =	simm.s32 $0x4100;
	s23 =	simm.s32 $0x2;
	s24 =	simm.s32 $0x4180  }
0x8: {  	s11 =	sand.u32 $0x1, s0;
	s0 =	rddreg [dreg:$0x3];
	s8 =	smul.u32 $0x13C00, s1  }
0x9: {  	s25 =	simm.s32 $0x0;
	[smem:$0x7FF] =	sst s3;
	s9 =	smul.u32 $0x4F000, s1  }
0xa: {  	s4 =	sadd.s32 $0xAAE00, s5;
	s30 =	sshll.u32 s1, $0xB;
	s7 =	smul.u32 $0x13C000, s11  }
0xb: {  	_ =	strace $0x8000004A;
	s28 =	ssub.s32 $0x2, s11;
	s10 =	sshll.u32 s11, $0xF  }
0xc: {  	s6 =	sadd.s32 s6, s30;
	p0 =	seq.s32 s11, $0x0;
	s11 =	simm.s32 $0xF  }
0xd: {  	s29 =	sshrl.u32 s28, $0x1;
	s31 =	sshrl.u32 s9, $0x2;
	s7 =	sadd.s32 s8, s7  }
0xe: {  	s11 =	simm.s32 @!p0 $0x3F;
	s13 =	ssub.s32 s28, s29;
	s7 =	sshrl.u32 s7, $0x3  }
0xf: {  	s12 =	sadd.s32 s7, s5;
	s5 =	sadd.s32 s10, s6;
	s6 =	sadd.s32 s31, s2  }
0x10: {  	s13 =	smax.u32 s13, $0x1;
	s7 =	sadd.s32 $0x4000, s6;
	s8 =	sadd.s32 $0x8000, s6  }
0x11: {  	v0 =	vimm.f32 $0.0e+00;
	s9 =	sadd.s32 $0xC000, s6;
	s10 =	sadd.s32 $0x10000, s6;
	s12 =	sadd.s32 $0xD2000, s12  }
.LBB2_1:
0x12: {  	[tilespmem:s3], [sflag:$0x4] =	stream.linear.gather [hbm4b:s5+s3], $0x4000, $0x38;
	[tilespmem:$0x1FE00] =	vst v63  }
0x13: {  	_ =	swait.ge [sflag:s14], $0x4000  }
0x14: {  	[sflag:s14] =	ssyncset.done $0x0  }
0x15: {  	s26 =	simm.s32 $0x0;
	s28 =	simm.s32 $0x200;
	[sflag:s14] =	ssyncadd.s32 $0xFFFFC000  }
.LBB2_2:
0x16: {  	p0 =	sne.s32 s28, $0xFE00;
	[tilespmem:s26+$0x8270] =	vst v0  }
0x17: {  	[tilespmem:s26+$0x8200] =	vst v0  }
0x18: {  	[tilespmem:s26+$0x8210] =	vst v0  }
.Ltmp0:
0x19: {  	[tilespmem:s26+$0x8220] =	vst v0;
	(pc) =	sbr.rel @p0 .LBB2_2-.Ltmp0, $4  }
0x1a: {  	[tilespmem:s26+$0x8230] =	vst v0  }
0x1b: {  	[tilespmem:s26+$0x8240] =	vst v0  }
0x1c: {  	[tilespmem:s26+$0x8250] =	vst v0  }
0x1d: {  	[tilespmem:s26+$0x8260] =	vst v0;
	s26 =	sshra.s32 s28, $0x2;
	s28 =	sadd.s32 $0x200, s28  }
0x1e: {  	[tilespmem:s26+$0x8270] =	vst v0  }
0x1f: {  	[tilespmem:s26+$0x8200] =	vst v0  }
0x20: {  	[tilespmem:s26+$0x8210] =	vst v0  }
0x21: {  	[tilespmem:s26+$0x8220] =	vst v0  }
0x22: {  	[tilespmem:s26+$0x8230] =	vst v0  }
0x23: {  	[tilespmem:s26+$0x8240] =	vst v0  }
0x24: {  	[tilespmem:s26+$0x8250] =	vst v0  }
0x25: {  	[tilespmem:s26+$0x8260] =	vst v0  }
0x26: {  	[spmem:s6] =	stream.linear.scatter [tilespmem:s15], [sflag:$0x3], $0x4000, $0x38;
	[tilespmem:$0x1FE00] =	vst v63  }
0x27: {  	_ = 	snop  }
0x28: {  	[spmem:s7] =	stream.linear.scatter [tilespmem:s15], [sflag:$0x3], $0x4000, $0x38;
	[tilespmem:$0x1FE00] =	vst v63  }
0x29: {  	_ = 	snop  }
0x2a: {  	[spmem:s8] =	stream.linear.scatter [tilespmem:s15], [sflag:$0x3], $0x4000, $0x38;
	[tilespmem:$0x1FE00] =	vst v63  }
0x2b: {  	_ = 	snop  }
0x2c: {  	[spmem:s9] =	stream.linear.scatter [tilespmem:s15], [sflag:$0x3], $0x4000, $0x38;
	[tilespmem:$0x1FE00] =	vst v63  }
0x2d: {  	_ = 	snop  }
0x2e: {  	[spmem:s10] =	stream.linear.scatter [tilespmem:s15], [sflag:$0x3], $0x3C00, $0x38;
	[tilespmem:$0x1FE00] =	vst v63  }
0x2f: {  	_ =	swait.ge [sflag:s16], $0x4000  }
0x30: {  	[sflag:s16] =	ssyncset.done $0x0  }
0x31: {  	[sflag:s16] =	ssyncadd.s32 $0xFFFFC000  }
0x32: {  	_ =	swait.ge [sflag:s16], $0x4000  }
0x33: {  	[sflag:s16] =	ssyncset.done $0x0  }
0x34: {  	[sflag:s16] =	ssyncadd.s32 $0xFFFFC000  }
0x35: {  	_ =	swait.ge [sflag:s16], $0x4000  }
0x36: {  	[sflag:s16] =	ssyncset.done $0x0  }
0x37: {  	[sflag:s16] =	ssyncadd.s32 $0xFFFFC000  }
0x38: {  	_ =	swait.ge [sflag:s16], $0x4000  }
0x39: {  	[sflag:s16] =	ssyncset.done $0x0  }
0x3a: {  	[sflag:s16] =	ssyncadd.s32 $0xFFFFC000  }
0x3b: {  	_ =	swait.ge [sflag:s16], $0x3C00  }
0x3c: {  	[sflag:s16] =	ssyncset.done $0x0  }
0x3d: {  	[sflag:s16] =	ssyncadd.s32 $0xFFFFC400  }
0x3e: {  	[bflag:$0x0] =	sbarrier.arrive $0xFFFF  }
0x3f: {  	v1 =	vld [tilespmem:$0x0];
	_ =	sdelay $0x1  }
0x40: {  	v2 =	vld [tilespmem:$0x10];
	_ =	sdelay $0x1  }
0x41: {  	v3 =	vld [tilespmem:$0x20]  }
0x42: {  	v4 =	vshrl.u32 v1, $0xE  }
0x43: {  	v59 =	vld [tilespmem:$0x30];
	v1 =	vand.u32 $0x3FFF, v1;
	[tilespmem:$0x4000] =	vst v4  }
0x44: {  	[tilespmem:$0x4100] =	vst v1;
	v1 =	vshrl.u32 v2, $0xE  }
0x45: {  	[tilespmem:$0x4010] =	vst v1;
	v1 =	vand.u32 $0x3FFF, v2;
	v2 =	vld [tilespmem:$0x40]  }
0x46: {  	[tilespmem:$0x4110] =	vst v1;
	v1 =	vshrl.u32 v3, $0xE  }
0x47: {  	[tilespmem:$0x4020] =	vst v1;
	v1 =	vand.u32 $0x3FFF, v3;
	v3 =	vld [tilespmem:$0x50]  }
0x48: {  	[tilespmem:$0x4120] =	vst v1;
	v1 =	vshrl.u32 v59, $0xE  }
0x49: {  	v60 =	vld [tilespmem:$0x60];
	[tilespmem:$0x4030] =	vst v1;
	v1 =	vand.u32 $0x3FFF, v59  }
0x4a: {  	[tilespmem:$0x4130] =	vst v1;
	v1 =	vshrl.u32 v2, $0xE  }
0x4b: {  	[tilespmem:$0x4040] =	vst v1;
	v1 =	vand.u32 $0x3FFF, v2;
	v2 =	vld [tilespmem:$0x70]  }
0x4c: {  	[tilespmem:$0x4140] =	vst v1;
	v1 =	vshrl.u32 v3, $0xE  }
0x4d: {  	[tilespmem:$0x4050] =	vst v1;
	v1 =	vand.u32 $0x3FFF, v3  }
0x4e: {  	[tilespmem:$0x4150] =	vst v1;
	v1 =	vshrl.u32 v60, $0xE  }
0x4f: {  	[tilespmem:$0x4060] =	vst v1;
	v1 =	vand.u32 $0x3FFF, v60  }
0x50: {  	[tilespmem:$0x4160] =	vst v1;
	v1 =	vshrl.u32 v2, $0xE  }
0x51: {  	[tilespmem:$0x4070] =	vst v1;
	v1 =	vand.u32 $0x3FFF, v2  }
0x52: {  	[tilespmem:$0x4170] =	vst v1  }
0x53: {  	[tilespmem:s19], [sflag:$0x1] =	stream.indirect.gather [hbm4b:s4+s17], $0x80, s18, s17, $0xb8;
	[tilespmem:$0x1FE00] =	vst v63  }
0x54: {  	v1 =	vld [tilespmem:$0x80];
	_ =	sdelay $0x1  }
0x55: {  	v2 =	vld [tilespmem:$0x90];
	_ =	sdelay $0x1  }
0x56: {  	v3 =	vld [tilespmem:$0xA0]  }
0x57: {  	v61 =	vshrl.u32 v1, $0xE  }
0x58: {  	v62 =	vld [tilespmem:$0xB0];
	v1 =	vand.u32 $0x3FFF, v1;
	[tilespmem:$0x4080] =	vst v61  }
0x59: {  	[tilespmem:$0x4180] =	vst v1;
	v1 =	vshrl.u32 v2, $0xE  }
0x5a: {  	[tilespmem:$0x4090] =	vst v1;
	v1 =	vand.u32 $0x3FFF, v2;
	v2 =	vld [tilespmem:$0xC0]  }
0x5b: {  	[tilespmem:$0x4190] =	vst v1;
	v1 =	vshrl.u32 v3, $0xE  }
0x5c: {  	[tilespmem:$0x40A0] =	vst v1;
	v1 =	vand.u32 $0x3FFF, v3;
	v3 =	vld [tilespmem:$0xD0]  }
0x5d: {  	[tilespmem:$0x41A0] =	vst v1;
	v1 =	vshrl.u32 v62, $0xE  }
0x5e: {  	v63 =	vld [tilespmem:$0xE0];
	[tilespmem:$0x40B0] =	vst v1;
	v1 =	vand.u32 $0x3FFF, v62  }
0x5f: {  	[tilespmem:$0x41B0] =	vst v1;
	v1 =	vshrl.u32 v2, $0xE  }
0x60: {  	[tilespmem:$0x40C0] =	vst v1;
	v1 =	vand.u32 $0x3FFF, v2;
	v2 =	vld [tilespmem:$0xF0]  }
0x61: {  	[tilespmem:$0x41C0] =	vst v1;
	v1 =	vshrl.u32 v3, $0xE  }
0x62: {  	[tilespmem:$0x40D0] =	vst v1;
	v1 =	vand.u32 $0x3FFF, v3  }
0x63: {  	[tilespmem:$0x41D0] =	vst v1;
	v1 =	vshrl.u32 v63, $0xE  }
0x64: {  	[tilespmem:$0x40E0] =	vst v1;
	v1 =	vand.u32 $0x3FFF, v63  }
0x65: {  	[tilespmem:$0x41E0] =	vst v1;
	v1 =	vshrl.u32 v2, $0xE  }
0x66: {  	[tilespmem:$0x40F0] =	vst v1;
	v1 =	vand.u32 $0x3FFF, v2  }
0x67: {  	[tilespmem:$0x41F0] =	vst v1  }
0x68: {  	[tilespmem:s15], [sflag:$0x2] =	stream.indirect.gather [hbm4b:s4+s17], $0x80, s20, s17, $0xb8;
	[tilespmem:$0x1FE00] =	vst v63  }
0x69: {  	_ =	swait.ge [sflag:s21], $0x4000  }
0x6a: {  	[sflag:s21] =	ssyncset.done $0x0  }
0x6b: {  	[sflag:s21] =	ssyncadd.s32 $0xFFFFC000  }
0x6c: {  	[spmem:s2] =	stream.indirect.scatter.add.f32 [tilespmem:s19], [sflag:$0x4], $0x80, s22, s17, $0xb8;
	[tilespmem:$0x1FE00] =	vst v63  }
0x6d: {  	_ =	swait.ge [sflag:s14], $0x4000  }
0x6e: {  	[sflag:s14] =	ssyncset.done $0x0  }
0x6f: {  	s26 =	simm.s32 $0x1F0;
	[sflag:s14] =	ssyncadd.s32 $0xFFFFC000  }
0x70: {  	v1 =	vld [tilespmem:s26+$0xFFFFFF10];
	_ =	sdelay $0x4  }
0x71: {  	v2 =	vshrl.u32 v1, $0xE  }
0x72: {  	v1 =	vand.u32 $0x3FFF, v1;
	[tilespmem:$0x4000] =	vst v2  }
0x73: {  	[tilespmem:$0x4100] =	vst v1  }
0x74: {  	v1 =	vld [tilespmem:s26+$0xFFFFFF20];
	_ =	sdelay $0x4  }
0x75: {  	v2 =	vshrl.u32 v1, $0xE  }
0x76: {  	v1 =	vand.u32 $0x3FFF, v1;
	[tilespmem:$0x4010] =	vst v2  }
0x77: {  	[tilespmem:$0x4110] =	vst v1  }
0x78: {  	v1 =	vld [tilespmem:s26+$0xFFFFFF30];
	_ =	sdelay $0x4  }
0x79: {  	v2 =	vshrl.u32 v1, $0xE  }
0x7a: {  	v1 =	vand.u32 $0x3FFF, v1;
	[tilespmem:$0x4020] =	vst v2  }
0x7b: {  	[tilespmem:$0x4120] =	vst v1  }
0x7c: {  	v1 =	vld [tilespmem:s26+$0xFFFFFF40];
	_ =	sdelay $0x4  }
0x7d: {  	v2 =	vshrl.u32 v1, $0xE  }
0x7e: {  	v1 =	vand.u32 $0x3FFF, v1;
	[tilespmem:$0x4030] =	vst v2  }
0x7f: {  	[tilespmem:$0x4130] =	vst v1  }
0x80: {  	v1 =	vld [tilespmem:s26+$0xFFFFFF50];
	_ =	sdelay $0x4  }
0x81: {  	v2 =	vshrl.u32 v1, $0xE  }
0x82: {  	v1 =	vand.u32 $0x3FFF, v1;
	[tilespmem:$0x4040] =	vst v2  }
0x83: {  	[tilespmem:$0x4140] =	vst v1  }
0x84: {  	v1 =	vld [tilespmem:s26+$0xFFFFFF60];
	_ =	sdelay $0x4  }
0x85: {  	v2 =	vshrl.u32 v1, $0xE  }
0x86: {  	v1 =	vand.u32 $0x3FFF, v1;
	[tilespmem:$0x4050] =	vst v2  }
0x87: {  	[tilespmem:$0x4150] =	vst v1  }
0x88: {  	v1 =	vld [tilespmem:s26+$0xFFFFFF70];
	_ =	sdelay $0x4  }
0x89: {  	v2 =	vshrl.u32 v1, $0xE  }
0x8a: {  	v1 =	vand.u32 $0x3FFF, v1;
	[tilespmem:$0x4060] =	vst v2  }
0x8b: {  	[tilespmem:$0x4160] =	vst v1  }
0x8c: {  	v1 =	vld [tilespmem:s26+$0xFFFFFF80];
	_ =	sdelay $0x4  }
0x8d: {  	v2 =	vshrl.u32 v1, $0xE  }
0x8e: {  	v1 =	vand.u32 $0x3FFF, v1;
	[tilespmem:$0x4070] =	vst v2  }
0x8f: {  	[tilespmem:$0x4170] =	vst v1  }
0x90: {  	[tilespmem:s19], [sflag:$0x1] =	stream.indirect.gather [hbm4b:s4+s17], $0x80, s18, s17, $0xb8;
	[tilespmem:$0x1FE00] =	vst v63  }
0x91: {  	_ =	swait.ge [sflag:s23], $0x4000  }
0x92: {  	[sflag:s23] =	ssyncset.done $0x0  }
0x93: {  	[sflag:s23] =	ssyncadd.s32 $0xFFFFC000  }
0x94: {  	[spmem:s2] =	stream.indirect.scatter.add.f32 [tilespmem:s15], [sflag:$0x4], $0x80, s24, s17, $0xb8;
	[tilespmem:$0x1FE00] =	vst v63  }
0x95: {  	_ =	swait.ge [sflag:s14], $0x4000  }
0x96: {  	[sflag:s14] =	ssyncset.done $0x0  }
0x97: {  	[sflag:s14] =	ssyncadd.s32 $0xFFFFC000  }
0x98: {  	v1 =	vld [tilespmem:s26+$0xFFFFFF90];
	_ =	sdelay $0x4  }
0x99: {  	v2 =	vshrl.u32 v1, $0xE  }
0x9a: {  	v1 =	vand.u32 $0x3FFF, v1;
	[tilespmem:$0x4080] =	vst v2  }
0x9b: {  	[tilespmem:$0x4180] =	vst v1  }
0x9c: {  	v1 =	vld [tilespmem:s26+$0xFFFFFFA0];
	_ =	sdelay $0x4  }
0x9d: {  	v2 =	vshrl.u32 v1, $0xE  }
0x9e: {  	v1 =	vand.u32 $0x3FFF, v1;
	[tilespmem:$0x4090] =	vst v2  }
0x9f: {  	[tilespmem:$0x4190] =	vst v1  }
0xa0: {  	v1 =	vld [tilespmem:s26+$0xFFFFFFB0];
	_ =	sdelay $0x4  }
0xa1: {  	v2 =	vshrl.u32 v1, $0xE  }
0xa2: {  	v1 =	vand.u32 $0x3FFF, v1;
	[tilespmem:$0x40A0] =	vst v2  }
0xa3: {  	[tilespmem:$0x41A0] =	vst v1  }
0xa4: {  	v1 =	vld [tilespmem:s26+$0xFFFFFFC0];
	_ =	sdelay $0x4  }
0xa5: {  	v2 =	vshrl.u32 v1, $0xE  }
0xa6: {  	v1 =	vand.u32 $0x3FFF, v1;
	[tilespmem:$0x40B0] =	vst v2  }
0xa7: {  	[tilespmem:$0x41B0] =	vst v1  }
0xa8: {  	v1 =	vld [tilespmem:s26+$0xFFFFFFD0];
	_ =	sdelay $0x4  }
0xa9: {  	v2 =	vshrl.u32 v1, $0xE  }
0xaa: {  	v1 =	vand.u32 $0x3FFF, v1;
	[tilespmem:$0x40C0] =	vst v2  }
0xab: {  	[tilespmem:$0x41C0] =	vst v1  }
0xac: {  	v1 =	vld [tilespmem:s26+$0xFFFFFFE0];
	_ =	sdelay $0x1  }
0xad: {  	p0 =	sne.s32 s11, $0x1  }
.Ltmp1:
0xae: {  	_ = 	snop;
	(pc) =	sbr.rel @!p0 .LBB2_5-.Ltmp1, $4  }
0xaf: {  	_ = 	snop  }
0xb0: {  	v2 =	vshrl.u32 v1, $0xE  }
0xb1: {  	v1 =	vand.u32 $0x3FFF, v1;
	[tilespmem:$0x40D0] =	vst v2  }
0xb2: {  	s28 =	sadd.s32 $0xFFFFFFFF, s11;
	s29 =	simm.s32 $0x1F0;
	[tilespmem:$0x41D0] =	vst v1  }
.LBB2_4:
0xb3: {  	p0 =	sne.s32 s28, $0x1;
	s28 =	sadd.s32 $0xFFFFFFFF, s28;
	v1 =	vld [tilespmem:s26+$0xFFFFFFF0];
	s29 =	sadd.s32 $0x100, s29  }
0xb4: {  	_ =	sdelay $0x3  }
0xb5: {  	v2 =	vshrl.u32 v1, $0xE;
	v1 =	vand.u32 $0x3FFF, v1  }
0xb6: {  	[tilespmem:$0x40E0] =	vst v2  }
0xb7: {  	[tilespmem:$0x41E0] =	vst v1  }
0xb8: {  	v1 =	vld [tilespmem:s26+$0x0];
	s26 =	smov.u32 s29;
	_ =	sdelay $0x4  }
0xb9: {  	v2 =	vshrl.u32 v1, $0xE;
	v1 =	vand.u32 $0x3FFF, v1  }
0xba: {  	[tilespmem:$0x40F0] =	vst v2  }
0xbb: {  	[tilespmem:$0x41F0] =	vst v1  }
0xbc: {  	[tilespmem:s15], [sflag:$0x2] =	stream.indirect.gather [hbm4b:s4+s17], $0x80, s20, s17, $0xb8;
	[tilespmem:$0x1FE00] =	vst v63  }
0xbd: {  	_ =	swait.ge [sflag:s21], $0x4000  }
0xbe: {  	[sflag:s21] =	ssyncset.done $0x0  }
0xbf: {  	[sflag:s21] =	ssyncadd.s32 $0xFFFFC000  }
0xc0: {  	[spmem:s2] =	stream.indirect.scatter.add.f32 [tilespmem:s19], [sflag:$0x4], $0x80, s22, s17, $0xb8;
	[tilespmem:$0x1FE00] =	vst v63  }
0xc1: {  	_ =	swait.ge [sflag:s14], $0x4000  }
0xc2: {  	[sflag:s14] =	ssyncset.done $0x0  }
0xc3: {  	[sflag:s14] =	ssyncadd.s32 $0xFFFFC000  }
0xc4: {  	v1 =	vld [tilespmem:s29+$0xFFFFFF10];
	_ =	sdelay $0x4  }
0xc5: {  	v2 =	vshrl.u32 v1, $0xE;
	v1 =	vand.u32 $0x3FFF, v1  }
0xc6: {  	[tilespmem:$0x4000] =	vst v2  }
0xc7: {  	[tilespmem:$0x4100] =	vst v1  }
0xc8: {  	v1 =	vld [tilespmem:s29+$0xFFFFFF20];
	_ =	sdelay $0x4  }
0xc9: {  	v2 =	vshrl.u32 v1, $0xE;
	v1 =	vand.u32 $0x3FFF, v1  }
0xca: {  	[tilespmem:$0x4010] =	vst v2  }
0xcb: {  	[tilespmem:$0x4110] =	vst v1  }
0xcc: {  	v1 =	vld [tilespmem:s29+$0xFFFFFF30];
	_ =	sdelay $0x4  }
0xcd: {  	v2 =	vshrl.u32 v1, $0xE;
	v1 =	vand.u32 $0x3FFF, v1  }
0xce: {  	[tilespmem:$0x4020] =	vst v2  }
0xcf: {  	[tilespmem:$0x4120] =	vst v1  }
0xd0: {  	v1 =	vld [tilespmem:s29+$0xFFFFFF40];
	_ =	sdelay $0x4  }
0xd1: {  	v2 =	vshrl.u32 v1, $0xE;
	v1 =	vand.u32 $0x3FFF, v1  }
0xd2: {  	[tilespmem:$0x4030] =	vst v2  }
0xd3: {  	[tilespmem:$0x4130] =	vst v1  }
0xd4: {  	v1 =	vld [tilespmem:s29+$0xFFFFFF50];
	_ =	sdelay $0x4  }
0xd5: {  	v2 =	vshrl.u32 v1, $0xE;
	v1 =	vand.u32 $0x3FFF, v1  }
0xd6: {  	[tilespmem:$0x4040] =	vst v2  }
0xd7: {  	[tilespmem:$0x4140] =	vst v1  }
0xd8: {  	v1 =	vld [tilespmem:s29+$0xFFFFFF60];
	_ =	sdelay $0x4  }
0xd9: {  	v2 =	vshrl.u32 v1, $0xE;
	v1 =	vand.u32 $0x3FFF, v1  }
0xda: {  	[tilespmem:$0x4050] =	vst v2  }
0xdb: {  	[tilespmem:$0x4150] =	vst v1  }
0xdc: {  	v1 =	vld [tilespmem:s29+$0xFFFFFF70];
	_ =	sdelay $0x4  }
0xdd: {  	v2 =	vshrl.u32 v1, $0xE;
	v1 =	vand.u32 $0x3FFF, v1  }
0xde: {  	[tilespmem:$0x4060] =	vst v2  }
0xdf: {  	[tilespmem:$0x4160] =	vst v1  }
0xe0: {  	v1 =	vld [tilespmem:s29+$0xFFFFFF80];
	_ =	sdelay $0x4  }
0xe1: {  	v2 =	vshrl.u32 v1, $0xE;
	v1 =	vand.u32 $0x3FFF, v1  }
0xe2: {  	[tilespmem:$0x4070] =	vst v2  }
0xe3: {  	[tilespmem:$0x4170] =	vst v1  }
0xe4: {  	[tilespmem:s19], [sflag:$0x1] =	stream.indirect.gather [hbm4b:s4+s17], $0x80, s18, s17, $0xb8;
	[tilespmem:$0x1FE00] =	vst v63  }
0xe5: {  	_ =	swait.ge [sflag:s23], $0x4000  }
0xe6: {  	[sflag:s23] =	ssyncset.done $0x0  }
0xe7: {  	[sflag:s23] =	ssyncadd.s32 $0xFFFFC000  }
0xe8: {  	[spmem:s2] =	stream.indirect.scatter.add.f32 [tilespmem:s15], [sflag:$0x4], $0x80, s24, s17, $0xb8;
	[tilespmem:$0x1FE00] =	vst v63  }
0xe9: {  	_ =	swait.ge [sflag:s14], $0x4000  }
0xea: {  	[sflag:s14] =	ssyncset.done $0x0  }
0xeb: {  	[sflag:s14] =	ssyncadd.s32 $0xFFFFC000  }
0xec: {  	v1 =	vld [tilespmem:s29+$0xFFFFFF90];
	_ =	sdelay $0x4  }
0xed: {  	v2 =	vshrl.u32 v1, $0xE;
	v1 =	vand.u32 $0x3FFF, v1  }
0xee: {  	[tilespmem:$0x4080] =	vst v2  }
0xef: {  	[tilespmem:$0x4180] =	vst v1  }
0xf0: {  	v1 =	vld [tilespmem:s29+$0xFFFFFFA0];
	_ =	sdelay $0x4  }
0xf1: {  	v2 =	vshrl.u32 v1, $0xE;
	v1 =	vand.u32 $0x3FFF, v1  }
0xf2: {  	[tilespmem:$0x4090] =	vst v2  }
0xf3: {  	[tilespmem:$0x4190] =	vst v1  }
0xf4: {  	v1 =	vld [tilespmem:s29+$0xFFFFFFB0];
	_ =	sdelay $0x4  }
0xf5: {  	v2 =	vshrl.u32 v1, $0xE;
	v1 =	vand.u32 $0x3FFF, v1  }
0xf6: {  	[tilespmem:$0x40A0] =	vst v2  }
0xf7: {  	[tilespmem:$0x41A0] =	vst v1  }
0xf8: {  	v1 =	vld [tilespmem:s29+$0xFFFFFFC0];
	_ =	sdelay $0x4  }
0xf9: {  	v2 =	vshrl.u32 v1, $0xE;
	v1 =	vand.u32 $0x3FFF, v1  }
0xfa: {  	[tilespmem:$0x40B0] =	vst v2  }
0xfb: {  	[tilespmem:$0x41B0] =	vst v1  }
0xfc: {  	v1 =	vld [tilespmem:s29+$0xFFFFFFD0];
	_ =	sdelay $0x4  }
0xfd: {  	v2 =	vshrl.u32 v1, $0xE;
	v1 =	vand.u32 $0x3FFF, v1  }
0xfe: {  	[tilespmem:$0x40C0] =	vst v2  }
0xff: {  	[tilespmem:$0x41C0] =	vst v1  }
0x100: {  	v1 =	vld [tilespmem:s29+$0xFFFFFFE0];
	_ =	sdelay $0x2  }
.Ltmp2:
0x101: {  	(pc) =	sbr.rel @p0 .LBB2_4-.Ltmp2, $4  }
0x102: {  	_ = 	snop  }
0x103: {  	v2 =	vshrl.u32 v1, $0xE;
	v1 =	vand.u32 $0x3FFF, v1  }
0x104: {  	[tilespmem:$0x40D0] =	vst v2  }
0x105: {  	[tilespmem:$0x41D0] =	vst v1  }
.LBB2_5:
0x106: {  	v1 =	vld [tilespmem:s26+$0xFFFFFFF0];
	_ =	sdelay $0x4  }
0x107: {  	v2 =	vshrl.u32 v1, $0xE  }
0x108: {  	v1 =	vand.u32 $0x3FFF, v1;
	[tilespmem:$0x40E0] =	vst v2  }
0x109: {  	[tilespmem:$0x41E0] =	vst v1  }
0x10a: {  	v1 =	vld [tilespmem:s26+$0x0];
	_ =	sdelay $0x4  }
0x10b: {  	v2 =	vshrl.u32 v1, $0xE  }
0x10c: {  	v1 =	vand.u32 $0x3FFF, v1;
	[tilespmem:$0x40F0] =	vst v2  }
0x10d: {  	[tilespmem:$0x41F0] =	vst v1  }
0x10e: {  	[tilespmem:s15], [sflag:$0x2] =	stream.indirect.gather [hbm4b:s4+s17], $0x80, s20, s17, $0xb8;
	[tilespmem:$0x1FE00] =	vst v63  }
0x10f: {  	_ =	swait.ge [sflag:s21], $0x4000  }
0x110: {  	[sflag:s21] =	ssyncset.done $0x0  }
0x111: {  	[sflag:s21] =	ssyncadd.s32 $0xFFFFC000  }
0x112: {  	[spmem:s2] =	stream.indirect.scatter.add.f32 [tilespmem:s19], [sflag:$0x4], $0x80, s22, s17, $0xb8;
	[tilespmem:$0x1FE00] =	vst v63  }
0x113: {  	_ =	swait.ge [sflag:s14], $0x4000  }
0x114: {  	[sflag:s14] =	ssyncset.done $0x0  }
0x115: {  	[sflag:s14] =	ssyncadd.s32 $0xFFFFC000  }
0x116: {  	_ =	swait.ge [sflag:s23], $0x4000  }
0x117: {  	[sflag:s23] =	ssyncset.done $0x0  }
0x118: {  	[sflag:s23] =	ssyncadd.s32 $0xFFFFC000  }
0x119: {  	[spmem:s2] =	stream.indirect.scatter.add.f32 [tilespmem:s15], [sflag:$0x4], $0x80, s24, s17, $0xb8;
	[tilespmem:$0x1FE00] =	vst v63  }
0x11a: {  	_ =	swait.ge [sflag:s14], $0x4000  }
0x11b: {  	s31 =	sshll.u32 s1, $0x6;
	s25 =	sadd.s32 $0x1, s25;
	[sflag:s14] =	ssyncset.done $0x0  }
0x11c: {  	s28 =	sshrl.u32 s6, $0x3;
	p0 =	sne.s32 s25, s13;
	[sflag:s14] =	ssyncadd.s32 $0xFFFFC000  }
.Ltmp3:
0x11d: {  	s26 =	sor.u32 $0x1C04, s31;
	[bflag:$0x0] =	sbarrier.arrive $0xFFFF;
	(pc) =	sbr.rel @p0 .LBB2_1-.Ltmp3, $4  }
0x11e: {  	[hbm:s12], [sflag:s26] =	dma.local [spmem:s28], $0x2780  }
0x11f: {  	_ =	swait.ge [sflag:s14], $0x2780  }
0x120: {  	[sflag:s14] =	ssyncset.done $0x0  }
0x121: {  	[sflag:s14] =	ssyncadd.s32 $0xFFFFD880  }
0x122: {  	_ =	sfence.sel $0x180000  }
0x123: {  	[bflag:$0x0] =	sbarrier.arrive $0xFFFF  }
0x124: {  	p0 =	sne.s32 s1, $0x0;
	_ =	strace $0x9000004A  }
0x125: {  	s0 =	sadd.s32 @!p0 $0x100000, s0;
	[bflag:$0x2] =	sbarrier.arrive $0xFFFF  }
0x126: {  	[sflag:s0] =	ssyncadd.tile.s32 @!p0 $0x1;
	_ =	shalt  }
.Lfunc_end2:
_tile_overlayer_lowered:
.L_overlay_start_2:
0x127: {  	(tag) =	ssettag $0x2  }
0x128: {  	s0 =	rddreg [dreg:$0x0];
	s2 =	stileid.u32  }
0x129: {  	s1 =	rddreg [dreg:$0x1];
	p0 =	sne.s32 s2, $0x0  }
0x12a: {  	s3 =	rddreg [dreg:$0x2];
	[bflag:$0x3] =	sbarrier.arrive $0xFFFF;
	s2 =	simm.s32 @!p0 $0x1C04  }
0x12b: {  	[timem:s3], [sflag:s2] =	dma.local @!p0 [hbm:s0], s1  }
0x12c: {  	s0 =	simm.s32 @!p0 $0x4  }
0x12d: {  	_ =	swait.ge @!p0 [sflag:s0], s1  }
0x12e: {  	s1 =	ssub.s32 @!p0 $0x0, s1;
	[sflag:s0] =	ssyncset.done @!p0 $0x0  }
0x12f: {  	[sflag:s0] =	ssyncadd.s32 @!p0 s1  }
0x130: {  	[bflag:$0x3] =	sbarrier.arrive $0xFFFF  }
0x131: {  	_ =	shalt  }

// kernel: kernel.14.cloned.1.call-start
scs
__scs_entry_jumppad:
0x0: {  	(pc) =	sbr.rel $0x88, $3  }
0x1: {  	(tag) =	ssettag $0x0;
	lr =	simm.s32 $0x1  }
0x2: {  	[smem:$0x3F97] =	sst lr;
	_ =	strace $0xD0000000  }
0x3: {  	_ = 	snop  }
0x4: {  	_ = 	snop  }
0x5: {  	_ = 	snop  }
0x6: {  	_ = 	snop  }
0x7: {  	_ = 	snop  }
__scs_overlays_trampoline_lowered:
0x8: {  	[smem:$0x3FA6] =	sst s0  }
0x9: {  	[smem:$0x3FA7] =	sst s1  }
0xa: {  	[smem:$0x3FA8] =	sst s2  }
0xb: {  	[smem:$0x3FA9] =	sst s3  }
0xc: {  	[smem:$0x3FAA] =	sst s4  }
0xd: {  	[smem:$0x3FAB] =	sst s5  }
0xe: {  	[smem:$0x3FAC] =	sst s6  }
0xf: {  	[smem:$0x3FAD] =	sst s7  }
0x10: {  	[smem:$0x3FAE] =	sst s8  }
0x11: {  	[smem:$0x3FAF] =	sst s9;
	s0 =	simm.s32 @!p0 $0x0  }
0x12: {  	s1 =	sld [smem:$0x3F95];
	s0 =	simm.s32 @p0 $0x1  }
0x13: {  	[smem:$0x3FB0] =	sst s0;
	s0 =	simm.s32 @!p1 $0x0  }
0x14: {  	s2 =	sld [smem:$0x3F94];
	s0 =	simm.s32 @p1 $0x1  }
0x15: {  	[smem:$0x3FB1] =	sst s0;
	s0 =	simm.s32 @!p2 $0x0  }
0x16: {  	s3 =	sld [smem:$0x3FDB];
	s0 =	simm.s32 @p2 $0x1  }
0x17: {  	s4 =	simm.s32 $0x1BF5;
	[smem:$0x3FB3] =	sst s0  }
0x18: {  	s0 =	sld [smem:$0x3F96];
	_ =	swait.ge [sflag:s4], $0x0  }
0x19: {  	s7 =	sld [smem:$0x3F97]  }
0x1a: {  	s8 =	sadd.s32 $0xFFFFE003, lr  }
0x1b: {  	s9 =	sadd.s32 $0xFFFFFEF7, lr;
	s5 =	simm.s32 $0xFFFFFFFF;
	p2 =	slt.u32 s8, $0xFFFFF086  }
0x1c: {  	p1 =	slt.u32 s9, $0xF7A;
	s5 =	simm.s32 @!p2 $0x0  }
0x1d: {  	s5 =	simm.s32 @p1 $0x1;
	p0 =	seq.s32 s7, s2  }
0x1e: {  	s7 =	smul.u32 @!p0 $0xF7A, s2;
	p2 =	seq.s32 @!p0 s5, $0x0  }
0x1f: {  	s9 =	smul.u32 $0xF7A, s1;
	s8 =	simm.s32 @!p0 $0x1BF5;
	p2 =	por !p2, p0  }
0x20: {  	[sflag:s8] =	ssyncset.s32 @!p0 $0xFFFFF086;
	s6 =	sadd.s32 @!p0 s3, s7;
	s7 =	simm.s32 @!p0 $0x108  }
0x21: {  	s3 =	sadd.s32 s3, s9;
	s6 =	sadd.s32 @!p0 $0x88, s6;
	s7 =	simm.s32 @p2 $0x1082  }
0x22: {  	[simem:s7], [sflag:s8] =	dma.local @!p0 [hbm:s6], $0xF7A  }
0x23: {  	s9 =	sor.u32 $0xD0000000, s2;
	s6 =	simm.s32 $0x108;
	_ =	swait.ge @!p0 [sflag:s8], $0x0  }
0x24: {  	s3 =	sadd.s32 $0x88, s3;
	s6 =	simm.s32 @!p1 $0x1082;
	[sflag:s4] =	ssyncset.s32 $0xFFFFF086  }
0x25: {  	[simem:s6], [sflag:s4] =	dma.local [hbm:s3], $0xF7A  }
0x26: {  	[smem:$0x3F97] =	sst s1;
	(tag) =	ssettag s2;
	_ =	strace s9  }
0x27: {  	s1 =	sld [smem:$0x3FA7]  }
0x28: {  	s2 =	sld [smem:$0x3FA8]  }
0x29: {  	s4 =	sld [smem:$0x3FAA]  }
0x2a: {  	p0 =	seq.s32 s5, $0x0;
	s5 =	sld [smem:$0x3FAB]  }
0x2b: {  	s6 =	sld [smem:$0x3FAC]  }
0x2c: {  	s7 =	sld [smem:$0x3FAD]  }
0x2d: {  	s3 =	simm.s32 $0x108;
	s8 =	sld [smem:$0x3FAE]  }
0x2e: {  	s3 =	simm.s32 @!p0 $0x1082;
	s9 =	sld [smem:$0x3FAF]  }
0x2f: {  	lr =	sadd.s32 s0, s3;
	s0 =	sld [smem:$0x3FA6]  }
0x30: {  	s3 =	sld [smem:$0x3FA9]  }
0x31: {  	[smem:$0x3FB2] =	sst s10  }
0x32: {  	s10 =	sld [smem:$0x3FB0];
	_ =	sdelay $0x3  }
0x33: {  	p0 =	seq.s32 s10, $0x1;
	s10 =	sld [smem:$0x3FB2];
	_ =	sdelay $0x3  }
0x34: {  	[smem:$0x3FB2] =	sst s10  }
0x35: {  	s10 =	sld [smem:$0x3FB1];
	_ =	sdelay $0x3  }
0x36: {  	p1 =	seq.s32 s10, $0x1;
	s10 =	sld [smem:$0x3FB2];
	_ =	sdelay $0x3  }
0x37: {  	[smem:$0x3FB2] =	sst s10  }
0x38: {  	s10 =	sld [smem:$0x3FB3]  }
0x39: {  	_ = 	snop;
	(pc) =	sbr.ind lr, $3  }
0x3a: {  	_ = 	snop  }
0x3b: {  	_ = 	snop  }
0x3c: {  	p2 =	seq.s32 s10, $0x1;
	s10 =	sld [smem:$0x3FB2]  }
0x3d: {  	_ =	shalt  }
0x3e: {  	_ =	shalt  }
0x3f: {  	_ =	shalt  }
0x40: {  	_ =	shalt  }
0x41: {  	_ =	shalt  }
0x42: {  	_ =	shalt  }
0x43: {  	_ =	shalt  }
0x44: {  	_ =	shalt  }
0x45: {  	_ =	shalt  }
0x46: {  	_ =	shalt  }
0x47: {  	_ =	shalt  }
0x48: {  	_ =	shalt  }
0x49: {  	_ =	shalt  }
0x4a: {  	_ =	shalt  }
0x4b: {  	_ =	shalt  }
0x4c: {  	_ =	shalt  }
0x4d: {  	_ =	shalt  }
0x4e: {  	_ =	shalt  }
0x4f: {  	_ =	shalt  }
0x50: {  	_ =	shalt  }
0x51: {  	_ =	shalt  }
0x52: {  	_ =	shalt  }
0x53: {  	_ =	shalt  }
0x54: {  	_ =	shalt  }
0x55: {  	_ =	shalt  }
0x56: {  	_ =	shalt  }
0x57: {  	_ =	shalt  }
0x58: {  	_ =	shalt  }
0x59: {  	_ =	shalt  }
0x5a: {  	_ =	shalt  }
0x5b: {  	_ =	shalt  }
0x5c: {  	_ =	shalt  }
0x5d: {  	_ =	shalt  }
0x5e: {  	_ =	shalt  }
0x5f: {  	_ =	shalt  }
0x60: {  	_ =	shalt  }
0x61: {  	_ =	shalt  }
0x62: {  	_ =	shalt  }
0x63: {  	_ =	shalt  }
0x64: {  	_ =	shalt  }
0x65: {  	_ =	shalt  }
0x66: {  	_ =	shalt  }
0x67: {  	_ =	shalt  }
0x68: {  	_ =	shalt  }
0x69: {  	_ =	shalt  }
0x6a: {  	_ =	shalt  }
0x6b: {  	_ =	shalt  }
0x6c: {  	_ =	shalt  }
0x6d: {  	_ =	shalt  }
0x6e: {  	_ =	shalt  }
0x6f: {  	_ =	shalt  }
0x70: {  	_ =	shalt  }
0x71: {  	_ =	shalt  }
0x72: {  	_ =	shalt  }
0x73: {  	_ =	shalt  }
0x74: {  	_ =	shalt  }
0x75: {  	_ =	shalt  }
0x76: {  	_ =	shalt  }
0x77: {  	_ =	shalt  }
0x78: {  	_ =	shalt  }
0x79: {  	_ =	shalt  }
0x7a: {  	_ =	shalt  }
0x7b: {  	_ =	shalt  }
0x7c: {  	_ =	shalt  }
0x7d: {  	_ =	shalt  }
0x7e: {  	_ =	shalt  }
0x7f: {  	_ =	shalt  }
0x80: {  	_ =	shalt  }
0x81: {  	_ =	shalt  }
0x82: {  	_ =	shalt  }
0x83: {  	_ =	shalt  }
0x84: {  	_ =	shalt  }
0x85: {  	_ =	shalt  }
0x86: {  	_ =	shalt  }
0x87: {  	_ =	shalt  }
.Lfunc_end0:
.L_simem_size_0:
called_computation.2_lowered:
.L_overlay_start_0:
0x88: {  	s2 =	sld [smem:$0x3FD9]  }
0x89: {  	s3 =	sld [smem:$0x3FFE];
	_ =	sdelay $0x1  }
0x8a: {  	s1 =	srdreg.scid  }
0x8b: {  	s0 =	sand.u32 $0x1, s1  }
0x8c: {  	s17 =	sshll.u32 s0, $0xA;
	s2 =	sadd.s32 s3, s2  }
0x8d: {  	s2 =	sadd.s32 s2, s17  }
0x8e: {  	[smem:$0x3FBE] =	sst s2  }
0x8f: {  	_ = 	snop  }
0x90: {  	s2 =	sld [smem:$0x3FD0];
	(tm) =	ssettm $0x1  }
0x91: {  	s18 =	sld [smem:$0x3FFB];
	_ =	sdelay $0x3  }
0x92: {  	_ =	strace s18  }
0x93: {  	s3 =	sld [smem:$0x3FFC];
	_ =	sdelay $0x3  }
0x94: {  	_ =	strace s3  }
0x95: {  	s3 =	sld [smem:$0x3FFD];
	_ =	sdelay $0x3  }
0x96: {  	_ =	strace s3  }
0x97: {  	_ =	strace $0x8FFFFFFF  }
0x98: {  	s19 =	sld [smem:$0x3FDB];
	_ =	sdelay $0x1  }
0x99: {  	s4 =	simm.s32 $_scs_section_size  }
0x9a: {  	s5 =	simm.s32 $_size__tile_overlayer_lowered;
	s6 =	simm.s32 $_tile_overlayer_lowered  }
0x9b: {  	s22 =	simm.s32 $0x1BFF;
	s21 =	sshll.u32 s6, $0x1;
	s3 =	sadd.s32 s4, s19  }
0x9c: {  	s7 =	simm.s32 $0x0;
	s20 =	sshll.u32 s5, $0x1;
	s5 =	sadd.s32 s21, s3  }
0x9d: {  	[timem:s7], [sflag:s22] =	dma.local [hbm:s5], s20  }
0x9e: {  	_ =	swait.ge [sflag:s22], s20  }
0x9f: {  	s4 =	ssub.s32 $0x0, s20;
	[sflag:s22] =	ssyncset.done $0x0  }
0xa0: {  	[sflag:s22] =	ssyncadd.s32 s4;
	_ =	sdelay $0x1  }
0xa1: {  	s23 =	simm.s32 $0x1B8B  }
0xa2: {  	_ =	swait.ge [sflag:s23], $0x1  }
0xa3: {  	[sflag:s23] =	ssyncset.done $0x0  }
0xa4: {  	s25 =	simm.s32 $0x1B8E;
	s24 =	sld [smem:$0x3FFE];
	[sflag:s23] =	ssyncadd.s32 $0xFFFFFFFF  }
0xa5: {  	s26 =	simm.s32 $execute0_lowered;
	[smem:$0x3FD2] =	sst s25  }
0xa6: {  	s5 =	sshll.u32 s26, $0x1;
	_ =	strace $0x8000004C;
	[dreg:$0x1] =	wrdreg $0xFFFFFFFF  }
0xa7: {  	s28 =	simm.s32 $_size_execute0_lowered;
	s3 =	sadd.s32 s3, s5;
	[dreg:$0x0] =	wrdreg $0x0  }
0xa8: {  	s5 =	sshll.u32 s28, $0x1;
	[dreg:$0x2] =	wrdreg s3  }
0xa9: {  	[dreg:$0x3] =	wrdreg s5  }
0xaa: {  	[dreg:$0x4] =	wrdreg $0xC0  }
0xab: {  	_ =	task [dreg:s7], $0x5FFFF  }
0xac: {  	[dreg:$0x1] =	wrdreg $0xFFFFFFFF  }
0xad: {  	[dreg:$0x0] =	wrdreg $0x60  }
0xae: {  	[dreg:$0x2] =	wrdreg s24  }
0xaf: {  	[dreg:$0x3] =	wrdreg s2  }
0xb0: {  	[dreg:$0x4] =	wrdreg $0xC2000  }
0xb1: {  	[dreg:$0x5] =	wrdreg $0x9  }
0xb2: {  	_ =	task.clear_ibuf [dreg:s7], $0x6FFFF;
	_ =	strace $0x9000004C  }
0xb3: {  	s29 =	simm.s32 $0x9;
	_ =	strace $0x8000004E  }
0xb4: {  	_ =	swait.ge [sflag:s29], $0x1  }
0xb5: {  	[sflag:s29] =	ssyncadd.s32 $0xFFFFFFFF  }
0xb6: {  	_ =	strace $0x9000004E  }
0xb7: {  	_ =	sfence  }
0xb8: {  	s30 =	sld [smem:$0x0];
	_ =	sdelay $0x2  }
0xb9: {  	s31 =	sshll.u32 s1, $0xD;
	s1 =	sshrl.u32 s1, $0x2  }
0xba: {  	s3 =	sand.u32 $0x4000, s31;
	s1 =	sadd.s32 s1, s30  }
0xbb: {  	s0 =	sor.u32 s3, s0;
	s1 =	sshll.u32 s1, $0x11  }
0xbc: {  	s0 =	sor.u32 s1, s0  }
0xbd: {  	s0 =	sadd.s32 $0x8F2B, s0  }
0xbe: {  	[sflag:s0] =	ssyncadd.remote.s32 $0x1  }
0xbf: {  	_ =	sfence.sel $0xFFFF  }
0xc0: {  	[dreg:$0x0] =	wrdreg $0xFFFFFFFF;
	(pc) =	sbr.abs _section_cstart, $3  }
0xc1: {  	[dreg:$0x1] =	wrdreg $0xFFFFFFFF  }
0xc2: {  	_ =	task.clear_ibuf [dreg:s7], $0x2FFFF;
	_ =	strace $0x9FFFFFFF  }
0xc3: {  	(tm) =	ssettm $0x7FFFFFFF  }
tec
execute0_lowered:
.L_overlay_start_1:
0x0: {  	(tag) =	ssettag $0x1  }
0x1: {  	s5 =	rddreg [dreg:$0x0]  }
0x2: {  	s6 =	rddreg [dreg:$0x1];
	s0 =	srdreg.scid  }
0x3: {  	s2 =	rddreg [dreg:$0x2];
	s1 =	stileid.u32  }
0x4: {  	s3 =	simm.s32 $0x0;
	s14 =	simm.s32 $0x4;
	s15 =	simm.s32 $0x8200  }
0x5: {  	s16 =	simm.s32 $0x3;
	s17 =	simm.s32 $0x80;
	s18 =	simm.s32 $0x4000  }
0x6: {  	s19 =	simm.s32 $0x4200;
	s20 =	simm.s32 $0x4080;
	s21 =	simm.s32 $0x1  }
0x7: {  	s22 =	simm.s32 $0x4100;
	s23 =	simm.s32 $0x2;
	s24 =	simm.s32 $0x4180  }
0x8: {  	s11 =	sand.u32 $0x1, s0;
	s0 =	rddreg [dreg:$0x3];
	s8 =	smul.u32 $0x13C00, s1  }
0x9: {  	s25 =	simm.s32 $0x0;
	[smem:$0x7FF] =	sst s3;
	s9 =	smul.u32 $0x4F000, s1  }
0xa: {  	s4 =	sadd.s32 $0xAAE00, s5;
	s30 =	sshll.u32 s1, $0xB;
	s7 =	smul.u32 $0x13C000, s11  }
0xb: {  	_ =	strace $0x8000004D;
	s28 =	ssub.s32 $0x2, s11;
	s10 =	sshll.u32 s11, $0xF  }
0xc: {  	s6 =	sadd.s32 s6, s30;
	p0 =	seq.s32 s11, $0x0;
	s11 =	simm.s32 $0xF  }
0xd: {  	s29 =	sshrl.u32 s28, $0x1;
	s31 =	sshrl.u32 s9, $0x2;
	s7 =	sadd.s32 s8, s7  }
0xe: {  	s11 =	simm.s32 @!p0 $0x3F;
	s13 =	ssub.s32 s28, s29;
	s7 =	sshrl.u32 s7, $0x3  }
0xf: {  	s12 =	sadd.s32 s7, s5;
	s5 =	sadd.s32 s10, s6;
	s6 =	sadd.s32 s31, s2  }
0x10: {  	s13 =	smax.u32 s13, $0x1;
	s7 =	sadd.s32 $0x4000, s6;
	s8 =	sadd.s32 $0x8000, s6  }
0x11: {  	v0 =	vimm.f32 $0.0e+00;
	s9 =	sadd.s32 $0xC000, s6;
	s10 =	sadd.s32 $0x10000, s6;
	s12 =	sadd.s32 $0xD2000, s12  }
.LBB2_1:
0x12: {  	[tilespmem:s3], [sflag:$0x4] =	stream.linear.gather [hbm4b:s5+s3], $0x4000, $0x38;
	[tilespmem:$0x1FE00] =	vst v63  }
0x13: {  	_ =	swait.ge [sflag:s14], $0x4000  }
0x14: {  	[sflag:s14] =	ssyncset.done $0x0  }
0x15: {  	s26 =	simm.s32 $0x0;
	s28 =	simm.s32 $0x200;
	[sflag:s14] =	ssyncadd.s32 $0xFFFFC000  }
.LBB2_2:
0x16: {  	p0 =	sne.s32 s28, $0xFE00;
	[tilespmem:s26+$0x8270] =	vst v0  }
0x17: {  	[tilespmem:s26+$0x8200] =	vst v0  }
0x18: {  	[tilespmem:s26+$0x8210] =	vst v0  }
.Ltmp0:
0x19: {  	[tilespmem:s26+$0x8220] =	vst v0;
	(pc) =	sbr.rel @p0 .LBB2_2-.Ltmp0, $4  }
0x1a: {  	[tilespmem:s26+$0x8230] =	vst v0  }
0x1b: {  	[tilespmem:s26+$0x8240] =	vst v0  }
0x1c: {  	[tilespmem:s26+$0x8250] =	vst v0  }
0x1d: {  	[tilespmem:s26+$0x8260] =	vst v0;
	s26 =	sshra.s32 s28, $0x2;
	s28 =	sadd.s32 $0x200, s28  }
0x1e: {  	[tilespmem:s26+$0x8270] =	vst v0  }
0x1f: {  	[tilespmem:s26+$0x8200] =	vst v0  }
0x20: {  	[tilespmem:s26+$0x8210] =	vst v0  }
0x21: {  	[tilespmem:s26+$0x8220] =	vst v0  }
0x22: {  	[tilespmem:s26+$0x8230] =	vst v0  }
0x23: {  	[tilespmem:s26+$0x8240] =	vst v0  }
0x24: {  	[tilespmem:s26+$0x8250] =	vst v0  }
0x25: {  	[tilespmem:s26+$0x8260] =	vst v0  }
0x26: {  	[spmem:s6] =	stream.linear.scatter [tilespmem:s15], [sflag:$0x3], $0x4000, $0x38;
	[tilespmem:$0x1FE00] =	vst v63  }
0x27: {  	_ = 	snop  }
0x28: {  	[spmem:s7] =	stream.linear.scatter [tilespmem:s15], [sflag:$0x3], $0x4000, $0x38;
	[tilespmem:$0x1FE00] =	vst v63  }
0x29: {  	_ = 	snop  }
0x2a: {  	[spmem:s8] =	stream.linear.scatter [tilespmem:s15], [sflag:$0x3], $0x4000, $0x38;
	[tilespmem:$0x1FE00] =	vst v63  }
0x2b: {  	_ = 	snop  }
0x2c: {  	[spmem:s9] =	stream.linear.scatter [tilespmem:s15], [sflag:$0x3], $0x4000, $0x38;
	[tilespmem:$0x1FE00] =	vst v63  }
0x2d: {  	_ = 	snop  }
0x2e: {  	[spmem:s10] =	stream.linear.scatter [tilespmem:s15], [sflag:$0x3], $0x3C00, $0x38;
	[tilespmem:$0x1FE00] =	vst v63  }
0x2f: {  	_ =	swait.ge [sflag:s16], $0x4000  }
0x30: {  	[sflag:s16] =	ssyncset.done $0x0  }
0x31: {  	[sflag:s16] =	ssyncadd.s32 $0xFFFFC000  }
0x32: {  	_ =	swait.ge [sflag:s16], $0x4000  }
0x33: {  	[sflag:s16] =	ssyncset.done $0x0  }
0x34: {  	[sflag:s16] =	ssyncadd.s32 $0xFFFFC000  }
0x35: {  	_ =	swait.ge [sflag:s16], $0x4000  }
0x36: {  	[sflag:s16] =	ssyncset.done $0x0  }
0x37: {  	[sflag:s16] =	ssyncadd.s32 $0xFFFFC000  }
0x38: {  	_ =	swait.ge [sflag:s16], $0x4000  }
0x39: {  	[sflag:s16] =	ssyncset.done $0x0  }
0x3a: {  	[sflag:s16] =	ssyncadd.s32 $0xFFFFC000  }
0x3b: {  	_ =	swait.ge [sflag:s16], $0x3C00  }
0x3c: {  	[sflag:s16] =	ssyncset.done $0x0  }
0x3d: {  	[sflag:s16] =	ssyncadd.s32 $0xFFFFC400  }
0x3e: {  	[bflag:$0x0] =	sbarrier.arrive $0xFFFF  }
0x3f: {  	v1 =	vld [tilespmem:$0x0];
	_ =	sdelay $0x1  }
0x40: {  	v2 =	vld [tilespmem:$0x10];
	_ =	sdelay $0x1  }
0x41: {  	v3 =	vld [tilespmem:$0x20]  }
0x42: {  	v4 =	vshrl.u32 v1, $0xE  }
0x43: {  	v59 =	vld [tilespmem:$0x30];
	v1 =	vand.u32 $0x3FFF, v1;
	[tilespmem:$0x4000] =	vst v4  }
0x44: {  	[tilespmem:$0x4100] =	vst v1;
	v1 =	vshrl.u32 v2, $0xE  }
0x45: {  	[tilespmem:$0x4010] =	vst v1;
	v1 =	vand.u32 $0x3FFF, v2;
	v2 =	vld [tilespmem:$0x40]  }
0x46: {  	[tilespmem:$0x4110] =	vst v1;
	v1 =	vshrl.u32 v3, $0xE  }
0x47: {  	[tilespmem:$0x4020] =	vst v1;
	v1 =	vand.u32 $0x3FFF, v3;
	v3 =	vld [tilespmem:$0x50]  }
0x48: {  	[tilespmem:$0x4120] =	vst v1;
	v1 =	vshrl.u32 v59, $0xE  }
0x49: {  	v60 =	vld [tilespmem:$0x60];
	[tilespmem:$0x4030] =	vst v1;
	v1 =	vand.u32 $0x3FFF, v59  }
0x4a: {  	[tilespmem:$0x4130] =	vst v1;
	v1 =	vshrl.u32 v2, $0xE  }
0x4b: {  	[tilespmem:$0x4040] =	vst v1;
	v1 =	vand.u32 $0x3FFF, v2;
	v2 =	vld [tilespmem:$0x70]  }
0x4c: {  	[tilespmem:$0x4140] =	vst v1;
	v1 =	vshrl.u32 v3, $0xE  }
0x4d: {  	[tilespmem:$0x4050] =	vst v1;
	v1 =	vand.u32 $0x3FFF, v3  }
0x4e: {  	[tilespmem:$0x4150] =	vst v1;
	v1 =	vshrl.u32 v60, $0xE  }
0x4f: {  	[tilespmem:$0x4060] =	vst v1;
	v1 =	vand.u32 $0x3FFF, v60  }
0x50: {  	[tilespmem:$0x4160] =	vst v1;
	v1 =	vshrl.u32 v2, $0xE  }
0x51: {  	[tilespmem:$0x4070] =	vst v1;
	v1 =	vand.u32 $0x3FFF, v2  }
0x52: {  	[tilespmem:$0x4170] =	vst v1  }
0x53: {  	[tilespmem:s19], [sflag:$0x1] =	stream.indirect.gather [hbm4b:s4+s17], $0x80, s18, s17, $0xb8;
	[tilespmem:$0x1FE00] =	vst v63  }
0x54: {  	v1 =	vld [tilespmem:$0x80];
	_ =	sdelay $0x1  }
0x55: {  	v2 =	vld [tilespmem:$0x90];
	_ =	sdelay $0x1  }
0x56: {  	v3 =	vld [tilespmem:$0xA0]  }
0x57: {  	v61 =	vshrl.u32 v1, $0xE  }
0x58: {  	v62 =	vld [tilespmem:$0xB0];
	v1 =	vand.u32 $0x3FFF, v1;
	[tilespmem:$0x4080] =	vst v61  }
0x59: {  	[tilespmem:$0x4180] =	vst v1;
	v1 =	vshrl.u32 v2, $0xE  }
0x5a: {  	[tilespmem:$0x4090] =	vst v1;
	v1 =	vand.u32 $0x3FFF, v2;
	v2 =	vld [tilespmem:$0xC0]  }
0x5b: {  	[tilespmem:$0x4190] =	vst v1;
	v1 =	vshrl.u32 v3, $0xE  }
0x5c: {  	[tilespmem:$0x40A0] =	vst v1;
	v1 =	vand.u32 $0x3FFF, v3;
	v3 =	vld [tilespmem:$0xD0]  }
0x5d: {  	[tilespmem:$0x41A0] =	vst v1;
	v1 =	vshrl.u32 v62, $0xE  }
0x5e: {  	v63 =	vld [tilespmem:$0xE0];
	[tilespmem:$0x40B0] =	vst v1;
	v1 =	vand.u32 $0x3FFF, v62  }
0x5f: {  	[tilespmem:$0x41B0] =	vst v1;
	v1 =	vshrl.u32 v2, $0xE  }
0x60: {  	[tilespmem:$0x40C0] =	vst v1;
	v1 =	vand.u32 $0x3FFF, v2;
	v2 =	vld [tilespmem:$0xF0]  }
0x61: {  	[tilespmem:$0x41C0] =	vst v1;
	v1 =	vshrl.u32 v3, $0xE  }
0x62: {  	[tilespmem:$0x40D0] =	vst v1;
	v1 =	vand.u32 $0x3FFF, v3  }
0x63: {  	[tilespmem:$0x41D0] =	vst v1;
	v1 =	vshrl.u32 v63, $0xE  }
0x64: {  	[tilespmem:$0x40E0] =	vst v1;
	v1 =	vand.u32 $0x3FFF, v63  }
0x65: {  	[tilespmem:$0x41E0] =	vst v1;
	v1 =	vshrl.u32 v2, $0xE  }
0x66: {  	[tilespmem:$0x40F0] =	vst v1;
	v1 =	vand.u32 $0x3FFF, v2  }
0x67: {  	[tilespmem:$0x41F0] =	vst v1  }
0x68: {  	[tilespmem:s15], [sflag:$0x2] =	stream.indirect.gather [hbm4b:s4+s17], $0x80, s20, s17, $0xb8;
	[tilespmem:$0x1FE00] =	vst v63  }
0x69: {  	_ =	swait.ge [sflag:s21], $0x4000  }
0x6a: {  	[sflag:s21] =	ssyncset.done $0x0  }
0x6b: {  	[sflag:s21] =	ssyncadd.s32 $0xFFFFC000  }
0x6c: {  	[spmem:s2] =	stream.indirect.scatter.add.f32 [tilespmem:s19], [sflag:$0x4], $0x80, s22, s17, $0xb8;
	[tilespmem:$0x1FE00] =	vst v63  }
0x6d: {  	_ =	swait.ge [sflag:s14], $0x4000  }
0x6e: {  	[sflag:s14] =	ssyncset.done $0x0  }
0x6f: {  	s26 =	simm.s32 $0x1F0;
	[sflag:s14] =	ssyncadd.s32 $0xFFFFC000  }
0x70: {  	v1 =	vld [tilespmem:s26+$0xFFFFFF10];
	_ =	sdelay $0x4  }
0x71: {  	v2 =	vshrl.u32 v1, $0xE  }
0x72: {  	v1 =	vand.u32 $0x3FFF, v1;
	[tilespmem:$0x4000] =	vst v2  }
0x73: {  	[tilespmem:$0x4100] =	vst v1  }
0x74: {  	v1 =	vld [tilespmem:s26+$0xFFFFFF20];
	_ =	sdelay $0x4  }
0x75: {  	v2 =	vshrl.u32 v1, $0xE  }
0x76: {  	v1 =	vand.u32 $0x3FFF, v1;
	[tilespmem:$0x4010] =	vst v2  }
0x77: {  	[tilespmem:$0x4110] =	vst v1  }
0x78: {  	v1 =	vld [tilespmem:s26+$0xFFFFFF30];
	_ =	sdelay $0x4  }
0x79: {  	v2 =	vshrl.u32 v1, $0xE  }
0x7a: {  	v1 =	vand.u32 $0x3FFF, v1;
	[tilespmem:$0x4020] =	vst v2  }
0x7b: {  	[tilespmem:$0x4120] =	vst v1  }
0x7c: {  	v1 =	vld [tilespmem:s26+$0xFFFFFF40];
	_ =	sdelay $0x4  }
0x7d: {  	v2 =	vshrl.u32 v1, $0xE  }
0x7e: {  	v1 =	vand.u32 $0x3FFF, v1;
	[tilespmem:$0x4030] =	vst v2  }
0x7f: {  	[tilespmem:$0x4130] =	vst v1  }
0x80: {  	v1 =	vld [tilespmem:s26+$0xFFFFFF50];
	_ =	sdelay $0x4  }
0x81: {  	v2 =	vshrl.u32 v1, $0xE  }
0x82: {  	v1 =	vand.u32 $0x3FFF, v1;
	[tilespmem:$0x4040] =	vst v2  }
0x83: {  	[tilespmem:$0x4140] =	vst v1  }
0x84: {  	v1 =	vld [tilespmem:s26+$0xFFFFFF60];
	_ =	sdelay $0x4  }
0x85: {  	v2 =	vshrl.u32 v1, $0xE  }
0x86: {  	v1 =	vand.u32 $0x3FFF, v1;
	[tilespmem:$0x4050] =	vst v2  }
0x87: {  	[tilespmem:$0x4150] =	vst v1  }
0x88: {  	v1 =	vld [tilespmem:s26+$0xFFFFFF70];
	_ =	sdelay $0x4  }
0x89: {  	v2 =	vshrl.u32 v1, $0xE  }
0x8a: {  	v1 =	vand.u32 $0x3FFF, v1;
	[tilespmem:$0x4060] =	vst v2  }
0x8b: {  	[tilespmem:$0x4160] =	vst v1  }
0x8c: {  	v1 =	vld [tilespmem:s26+$0xFFFFFF80];
	_ =	sdelay $0x4  }
0x8d: {  	v2 =	vshrl.u32 v1, $0xE  }
0x8e: {  	v1 =	vand.u32 $0x3FFF, v1;
	[tilespmem:$0x4070] =	vst v2  }
0x8f: {  	[tilespmem:$0x4170] =	vst v1  }
0x90: {  	[tilespmem:s19], [sflag:$0x1] =	stream.indirect.gather [hbm4b:s4+s17], $0x80, s18, s17, $0xb8;
	[tilespmem:$0x1FE00] =	vst v63  }
0x91: {  	_ =	swait.ge [sflag:s23], $0x4000  }
0x92: {  	[sflag:s23] =	ssyncset.done $0x0  }
0x93: {  	[sflag:s23] =	ssyncadd.s32 $0xFFFFC000  }
0x94: {  	[spmem:s2] =	stream.indirect.scatter.add.f32 [tilespmem:s15], [sflag:$0x4], $0x80, s24, s17, $0xb8;
	[tilespmem:$0x1FE00] =	vst v63  }
0x95: {  	_ =	swait.ge [sflag:s14], $0x4000  }
0x96: {  	[sflag:s14] =	ssyncset.done $0x0  }
0x97: {  	[sflag:s14] =	ssyncadd.s32 $0xFFFFC000  }
0x98: {  	v1 =	vld [tilespmem:s26+$0xFFFFFF90];
	_ =	sdelay $0x4  }
0x99: {  	v2 =	vshrl.u32 v1, $0xE  }
0x9a: {  	v1 =	vand.u32 $0x3FFF, v1;
	[tilespmem:$0x4080] =	vst v2  }
0x9b: {  	[tilespmem:$0x4180] =	vst v1  }
0x9c: {  	v1 =	vld [tilespmem:s26+$0xFFFFFFA0];
	_ =	sdelay $0x4  }
0x9d: {  	v2 =	vshrl.u32 v1, $0xE  }
0x9e: {  	v1 =	vand.u32 $0x3FFF, v1;
	[tilespmem:$0x4090] =	vst v2  }
0x9f: {  	[tilespmem:$0x4190] =	vst v1  }
0xa0: {  	v1 =	vld [tilespmem:s26+$0xFFFFFFB0];
	_ =	sdelay $0x4  }
0xa1: {  	v2 =	vshrl.u32 v1, $0xE  }
0xa2: {  	v1 =	vand.u32 $0x3FFF, v1;
	[tilespmem:$0x40A0] =	vst v2  }
0xa3: {  	[tilespmem:$0x41A0] =	vst v1  }
0xa4: {  	v1 =	vld [tilespmem:s26+$0xFFFFFFC0];
	_ =	sdelay $0x4  }
0xa5: {  	v2 =	vshrl.u32 v1, $0xE  }
0xa6: {  	v1 =	vand.u32 $0x3FFF, v1;
	[tilespmem:$0x40B0] =	vst v2  }
0xa7: {  	[tilespmem:$0x41B0] =	vst v1  }
0xa8: {  	v1 =	vld [tilespmem:s26+$0xFFFFFFD0];
	_ =	sdelay $0x4  }
0xa9: {  	v2 =	vshrl.u32 v1, $0xE  }
0xaa: {  	v1 =	vand.u32 $0x3FFF, v1;
	[tilespmem:$0x40C0] =	vst v2  }
0xab: {  	[tilespmem:$0x41C0] =	vst v1  }
0xac: {  	v1 =	vld [tilespmem:s26+$0xFFFFFFE0];
	_ =	sdelay $0x1  }
0xad: {  	p0 =	sne.s32 s11, $0x1  }
.Ltmp1:
0xae: {  	_ = 	snop;
	(pc) =	sbr.rel @!p0 .LBB2_5-.Ltmp1, $4  }
0xaf: {  	_ = 	snop  }
0xb0: {  	v2 =	vshrl.u32 v1, $0xE  }
0xb1: {  	v1 =	vand.u32 $0x3FFF, v1;
	[tilespmem:$0x40D0] =	vst v2  }
0xb2: {  	s28 =	sadd.s32 $0xFFFFFFFF, s11;
	s29 =	simm.s32 $0x1F0;
	[tilespmem:$0x41D0] =	vst v1  }
.LBB2_4:
0xb3: {  	p0 =	sne.s32 s28, $0x1;
	s28 =	sadd.s32 $0xFFFFFFFF, s28;
	v1 =	vld [tilespmem:s26+$0xFFFFFFF0];
	s29 =	sadd.s32 $0x100, s29  }
0xb4: {  	_ =	sdelay $0x3  }
0xb5: {  	v2 =	vshrl.u32 v1, $0xE;
	v1 =	vand.u32 $0x3FFF, v1  }
0xb6: {  	[tilespmem:$0x40E0] =	vst v2  }
0xb7: {  	[tilespmem:$0x41E0] =	vst v1  }
0xb8: {  	v1 =	vld [tilespmem:s26+$0x0];
	s26 =	smov.u32 s29;
	_ =	sdelay $0x4  }
0xb9: {  	v2 =	vshrl.u32 v1, $0xE;
	v1 =	vand.u32 $0x3FFF, v1  }
0xba: {  	[tilespmem:$0x40F0] =	vst v2  }
0xbb: {  	[tilespmem:$0x41F0] =	vst v1  }
0xbc: {  	[tilespmem:s15], [sflag:$0x2] =	stream.indirect.gather [hbm4b:s4+s17], $0x80, s20, s17, $0xb8;
	[tilespmem:$0x1FE00] =	vst v63  }
0xbd: {  	_ =	swait.ge [sflag:s21], $0x4000  }
0xbe: {  	[sflag:s21] =	ssyncset.done $0x0  }
0xbf: {  	[sflag:s21] =	ssyncadd.s32 $0xFFFFC000  }
0xc0: {  	[spmem:s2] =	stream.indirect.scatter.add.f32 [tilespmem:s19], [sflag:$0x4], $0x80, s22, s17, $0xb8;
	[tilespmem:$0x1FE00] =	vst v63  }
0xc1: {  	_ =	swait.ge [sflag:s14], $0x4000  }
0xc2: {  	[sflag:s14] =	ssyncset.done $0x0  }
0xc3: {  	[sflag:s14] =	ssyncadd.s32 $0xFFFFC000  }
0xc4: {  	v1 =	vld [tilespmem:s29+$0xFFFFFF10];
	_ =	sdelay $0x4  }
0xc5: {  	v2 =	vshrl.u32 v1, $0xE;
	v1 =	vand.u32 $0x3FFF, v1  }
0xc6: {  	[tilespmem:$0x4000] =	vst v2  }
0xc7: {  	[tilespmem:$0x4100] =	vst v1  }
0xc8: {  	v1 =	vld [tilespmem:s29+$0xFFFFFF20];
	_ =	sdelay $0x4  }
0xc9: {  	v2 =	vshrl.u32 v1, $0xE;
	v1 =	vand.u32 $0x3FFF, v1  }
0xca: {  	[tilespmem:$0x4010] =	vst v2  }
0xcb: {  	[tilespmem:$0x4110] =	vst v1  }
0xcc: {  	v1 =	vld [tilespmem:s29+$0xFFFFFF30];
	_ =	sdelay $0x4  }
0xcd: {  	v2 =	vshrl.u32 v1, $0xE;
	v1 =	vand.u32 $0x3FFF, v1  }
0xce: {  	[tilespmem:$0x4020] =	vst v2  }
0xcf: {  	[tilespmem:$0x4120] =	vst v1  }
0xd0: {  	v1 =	vld [tilespmem:s29+$0xFFFFFF40];
	_ =	sdelay $0x4  }
0xd1: {  	v2 =	vshrl.u32 v1, $0xE;
	v1 =	vand.u32 $0x3FFF, v1  }
0xd2: {  	[tilespmem:$0x4030] =	vst v2  }
0xd3: {  	[tilespmem:$0x4130] =	vst v1  }
0xd4: {  	v1 =	vld [tilespmem:s29+$0xFFFFFF50];
	_ =	sdelay $0x4  }
0xd5: {  	v2 =	vshrl.u32 v1, $0xE;
	v1 =	vand.u32 $0x3FFF, v1  }
0xd6: {  	[tilespmem:$0x4040] =	vst v2  }
0xd7: {  	[tilespmem:$0x4140] =	vst v1  }
0xd8: {  	v1 =	vld [tilespmem:s29+$0xFFFFFF60];
	_ =	sdelay $0x4  }
0xd9: {  	v2 =	vshrl.u32 v1, $0xE;
	v1 =	vand.u32 $0x3FFF, v1  }
0xda: {  	[tilespmem:$0x4050] =	vst v2  }
0xdb: {  	[tilespmem:$0x4150] =	vst v1  }
0xdc: {  	v1 =	vld [tilespmem:s29+$0xFFFFFF70];
	_ =	sdelay $0x4  }
0xdd: {  	v2 =	vshrl.u32 v1, $0xE;
	v1 =	vand.u32 $0x3FFF, v1  }
0xde: {  	[tilespmem:$0x4060] =	vst v2  }
0xdf: {  	[tilespmem:$0x4160] =	vst v1  }
0xe0: {  	v1 =	vld [tilespmem:s29+$0xFFFFFF80];
	_ =	sdelay $0x4  }
0xe1: {  	v2 =	vshrl.u32 v1, $0xE;
	v1 =	vand.u32 $0x3FFF, v1  }
0xe2: {  	[tilespmem:$0x4070] =	vst v2  }
0xe3: {  	[tilespmem:$0x4170] =	vst v1  }
0xe4: {  	[tilespmem:s19], [sflag:$0x1] =	stream.indirect.gather [hbm4b:s4+s17], $0x80, s18, s17, $0xb8;
	[tilespmem:$0x1FE00] =	vst v63  }
0xe5: {  	_ =	swait.ge [sflag:s23], $0x4000  }
0xe6: {  	[sflag:s23] =	ssyncset.done $0x0  }
0xe7: {  	[sflag:s23] =	ssyncadd.s32 $0xFFFFC000  }
0xe8: {  	[spmem:s2] =	stream.indirect.scatter.add.f32 [tilespmem:s15], [sflag:$0x4], $0x80, s24, s17, $0xb8;
	[tilespmem:$0x1FE00] =	vst v63  }
0xe9: {  	_ =	swait.ge [sflag:s14], $0x4000  }
0xea: {  	[sflag:s14] =	ssyncset.done $0x0  }
0xeb: {  	[sflag:s14] =	ssyncadd.s32 $0xFFFFC000  }
0xec: {  	v1 =	vld [tilespmem:s29+$0xFFFFFF90];
	_ =	sdelay $0x4  }
0xed: {  	v2 =	vshrl.u32 v1, $0xE;
	v1 =	vand.u32 $0x3FFF, v1  }
0xee: {  	[tilespmem:$0x4080] =	vst v2  }
0xef: {  	[tilespmem:$0x4180] =	vst v1  }
0xf0: {  	v1 =	vld [tilespmem:s29+$0xFFFFFFA0];
	_ =	sdelay $0x4  }
0xf1: {  	v2 =	vshrl.u32 v1, $0xE;
	v1 =	vand.u32 $0x3FFF, v1  }
0xf2: {  	[tilespmem:$0x4090] =	vst v2  }
0xf3: {  	[tilespmem:$0x4190] =	vst v1  }
0xf4: {  	v1 =	vld [tilespmem:s29+$0xFFFFFFB0];
	_ =	sdelay $0x4  }
0xf5: {  	v2 =	vshrl.u32 v1, $0xE;
	v1 =	vand.u32 $0x3FFF, v1  }
0xf6: {  	[tilespmem:$0x40A0] =	vst v2  }
0xf7: {  	[tilespmem:$0x41A0] =	vst v1  }
0xf8: {  	v1 =	vld [tilespmem:s29+$0xFFFFFFC0];
	_ =	sdelay $0x4  }
0xf9: {  	v2 =	vshrl.u32 v1, $0xE;
	v1 =	vand.u32 $0x3FFF, v1  }
0xfa: {  	[tilespmem:$0x40B0] =	vst v2  }
0xfb: {  	[tilespmem:$0x41B0] =	vst v1  }
0xfc: {  	v1 =	vld [tilespmem:s29+$0xFFFFFFD0];
	_ =	sdelay $0x4  }
0xfd: {  	v2 =	vshrl.u32 v1, $0xE;
	v1 =	vand.u32 $0x3FFF, v1  }
0xfe: {  	[tilespmem:$0x40C0] =	vst v2  }
0xff: {  	[tilespmem:$0x41C0] =	vst v1  }
0x100: {  	v1 =	vld [tilespmem:s29+$0xFFFFFFE0];
	_ =	sdelay $0x2  }
.Ltmp2:
0x101: {  	(pc) =	sbr.rel @p0 .LBB2_4-.Ltmp2, $4  }
0x102: {  	_ = 	snop  }
0x103: {  	v2 =	vshrl.u32 v1, $0xE;
	v1 =	vand.u32 $0x3FFF, v1  }
0x104: {  	[tilespmem:$0x40D0] =	vst v2  }
0x105: {  	[tilespmem:$0x41D0] =	vst v1  }
.LBB2_5:
0x106: {  	v1 =	vld [tilespmem:s26+$0xFFFFFFF0];
	_ =	sdelay $0x4  }
0x107: {  	v2 =	vshrl.u32 v1, $0xE  }
0x108: {  	v1 =	vand.u32 $0x3FFF, v1;
	[tilespmem:$0x40E0] =	vst v2  }
0x109: {  	[tilespmem:$0x41E0] =	vst v1  }
0x10a: {  	v1 =	vld [tilespmem:s26+$0x0];
	_ =	sdelay $0x4  }
0x10b: {  	v2 =	vshrl.u32 v1, $0xE  }
0x10c: {  	v1 =	vand.u32 $0x3FFF, v1;
	[tilespmem:$0x40F0] =	vst v2  }
0x10d: {  	[tilespmem:$0x41F0] =	vst v1  }
0x10e: {  	[tilespmem:s15], [sflag:$0x2] =	stream.indirect.gather [hbm4b:s4+s17], $0x80, s20, s17, $0xb8;
	[tilespmem:$0x1FE00] =	vst v63  }
0x10f: {  	_ =	swait.ge [sflag:s21], $0x4000  }
0x110: {  	[sflag:s21] =	ssyncset.done $0x0  }
0x111: {  	[sflag:s21] =	ssyncadd.s32 $0xFFFFC000  }
0x112: {  	[spmem:s2] =	stream.indirect.scatter.add.f32 [tilespmem:s19], [sflag:$0x4], $0x80, s22, s17, $0xb8;
	[tilespmem:$0x1FE00] =	vst v63  }
0x113: {  	_ =	swait.ge [sflag:s14], $0x4000  }
0x114: {  	[sflag:s14] =	ssyncset.done $0x0  }
0x115: {  	[sflag:s14] =	ssyncadd.s32 $0xFFFFC000  }
0x116: {  	_ =	swait.ge [sflag:s23], $0x4000  }
0x117: {  	[sflag:s23] =	ssyncset.done $0x0  }
0x118: {  	[sflag:s23] =	ssyncadd.s32 $0xFFFFC000  }
0x119: {  	[spmem:s2] =	stream.indirect.scatter.add.f32 [tilespmem:s15], [sflag:$0x4], $0x80, s24, s17, $0xb8;
	[tilespmem:$0x1FE00] =	vst v63  }
0x11a: {  	_ =	swait.ge [sflag:s14], $0x4000  }
0x11b: {  	s31 =	sshll.u32 s1, $0x6;
	s25 =	sadd.s32 $0x1, s25;
	[sflag:s14] =	ssyncset.done $0x0  }
0x11c: {  	s28 =	sshrl.u32 s6, $0x3;
	p0 =	sne.s32 s25, s13;
	[sflag:s14] =	ssyncadd.s32 $0xFFFFC000  }
.Ltmp3:
0x11d: {  	s26 =	sor.u32 $0x1C04, s31;
	[bflag:$0x0] =	sbarrier.arrive $0xFFFF;
	(pc) =	sbr.rel @p0 .LBB2_1-.Ltmp3, $4  }
0x11e: {  	[hbm:s12], [sflag:s26] =	dma.local [spmem:s28], $0x2780  }
0x11f: {  	_ =	swait.ge [sflag:s14], $0x2780  }
0x120: {  	[sflag:s14] =	ssyncset.done $0x0  }
0x121: {  	[sflag:s14] =	ssyncadd.s32 $0xFFFFD880  }
0x122: {  	_ =	sfence.sel $0x180000  }
0x123: {  	[bflag:$0x0] =	sbarrier.arrive $0xFFFF  }
0x124: {  	p0 =	sne.s32 s1, $0x0;
	_ =	strace $0x9000004D  }
0x125: {  	s0 =	sadd.s32 @!p0 $0x100000, s0;
	[bflag:$0x2] =	sbarrier.arrive $0xFFFF  }
0x126: {  	[sflag:s0] =	ssyncadd.tile.s32 @!p0 $0x1;
	_ =	shalt  }
.Lfunc_end2:
_tile_overlayer_lowered:
.L_overlay_start_2:
0x127: {  	(tag) =	ssettag $0x2  }
0x128: {  	s0 =	rddreg [dreg:$0x0];
	s2 =	stileid.u32  }
0x129: {  	s1 =	rddreg [dreg:$0x1];
	p0 =	sne.s32 s2, $0x0  }
0x12a: {  	s3 =	rddreg [dreg:$0x2];
	[bflag:$0x3] =	sbarrier.arrive $0xFFFF;
	s2 =	simm.s32 @!p0 $0x1C04  }
0x12b: {  	[timem:s3], [sflag:s2] =	dma.local @!p0 [hbm:s0], s1  }
0x12c: {  	s0 =	simm.s32 @!p0 $0x4  }
0x12d: {  	_ =	swait.ge @!p0 [sflag:s0], s1  }
0x12e: {  	s1 =	ssub.s32 @!p0 $0x0, s1;
	[sflag:s0] =	ssyncset.done @!p0 $0x0  }
0x12f: {  	[sflag:s0] =	ssyncadd.s32 @!p0 s1  }
0x130: {  	[bflag:$0x3] =	sbarrier.arrive $0xFFFF  }
0x131: {  	_ =	shalt  }

// kernel: kernel.8.cloned.1.call-start
scs
__scs_entry_jumppad:
0x0: {  	(pc) =	sbr.rel $0x88, $3  }
0x1: {  	(tag) =	ssettag $0x0;
	lr =	simm.s32 $0x1  }
0x2: {  	[smem:$0x3F97] =	sst lr;
	_ =	strace $0xD0000000  }
0x3: {  	_ = 	snop  }
0x4: {  	_ = 	snop  }
0x5: {  	_ = 	snop  }
0x6: {  	_ = 	snop  }
0x7: {  	_ = 	snop  }
__scs_overlays_trampoline_lowered:
0x8: {  	[smem:$0x3FA6] =	sst s0  }
0x9: {  	[smem:$0x3FA7] =	sst s1  }
0xa: {  	[smem:$0x3FA8] =	sst s2  }
0xb: {  	[smem:$0x3FA9] =	sst s3  }
0xc: {  	[smem:$0x3FAA] =	sst s4  }
0xd: {  	[smem:$0x3FAB] =	sst s5  }
0xe: {  	[smem:$0x3FAC] =	sst s6  }
0xf: {  	[smem:$0x3FAD] =	sst s7  }
0x10: {  	[smem:$0x3FAE] =	sst s8  }
0x11: {  	[smem:$0x3FAF] =	sst s9;
	s0 =	simm.s32 @!p0 $0x0  }
0x12: {  	s1 =	sld [smem:$0x3F95];
	s0 =	simm.s32 @p0 $0x1  }
0x13: {  	[smem:$0x3FB0] =	sst s0;
	s0 =	simm.s32 @!p1 $0x0  }
0x14: {  	s2 =	sld [smem:$0x3F94];
	s0 =	simm.s32 @p1 $0x1  }
0x15: {  	[smem:$0x3FB1] =	sst s0;
	s0 =	simm.s32 @!p2 $0x0  }
0x16: {  	s3 =	sld [smem:$0x3FDB];
	s0 =	simm.s32 @p2 $0x1  }
0x17: {  	s4 =	simm.s32 $0x1BF5;
	[smem:$0x3FB3] =	sst s0  }
0x18: {  	s0 =	sld [smem:$0x3F96];
	_ =	swait.ge [sflag:s4], $0x0  }
0x19: {  	s7 =	sld [smem:$0x3F97]  }
0x1a: {  	s8 =	sadd.s32 $0xFFFFE003, lr  }
0x1b: {  	s9 =	sadd.s32 $0xFFFFFEF7, lr;
	s5 =	simm.s32 $0xFFFFFFFF;
	p2 =	slt.u32 s8, $0xFFFFF086  }
0x1c: {  	p1 =	slt.u32 s9, $0xF7A;
	s5 =	simm.s32 @!p2 $0x0  }
0x1d: {  	s5 =	simm.s32 @p1 $0x1;
	p0 =	seq.s32 s7, s2  }
0x1e: {  	s7 =	smul.u32 @!p0 $0xF7A, s2;
	p2 =	seq.s32 @!p0 s5, $0x0  }
0x1f: {  	s9 =	smul.u32 $0xF7A, s1;
	s8 =	simm.s32 @!p0 $0x1BF5;
	p2 =	por !p2, p0  }
0x20: {  	[sflag:s8] =	ssyncset.s32 @!p0 $0xFFFFF086;
	s6 =	sadd.s32 @!p0 s3, s7;
	s7 =	simm.s32 @!p0 $0x108  }
0x21: {  	s3 =	sadd.s32 s3, s9;
	s6 =	sadd.s32 @!p0 $0x88, s6;
	s7 =	simm.s32 @p2 $0x1082  }
0x22: {  	[simem:s7], [sflag:s8] =	dma.local @!p0 [hbm:s6], $0xF7A  }
0x23: {  	s9 =	sor.u32 $0xD0000000, s2;
	s6 =	simm.s32 $0x108;
	_ =	swait.ge @!p0 [sflag:s8], $0x0  }
0x24: {  	s3 =	sadd.s32 $0x88, s3;
	s6 =	simm.s32 @!p1 $0x1082;
	[sflag:s4] =	ssyncset.s32 $0xFFFFF086  }
0x25: {  	[simem:s6], [sflag:s4] =	dma.local [hbm:s3], $0xF7A  }
0x26: {  	[smem:$0x3F97] =	sst s1;
	(tag) =	ssettag s2;
	_ =	strace s9  }
0x27: {  	s1 =	sld [smem:$0x3FA7]  }
0x28: {  	s2 =	sld [smem:$0x3FA8]  }
0x29: {  	s4 =	sld [smem:$0x3FAA]  }
0x2a: {  	p0 =	seq.s32 s5, $0x0;
	s5 =	sld [smem:$0x3FAB]  }
0x2b: {  	s6 =	sld [smem:$0x3FAC]  }
0x2c: {  	s7 =	sld [smem:$0x3FAD]  }
0x2d: {  	s3 =	simm.s32 $0x108;
	s8 =	sld [smem:$0x3FAE]  }
0x2e: {  	s3 =	simm.s32 @!p0 $0x1082;
	s9 =	sld [smem:$0x3FAF]  }
0x2f: {  	lr =	sadd.s32 s0, s3;
	s0 =	sld [smem:$0x3FA6]  }
0x30: {  	s3 =	sld [smem:$0x3FA9]  }
0x31: {  	[smem:$0x3FB2] =	sst s10  }
0x32: {  	s10 =	sld [smem:$0x3FB0];
	_ =	sdelay $0x3  }
0x33: {  	p0 =	seq.s32 s10, $0x1;
	s10 =	sld [smem:$0x3FB2];
	_ =	sdelay $0x3  }
0x34: {  	[smem:$0x3FB2] =	sst s10  }
0x35: {  	s10 =	sld [smem:$0x3FB1];
	_ =	sdelay $0x3  }
0x36: {  	p1 =	seq.s32 s10, $0x1;
	s10 =	sld [smem:$0x3FB2];
	_ =	sdelay $0x3  }
0x37: {  	[smem:$0x3FB2] =	sst s10  }
0x38: {  	s10 =	sld [smem:$0x3FB3]  }
0x39: {  	_ = 	snop;
	(pc) =	sbr.ind lr, $3  }
0x3a: {  	_ = 	snop  }
0x3b: {  	_ = 	snop  }
0x3c: {  	p2 =	seq.s32 s10, $0x1;
	s10 =	sld [smem:$0x3FB2]  }
0x3d: {  	_ =	shalt  }
0x3e: {  	_ =	shalt  }
0x3f: {  	_ =	shalt  }
0x40: {  	_ =	shalt  }
0x41: {  	_ =	shalt  }
0x42: {  	_ =	shalt  }
0x43: {  	_ =	shalt  }
0x44: {  	_ =	shalt  }
0x45: {  	_ =	shalt  }
0x46: {  	_ =	shalt  }
0x47: {  	_ =	shalt  }
0x48: {  	_ =	shalt  }
0x49: {  	_ =	shalt  }
0x4a: {  	_ =	shalt  }
0x4b: {  	_ =	shalt  }
0x4c: {  	_ =	shalt  }
0x4d: {  	_ =	shalt  }
0x4e: {  	_ =	shalt  }
0x4f: {  	_ =	shalt  }
0x50: {  	_ =	shalt  }
0x51: {  	_ =	shalt  }
0x52: {  	_ =	shalt  }
0x53: {  	_ =	shalt  }
0x54: {  	_ =	shalt  }
0x55: {  	_ =	shalt  }
0x56: {  	_ =	shalt  }
0x57: {  	_ =	shalt  }
0x58: {  	_ =	shalt  }
0x59: {  	_ =	shalt  }
0x5a: {  	_ =	shalt  }
0x5b: {  	_ =	shalt  }
0x5c: {  	_ =	shalt  }
0x5d: {  	_ =	shalt  }
0x5e: {  	_ =	shalt  }
0x5f: {  	_ =	shalt  }
0x60: {  	_ =	shalt  }
0x61: {  	_ =	shalt  }
0x62: {  	_ =	shalt  }
0x63: {  	_ =	shalt  }
0x64: {  	_ =	shalt  }
0x65: {  	_ =	shalt  }
0x66: {  	_ =	shalt  }
0x67: {  	_ =	shalt  }
0x68: {  	_ =	shalt  }
0x69: {  	_ =	shalt  }
0x6a: {  	_ =	shalt  }
0x6b: {  	_ =	shalt  }
0x6c: {  	_ =	shalt  }
0x6d: {  	_ =	shalt  }
0x6e: {  	_ =	shalt  }
0x6f: {  	_ =	shalt  }
0x70: {  	_ =	shalt  }
0x71: {  	_ =	shalt  }
0x72: {  	_ =	shalt  }
0x73: {  	_ =	shalt  }
0x74: {  	_ =	shalt  }
0x75: {  	_ =	shalt  }
0x76: {  	_ =	shalt  }
0x77: {  	_ =	shalt  }
0x78: {  	_ =	shalt  }
0x79: {  	_ =	shalt  }
0x7a: {  	_ =	shalt  }
0x7b: {  	_ =	shalt  }
0x7c: {  	_ =	shalt  }
0x7d: {  	_ =	shalt  }
0x7e: {  	_ =	shalt  }
0x7f: {  	_ =	shalt  }
0x80: {  	_ =	shalt  }
0x81: {  	_ =	shalt  }
0x82: {  	_ =	shalt  }
0x83: {  	_ =	shalt  }
0x84: {  	_ =	shalt  }
0x85: {  	_ =	shalt  }
0x86: {  	_ =	shalt  }
0x87: {  	_ =	shalt  }
.Lfunc_end0:
.L_simem_size_0:
called_computation_lowered:
.L_overlay_start_0:
0x88: {  	s2 =	sld [smem:$0x3FD9]  }
0x89: {  	s3 =	sld [smem:$0x3FFE];
	_ =	sdelay $0x1  }
0x8a: {  	s1 =	srdreg.scid  }
0x8b: {  	s0 =	sand.u32 $0x1, s1  }
0x8c: {  	s16 =	sshll.u32 s0, $0xA;
	s2 =	sadd.s32 s3, s2  }
0x8d: {  	s2 =	sadd.s32 s2, s16  }
0x8e: {  	[smem:$0x3FBE] =	sst s2  }
0x8f: {  	_ = 	snop  }
0x90: {  	(tm) =	ssettm $0x1  }
0x91: {  	s17 =	sld [smem:$0x3FFB];
	_ =	sdelay $0x3  }
0x92: {  	_ =	strace s17  }
0x93: {  	s2 =	sld [smem:$0x3FFC];
	_ =	sdelay $0x3  }
0x94: {  	_ =	strace s2  }
0x95: {  	s2 =	sld [smem:$0x3FFD];
	_ =	sdelay $0x3  }
0x96: {  	_ =	strace s2  }
0x97: {  	_ =	strace $0x8FFFFFFF  }
0x98: {  	s18 =	sld [smem:$0x3FDB];
	_ =	sdelay $0x1  }
0x99: {  	s19 =	simm.s32 $_scs_section_size  }
0x9a: {  	s4 =	simm.s32 $_size__tile_overlayer_lowered;
	s5 =	simm.s32 $_tile_overlayer_lowered  }
0x9b: {  	s22 =	simm.s32 $0x1BFF;
	s21 =	sshll.u32 s5, $0x1;
	s2 =	sadd.s32 s19, s18  }
0x9c: {  	s6 =	simm.s32 $0x0;
	s20 =	sshll.u32 s4, $0x1;
	s4 =	sadd.s32 s21, s2  }
0x9d: {  	[timem:s6], [sflag:s22] =	dma.local [hbm:s4], s20  }
0x9e: {  	_ =	swait.ge [sflag:s22], s20  }
0x9f: {  	s3 =	ssub.s32 $0x0, s20;
	[sflag:s22] =	ssyncset.done $0x0  }
0xa0: {  	[sflag:s22] =	ssyncadd.s32 s3;
	_ =	sdelay $0x1  }
0xa1: {  	s23 =	simm.s32 $0x1B8B  }
0xa2: {  	_ =	swait.ge [sflag:s23], $0x1  }
0xa3: {  	[sflag:s23] =	ssyncset.done $0x0  }
0xa4: {  	s25 =	simm.s32 $0x1B8E;
	s24 =	sld [smem:$0x3FFE];
	[sflag:s23] =	ssyncadd.s32 $0xFFFFFFFF  }
0xa5: {  	s26 =	simm.s32 $execute0_lowered;
	[smem:$0x3FD2] =	sst s25  }
0xa6: {  	s4 =	sshll.u32 s26, $0x1;
	_ =	strace $0x80000046;
	[dreg:$0x1] =	wrdreg $0xFFFFFFFF  }
0xa7: {  	s28 =	simm.s32 $_size_execute0_lowered;
	s2 =	sadd.s32 s2, s4;
	[dreg:$0x0] =	wrdreg $0x0  }
0xa8: {  	s4 =	sshll.u32 s28, $0x1;
	[dreg:$0x2] =	wrdreg s2  }
0xa9: {  	[dreg:$0x3] =	wrdreg s4  }
0xaa: {  	[dreg:$0x4] =	wrdreg $0xC0  }
0xab: {  	_ =	task [dreg:s6], $0x5FFFF  }
0xac: {  	[dreg:$0x1] =	wrdreg $0xFFFFFFFF  }
0xad: {  	[dreg:$0x0] =	wrdreg $0x60  }
0xae: {  	[dreg:$0x2] =	wrdreg s24  }
0xaf: {  	[dreg:$0x3] =	wrdreg $0xB8000  }
0xb0: {  	[dreg:$0x4] =	wrdreg $0x9  }
0xb1: {  	_ =	task.clear_ibuf [dreg:s6], $0x5FFFF;
	_ =	strace $0x90000046  }
0xb2: {  	s29 =	simm.s32 $0x9;
	_ =	strace $0x80000048  }
0xb3: {  	_ =	swait.ge [sflag:s29], $0x1  }
0xb4: {  	[sflag:s29] =	ssyncadd.s32 $0xFFFFFFFF  }
0xb5: {  	_ =	strace $0x90000048  }
0xb6: {  	_ =	sfence  }
0xb7: {  	s30 =	sld [smem:$0x0];
	_ =	sdelay $0x2  }
0xb8: {  	s31 =	sshll.u32 s1, $0xD;
	s1 =	sshrl.u32 s1, $0x2  }
0xb9: {  	s3 =	sand.u32 $0x4000, s31;
	s1 =	sadd.s32 s1, s30  }
0xba: {  	s0 =	sor.u32 s3, s0;
	s1 =	sshll.u32 s1, $0x11  }
0xbb: {  	s0 =	sor.u32 s1, s0  }
0xbc: {  	s0 =	sadd.s32 $0x8F2B, s0  }
0xbd: {  	[sflag:s0] =	ssyncadd.remote.s32 $0x1  }
0xbe: {  	_ =	sfence.sel $0xFFFF  }
0xbf: {  	[dreg:$0x0] =	wrdreg $0xFFFFFFFF;
	(pc) =	sbr.abs _section_cstart, $3  }
0xc0: {  	[dreg:$0x1] =	wrdreg $0xFFFFFFFF  }
0xc1: {  	_ =	task.clear_ibuf [dreg:s6], $0x2FFFF;
	_ =	strace $0x9FFFFFFF  }
0xc2: {  	(tm) =	ssettm $0x7FFFFFFF  }
0xc3: {  	_ =	shalt  }
tec
execute0_lowered:
.L_overlay_start_1:
0x0: {  	(tag) =	ssettag $0x1  }
0x1: {  	s0 =	srdreg.scid;
	s5 =	rddreg [dreg:$0x0]  }
0x2: {  	s2 =	rddreg [dreg:$0x1];
	s3 =	simm.s32 $0x0;
	s13 =	simm.s32 $0x3  }
0x3: {  	s14 =	simm.s32 $0x7800;
	s15 =	simm.s32 $0x2;
	s16 =	simm.s32 $0x80  }
0x4: {  	s17 =	simm.s32 $0x1;
	s4 =	sand.u32 $0x1, s0;
	s0 =	stileid.u32  }
0x5: {  	s18 =	simm.s32 $0x0;
	[smem:$0x7FF] =	sst s3;
	s7 =	smul.u32 $0x278000, s4  }
0x6: {  	s1 =	sshll.u32 s4, $0x4;
	s8 =	smul.u32 $0x13C00, s0;
	s29 =	ssub.s32 $0x2, s4  }
0x7: {  	s9 =	smul.u32 $0x4F000, s0;
	s1 =	sor.u32 s0, s1;
	s31 =	sshrl.u32 s29, $0x1  }
0x8: {  	s6 =	smul.u32 $0x500, s1;
	s1 =	rddreg [dreg:$0x2];
	_ =	strace $0x80000047  }
0x9: {  	s7 =	sadd.s32 s8, s7;
	s30 =	sshrl.u32 s9, $0x2;
	s12 =	ssub.s32 s29, s31  }
0xa: {  	s7 =	sshrl.u32 s7, $0x3;
	s4 =	sadd.s32 s30, s2;
	s12 =	smax.u32 s12, $0x1  }
0xb: {  	s6 =	sadd.s32 s6, s5;
	s11 =	sadd.s32 s7, s5;
	s7 =	sadd.s32 $0x8000, s4  }
0xc: {  	s8 =	sadd.s32 $0xC000, s4;
	s9 =	sadd.s32 $0x10000, s4;
	s5 =	sadd.s32 $0x2E00, s6  }
0xd: {  	v0 =	vimm.f32 $0.0e+00;
	v1 =	vimm.f32 $1.000000000e+00;
	s6 =	sadd.s32 $0x4000, s4;
	s10 =	sadd.s32 $0xCE00, s11;
	s11 =	sadd.s32 $0x34600, s11  }
.LBB2_1:
0xe: {  	[tilespmem:s3], [sflag:$0x3] =	stream.linear.gather [hbm4b:s5+s3], $0x2800, $0x38;
	[tilespmem:$0x1F400] =	vst v63  }
0xf: {  	_ =	swait.ge [sflag:s13], $0x2800  }
0x10: {  	[sflag:s13] =	ssyncset.done $0x0  }
0x11: {  	s19 =	simm.s32 $0x0;
	[sflag:s13] =	ssyncadd.s32 $0xFFFFD800  }
0x12: {  	v2 =	vld [tilespmem:s19+$0x70]  }
0x13: {  	v3 =	vld [tilespmem:s19+$0x0];
	_ =	sdelay $0x1  }
0x14: {  	v4 =	vld [tilespmem:s19+$0x10]  }
0x15: {  	v7 =	vld [tilespmem:s19+$0x40]  }
0x16: {  	v8 =	vand.u32 $0x3FFF, v2  }
0x17: {  	v5 =	vld [tilespmem:s19+$0x20];
	v10 =	vshrl.u32 v3, $0xE;
	[tilespmem:s19+$0x5070] =	vst v8  }
0x18: {  	v3 =	vand.u32 $0x3FFF, v3;
	[tilespmem:s19+$0x2800] =	vst v10  }
0x19: {  	v6 =	vld [tilespmem:s19+$0x30];
	v62 =	vshrl.u32 v4, $0xE;
	[tilespmem:s19+$0x5000] =	vst v3  }
0x1a: {  	v9 =	vld [tilespmem:s19+$0x50];
	v63 =	vshrl.u32 v7, $0xE;
	[tilespmem:s19+$0x2810] =	vst v62  }
0x1b: {  	v8 =	vld [tilespmem:s19+$0x60];
	v3 =	vand.u32 $0x3FFF, v4;
	[tilespmem:s19+$0x2840] =	vst v63  }
0x1c: {  	v4 =	vshrl.u32 v5, $0xE;
	[tilespmem:s19+$0x5010] =	vst v3  }
0x1d: {  	v3 =	vand.u32 $0x3FFF, v5;
	[tilespmem:s19+$0x2820] =	vst v4  }
0x1e: {  	v2 =	vshrl.u32 v2, $0xE;
	v4 =	vshrl.u32 v6, $0xE;
	[tilespmem:s19+$0x5020] =	vst v3  }
0x1f: {  	v7 =	vand.u32 $0x3FFF, v7;
	v5 =	vand.u32 $0x3FFF, v9;
	v3 =	vand.u32 $0x3FFF, v6;
	[tilespmem:s19+$0x2830] =	vst v4  }
0x20: {  	s20 =	simm.s32 $0x80;
	s21 =	simm.s32 $0x400;
	v6 =	vshrl.u32 v9, $0xE;
	[tilespmem:s19+$0x5030] =	vst v3;
	v4 =	vshrl.u32 v8, $0xE;
	v3 =	vand.u32 $0x3FFF, v8  }
.LBB2_2:
0x21: {  	p0 =	sne.s32 s21, $0x9E00;
	v8 =	vld [tilespmem:s20+$0x70];
	[tilespmem:s19+$0x5040] =	vst v7  }
0x22: {  	v7 =	vld [tilespmem:s20+$0x0];
	[tilespmem:s19+$0x2850] =	vst v6  }
0x23: {  	v6 =	vld [tilespmem:s20+$0x10];
	[tilespmem:s19+$0x5050] =	vst v5  }
0x24: {  	v5 =	vld [tilespmem:s20+$0x20];
	[tilespmem:s19+$0x2860] =	vst v4  }
0x25: {  	v4 =	vld [tilespmem:s20+$0x30];
	[tilespmem:s19+$0x5060] =	vst v3  }
0x26: {  	v3 =	vld [tilespmem:s20+$0x40];
	v9 =	vand.u32 $0x3FFF, v8;
	[tilespmem:s19+$0x2870] =	vst v2;
	v2 =	vshrl.u32 v8, $0xE;
	s19 =	smov.u32 s20  }
0x27: {  	v8 =	vshrl.u32 v7, $0xE;
	v7 =	vand.u32 $0x3FFF, v7;
	v10 =	vld [tilespmem:s19+$0x50];
	[tilespmem:s19+$0x5070] =	vst v9  }
0x28: {  	[tilespmem:s19+$0x2800] =	vst v8;
	v8 =	vshrl.u32 v6, $0xE;
	v6 =	vand.u32 $0x3FFF, v6;
	v9 =	vld [tilespmem:s19+$0x60]  }
0x29: {  	[tilespmem:s19+$0x5000] =	vst v7;
	v11 =	vshrl.u32 v5, $0xE;
	v12 =	vand.u32 $0x3FFF, v5  }
0x2a: {  	[tilespmem:s19+$0x2810] =	vst v8;
	v8 =	vshrl.u32 v4, $0xE;
	v13 =	vand.u32 $0x3FFF, v4  }
0x2b: {  	[tilespmem:s19+$0x5010] =	vst v6;
	v14 =	vshrl.u32 v3, $0xE;
	v7 =	vand.u32 $0x3FFF, v3  }
.Ltmp0:
0x2c: {  	[tilespmem:s19+$0x2820] =	vst v11;
	v6 =	vshrl.u32 v10, $0xE;
	v5 =	vand.u32 $0x3FFF, v10;
	(pc) =	sbr.rel @p0 .LBB2_2-.Ltmp0, $4  }
0x2d: {  	[tilespmem:s19+$0x5020] =	vst v12;
	v4 =	vshrl.u32 v9, $0xE;
	v3 =	vand.u32 $0x3FFF, v9  }
0x2e: {  	[tilespmem:s19+$0x2830] =	vst v8  }
0x2f: {  	[tilespmem:s19+$0x5030] =	vst v13  }
0x30: {  	s20 =	sshra.s32 s21, $0x2;
	s21 =	sadd.s32 $0x200, s21;
	[tilespmem:s19+$0x2840] =	vst v14  }
0x31: {  	v8 =	vld [tilespmem:s20+$0x70];
	[tilespmem:s19+$0x5040] =	vst v7  }
0x32: {  	v7 =	vld [tilespmem:s20+$0x0];
	[tilespmem:s19+$0x2850] =	vst v6  }
0x33: {  	v6 =	vld [tilespmem:s20+$0x10];
	[tilespmem:s19+$0x5050] =	vst v5  }
0x34: {  	v5 =	vld [tilespmem:s20+$0x20];
	[tilespmem:s19+$0x2860] =	vst v4  }
0x35: {  	v4 =	vld [tilespmem:s20+$0x30];
	[tilespmem:s19+$0x5060] =	vst v3  }
0x36: {  	v3 =	vld [tilespmem:s20+$0x40];
	[tilespmem:s19+$0x2870] =	vst v2;
	v2 =	vand.u32 $0x3FFF, v8  }
0x37: {  	v10 =	vshrl.u32 v7, $0xE;
	[tilespmem:s20+$0x5070] =	vst v2  }
0x38: {  	v2 =	vand.u32 $0x3FFF, v7;
	[tilespmem:s20+$0x2800] =	vst v10  }
0x39: {  	v60 =	vshrl.u32 v6, $0xE;
	[tilespmem:s20+$0x5000] =	vst v2  }
0x3a: {  	v2 =	vand.u32 $0x3FFF, v6;
	[tilespmem:s20+$0x2810] =	vst v60  }
0x3b: {  	v61 =	vshrl.u32 v5, $0xE;
	[tilespmem:s20+$0x5010] =	vst v2  }
0x3c: {  	v9 =	vld [tilespmem:s20+$0x50];
	v2 =	vand.u32 $0x3FFF, v5;
	[tilespmem:s20+$0x2820] =	vst v61  }
0x3d: {  	v62 =	vshrl.u32 v4, $0xE;
	[tilespmem:s20+$0x5020] =	vst v2  }
0x3e: {  	v59 =	vld [tilespmem:s20+$0x60];
	v2 =	vand.u32 $0x3FFF, v4;
	[tilespmem:s20+$0x2830] =	vst v62  }
0x3f: {  	v63 =	vshrl.u32 v3, $0xE;
	[tilespmem:s20+$0x5030] =	vst v2  }
0x40: {  	v2 =	vand.u32 $0x3FFF, v3;
	[tilespmem:s20+$0x2840] =	vst v63  }
0x41: {  	v3 =	vshrl.u32 v9, $0xE;
	[tilespmem:s20+$0x5040] =	vst v2  }
0x42: {  	v2 =	vand.u32 $0x3FFF, v9;
	[tilespmem:s20+$0x2850] =	vst v3  }
0x43: {  	v3 =	vshrl.u32 v59, $0xE;
	[tilespmem:s20+$0x5050] =	vst v2  }
0x44: {  	v2 =	vand.u32 $0x3FFF, v59;
	[tilespmem:s20+$0x2860] =	vst v3  }
0x45: {  	v3 =	vshrl.u32 v8, $0xE;
	[tilespmem:s20+$0x5060] =	vst v2  }
0x46: {  	s19 =	simm.s32 $0x0;
	[tilespmem:s20+$0x2870] =	vst v3;
	s20 =	simm.s32 $0x200  }
.LBB2_4:
0x47: {  	p0 =	sne.s32 s20, $0xFE00;
	[tilespmem:s19+$0x7870] =	vst v0  }
0x48: {  	[tilespmem:s19+$0x7800] =	vst v0  }
0x49: {  	[tilespmem:s19+$0x7810] =	vst v0  }
.Ltmp1:
0x4a: {  	[tilespmem:s19+$0x7820] =	vst v0;
	(pc) =	sbr.rel @p0 .LBB2_4-.Ltmp1, $4  }
0x4b: {  	[tilespmem:s19+$0x7830] =	vst v0  }
0x4c: {  	[tilespmem:s19+$0x7840] =	vst v0  }
0x4d: {  	[tilespmem:s19+$0x7850] =	vst v0  }
0x4e: {  	[tilespmem:s19+$0x7860] =	vst v0;
	s19 =	sshra.s32 s20, $0x2;
	s20 =	sadd.s32 $0x200, s20  }
0x4f: {  	[tilespmem:s19+$0x7870] =	vst v0  }
0x50: {  	[tilespmem:s19+$0x7800] =	vst v0  }
0x51: {  	[tilespmem:s19+$0x7810] =	vst v0  }
0x52: {  	[tilespmem:s19+$0x7820] =	vst v0  }
0x53: {  	[tilespmem:s19+$0x7830] =	vst v0  }
0x54: {  	[tilespmem:s19+$0x7840] =	vst v0  }
0x55: {  	[tilespmem:s19+$0x7850] =	vst v0  }
0x56: {  	[tilespmem:s19+$0x7860] =	vst v0  }
0x57: {  	[spmem:s4] =	stream.linear.scatter [tilespmem:s14], [sflag:$0x2], $0x4000, $0x38;
	[tilespmem:$0x1F400] =	vst v63  }
0x58: {  	_ = 	snop  }
0x59: {  	[spmem:s6] =	stream.linear.scatter [tilespmem:s14], [sflag:$0x2], $0x4000, $0x38;
	[tilespmem:$0x1F400] =	vst v63  }
0x5a: {  	_ = 	snop  }
0x5b: {  	[spmem:s7] =	stream.linear.scatter [tilespmem:s14], [sflag:$0x2], $0x4000, $0x38;
	[tilespmem:$0x1F400] =	vst v63  }
0x5c: {  	_ = 	snop  }
0x5d: {  	[spmem:s8] =	stream.linear.scatter [tilespmem:s14], [sflag:$0x2], $0x4000, $0x38;
	[tilespmem:$0x1F400] =	vst v63  }
0x5e: {  	_ = 	snop  }
0x5f: {  	[spmem:s9] =	stream.linear.scatter [tilespmem:s14], [sflag:$0x2], $0x3C00, $0x38;
	[tilespmem:$0x1F400] =	vst v63  }
0x60: {  	_ =	swait.ge [sflag:s15], $0x4000  }
0x61: {  	[sflag:s15] =	ssyncset.done $0x0  }
0x62: {  	[sflag:s15] =	ssyncadd.s32 $0xFFFFC000  }
0x63: {  	_ =	swait.ge [sflag:s15], $0x4000  }
0x64: {  	[sflag:s15] =	ssyncset.done $0x0  }
0x65: {  	[sflag:s15] =	ssyncadd.s32 $0xFFFFC000  }
0x66: {  	_ =	swait.ge [sflag:s15], $0x4000  }
0x67: {  	[sflag:s15] =	ssyncset.done $0x0  }
0x68: {  	[sflag:s15] =	ssyncadd.s32 $0xFFFFC000  }
0x69: {  	_ =	swait.ge [sflag:s15], $0x4000  }
0x6a: {  	[sflag:s15] =	ssyncset.done $0x0  }
0x6b: {  	[sflag:s15] =	ssyncadd.s32 $0xFFFFC000  }
0x6c: {  	_ =	swait.ge [sflag:s15], $0x3C00  }
0x6d: {  	[sflag:s15] =	ssyncset.done $0x0  }
0x6e: {  	s19 =	simm.s32 $0x0;
	s20 =	simm.s32 $0x200;
	[sflag:s15] =	ssyncadd.s32 $0xFFFFC400  }
.LBB2_6:
0x6f: {  	p0 =	sne.s32 s20, $0xFE00;
	[tilespmem:s19+$0x7870] =	vst v1  }
0x70: {  	[tilespmem:s19+$0x7800] =	vst v1  }
0x71: {  	[tilespmem:s19+$0x7810] =	vst v1  }
.Ltmp2:
0x72: {  	[tilespmem:s19+$0x7820] =	vst v1;
	(pc) =	sbr.rel @p0 .LBB2_6-.Ltmp2, $4  }
0x73: {  	[tilespmem:s19+$0x7830] =	vst v1  }
0x74: {  	[tilespmem:s19+$0x7840] =	vst v1  }
0x75: {  	[tilespmem:s19+$0x7850] =	vst v1  }
0x76: {  	[tilespmem:s19+$0x7860] =	vst v1;
	s19 =	sshra.s32 s20, $0x2;
	s20 =	sadd.s32 $0x200, s20  }
0x77: {  	[tilespmem:s19+$0x7870] =	vst v1  }
0x78: {  	[tilespmem:s19+$0x7800] =	vst v1  }
0x79: {  	[tilespmem:s19+$0x7810] =	vst v1  }
0x7a: {  	[tilespmem:s19+$0x7820] =	vst v1  }
0x7b: {  	[tilespmem:s19+$0x7830] =	vst v1  }
0x7c: {  	[tilespmem:s19+$0x7840] =	vst v1  }
0x7d: {  	[tilespmem:s19+$0x7850] =	vst v1  }
0x7e: {  	[tilespmem:s19+$0x7860] =	vst v1  }
0x7f: {  	s19 =	simm.s32 $0x0;
	[bflag:$0x0] =	sbarrier.arrive $0xFFFF  }
.LBB2_8:
0x80: {  	p0 =	sne.s32 s19, $0x9E00  }
.Ltmp3:
0x81: {  	_ = 	snop;
	(pc) =	sbr.rel @p0 .LBB2_8-.Ltmp3, $4  }
0x82: {  	_ = 	snop  }
0x83: {  	s20 =	sshra.s32 s19, $0x2  }
0x84: {  	s19 =	sadd.s32 $0x200, s19;
	s20 =	sadd.s32 $0x2800, s20  }
0x85: {  	[spmem:s2] =	stream.indirect.scatter.add.f32 [tilespmem:s14], [sflag:$0x1], $0x80, s20, s16, $0xb8;
	[tilespmem:$0x1F400] =	vst v63  }
0x86: {  	_ =	swait.ge [sflag:s17], $0x4000  }
0x87: {  	s19 =	simm.s32 $0x4F;
	[sflag:s17] =	ssyncset.done $0x0  }
.LBB2_10:
0x88: {  	p0 =	sne.s32 s19, $0x1;
	s19 =	sadd.s32 $0xFFFFFFFF, s19;
	[sflag:s17] =	ssyncadd.s32 $0xFFFFC000  }
.Ltmp4:
0x89: {  	(pc) =	sbr.rel @p0 .LBB2_10-.Ltmp4, $3  }
0x8a: {  	_ =	sdelay $0x1  }
0x8b: {  	_ =	swait.ge [sflag:s17], $0x4000  }
0x8c: {  	[sflag:s17] =	ssyncset.done $0x0  }
0x8d: {  	[sflag:s17] =	ssyncadd.s32 $0xFFFFC000;
	s19 =	sshll.u32 s0, $0x6  }
0x8e: {  	s20 =	sshrl.u32 s4, $0x3;
	[bflag:$0x0] =	sbarrier.arrive $0xFFFF;
	s19 =	sor.u32 $0x1C03, s19  }
0x8f: {  	[hbm:s10], [sflag:s19] =	dma.local [spmem:s20], $0x2780  }
0x90: {  	_ =	swait.ge [sflag:s13], $0x2780  }
0x91: {  	[sflag:s13] =	ssyncset.done $0x0  }
0x92: {  	[sflag:s13] =	ssyncadd.s32 $0xFFFFD880  }
0x93: {  	s21 =	simm.s32 $0x0;
	s22 =	simm.s32 $0x200;
	[bflag:$0x0] =	sbarrier.arrive $0xFFFF  }
.LBB2_12:
0x94: {  	p0 =	sne.s32 s22, $0xFE00;
	[tilespmem:s21+$0x7870] =	vst v0  }
0x95: {  	[tilespmem:s21+$0x7800] =	vst v0  }
0x96: {  	[tilespmem:s21+$0x7810] =	vst v0  }
.Ltmp5:
0x97: {  	[tilespmem:s21+$0x7820] =	vst v0;
	(pc) =	sbr.rel @p0 .LBB2_12-.Ltmp5, $4  }
0x98: {  	[tilespmem:s21+$0x7830] =	vst v0  }
0x99: {  	[tilespmem:s21+$0x7840] =	vst v0  }
0x9a: {  	[tilespmem:s21+$0x7850] =	vst v0  }
0x9b: {  	[tilespmem:s21+$0x7860] =	vst v0;
	s21 =	sshra.s32 s22, $0x2;
	s22 =	sadd.s32 $0x200, s22  }
0x9c: {  	[tilespmem:s21+$0x7870] =	vst v0  }
0x9d: {  	[tilespmem:s21+$0x7800] =	vst v0  }
0x9e: {  	[tilespmem:s21+$0x7810] =	vst v0  }
0x9f: {  	[tilespmem:s21+$0x7820] =	vst v0  }
0xa0: {  	[tilespmem:s21+$0x7830] =	vst v0  }
0xa1: {  	[tilespmem:s21+$0x7840] =	vst v0  }
0xa2: {  	[tilespmem:s21+$0x7850] =	vst v0  }
0xa3: {  	[tilespmem:s21+$0x7860] =	vst v0  }
0xa4: {  	[spmem:s4] =	stream.linear.scatter [tilespmem:s14], [sflag:$0x2], $0x4000, $0x38;
	[tilespmem:$0x1F400] =	vst v63  }
0xa5: {  	_ = 	snop  }
0xa6: {  	[spmem:s6] =	stream.linear.scatter [tilespmem:s14], [sflag:$0x2], $0x4000, $0x38;
	[tilespmem:$0x1F400] =	vst v63  }
0xa7: {  	_ = 	snop  }
0xa8: {  	[spmem:s7] =	stream.linear.scatter [tilespmem:s14], [sflag:$0x2], $0x4000, $0x38;
	[tilespmem:$0x1F400] =	vst v63  }
0xa9: {  	_ = 	snop  }
0xaa: {  	[spmem:s8] =	stream.linear.scatter [tilespmem:s14], [sflag:$0x2], $0x4000, $0x38;
	[tilespmem:$0x1F400] =	vst v63  }
0xab: {  	_ = 	snop  }
0xac: {  	[spmem:s9] =	stream.linear.scatter [tilespmem:s14], [sflag:$0x2], $0x3C00, $0x38;
	[tilespmem:$0x1F400] =	vst v63  }
0xad: {  	_ =	swait.ge [sflag:s15], $0x4000  }
0xae: {  	[sflag:s15] =	ssyncset.done $0x0  }
0xaf: {  	[sflag:s15] =	ssyncadd.s32 $0xFFFFC000  }
0xb0: {  	_ =	swait.ge [sflag:s15], $0x4000  }
0xb1: {  	[sflag:s15] =	ssyncset.done $0x0  }
0xb2: {  	[sflag:s15] =	ssyncadd.s32 $0xFFFFC000  }
0xb3: {  	_ =	swait.ge [sflag:s15], $0x4000  }
0xb4: {  	[sflag:s15] =	ssyncset.done $0x0  }
0xb5: {  	[sflag:s15] =	ssyncadd.s32 $0xFFFFC000  }
0xb6: {  	_ =	swait.ge [sflag:s15], $0x4000  }
0xb7: {  	[sflag:s15] =	ssyncset.done $0x0  }
0xb8: {  	[sflag:s15] =	ssyncadd.s32 $0xFFFFC000  }
0xb9: {  	_ =	swait.ge [sflag:s15], $0x3C00  }
0xba: {  	[sflag:s15] =	ssyncset.done $0x0  }
0xbb: {  	s21 =	simm.s32 $0x0;
	s22 =	simm.s32 $0x200;
	[sflag:s15] =	ssyncadd.s32 $0xFFFFC400  }
.LBB2_14:
0xbc: {  	p0 =	sne.s32 s22, $0xFE00;
	[tilespmem:s21+$0x7870] =	vst v1  }
0xbd: {  	[tilespmem:s21+$0x7800] =	vst v1  }
0xbe: {  	[tilespmem:s21+$0x7810] =	vst v1  }
.Ltmp6:
0xbf: {  	[tilespmem:s21+$0x7820] =	vst v1;
	(pc) =	sbr.rel @p0 .LBB2_14-.Ltmp6, $4  }
0xc0: {  	[tilespmem:s21+$0x7830] =	vst v1  }
0xc1: {  	[tilespmem:s21+$0x7840] =	vst v1  }
0xc2: {  	[tilespmem:s21+$0x7850] =	vst v1  }
0xc3: {  	[tilespmem:s21+$0x7860] =	vst v1;
	s21 =	sshra.s32 s22, $0x2;
	s22 =	sadd.s32 $0x200, s22  }
0xc4: {  	[tilespmem:s21+$0x7870] =	vst v1  }
0xc5: {  	[tilespmem:s21+$0x7800] =	vst v1  }
0xc6: {  	[tilespmem:s21+$0x7810] =	vst v1  }
0xc7: {  	[tilespmem:s21+$0x7820] =	vst v1  }
0xc8: {  	[tilespmem:s21+$0x7830] =	vst v1  }
0xc9: {  	[tilespmem:s21+$0x7840] =	vst v1  }
0xca: {  	[tilespmem:s21+$0x7850] =	vst v1  }
0xcb: {  	[tilespmem:s21+$0x7860] =	vst v1  }
0xcc: {  	s21 =	simm.s32 $0x0;
	[bflag:$0x0] =	sbarrier.arrive $0xFFFF  }
.LBB2_16:
0xcd: {  	p0 =	sne.s32 s21, $0x9E00  }
.Ltmp7:
0xce: {  	_ = 	snop;
	(pc) =	sbr.rel @p0 .LBB2_16-.Ltmp7, $4  }
0xcf: {  	_ = 	snop  }
0xd0: {  	s22 =	sshra.s32 s21, $0x2  }
0xd1: {  	s21 =	sadd.s32 $0x200, s21;
	s22 =	sadd.s32 $0x5000, s22  }
0xd2: {  	[spmem:s2] =	stream.indirect.scatter.add.f32 [tilespmem:s14], [sflag:$0x1], $0x80, s22, s16, $0xb8;
	[tilespmem:$0x1F400] =	vst v63  }
0xd3: {  	_ =	swait.ge [sflag:s17], $0x4000  }
0xd4: {  	s21 =	simm.s32 $0x4F;
	[sflag:s17] =	ssyncset.done $0x0  }
.LBB2_18:
0xd5: {  	p0 =	sne.s32 s21, $0x1;
	s21 =	sadd.s32 $0xFFFFFFFF, s21;
	[sflag:s17] =	ssyncadd.s32 $0xFFFFC000  }
.Ltmp8:
0xd6: {  	(pc) =	sbr.rel @p0 .LBB2_18-.Ltmp8, $3  }
0xd7: {  	_ =	sdelay $0x1  }
0xd8: {  	_ =	swait.ge [sflag:s17], $0x4000  }
0xd9: {  	[sflag:s17] =	ssyncset.done $0x0  }
0xda: {  	[sflag:s17] =	ssyncadd.s32 $0xFFFFC000;
	s18 =	sadd.s32 $0x1, s18  }
0xdb: {  	[bflag:$0x0] =	sbarrier.arrive $0xFFFF;
	p0 =	sne.s32 s18, s12  }
0xdc: {  	[hbm:s11], [sflag:s19] =	dma.local [spmem:s20], $0x2780  }
.Ltmp9:
0xdd: {  	_ =	swait.ge [sflag:s13], $0x2780;
	(pc) =	sbr.rel @p0 .LBB2_1-.Ltmp9, $3  }
0xde: {  	[sflag:s13] =	ssyncset.done $0x0  }
0xdf: {  	[sflag:s13] =	ssyncadd.s32 $0xFFFFD880  }
0xe0: {  	[bflag:$0x0] =	sbarrier.arrive $0xFFFF;
	_ =	sdelay $0x1  }
0xe1: {  	_ =	sfence.sel $0x180000  }
0xe2: {  	[bflag:$0x0] =	sbarrier.arrive $0xFFFF  }
0xe3: {  	p0 =	sne.s32 s0, $0x0;
	_ =	strace $0x90000047  }
0xe4: {  	s0 =	sadd.s32 @!p0 $0x100000, s1;
	[bflag:$0x2] =	sbarrier.arrive $0xFFFF  }
0xe5: {  	[sflag:s0] =	ssyncadd.tile.s32 @!p0 $0x1;
	_ =	shalt  }
.Lfunc_end2:
_tile_overlayer_lowered:
.L_overlay_start_2:
0xe6: {  	(tag) =	ssettag $0x2  }
0xe7: {  	s0 =	rddreg [dreg:$0x0];
	s2 =	stileid.u32  }
0xe8: {  	s1 =	rddreg [dreg:$0x1];
	p0 =	sne.s32 s2, $0x0  }
0xe9: {  	s3 =	rddreg [dreg:$0x2];
	[bflag:$0x3] =	sbarrier.arrive $0xFFFF;
	s2 =	simm.s32 @!p0 $0x1C03  }
0xea: {  	[timem:s3], [sflag:s2] =	dma.local @!p0 [hbm:s0], s1  }
0xeb: {  	s0 =	simm.s32 @!p0 $0x3  }
0xec: {  	_ =	swait.ge @!p0 [sflag:s0], s1  }
0xed: {  	s1 =	ssub.s32 @!p0 $0x0, s1;
	[sflag:s0] =	ssyncset.done @!p0 $0x0  }
0xee: {  	[sflag:s0] =	ssyncadd.s32 @!p0 s1  }
0xef: {  	[bflag:$0x3] =	sbarrier.arrive $0xFFFF  }
0xf0: {  	_ =	shalt  }

</sc_bundles>
